<compile_context>
chip_gen: v7x
topology: tpu7x:2x2x1
jax: 0.10.2.dev20260603
libtpu: 0.0.44.dev20260713+nightly
codegen_flags: <defaults>
</compile_context>

<pallas_src>
import functools

import jax
import jax.numpy as jnp
from jax import lax
from jax.experimental import pallas as pl
from jax.experimental.pallas import tpu as pltpu
from jax.experimental.pallas import tpu_sc as plsc

B, A, D = 32, 256, 128
N = B * A
P = 131072
E = 4
M0, H0 = 256, 256
NB, HN = 128, 128
F, HF = 384, 128
CUTOFF = 5.2

BLK = 1024
PCOLS = P // N



def _celu(x):
    return jnp.where(x > 0, x, jnp.exp(x) - 1.0)


def _mlp_select(x, W1_ref, b1_ref, W2_ref, b2_ref, oh):
    out = None
    for e in range(E):
        h = jnp.dot(x, W1_ref[e], preferred_element_type=jnp.float32)
        h = _celu(h + b1_ref[e])
        o = jnp.dot(h, W2_ref[e], preferred_element_type=jnp.float32) + b2_ref[e]
        o = o * oh[:, e:e + 1]
        out = o if out is None else out + o
    return out


def _a_body(x_ref, oh_ref, dist_ref, sc_ref,
            W1_ref, b1_ref, W2_ref, b2_ref,
            nW1_ref, nb1_ref, nW2_ref, nb2_ref,
            int_ref, ngh_ref, dec_ref):
    x = x_ref[...]
    oh = oh_ref[...]
    internal = _mlp_select(x, W1_ref, b1_ref, W2_ref, b2_ref, oh)
    int_ref[...] = internal
    ngh_ref[...] = _mlp_select(internal, nW1_ref, nb1_ref, nW2_ref, nb2_ref, oh)
    dist = dist_ref[...]
    pf2 = sc_ref[0]
    df2 = sc_ref[1]
    c = 0.5 * jnp.cos((jnp.pi / CUTOFF) * dist) + 0.5
    cut = jnp.where(dist < CUTOFF, c, 0.0)
    dec_ref[...] = pf2 * jnp.exp(-df2 * dist) * cut


def _phase_a(feats, oh, dist2d, scal, W1, b1, W2, b2, nW1, nb1, nW2, nb2):
    grid = (N // BLK,)
    const = lambda shape: pl.BlockSpec(shape, lambda i: (0,) * len(shape))
    return pl.pallas_call(
        _a_body,
        grid=grid,
        in_specs=[
            pl.BlockSpec((BLK, D), lambda i: (i, 0)),
            pl.BlockSpec((BLK, E), lambda i: (i, 0)),
            pl.BlockSpec((BLK, PCOLS), lambda i: (i, 0)),
            pl.BlockSpec(memory_space=pltpu.SMEM),
            const((E, D, H0)), const((E, H0)),
            const((E, H0, M0)), const((E, M0)),
            const((E, M0, HN)), const((E, HN)),
            const((E, HN, NB)), const((E, NB)),
        ],
        out_specs=[
            pl.BlockSpec((BLK, M0), lambda i: (i, 0)),
            pl.BlockSpec((BLK, NB), lambda i: (i, 0)),
            pl.BlockSpec((BLK, PCOLS), lambda i: (i, 0)),
        ],
        out_shape=[
            jax.ShapeDtypeStruct((N, M0), jnp.float32),
            jax.ShapeDtypeStruct((N, NB), jnp.float32),
            jax.ShapeDtypeStruct((N, PCOLS), jnp.float32),
        ],
    )(feats, oh, dist2d, scal, W1, b1, W2, b2, nW1, nb1, nW2, nb2)



NC = 2
NS = 16
NW = NC * NS
CH = 128
PAIRS_PER_W = P // NW
NCHUNK = PAIRS_PER_W // CH
ROWS_PER_TILE = N // NS


def _sc_scale(rows, dv):
    def body(g, _):
        dvec = dv[pl.ds(g * 16, 16)]
        base = g * 16
        for c in range(16):
            d = dvec[c]
            for j in range(8):
                s = pl.ds(j * 16, 16)
                rows[base + c, s] = rows[base + c, s] * d
        return 0
    lax.fori_loop(0, CH // 16, body, 0)


def _sc_body(idx0_h, idx1_h, dec_h, neigh_h, out_h, ia, ib, dv, rows, acc, sem):
    cid = lax.axis_index("c")
    sid = lax.axis_index("s")
    wid = cid * NS + sid

    zero16 = jnp.zeros((16,), jnp.float32)

    def zb(i, _):
        for j in range(8):
            rows[i, pl.ds(j * 16, 16)] = zero16
        return 0
    lax.fori_loop(0, CH, zb, 0)
    for t in range(ROWS_PER_TILE // CH):
        pltpu.sync_copy(rows, acc.at[pl.ds(sid * ROWS_PER_TILE + t * CH, CH)])
    plsc.subcore_barrier()

    def chunk(k, _):
        base = wid * PAIRS_PER_W + k * CH
        pltpu.sync_copy(idx0_h.at[pl.ds(base, CH)], ia)
        pltpu.sync_copy(idx1_h.at[pl.ds(base, CH)], ib)
        pltpu.sync_copy(dec_h.at[pl.ds(base, CH)], dv)
        pltpu.async_copy(neigh_h.at[ib], rows, sem).wait()
        _sc_scale(rows, dv)
        pltpu.sync_copy(rows, acc.at[ia], add=True)
        pltpu.async_copy(neigh_h.at[ia], rows, sem).wait()
        _sc_scale(rows, dv)
        pltpu.sync_copy(rows, acc.at[ib], add=True)
        return 0
    lax.fori_loop(0, NCHUNK, chunk, 0)
    plsc.subcore_barrier()

    for t in range(ROWS_PER_TILE // CH):
        r0 = sid * ROWS_PER_TILE + t * CH
        pltpu.sync_copy(acc.at[pl.ds(r0, CH)], out_h.at[cid, pl.ds(r0, CH)])


@functools.partial(
    pl.kernel,
    mesh=plsc.VectorSubcoreMesh(core_axis_name="c", subcore_axis_name="s"),
    out_type=jax.ShapeDtypeStruct((NC, N, NB), jnp.float32),
    scratch_types=[
        pltpu.VMEM((CH,), jnp.int32),
        pltpu.VMEM((CH,), jnp.int32),
        pltpu.VMEM((CH,), jnp.float32),
        pltpu.VMEM((CH, NB), jnp.float32),
        pltpu.VMEM_SHARED((N, NB), jnp.float32),
        pltpu.SemaphoreType.DMA,
    ],
)
def _sc_scatter(idx0_h, idx1_h, dec_h, neigh_h, out_h, ia, ib, dv, rows, acc, sem):
    _sc_body(idx0_h, idx1_h, dec_h, neigh_h, out_h, ia, ib, dv, rows, acc, sem)




def _c_body(int_ref, mg_ref, oh_ref, fW1a_ref, fW1b_ref, fb1_ref, fW2_ref,
            fb2_ref, pre_ref):
    internal = int_ref[...]
    merged = mg_ref[0] + mg_ref[1]
    oh = oh_ref[...]
    out = None
    for e in range(E):
        h = jnp.dot(internal, fW1a_ref[e], preferred_element_type=jnp.float32)
        h = h + jnp.dot(merged, fW1b_ref[e], preferred_element_type=jnp.float32)
        h = _celu(h + fb1_ref[e])
        pc = jnp.sum(h * fW2_ref[e][None, :], axis=1, keepdims=True) + fb2_ref[e]
        pc = pc * oh[:, e:e + 1]
        out = pc if out is None else out + pc
    pre_ref[...] = out


def _phase_c(internal, merged2, oh, fW1a, fW1b, fb1, fW2r, fb2r):
    grid = (N // BLK,)
    const = lambda shape: pl.BlockSpec(shape, lambda i: (0,) * len(shape))
    return pl.pallas_call(
        _c_body,
        grid=grid,
        in_specs=[
            pl.BlockSpec((BLK, M0), lambda i: (i, 0)),
            pl.BlockSpec((NC, BLK, NB), lambda i: (0, i, 0)),
            pl.BlockSpec((BLK, E), lambda i: (i, 0)),
            const((E, M0, HF)), const((E, NB, HF)), const((E, HF)),
            const((E, HF)),
            pl.BlockSpec(memory_space=pltpu.SMEM),
        ],
        out_specs=pl.BlockSpec((BLK, 1), lambda i: (i, 0)),
        out_shape=jax.ShapeDtypeStruct((N, 1), jnp.float32),
    )(internal, merged2, oh, fW1a, fW1b, fb1, fW2r, fb2r)




def _d_body(pc_ref, sp_ref, tc_ref, ch_ref):
    pc = pc_ref[...]
    mask = sp_ref[...] != -1
    tp = jnp.sum(pc, axis=1, keepdims=True)
    cnt = jnp.sum(mask.astype(jnp.float32), axis=1, keepdims=True)
    ch = pc + (tc_ref[...] - tp) / cnt
    ch_ref[...] = jnp.where(mask, ch, 0.0)


def _phase_d(precharges, species, total_charges):
    return pl.pallas_call(
        _d_body,
        out_shape=jax.ShapeDtypeStruct((B, A), jnp.float32),
    )(precharges, species, total_charges)




def kernel(species, in_features, atom_index12, distances, total_charges,
           W1, b1, W2, b2, nW1, nb1, nW2, nb2, fW1, fb1, fW2, fb2,
           decay_prefactor, decay_factor):
    sp = species.reshape(-1).astype(jnp.int32)
    feats = in_features.reshape(-1, D)
    oh = (sp[:, None] == jnp.arange(E, dtype=jnp.int32)[None, :]).astype(jnp.float32)
    scal = jnp.stack([decay_prefactor.astype(jnp.float32) ** 2,
                      decay_factor.astype(jnp.float32) ** 2])
    dist2d = distances.reshape(N, PCOLS)

    internal, neigh, dec2d = _phase_a(
        feats, oh, dist2d, scal, W1, b1, W2, b2, nW1, nb1, nW2, nb2)

    decay = dec2d.reshape(-1)
    idx0 = atom_index12[0].astype(jnp.int32)
    idx1 = atom_index12[1].astype(jnp.int32)
    merged2 = _sc_scatter(idx0, idx1, decay, neigh)

    fW1a = fW1[:, :M0, :]
    fW1b = fW1[:, M0:, :]
    fW2r = fW2.reshape(E, HF)
    fb2r = fb2.reshape(E)
    pre = _phase_c(internal, merged2, oh, fW1a, fW1b, fb1, fW2r, fb2r)

    precharges = pre.reshape(B, A)
    charges = _phase_d(precharges, species, total_charges.reshape(B, 1))
    return species, charges, precharges

# --- scband reference (transcript-rebuilt; emitter-appended) ---
"""Pipeline reference for scband-local-message-passing-66073776881929 (READ-ONLY COPY).

The authoritative reference and input builder live on the scoring server;
editing this copy changes nothing except your own understanding.
"""

import jax, jax.numpy as jnp
import numpy as np

B, A, D = 32, 256, 128
N = B * A
P = 131072
E = 4
M0, H0 = 256, 256
NB, HN = 128, 128
F, HF = 384, 128
CUTOFF = 5.2


def _mlp_per_species(x, sp, W1, b1, W2, b2):
    # equivalent to: for each species i, index_select atoms of species i, apply MLP_i,
    # index_add back into a zero buffer. Since each atom has exactly one species,
    # gathering per-atom expert weights gives the identical result.
    h = jnp.einsum('nd,ndh->nh', x, W1[sp]) + b1[sp]
    h = jax.nn.celu(h)
    return jnp.einsum('nh,nho->no', h, W2[sp]) + b2[sp]


def _smooth_cutoff(d, cutoff):
    c = 0.5 * jnp.cos(jnp.pi * d / cutoff) + 0.5
    return jnp.where(d < cutoff, c, 0.0)


def setup_inputs(seed: int = 0):
    key = jax.random.key(seed)
    ks = jax.random.split(key, 20)
    species = jax.random.randint(ks[0], (B, A), 0, E)
    in_features = jax.random.normal(ks[1], (B, A, D), dtype=jnp.float32)
    atom_index12 = jax.random.randint(ks[2], (2, P), 0, N)
    distances = jax.random.uniform(ks[3], (P,), minval=0.5, maxval=5.5, dtype=jnp.float32)
    total_charges = jnp.zeros((B,), dtype=jnp.float32)
    s = 0.05
    W1 = jax.random.normal(ks[4], (E, D, H0), dtype=jnp.float32) * s
    b1 = jnp.zeros((E, H0), dtype=jnp.float32)
    W2 = jax.random.normal(ks[5], (E, H0, M0), dtype=jnp.float32) * s
    b2 = jnp.zeros((E, M0), dtype=jnp.float32)
    nW1 = jax.random.normal(ks[6], (E, M0, HN), dtype=jnp.float32) * s
    nb1 = jnp.zeros((E, HN), dtype=jnp.float32)
    nW2 = jax.random.normal(ks[7], (E, HN, NB), dtype=jnp.float32) * s
    nb2 = jnp.zeros((E, NB), dtype=jnp.float32)
    fW1 = jax.random.normal(ks[8], (E, F, HF), dtype=jnp.float32) * s
    fb1 = jnp.zeros((E, HF), dtype=jnp.float32)
    fW2 = jax.random.normal(ks[9], (E, HF, 1), dtype=jnp.float32) * s
    fb2 = jnp.zeros((E, 1), dtype=jnp.float32)
    decay_prefactor = jnp.asarray(1.0, dtype=jnp.float32)
    decay_factor = jnp.asarray(1.0, dtype=jnp.float32)
    return {
        'species': species, 'in_features': in_features, 'atom_index12': atom_index12,
        'distances': distances, 'total_charges': total_charges,
        'W1': W1, 'b1': b1, 'W2': W2, 'b2': b2,
        'nW1': nW1, 'nb1': nb1, 'nW2': nW2, 'nb2': nb2,
        'fW1': fW1, 'fb1': fb1, 'fW2': fW2, 'fb2': fb2,
        'decay_prefactor': decay_prefactor, 'decay_factor': decay_factor,
    }


def reference(species, in_features, atom_index12, distances, total_charges,
              W1, b1, W2, b2, nW1, nb1, nW2, nb2, fW1, fb1, fW2, fb2,
              decay_prefactor, decay_factor):
    num_atoms = species.shape[1]
    species_ = species.reshape(-1)
    feats = in_features.reshape(-1, in_features.shape[-1])
    # species-routed module pass
    internal = _mlp_per_species(feats, species_, W1, b1, W2, b2)
    # species-routed neighbor pass
    neigh = _mlp_per_species(internal, species_, nW1, nb1, nW2, nb2)
    # ExpDistanceDecay * smooth cutoff
    decay = (decay_prefactor ** 2) * jnp.exp(-(decay_factor ** 2) * distances)
    decay = decay * _smooth_cutoff(distances, CUTOFF)
    # gather features of flipped pair indices, weight by decay, scatter-add to both endpoints
    gathered = neigh[jnp.flipud(atom_index12)] * decay.reshape(1, -1, 1)  # [2, P, NB]
    merged = jnp.zeros((species_.shape[0], NB), dtype=feats.dtype)
    merged = merged.at[atom_index12.reshape(-1)].add(gathered.reshape(-1, NB))
    features = jnp.concatenate([internal, merged], axis=-1)
    # species-routed final transform -> scalar precharge per atom
    m_out = _mlp_per_species(features, species_, fW1, fb1, fW2, fb2)  # [N, 1]
    precharges = m_out.reshape(-1).reshape(-1, num_atoms)
    # charge redistribution (learned_redistribution=False branch)
    total_precharges = precharges.sum(-1)
    dummy_mask = species != -1
    factors = 1.0 / dummy_mask.sum(-1, keepdims=True).astype(precharges.dtype)
    charges = precharges + (total_charges - total_precharges)[:, None] * factors
    charges = jnp.where(dummy_mask, charges, 0.0)
    return species, charges, precharges

if __name__ == "__main__":
    import jax
    _d = setup_inputs()
    print(jax.jit(kernel)(*tuple(_d.values())))

</pallas_src>

<mosaic_0001>
#map = affine_map<(d0, d1) -> (0)>
#map1 = affine_map<(d0, d1) -> (0, 0)>
#map2 = affine_map<(d0, d1) -> (0, 0, 0)>
module attributes {stable_mosaic.version = 14 : i64} {
  func.func @_sc_scatter(%arg0: i32, %arg1: i32, %arg2: memref<131072xi32, #tpu.memory_space<hbm>>, %arg3: memref<131072xi32, #tpu.memory_space<hbm>>, %arg4: memref<131072xf32, #tpu.memory_space<hbm>>, %arg5: memref<8192x128xf32, #tpu.memory_space<hbm>>, %arg6: memref<2x8192x128xf32, #tpu.memory_space<hbm>>, %arg7: memref<128xi32, #tpu.memory_space<vmem>>, %arg8: memref<128xi32, #tpu.memory_space<vmem>>, %arg9: memref<128xf32, #tpu.memory_space<vmem>>, %arg10: memref<128x128xf32, #tpu.memory_space<vmem>>, %arg11: memref<8192x128xf32, #tpu.memory_space<vmem_shared>>, %arg12: memref<!tpu.dma_semaphore, #tpu.memory_space<semaphore_mem>>) attributes {dimension_semantics = [#tpu.dimension_semantics<core_parallel>, #tpu.dimension_semantics<subcore_parallel>], iteration_bounds = array<i64: 2, 16>, scalar_prefetch = 0 : i64, scratch_operands = 6 : i64, tpu.core_type = #tpu.core_type<sc_vector_subcore>, window_params = [{transform_indices = #map}, {transform_indices = #map}, {transform_indices = #map}, {transform_indices = #map1}, {transform_indices = #map2}]} {
    %mul3A = arith.constant 16 : i32
    %mul3A_0 = arith.muli %arg0, %mul3A : i32
    %add3A = arith.addi %mul3A_0, %arg1 : i32
    %broadcast_in_dim3A = arith.constant 0.000000e+00 : f32
    %broadcast_in_dim3A_1 = vector.broadcast %broadcast_in_dim3A : f32 to vector<16xf32>
    %scan3A = arith.constant 0 : i32
    %scan3A_2 = arith.constant 0 : i32
    %scan3A_3 = arith.constant 128 : i32
    %scan3A_4 = arith.addi %scan3A_2, %scan3A_3 : i32
    %scan3A_5 = arith.constant 1 : i32
    %scan3A_6 = scf.for %scan3A_48 = %scan3A_2 to %scan3A_4 step %scan3A_5 iter_args(%scan3A_49 = %scan3A) -> (i32)  : i32 {
      %swap3A = arith.index_cast %scan3A_48 : i32 to index
      %swap3A_50 = arith.constant 0 : index
      %swap3A_51 = tpu.vector_load %arg10[%swap3A, %swap3A_50] {strides = array<i32>} : memref<128x128xf32, #tpu.memory_space<vmem>>, vector<1x16xf32>,
      %swap3A_52 = vector.shape_cast %swap3A_51 : vector<1x16xf32> to vector<16xf32>
      %swap3A_53 = vector.shape_cast %broadcast_in_dim3A_1 : vector<16xf32> to vector<1x16xf32>
      tpu.vector_store %arg10[%swap3A, %swap3A_50], %swap3A_53 {strides = array<i32>} : memref<128x128xf32, #tpu.memory_space<vmem>>, vector<1x16xf32>,
      %swap3A_54 = arith.index_cast %scan3A_48 : i32 to index
      %swap3A_55 = arith.constant 16 : index
      %swap3A_56 = tpu.vector_load %arg10[%swap3A_54, %swap3A_55] {strides = array<i32>} : memref<128x128xf32, #tpu.memory_space<vmem>>, vector<1x16xf32>,
      %swap3A_57 = vector.shape_cast %swap3A_56 : vector<1x16xf32> to vector<16xf32>
      %swap3A_58 = vector.shape_cast %broadcast_in_dim3A_1 : vector<16xf32> to vector<1x16xf32>
      tpu.vector_store %arg10[%swap3A_54, %swap3A_55], %swap3A_58 {strides = array<i32>} : memref<128x128xf32, #tpu.memory_space<vmem>>, vector<1x16xf32>,
      %swap3A_59 = arith.index_cast %scan3A_48 : i32 to index
      %swap3A_60 = arith.constant 32 : index
      %swap3A_61 = tpu.vector_load %arg10[%swap3A_59, %swap3A_60] {strides = array<i32>} : memref<128x128xf32, #tpu.memory_space<vmem>>, vector<1x16xf32>,
      %swap3A_62 = vector.shape_cast %swap3A_61 : vector<1x16xf32> to vector<16xf32>
      %swap3A_63 = vector.shape_cast %broadcast_in_dim3A_1 : vector<16xf32> to vector<1x16xf32>
      tpu.vector_store %arg10[%swap3A_59, %swap3A_60], %swap3A_63 {strides = array<i32>} : memref<128x128xf32, #tpu.memory_space<vmem>>, vector<1x16xf32>,
      %swap3A_64 = arith.index_cast %scan3A_48 : i32 to index
      %swap3A_65 = arith.constant 48 : index
      %swap3A_66 = tpu.vector_load %arg10[%swap3A_64, %swap3A_65] {strides = array<i32>} : memref<128x128xf32, #tpu.memory_space<vmem>>, vector<1x16xf32>,
      %swap3A_67 = vector.shape_cast %swap3A_66 : vector<1x16xf32> to vector<16xf32>
      %swap3A_68 = vector.shape_cast %broadcast_in_dim3A_1 : vector<16xf32> to vector<1x16xf32>
      tpu.vector_store %arg10[%swap3A_64, %swap3A_65], %swap3A_68 {strides = array<i32>} : memref<128x128xf32, #tpu.memory_space<vmem>>, vector<1x16xf32>,
      %swap3A_69 = arith.index_cast %scan3A_48 : i32 to index
      %swap3A_70 = arith.constant 64 : index
      %swap3A_71 = tpu.vector_load %arg10[%swap3A_69, %swap3A_70] {strides = array<i32>} : memref<128x128xf32, #tpu.memory_space<vmem>>, vector<1x16xf32>,
      %swap3A_72 = vector.shape_cast %swap3A_71 : vector<1x16xf32> to vector<16xf32>
      %swap3A_73 = vector.shape_cast %broadcast_in_dim3A_1 : vector<16xf32> to vector<1x16xf32>
      tpu.vector_store %arg10[%swap3A_69, %swap3A_70], %swap3A_73 {strides = array<i32>} : memref<128x128xf32, #tpu.memory_space<vmem>>, vector<1x16xf32>,
      %swap3A_74 = arith.index_cast %scan3A_48 : i32 to index
      %swap3A_75 = arith.constant 80 : index
      %swap3A_76 = tpu.vector_load %arg10[%swap3A_74, %swap3A_75] {strides = array<i32>} : memref<128x128xf32, #tpu.memory_space<vmem>>, vector<1x16xf32>,
      %swap3A_77 = vector.shape_cast %swap3A_76 : vector<1x16xf32> to vector<16xf32>
      %swap3A_78 = vector.shape_cast %broadcast_in_dim3A_1 : vector<16xf32> to vector<1x16xf32>
      tpu.vector_store %arg10[%swap3A_74, %swap3A_75], %swap3A_78 {strides = array<i32>} : memref<128x128xf32, #tpu.memory_space<vmem>>, vector<1x16xf32>,
      %swap3A_79 = arith.index_cast %scan3A_48 : i32 to index
      %swap3A_80 = arith.constant 96 : index
      %swap3A_81 = tpu.vector_load %arg10[%swap3A_79, %swap3A_80] {strides = array<i32>} : memref<128x128xf32, #tpu.memory_space<vmem>>, vector<1x16xf32>,
      %swap3A_82 = vector.shape_cast %swap3A_81 : vector<1x16xf32> to vector<16xf32>
      %swap3A_83 = vector.shape_cast %broadcast_in_dim3A_1 : vector<16xf32> to vector<1x16xf32>
      tpu.vector_store %arg10[%swap3A_79, %swap3A_80], %swap3A_83 {strides = array<i32>} : memref<128x128xf32, #tpu.memory_space<vmem>>, vector<1x16xf32>,
      %swap3A_84 = arith.index_cast %scan3A_48 : i32 to index
      %swap3A_85 = arith.constant 112 : index
      %swap3A_86 = tpu.vector_load %arg10[%swap3A_84, %swap3A_85] {strides = array<i32>} : memref<128x128xf32, #tpu.memory_space<vmem>>, vector<1x16xf32>,
      %swap3A_87 = vector.shape_cast %swap3A_86 : vector<1x16xf32> to vector<16xf32>
      %swap3A_88 = vector.shape_cast %broadcast_in_dim3A_1 : vector<16xf32> to vector<1x16xf32>
      tpu.vector_store %arg10[%swap3A_84, %swap3A_85], %swap3A_88 {strides = array<i32>} : memref<128x128xf32, #tpu.memory_space<vmem>>, vector<1x16xf32>,
      %scan3A_89 = arith.constant 0 : i32
      scf.yield %scan3A_89 : i32
    }
    %scan3A_7 = arith.constant 128 : i32
    %mul3A_8 = arith.constant 512 : i32
    %mul3A_9 = arith.muli %arg1, %mul3A_8 : i32
    %add3A_10 = arith.constant 0 : i32
    %add3A_11 = arith.addi %mul3A_9, %add3A_10 : i32
    "tpu.region"() ({
      %run_scoped3A = tpu.sem_alloc : memref<!tpu.dma_semaphore, #tpu.memory_space<semaphore_mem>>
      %dma_start3A = arith.constant 0 : i32
      %dma_start3A_48 = tpu.memref_slice %arg11[%add3A_11, %dma_start3A] : memref<8192x128xf32, #tpu.memory_space<vmem_shared>> -> memref<128x128xf32, #tpu.memory_space<vmem_shared>>
      %dma_start3A_49 = arith.constant 0 : i32
      %dma_start3A_50 = tpu.memref_slice %arg11[%add3A_11, %dma_start3A_49] : memref<8192x128xf32, #tpu.memory_space<vmem_shared>> -> memref<128x128xf32, #tpu.memory_space<vmem_shared>>
      tpu.enqueue_dma source(%arg10 : memref<128x128xf32, #tpu.memory_space<vmem>>) target(%dma_start3A_50 : memref<128x128xf32, #tpu.memory_space<vmem_shared>>) target_semaphore(%run_scoped3A : memref<!tpu.dma_semaphore, #tpu.memory_space<semaphore_mem>>)
      %dma_wait3A = arith.constant 0 : i32
      %dma_wait3A_51 = tpu.memref_slice %arg11[%add3A_11, %dma_wait3A] : memref<8192x128xf32, #tpu.memory_space<vmem_shared>> -> memref<128x128xf32, #tpu.memory_space<vmem_shared>>
      %dma_wait3A_52 = arith.constant 0 : i32
      %dma_wait3A_53 = tpu.memref_slice %arg11[%add3A_11, %dma_wait3A_52] : memref<8192x128xf32, #tpu.memory_space<vmem_shared>> -> memref<128x128xf32, #tpu.memory_space<vmem_shared>>
      tpu.wait_dma2 semaphore(%run_scoped3A : memref<!tpu.dma_semaphore, #tpu.memory_space<semaphore_mem>>) src(%arg10 : memref<128x128xf32, #tpu.memory_space<vmem>>) dst(%dma_wait3A_53 : memref<128x128xf32, #tpu.memory_space<vmem_shared>>)
      tpu.yield
    }) : () -> ()
    %mul3A_12 = arith.constant 512 : i32
    %mul3A_13 = arith.muli %arg1, %mul3A_12 : i32
    %add3A_14 = arith.constant 128 : i32
    %add3A_15 = arith.addi %mul3A_13, %add3A_14 : i32
    "tpu.region"() ({
      %run_scoped3A = tpu.sem_alloc : memref<!tpu.dma_semaphore, #tpu.memory_space<semaphore_mem>>
      %dma_start3A = arith.constant 0 : i32
      %dma_start3A_48 = tpu.memref_slice %arg11[%add3A_15, %dma_start3A] : memref<8192x128xf32, #tpu.memory_space<vmem_shared>> -> memref<128x128xf32, #tpu.memory_space<vmem_shared>>
      %dma_start3A_49 = arith.constant 0 : i32
      %dma_start3A_50 = tpu.memref_slice %arg11[%add3A_15, %dma_start3A_49] : memref<8192x128xf32, #tpu.memory_space<vmem_shared>> -> memref<128x128xf32, #tpu.memory_space<vmem_shared>>
      tpu.enqueue_dma source(%arg10 : memref<128x128xf32, #tpu.memory_space<vmem>>) target(%dma_start3A_50 : memref<128x128xf32, #tpu.memory_space<vmem_shared>>) target_semaphore(%run_scoped3A : memref<!tpu.dma_semaphore, #tpu.memory_space<semaphore_mem>>)
      %dma_wait3A = arith.constant 0 : i32
      %dma_wait3A_51 = tpu.memref_slice %arg11[%add3A_15, %dma_wait3A] : memref<8192x128xf32, #tpu.memory_space<vmem_shared>> -> memref<128x128xf32, #tpu.memory_space<vmem_shared>>
      %dma_wait3A_52 = arith.constant 0 : i32
      %dma_wait3A_53 = tpu.memref_slice %arg11[%add3A_15, %dma_wait3A_52] : memref<8192x128xf32, #tpu.memory_space<vmem_shared>> -> memref<128x128xf32, #tpu.memory_space<vmem_shared>>
      tpu.wait_dma2 semaphore(%run_scoped3A : memref<!tpu.dma_semaphore, #tpu.memory_space<semaphore_mem>>) src(%arg10 : memref<128x128xf32, #tpu.memory_space<vmem>>) dst(%dma_wait3A_53 : memref<128x128xf32, #tpu.memory_space<vmem_shared>>)
      tpu.yield
    }) : () -> ()
    %mul3A_16 = arith.constant 512 : i32
    %mul3A_17 = arith.muli %arg1, %mul3A_16 : i32
    %add3A_18 = arith.constant 256 : i32
    %add3A_19 = arith.addi %mul3A_17, %add3A_18 : i32
    "tpu.region"() ({
      %run_scoped3A = tpu.sem_alloc : memref<!tpu.dma_semaphore, #tpu.memory_space<semaphore_mem>>
      %dma_start3A = arith.constant 0 : i32
      %dma_start3A_48 = tpu.memref_slice %arg11[%add3A_19, %dma_start3A] : memref<8192x128xf32, #tpu.memory_space<vmem_shared>> -> memref<128x128xf32, #tpu.memory_space<vmem_shared>>
      %dma_start3A_49 = arith.constant 0 : i32
      %dma_start3A_50 = tpu.memref_slice %arg11[%add3A_19, %dma_start3A_49] : memref<8192x128xf32, #tpu.memory_space<vmem_shared>> -> memref<128x128xf32, #tpu.memory_space<vmem_shared>>
      tpu.enqueue_dma source(%arg10 : memref<128x128xf32, #tpu.memory_space<vmem>>) target(%dma_start3A_50 : memref<128x128xf32, #tpu.memory_space<vmem_shared>>) target_semaphore(%run_scoped3A : memref<!tpu.dma_semaphore, #tpu.memory_space<semaphore_mem>>)
      %dma_wait3A = arith.constant 0 : i32
      %dma_wait3A_51 = tpu.memref_slice %arg11[%add3A_19, %dma_wait3A] : memref<8192x128xf32, #tpu.memory_space<vmem_shared>> -> memref<128x128xf32, #tpu.memory_space<vmem_shared>>
      %dma_wait3A_52 = arith.constant 0 : i32
      %dma_wait3A_53 = tpu.memref_slice %arg11[%add3A_19, %dma_wait3A_52] : memref<8192x128xf32, #tpu.memory_space<vmem_shared>> -> memref<128x128xf32, #tpu.memory_space<vmem_shared>>
      tpu.wait_dma2 semaphore(%run_scoped3A : memref<!tpu.dma_semaphore, #tpu.memory_space<semaphore_mem>>) src(%arg10 : memref<128x128xf32, #tpu.memory_space<vmem>>) dst(%dma_wait3A_53 : memref<128x128xf32, #tpu.memory_space<vmem_shared>>)
      tpu.yield
    }) : () -> ()
    %mul3A_20 = arith.constant 512 : i32
    %mul3A_21 = arith.muli %arg1, %mul3A_20 : i32
    %add3A_22 = arith.constant 384 : i32
    %add3A_23 = arith.addi %mul3A_21, %add3A_22 : i32
    "tpu.region"() ({
      %run_scoped3A = tpu.sem_alloc : memref<!tpu.dma_semaphore, #tpu.memory_space<semaphore_mem>>
      %dma_start3A = arith.constant 0 : i32
      %dma_start3A_48 = tpu.memref_slice %arg11[%add3A_23, %dma_start3A] : memref<8192x128xf32, #tpu.memory_space<vmem_shared>> -> memref<128x128xf32, #tpu.memory_space<vmem_shared>>
      %dma_start3A_49 = arith.constant 0 : i32
      %dma_start3A_50 = tpu.memref_slice %arg11[%add3A_23, %dma_start3A_49] : memref<8192x128xf32, #tpu.memory_space<vmem_shared>> -> memref<128x128xf32, #tpu.memory_space<vmem_shared>>
      tpu.enqueue_dma source(%arg10 : memref<128x128xf32, #tpu.memory_space<vmem>>) target(%dma_start3A_50 : memref<128x128xf32, #tpu.memory_space<vmem_shared>>) target_semaphore(%run_scoped3A : memref<!tpu.dma_semaphore, #tpu.memory_space<semaphore_mem>>)
      %dma_wait3A = arith.constant 0 : i32
      %dma_wait3A_51 = tpu.memref_slice %arg11[%add3A_23, %dma_wait3A] : memref<8192x128xf32, #tpu.memory_space<vmem_shared>> -> memref<128x128xf32, #tpu.memory_space<vmem_shared>>
      %dma_wait3A_52 = arith.constant 0 : i32
      %dma_wait3A_53 = tpu.memref_slice %arg11[%add3A_23, %dma_wait3A_52] : memref<8192x128xf32, #tpu.memory_space<vmem_shared>> -> memref<128x128xf32, #tpu.memory_space<vmem_shared>>
      tpu.wait_dma2 semaphore(%run_scoped3A : memref<!tpu.dma_semaphore, #tpu.memory_space<semaphore_mem>>) src(%arg10 : memref<128x128xf32, #tpu.memory_space<vmem>>) dst(%dma_wait3A_53 : memref<128x128xf32, #tpu.memory_space<vmem_shared>>)
      tpu.yield
    }) : () -> ()
    %barrier3A = arith.constant 0 : index
    tpu.barrier barrier_id(%barrier3A)
    %scan3A_24 = arith.constant 0 : i32
    %scan3A_25 = arith.constant 0 : i32
    %scan3A_26 = arith.constant 32 : i32
    %scan3A_27 = arith.addi %scan3A_25, %scan3A_26 : i32
    %scan3A_28 = arith.constant 1 : i32
    %scan3A_29 = scf.for %scan3A_48 = %scan3A_25 to %scan3A_27 step %scan3A_28 iter_args(%scan3A_49 = %scan3A_24) -> (i32)  : i32 {
      %mul3A_50 = arith.constant 4096 : i32
      %mul3A_51 = arith.muli %add3A, %mul3A_50 : i32
      %mul3A_52 = arith.constant 128 : i32
      %mul3A_53 = arith.muli %scan3A_48, %mul3A_52 : i32
      %add3A_54 = arith.addi %mul3A_51, %mul3A_53 : i32
      "tpu.region"() ({
        %run_scoped3A = tpu.sem_alloc : memref<!tpu.dma_semaphore, #tpu.memory_space<semaphore_mem>>
        %dma_start3A_80 = tpu.memref_slice %arg2[%add3A_54] : memref<131072xi32, #tpu.memory_space<hbm>> -> memref<128xi32, #tpu.memory_space<hbm>>
        %dma_start3A_81 = tpu.memref_slice %arg2[%add3A_54] : memref<131072xi32, #tpu.memory_space<hbm>> -> memref<128xi32, #tpu.memory_space<hbm>>
        tpu.enqueue_dma source(%dma_start3A_81 : memref<128xi32, #tpu.memory_space<hbm>>) target(%arg7 : memref<128xi32, #tpu.memory_space<vmem>>) target_semaphore(%run_scoped3A : memref<!tpu.dma_semaphore, #tpu.memory_space<semaphore_mem>>)
        %dma_wait3A_82 = tpu.memref_slice %arg2[%add3A_54] : memref<131072xi32, #tpu.memory_space<hbm>> -> memref<128xi32, #tpu.memory_space<hbm>>
        %dma_wait3A_83 = tpu.memref_slice %arg2[%add3A_54] : memref<131072xi32, #tpu.memory_space<hbm>> -> memref<128xi32, #tpu.memory_space<hbm>>
        tpu.wait_dma2 semaphore(%run_scoped3A : memref<!tpu.dma_semaphore, #tpu.memory_space<semaphore_mem>>) src(%dma_wait3A_83 : memref<128xi32, #tpu.memory_space<hbm>>) dst(%arg7 : memref<128xi32, #tpu.memory_space<vmem>>)
        tpu.yield
      }) : () -> ()
      "tpu.region"() ({
        %run_scoped3A = tpu.sem_alloc : memref<!tpu.dma_semaphore, #tpu.memory_space<semaphore_mem>>
        %dma_start3A_80 = tpu.memref_slice %arg3[%add3A_54] : memref<131072xi32, #tpu.memory_space<hbm>> -> memref<128xi32, #tpu.memory_space<hbm>>
        %dma_start3A_81 = tpu.memref_slice %arg3[%add3A_54] : memref<131072xi32, #tpu.memory_space<hbm>> -> memref<128xi32, #tpu.memory_space<hbm>>
        tpu.enqueue_dma source(%dma_start3A_81 : memref<128xi32, #tpu.memory_space<hbm>>) target(%arg8 : memref<128xi32, #tpu.memory_space<vmem>>) target_semaphore(%run_scoped3A : memref<!tpu.dma_semaphore, #tpu.memory_space<semaphore_mem>>)
        %dma_wait3A_82 = tpu.memref_slice %arg3[%add3A_54] : memref<131072xi32, #tpu.memory_space<hbm>> -> memref<128xi32, #tpu.memory_space<hbm>>
        %dma_wait3A_83 = tpu.memref_slice %arg3[%add3A_54] : memref<131072xi32, #tpu.memory_space<hbm>> -> memref<128xi32, #tpu.memory_space<hbm>>
        tpu.wait_dma2 semaphore(%run_scoped3A : memref<!tpu.dma_semaphore, #tpu.memory_space<semaphore_mem>>) src(%dma_wait3A_83 : memref<128xi32, #tpu.memory_space<hbm>>) dst(%arg8 : memref<128xi32, #tpu.memory_space<vmem>>)
        tpu.yield
      }) : () -> ()
      "tpu.region"() ({
        %run_scoped3A = tpu.sem_alloc : memref<!tpu.dma_semaphore, #tpu.memory_space<semaphore_mem>>
        %dma_start3A_80 = tpu.memref_slice %arg4[%add3A_54] : memref<131072xf32, #tpu.memory_space<hbm>> -> memref<128xf32, #tpu.memory_space<hbm>>
        %dma_start3A_81 = tpu.memref_slice %arg4[%add3A_54] : memref<131072xf32, #tpu.memory_space<hbm>> -> memref<128xf32, #tpu.memory_space<hbm>>
        tpu.enqueue_dma source(%dma_start3A_81 : memref<128xf32, #tpu.memory_space<hbm>>) target(%arg9 : memref<128xf32, #tpu.memory_space<vmem>>) target_semaphore(%run_scoped3A : memref<!tpu.dma_semaphore, #tpu.memory_space<semaphore_mem>>)
        %dma_wait3A_82 = tpu.memref_slice %arg4[%add3A_54] : memref<131072xf32, #tpu.memory_space<hbm>> -> memref<128xf32, #tpu.memory_space<hbm>>
        %dma_wait3A_83 = tpu.memref_slice %arg4[%add3A_54] : memref<131072xf32, #tpu.memory_space<hbm>> -> memref<128xf32, #tpu.memory_space<hbm>>
        tpu.wait_dma2 semaphore(%run_scoped3A : memref<!tpu.dma_semaphore, #tpu.memory_space<semaphore_mem>>) src(%dma_wait3A_83 : memref<128xf32, #tpu.memory_space<hbm>>) dst(%arg9 : memref<128xf32, #tpu.memory_space<vmem>>)
        tpu.yield
      }) : () -> ()
      %dma_start3A = arith.constant 0 : i32
      %dma_start3A_55 = arith.constant 0 : i32
      %dma_start3A_56 = tpu.memref_slice %arg5[%dma_start3A, %dma_start3A_55] : memref<8192x128xf32, #tpu.memory_space<hbm>> -> memref<8192x128xf32, #tpu.memory_space<hbm>>
      tpu.enqueue_indirect_dma source(%dma_start3A_56 : memref<8192x128xf32, #tpu.memory_space<hbm>>) target(%arg10 : memref<128x128xf32, #tpu.memory_space<vmem>>) offsets(%arg8 : memref<128xi32, #tpu.memory_space<vmem>>) semaphore(%arg12 : memref<!tpu.dma_semaphore, #tpu.memory_space<semaphore_mem>>)
      %dma_wait3A = arith.constant 0 : i32
      %dma_wait3A_57 = arith.constant 0 : i32
      %dma_wait3A_58 = tpu.memref_slice %arg5[%dma_wait3A, %dma_wait3A_57] : memref<8192x128xf32, #tpu.memory_space<hbm>> -> memref<8192x128xf32, #tpu.memory_space<hbm>>
      tpu.wait_indirect_dma semaphore(%arg12 : memref<!tpu.dma_semaphore, #tpu.memory_space<semaphore_mem>>) src(%dma_wait3A_58 : memref<8192x128xf32, #tpu.memory_space<hbm>>) dst(%arg10 : memref<128x128xf32, #tpu.memory_space<vmem>>)
      %scan3A_59 = arith.constant 0 : i32
      %scan3A_60 = arith.constant 0 : i32
      %scan3A_61 = arith.constant 8 : i32
      %scan3A_62 = arith.addi %scan3A_60, %scan3A_61 : i32
      %scan3A_63 = arith.constant 1 : i32
      %scan3A_64 = scf.for %scan3A_80 = %scan3A_60 to %scan3A_62 step %scan3A_63 iter_args(%scan3A_81 = %scan3A_59) -> (i32)  : i32 {
        %mul3A_82 = arith.constant 16 : i32
        %mul3A_83 = arith.muli %scan3A_80, %mul3A_82 : i32
        %get3A = arith.index_cast %mul3A_83 : i32 to index
        %get3A_84 = tpu.vector_load %arg9[%get3A] {strides = array<i32>} : memref<128xf32, #tpu.memory_space<vmem>>, vector<16xf32>,
        %get3A_85 = vector.shape_cast %get3A_84 : vector<16xf32> to vector<16xf32>
        %mul3A_86 = arith.constant 16 : i32
        %mul3A_87 = arith.muli %scan3A_80, %mul3A_86 : i32
        %slice3A = vector.extract_strided_slice %get3A_85 {offsets = [0], sizes = [1], strides = [1]} : vector<16xf32> to vector<1xf32>
        %squeeze3A = vector.extract %slice3A[0] : f32 from vector<1xf32>
        %add3A_88 = arith.constant 0 : i32
        %add3A_89 = arith.addi %mul3A_87, %add3A_88 : i32
        %get3A_90 = arith.index_cast %add3A_89 : i32 to index
        %get3A_91 = arith.constant 0 : index
        %get3A_92 = tpu.vector_load %arg10[%get3A_90, %get3A_91] {strides = array<i32>} : memref<128x128xf32, #tpu.memory_space<vmem>>, vector<1x16xf32>,
        %get3A_93 = vector.shape_cast %get3A_92 : vector<1x16xf32> to vector<16xf32>
        %mul3A_94 = vector.broadcast %squeeze3A : f32 to vector<16xf32>
        %mul3A_95 = arith.mulf %get3A_93, %mul3A_94 : vector<16xf32>
        %add3A_96 = arith.constant 0 : i32
        %add3A_97 = arith.addi %mul3A_87, %add3A_96 : i32
        %swap3A = arith.index_cast %add3A_97 : i32 to index
        %swap3A_98 = arith.constant 0 : index
        %swap3A_99 = tpu.vector_load %arg10[%swap3A, %swap3A_98] {strides = array<i32>} : memref<128x128xf32, #tpu.memory_space<vmem>>, vector<1x16xf32>,
        %swap3A_100 = vector.shape_cast %swap3A_99 : vector<1x16xf32> to vector<16xf32>
        %swap3A_101 = vector.shape_cast %mul3A_95 : vector<16xf32> to vector<1x16xf32>
        tpu.vector_store %arg10[%swap3A, %swap3A_98], %swap3A_101 {strides = array<i32>} : memref<128x128xf32, #tpu.memory_space<vmem>>, vector<1x16xf32>,
        %add3A_102 = arith.constant 0 : i32
        %add3A_103 = arith.addi %mul3A_87, %add3A_102 : i32
        %get3A_104 = arith.index_cast %add3A_103 : i32 to index
        %get3A_105 = arith.constant 16 : index
        %get3A_106 = tpu.vector_load %arg10[%get3A_104, %get3A_105] {strides = array<i32>} : memref<128x128xf32, #tpu.memory_space<vmem>>, vector<1x16xf32>,
        %get3A_107 = vector.shape_cast %get3A_106 : vector<1x16xf32> to vector<16xf32>
        %mul3A_108 = vector.broadcast %squeeze3A : f32 to vector<16xf32>
        %mul3A_109 = arith.mulf %get3A_107, %mul3A_108 : vector<16xf32>
        %add3A_110 = arith.constant 0 : i32
        %add3A_111 = arith.addi %mul3A_87, %add3A_110 : i32
        %swap3A_112 = arith.index_cast %add3A_111 : i32 to index
        %swap3A_113 = arith.constant 16 : index
        %swap3A_114 = tpu.vector_load %arg10[%swap3A_112, %swap3A_113] {strides = array<i32>} : memref<128x128xf32, #tpu.memory_space<vmem>>, vector<1x16xf32>,
        %swap3A_115 = vector.shape_cast %swap3A_114 : vector<1x16xf32> to vector<16xf32>
        %swap3A_116 = vector.shape_cast %mul3A_109 : vector<16xf32> to vector<1x16xf32>
        tpu.vector_store %arg10[%swap3A_112, %swap3A_113], %swap3A_116 {strides = array<i32>} : memref<128x128xf32, #tpu.memory_space<vmem>>, vector<1x16xf32>,
        %add3A_117 = arith.constant 0 : i32
        %add3A_118 = arith.addi %mul3A_87, %add3A_117 : i32
        %get3A_119 = arith.index_cast %add3A_118 : i32 to index
        %get3A_120 = arith.constant 32 : index
        %get3A_121 = tpu.vector_load %arg10[%get3A_119, %get3A_120] {strides = array<i32>} : memref<128x128xf32, #tpu.memory_space<vmem>>, vector<1x16xf32>,
        %get3A_122 = vector.shape_cast %get3A_121 : vector<1x16xf32> to vector<16xf32>
        %mul3A_123 = vector.broadcast %squeeze3A : f32 to vector<16xf32>
        %mul3A_124 = arith.mulf %get3A_122, %mul3A_123 : vector<16xf32>
        %add3A_125 = arith.constant 0 : i32
        %add3A_126 = arith.addi %mul3A_87, %add3A_125 : i32
        %swap3A_127 = arith.index_cast %add3A_126 : i32 to index
        %swap3A_128 = arith.constant 32 : index
        %swap3A_129 = tpu.vector_load %arg10[%swap3A_127, %swap3A_128] {strides = array<i32>} : memref<128x128xf32, #tpu.memory_space<vmem>>, vector<1x16xf32>,
        %swap3A_130 = vector.shape_cast %swap3A_129 : vector<1x16xf32> to vector<16xf32>
        %swap3A_131 = vector.shape_cast %mul3A_124 : vector<16xf32> to vector<1x16xf32>
        tpu.vector_store %arg10[%swap3A_127, %swap3A_128], %swap3A_131 {strides = array<i32>} : memref<128x128xf32, #tpu.memory_space<vmem>>, vector<1x16xf32>,
        %add3A_132 = arith.constant 0 : i32
        %add3A_133 = arith.addi %mul3A_87, %add3A_132 : i32
        %get3A_134 = arith.index_cast %add3A_133 : i32 to index
        %get3A_135 = arith.constant 48 : index
        %get3A_136 = tpu.vector_load %arg10[%get3A_134, %get3A_135] {strides = array<i32>} : memref<128x128xf32, #tpu.memory_space<vmem>>, vector<1x16xf32>,
        %get3A_137 = vector.shape_cast %get3A_136 : vector<1x16xf32> to vector<16xf32>
        %mul3A_138 = vector.broadcast %squeeze3A : f32 to vector<16xf32>
        %mul3A_139 = arith.mulf %get3A_137, %mul3A_138 : vector<16xf32>
        %add3A_140 = arith.constant 0 : i32
        %add3A_141 = arith.addi %mul3A_87, %add3A_140 : i32
        %swap3A_142 = arith.index_cast %add3A_141 : i32 to index
        %swap3A_143 = arith.constant 48 : index
        %swap3A_144 = tpu.vector_load %arg10[%swap3A_142, %swap3A_143] {strides = array<i32>} : memref<128x128xf32, #tpu.memory_space<vmem>>, vector<1x16xf32>,
        %swap3A_145 = vector.shape_cast %swap3A_144 : vector<1x16xf32> to vector<16xf32>
        %swap3A_146 = vector.shape_cast %mul3A_139 : vector<16xf32> to vector<1x16xf32>
        tpu.vector_store %arg10[%swap3A_142, %swap3A_143], %swap3A_146 {strides = array<i32>} : memref<128x128xf32, #tpu.memory_space<vmem>>, vector<1x16xf32>,
        %add3A_147 = arith.constant 0 : i32
        %add3A_148 = arith.addi %mul3A_87, %add3A_147 : i32
        %get3A_149 = arith.index_cast %add3A_148 : i32 to index
        %get3A_150 = arith.constant 64 : index
        %get3A_151 = tpu.vector_load %arg10[%get3A_149, %get3A_150] {strides = array<i32>} : memref<128x128xf32, #tpu.memory_space<vmem>>, vector<1x16xf32>,
        %get3A_152 = vector.shape_cast %get3A_151 : vector<1x16xf32> to vector<16xf32>
        %mul3A_153 = vector.broadcast %squeeze3A : f32 to vector<16xf32>
        %mul3A_154 = arith.mulf %get3A_152, %mul3A_153 : vector<16xf32>
        %add3A_155 = arith.constant 0 : i32
        %add3A_156 = arith.addi %mul3A_87, %add3A_155 : i32
        %swap3A_157 = arith.index_cast %add3A_156 : i32 to index
        %swap3A_158 = arith.constant 64 : index
        %swap3A_159 = tpu.vector_load %arg10[%swap3A_157, %swap3A_158] {strides = array<i32>} : memref<128x128xf32, #tpu.memory_space<vmem>>, vector<1x16xf32>,
        %swap3A_160 = vector.shape_cast %swap3A_159 : vector<1x16xf32> to vector<16xf32>
        %swap3A_161 = vector.shape_cast %mul3A_154 : vector<16xf32> to vector<1x16xf32>
        tpu.vector_store %arg10[%swap3A_157, %swap3A_158], %swap3A_161 {strides = array<i32>} : memref<128x128xf32, #tpu.memory_space<vmem>>, vector<1x16xf32>,
        %add3A_162 = arith.constant 0 : i32
        %add3A_163 = arith.addi %mul3A_87, %add3A_162 : i32
        %get3A_164 = arith.index_cast %add3A_163 : i32 to index
        %get3A_165 = arith.constant 80 : index
        %get3A_166 = tpu.vector_load %arg10[%get3A_164, %get3A_165] {strides = array<i32>} : memref<128x128xf32, #tpu.memory_space<vmem>>, vector<1x16xf32>,
        %get3A_167 = vector.shape_cast %get3A_166 : vector<1x16xf32> to vector<16xf32>
        %mul3A_168 = vector.broadcast %squeeze3A : f32 to vector<16xf32>
        %mul3A_169 = arith.mulf %get3A_167, %mul3A_168 : vector<16xf32>
        %add3A_170 = arith.constant 0 : i32
        %add3A_171 = arith.addi %mul3A_87, %add3A_170 : i32
        %swap3A_172 = arith.index_cast %add3A_171 : i32 to index
        %swap3A_173 = arith.constant 80 : index
        %swap3A_174 = tpu.vector_load %arg10[%swap3A_172, %swap3A_173] {strides = array<i32>} : memref<128x128xf32, #tpu.memory_space<vmem>>, vector<1x16xf32>,
        %swap3A_175 = vector.shape_cast %swap3A_174 : vector<1x16xf32> to vector<16xf32>
        %swap3A_176 = vector.shape_cast %mul3A_169 : vector<16xf32> to vector<1x16xf32>
        tpu.vector_store %arg10[%swap3A_172, %swap3A_173], %swap3A_176 {strides = array<i32>} : memref<128x128xf32, #tpu.memory_space<vmem>>, vector<1x16xf32>,
        %add3A_177 = arith.constant 0 : i32
        %add3A_178 = arith.addi %mul3A_87, %add3A_177 : i32
        %get3A_179 = arith.index_cast %add3A_178 : i32 to index
        %get3A_180 = arith.constant 96 : index
        %get3A_181 = tpu.vector_load %arg10[%get3A_179, %get3A_180] {strides = array<i32>} : memref<128x128xf32, #tpu.memory_space<vmem>>, vector<1x16xf32>,
        %get3A_182 = vector.shape_cast %get3A_181 : vector<1x16xf32> to vector<16xf32>
        %mul3A_183 = vector.broadcast %squeeze3A : f32 to vector<16xf32>
        %mul3A_184 = arith.mulf %get3A_182, %mul3A_183 : vector<16xf32>
        %add3A_185 = arith.constant 0 : i32
        %add3A_186 = arith.addi %mul3A_87, %add3A_185 : i32
        %swap3A_187 = arith.index_cast %add3A_186 : i32 to index
        %swap3A_188 = arith.constant 96 : index
        %swap3A_189 = tpu.vector_load %arg10[%swap3A_187, %swap3A_188] {strides = array<i32>} : memref<128x128xf32, #tpu.memory_space<vmem>>, vector<1x16xf32>,
        %swap3A_190 = vector.shape_cast %swap3A_189 : vector<1x16xf32> to vector<16xf32>
        %swap3A_191 = vector.shape_cast %mul3A_184 : vector<16xf32> to vector<1x16xf32>
        tpu.vector_store %arg10[%swap3A_187, %swap3A_188], %swap3A_191 {strides = array<i32>} : memref<128x128xf32, #tpu.memory_space<vmem>>, vector<1x16xf32>,
        %add3A_192 = arith.constant 0 : i32
        %add3A_193 = arith.addi %mul3A_87, %add3A_192 : i32
        %get3A_194 = arith.index_cast %add3A_193 : i32 to index
        %get3A_195 = arith.constant 112 : index
        %get3A_196 = tpu.vector_load %arg10[%get3A_194, %get3A_195] {strides = array<i32>} : memref<128x128xf32, #tpu.memory_space<vmem>>, vector<1x16xf32>,
        %get3A_197 = vector.shape_cast %get3A_196 : vector<1x16xf32> to vector<16xf32>
        %mul3A_198 = vector.broadcast %squeeze3A : f32 to vector<16xf32>
        %mul3A_199 = arith.mulf %get3A_197, %mul3A_198 : vector<16xf32>
        %add3A_200 = arith.constant 0 : i32
        %add3A_201 = arith.addi %mul3A_87, %add3A_200 : i32
        %swap3A_202 = arith.index_cast %add3A_201 : i32 to index
        %swap3A_203 = arith.constant 112 : index
        %swap3A_204 = tpu.vector_load %arg10[%swap3A_202, %swap3A_203] {strides = array<i32>} : memref<128x128xf32, #tpu.memory_space<vmem>>, vector<1x16xf32>,
        %swap3A_205 = vector.shape_cast %swap3A_204 : vector<1x16xf32> to vector<16xf32>
        %swap3A_206 = vector.shape_cast %mul3A_199 : vector<16xf32> to vector<1x16xf32>
        tpu.vector_store %arg10[%swap3A_202, %swap3A_203], %swap3A_206 {strides = array<i32>} : memref<128x128xf32, #tpu.memory_space<vmem>>, vector<1x16xf32>,
        %slice3A_207 = vector.extract_strided_slice %get3A_85 {offsets = [1], sizes = [1], strides = [1]} : vector<16xf32> to vector<1xf32>
        %squeeze3A_208 = vector.extract %slice3A_207[0] : f32 from vector<1xf32>
        %add3A_209 = arith.constant 1 : i32
        %add3A_210 = arith.addi %mul3A_87, %add3A_209 : i32
        %get3A_211 = arith.index_cast %add3A_210 : i32 to index
        %get3A_212 = arith.constant 0 : index
        %get3A_213 = tpu.vector_load %arg10[%get3A_211, %get3A_212] {strides = array<i32>} : memref<128x128xf32, #tpu.memory_space<vmem>>, vector<1x16xf32>,
        %get3A_214 = vector.shape_cast %get3A_213 : vector<1x16xf32> to vector<16xf32>
        %mul3A_215 = vector.broadcast %squeeze3A_208 : f32 to vector<16xf32>
        %mul3A_216 = arith.mulf %get3A_214, %mul3A_215 : vector<16xf32>
        %add3A_217 = arith.constant 1 : i32
        %add3A_218 = arith.addi %mul3A_87, %add3A_217 : i32
        %swap3A_219 = arith.index_cast %add3A_218 : i32 to index
        %swap3A_220 = arith.constant 0 : index
        %swap3A_221 = tpu.vector_load %arg10[%swap3A_219, %swap3A_220] {strides = array<i32>} : memref<128x128xf32, #tpu.memory_space<vmem>>, vector<1x16xf32>,
        %swap3A_222 = vector.shape_cast %swap3A_221 : vector<1x16xf32> to vector<16xf32>
        %swap3A_223 = vector.shape_cast %mul3A_216 : vector<16xf32> to vector<1x16xf32>
        tpu.vector_store %arg10[%swap3A_219, %swap3A_220], %swap3A_223 {strides = array<i32>} : memref<128x128xf32, #tpu.memory_space<vmem>>, vector<1x16xf32>,
        %add3A_224 = arith.constant 1 : i32
        %add3A_225 = arith.addi %mul3A_87, %add3A_224 : i32
        %get3A_226 = arith.index_cast %add3A_225 : i32 to index
        %get3A_227 = arith.constant 16 : index
        %get3A_228 = tpu.vector_load %arg10[%get3A_226, %get3A_227] {strides = array<i32>} : memref<128x128xf32, #tpu.memory_space<vmem>>, vector<1x16xf32>,
        %get3A_229 = vector.shape_cast %get3A_228 : vector<1x16xf32> to vector<16xf32>
        %mul3A_230 = vector.broadcast %squeeze3A_208 : f32 to vector<16xf32>
        %mul3A_231 = arith.mulf %get3A_229, %mul3A_230 : vector<16xf32>
        %add3A_232 = arith.constant 1 : i32
        %add3A_233 = arith.addi %mul3A_87, %add3A_232 : i32
        %swap3A_234 = arith.index_cast %add3A_233 : i32 to index
        %swap3A_235 = arith.constant 16 : index
        %swap3A_236 = tpu.vector_load %arg10[%swap3A_234, %swap3A_235] {strides = array<i32>} : memref<128x128xf32, #tpu.memory_space<vmem>>, vector<1x16xf32>,
        %swap3A_237 = vector.shape_cast %swap3A_236 : vector<1x16xf32> to vector<16xf32>
        %swap3A_238 = vector.shape_cast %mul3A_231 : vector<16xf32> to vector<1x16xf32>
        tpu.vector_store %arg10[%swap3A_234, %swap3A_235], %swap3A_238 {strides = array<i32>} : memref<128x128xf32, #tpu.memory_space<vmem>>, vector<1x16xf32>,
        %add3A_239 = arith.constant 1 : i32
        %add3A_240 = arith.addi %mul3A_87, %add3A_239 : i32
        %get3A_241 = arith.index_cast %add3A_240 : i32 to index
        %get3A_242 = arith.constant 32 : index
        %get3A_243 = tpu.vector_load %arg10[%get3A_241, %get3A_242] {strides = array<i32>} : memref<128x128xf32, #tpu.memory_space<vmem>>, vector<1x16xf32>,
        %get3A_244 = vector.shape_cast %get3A_243 : vector<1x16xf32> to vector<16xf32>
        %mul3A_245 = vector.broadcast %squeeze3A_208 : f32 to vector<16xf32>
        %mul3A_246 = arith.mulf %get3A_244, %mul3A_245 : vector<16xf32>
        %add3A_247 = arith.constant 1 : i32
        %add3A_248 = arith.addi %mul3A_87, %add3A_247 : i32
        %swap3A_249 = arith.index_cast %add3A_248 : i32 to index
        %swap3A_250 = arith.constant 32 : index
        %swap3A_251 = tpu.vector_load %arg10[%swap3A_249, %swap3A_250] {strides = array<i32>} : memref<128x128xf32, #tpu.memory_space<vmem>>, vector<1x16xf32>,
        %swap3A_252 = vector.shape_cast %swap3A_251 : vector<1x16xf32> to vector<16xf32>
        %swap3A_253 = vector.shape_cast %mul3A_246 : vector<16xf32> to vector<1x16xf32>
        tpu.vector_store %arg10[%swap3A_249, %swap3A_250], %swap3A_253 {strides = array<i32>} : memref<128x128xf32, #tpu.memory_space<vmem>>, vector<1x16xf32>,
        %add3A_254 = arith.constant 1 : i32
        %add3A_255 = arith.addi %mul3A_87, %add3A_254 : i32
        %get3A_256 = arith.index_cast %add3A_255 : i32 to index
        %get3A_257 = arith.constant 48 : index
        %get3A_258 = tpu.vector_load %arg10[%get3A_256, %get3A_257] {strides = array<i32>} : memref<128x128xf32, #tpu.memory_space<vmem>>, vector<1x16xf32>,
        %get3A_259 = vector.shape_cast %get3A_258 : vector<1x16xf32> to vector<16xf32>
        %mul3A_260 = vector.broadcast %squeeze3A_208 : f32 to vector<16xf32>
        %mul3A_261 = arith.mulf %get3A_259, %mul3A_260 : vector<16xf32>
        %add3A_262 = arith.constant 1 : i32
        %add3A_263 = arith.addi %mul3A_87, %add3A_262 : i32
        %swap3A_264 = arith.index_cast %add3A_263 : i32 to index
        %swap3A_265 = arith.constant 48 : index
        %swap3A_266 = tpu.vector_load %arg10[%swap3A_264, %swap3A_265] {strides = array<i32>} : memref<128x128xf32, #tpu.memory_space<vmem>>, vector<1x16xf32>,
        %swap3A_267 = vector.shape_cast %swap3A_266 : vector<1x16xf32> to vector<16xf32>
        %swap3A_268 = vector.shape_cast %mul3A_261 : vector<16xf32> to vector<1x16xf32>
        tpu.vector_store %arg10[%swap3A_264, %swap3A_265], %swap3A_268 {strides = array<i32>} : memref<128x128xf32, #tpu.memory_space<vmem>>, vector<1x16xf32>,
        %add3A_269 = arith.constant 1 : i32
        %add3A_270 = arith.addi %mul3A_87, %add3A_269 : i32
        %get3A_271 = arith.index_cast %add3A_270 : i32 to index
        %get3A_272 = arith.constant 64 : index
        %get3A_273 = tpu.vector_load %arg10[%get3A_271, %get3A_272] {strides = array<i32>} : memref<128x128xf32, #tpu.memory_space<vmem>>, vector<1x16xf32>,
        %get3A_274 = vector.shape_cast %get3A_273 : vector<1x16xf32> to vector<16xf32>
        %mul3A_275 = vector.broadcast %squeeze3A_208 : f32 to vector<16xf32>
        %mul3A_276 = arith.mulf %get3A_274, %mul3A_275 : vector<16xf32>
        %add3A_277 = arith.constant 1 : i32
        %add3A_278 = arith.addi %mul3A_87, %add3A_277 : i32
        %swap3A_279 = arith.index_cast %add3A_278 : i32 to index
        %swap3A_280 = arith.constant 64 : index
        %swap3A_281 = tpu.vector_load %arg10[%swap3A_279, %swap3A_280] {strides = array<i32>} : memref<128x128xf32, #tpu.memory_space<vmem>>, vector<1x16xf32>,
        %swap3A_282 = vector.shape_cast %swap3A_281 : vector<1x16xf32> to vector<16xf32>
        %swap3A_283 = vector.shape_cast %mul3A_276 : vector<16xf32> to vector<1x16xf32>
        tpu.vector_store %arg10[%swap3A_279, %swap3A_280], %swap3A_283 {strides = array<i32>} : memref<128x128xf32, #tpu.memory_space<vmem>>, vector<1x16xf32>,
        %add3A_284 = arith.constant 1 : i32
        %add3A_285 = arith.addi %mul3A_87, %add3A_284 : i32
        %get3A_286 = arith.index_cast %add3A_285 : i32 to index
        %get3A_287 = arith.constant 80 : index
        %get3A_288 = tpu.vector_load %arg10[%get3A_286, %get3A_287] {strides = array<i32>} : memref<128x128xf32, #tpu.memory_space<vmem>>, vector<1x16xf32>,
        %get3A_289 = vector.shape_cast %get3A_288 : vector<1x16xf32> to vector<16xf32>
        %mul3A_290 = vector.broadcast %squeeze3A_208 : f32 to vector<16xf32>
        %mul3A_291 = arith.mulf %get3A_289, %mul3A_290 : vector<16xf32>
        %add3A_292 = arith.constant 1 : i32
        %add3A_293 = arith.addi %mul3A_87, %add3A_292 : i32
        %swap3A_294 = arith.index_cast %add3A_293 : i32 to index
        %swap3A_295 = arith.constant 80 : index
        %swap3A_296 = tpu.vector_load %arg10[%swap3A_294, %swap3A_295] {strides = array<i32>} : memref<128x128xf32, #tpu.memory_space<vmem>>, vector<1x16xf32>,
        %swap3A_297 = vector.shape_cast %swap3A_296 : vector<1x16xf32> to vector<16xf32>
        %swap3A_298 = vector.shape_cast %mul3A_291 : vector<16xf32> to vector<1x16xf32>
        tpu.vector_store %arg10[%swap3A_294, %swap3A_295], %swap3A_298 {strides = array<i32>} : memref<128x128xf32, #tpu.memory_space<vmem>>, vector<1x16xf32>,
        %add3A_299 = arith.constant 1 : i32
        %add3A_300 = arith.addi %mul3A_87, %add3A_299 : i32
        %get3A_301 = arith.index_cast %add3A_300 : i32 to index
        %get3A_302 = arith.constant 96 : index
        %get3A_303 = tpu.vector_load %arg10[%get3A_301, %get3A_302] {strides = array<i32>} : memref<128x128xf32, #tpu.memory_space<vmem>>, vector<1x16xf32>,
        %get3A_304 = vector.shape_cast %get3A_303 : vector<1x16xf32> to vector<16xf32>
        %mul3A_305 = vector.broadcast %squeeze3A_208 : f32 to vector<16xf32>
        %mul3A_306 = arith.mulf %get3A_304, %mul3A_305 : vector<16xf32>
        %add3A_307 = arith.constant 1 : i32
        %add3A_308 = arith.addi %mul3A_87, %add3A_307 : i32
        %swap3A_309 = arith.index_cast %add3A_308 : i32 to index
        %swap3A_310 = arith.constant 96 : index
        %swap3A_311 = tpu.vector_load %arg10[%swap3A_309, %swap3A_310] {strides = array<i32>} : memref<128x128xf32, #tpu.memory_space<vmem>>, vector<1x16xf32>,
        %swap3A_312 = vector.shape_cast %swap3A_311 : vector<1x16xf32> to vector<16xf32>
        %swap3A_313 = vector.shape_cast %mul3A_306 : vector<16xf32> to vector<1x16xf32>
        tpu.vector_store %arg10[%swap3A_309, %swap3A_310], %swap3A_313 {strides = array<i32>} : memref<128x128xf32, #tpu.memory_space<vmem>>, vector<1x16xf32>,
        %add3A_314 = arith.constant 1 : i32
        %add3A_315 = arith.addi %mul3A_87, %add3A_314 : i32
        %get3A_316 = arith.index_cast %add3A_315 : i32 to index
        %get3A_317 = arith.constant 112 : index
        %get3A_318 = tpu.vector_load %arg10[%get3A_316, %get3A_317] {strides = array<i32>} : memref<128x128xf32, #tpu.memory_space<vmem>>, vector<1x16xf32>,
        %get3A_319 = vector.shape_cast %get3A_318 : vector<1x16xf32> to vector<16xf32>
        %mul3A_320 = vector.broadcast %squeeze3A_208 : f32 to vector<16xf32>
        %mul3A_321 = arith.mulf %get3A_319, %mul3A_320 : vector<16xf32>
        %add3A_322 = arith.constant 1 : i32
        %add3A_323 = arith.addi %mul3A_87, %add3A_322 : i32
        %swap3A_324 = arith.index_cast %add3A_323 : i32 to index
        %swap3A_325 = arith.constant 112 : index
        %swap3A_326 = tpu.vector_load %arg10[%swap3A_324, %swap3A_325] {strides = array<i32>} : memref<128x128xf32, #tpu.memory_space<vmem>>, vector<1x16xf32>,
        %swap3A_327 = vector.shape_cast %swap3A_326 : vector<1x16xf32> to vector<16xf32>
        %swap3A_328 = vector.shape_cast %mul3A_321 : vector<16xf32> to vector<1x16xf32>
        tpu.vector_store %arg10[%swap3A_324, %swap3A_325], %swap3A_328 {strides = array<i32>} : memref<128x128xf32, #tpu.memory_space<vmem>>, vector<1x16xf32>,
        %slice3A_329 = vector.extract_strided_slice %get3A_85 {offsets = [2], sizes = [1], strides = [1]} : vector<16xf32> to vector<1xf32>
        %squeeze3A_330 = vector.extract %slice3A_329[0] : f32 from vector<1xf32>
        %add3A_331 = arith.constant 2 : i32
        %add3A_332 = arith.addi %mul3A_87, %add3A_331 : i32
        %get3A_333 = arith.index_cast %add3A_332 : i32 to index
        %get3A_334 = arith.constant 0 : index
        %get3A_335 = tpu.vector_load %arg10[%get3A_333, %get3A_334] {strides = array<i32>} : memref<128x128xf32, #tpu.memory_space<vmem>>, vector<1x16xf32>,
        %get3A_336 = vector.shape_cast %get3A_335 : vector<1x16xf32> to vector<16xf32>
        %mul3A_337 = vector.broadcast %squeeze3A_330 : f32 to vector<16xf32>
        %mul3A_338 = arith.mulf %get3A_336, %mul3A_337 : vector<16xf32>
        %add3A_339 = arith.constant 2 : i32
        %add3A_340 = arith.addi %mul3A_87, %add3A_339 : i32
        %swap3A_341 = arith.index_cast %add3A_340 : i32 to index
        %swap3A_342 = arith.constant 0 : index
        %swap3A_343 = tpu.vector_load %arg10[%swap3A_341, %swap3A_342] {strides = array<i32>} : memref<128x128xf32, #tpu.memory_space<vmem>>, vector<1x16xf32>,
        %swap3A_344 = vector.shape_cast %swap3A_343 : vector<1x16xf32> to vector<16xf32>
        %swap3A_345 = vector.shape_cast %mul3A_338 : vector<16xf32> to vector<1x16xf32>
        tpu.vector_store %arg10[%swap3A_341, %swap3A_342], %swap3A_345 {strides = array<i32>} : memref<128x128xf32, #tpu.memory_space<vmem>>, vector<1x16xf32>,
        %add3A_346 = arith.constant 2 : i32
        %add3A_347 = arith.addi %mul3A_87, %add3A_346 : i32
        %get3A_348 = arith.index_cast %add3A_347 : i32 to index
        %get3A_349 = arith.constant 16 : index
        %get3A_350 = tpu.vector_load %arg10[%get3A_348, %get3A_349] {strides = array<i32>} : memref<128x128xf32, #tpu.memory_space<vmem>>, vector<1x16xf32>,
        %get3A_351 = vector.shape_cast %get3A_350 : vector<1x16xf32> to vector<16xf32>
        %mul3A_352 = vector.broadcast %squeeze3A_330 : f32 to vector<16xf32>
        %mul3A_353 = arith.mulf %get3A_351, %mul3A_352 : vector<16xf32>
        %add3A_354 = arith.constant 2 : i32
        %add3A_355 = arith.addi %mul3A_87, %add3A_354 : i32
        %swap3A_356 = arith.index_cast %add3A_355 : i32 to index
        %swap3A_357 = arith.constant 16 : index
        %swap3A_358 = tpu.vector_load %arg10[%swap3A_356, %swap3A_357] {strides = array<i32>} : memref<128x128xf32, #tpu.memory_space<vmem>>, vector<1x16xf32>,
        %swap3A_359 = vector.shape_cast %swap3A_358 : vector<1x16xf32> to vector<16xf32>
        %swap3A_360 = vector.shape_cast %mul3A_353 : vector<16xf32> to vector<1x16xf32>
        tpu.vector_store %arg10[%swap3A_356, %swap3A_357], %swap3A_360 {strides = array<i32>} : memref<128x128xf32, #tpu.memory_space<vmem>>, vector<1x16xf32>,
        %add3A_361 = arith.constant 2 : i32
        %add3A_362 = arith.addi %mul3A_87, %add3A_361 : i32
        %get3A_363 = arith.index_cast %add3A_362 : i32 to index
        %get3A_364 = arith.constant 32 : index
        %get3A_365 = tpu.vector_load %arg10[%get3A_363, %get3A_364] {strides = array<i32>} : memref<128x128xf32, #tpu.memory_space<vmem>>, vector<1x16xf32>,
        %get3A_366 = vector.shape_cast %get3A_365 : vector<1x16xf32> to vector<16xf32>
        %mul3A_367 = vector.broadcast %squeeze3A_330 : f32 to vector<16xf32>
        %mul3A_368 = arith.mulf %get3A_366, %mul3A_367 : vector<16xf32>
        %add3A_369 = arith.constant 2 : i32
        %add3A_370 = arith.addi %mul3A_87, %add3A_369 : i32
        %swap3A_371 = arith.index_cast %add3A_370 : i32 to index
        %swap3A_372 = arith.constant 32 : index
        %swap3A_373 = tpu.vector_load %arg10[%swap3A_371, %swap3A_372] {strides = array<i32>} : memref<128x128xf32, #tpu.memory_space<vmem>>, vector<1x16xf32>,
        %swap3A_374 = vector.shape_cast %swap3A_373 : vector<1x16xf32> to vector<16xf32>
        %swap3A_375 = vector.shape_cast %mul3A_368 : vector<16xf32> to vector<1x16xf32>
        tpu.vector_store %arg10[%swap3A_371, %swap3A_372], %swap3A_375 {strides = array<i32>} : memref<128x128xf32, #tpu.memory_space<vmem>>, vector<1x16xf32>,
        %add3A_376 = arith.constant 2 : i32
        %add3A_377 = arith.addi %mul3A_87, %add3A_376 : i32
        %get3A_378 = arith.index_cast %add3A_377 : i32 to index
        %get3A_379 = arith.constant 48 : index
        %get3A_380 = tpu.vector_load %arg10[%get3A_378, %get3A_379] {strides = array<i32>} : memref<128x128xf32, #tpu.memory_space<vmem>>, vector<1x16xf32>,
        %get3A_381 = vector.shape_cast %get3A_380 : vector<1x16xf32> to vector<16xf32>
        %mul3A_382 = vector.broadcast %squeeze3A_330 : f32 to vector<16xf32>
        %mul3A_383 = arith.mulf %get3A_381, %mul3A_382 : vector<16xf32>
        %add3A_384 = arith.constant 2 : i32
        %add3A_385 = arith.addi %mul3A_87, %add3A_384 : i32
        %swap3A_386 = arith.index_cast %add3A_385 : i32 to index
        %swap3A_387 = arith.constant 48 : index
        %swap3A_388 = tpu.vector_load %arg10[%swap3A_386, %swap3A_387] {strides = array<i32>} : memref<128x128xf32, #tpu.memory_space<vmem>>, vector<1x16xf32>,
        %swap3A_389 = vector.shape_cast %swap3A_388 : vector<1x16xf32> to vector<16xf32>
        %swap3A_390 = vector.shape_cast %mul3A_383 : vector<16xf32> to vector<1x16xf32>
        tpu.vector_store %arg10[%swap3A_386, %swap3A_387], %swap3A_390 {strides = array<i32>} : memref<128x128xf32, #tpu.memory_space<vmem>>, vector<1x16xf32>,
        %add3A_391 = arith.constant 2 : i32
        %add3A_392 = arith.addi %mul3A_87, %add3A_391 : i32
        %get3A_393 = arith.index_cast %add3A_392 : i32 to index
        %get3A_394 = arith.constant 64 : index
        %get3A_395 = tpu.vector_load %arg10[%get3A_393, %get3A_394] {strides = array<i32>} : memref<128x128xf32, #tpu.memory_space<vmem>>, vector<1x16xf32>,
        %get3A_396 = vector.shape_cast %get3A_395 : vector<1x16xf32> to vector<16xf32>
        %mul3A_397 = vector.broadcast %squeeze3A_330 : f32 to vector<16xf32>
        %mul3A_398 = arith.mulf %get3A_396, %mul3A_397 : vector<16xf32>
        %add3A_399 = arith.constant 2 : i32
        %add3A_400 = arith.addi %mul3A_87, %add3A_399 : i32
        %swap3A_401 = arith.index_cast %add3A_400 : i32 to index
        %swap3A_402 = arith.constant 64 : index
        %swap3A_403 = tpu.vector_load %arg10[%swap3A_401, %swap3A_402] {strides = array<i32>} : memref<128x128xf32, #tpu.memory_space<vmem>>, vector<1x16xf32>,
        %swap3A_404 = vector.shape_cast %swap3A_403 : vector<1x16xf32> to vector<16xf32>
        %swap3A_405 = vector.shape_cast %mul3A_398 : vector<16xf32> to vector<1x16xf32>
        tpu.vector_store %arg10[%swap3A_401, %swap3A_402], %swap3A_405 {strides = array<i32>} : memref<128x128xf32, #tpu.memory_space<vmem>>, vector<1x16xf32>,
        %add3A_406 = arith.constant 2 : i32
        %add3A_407 = arith.addi %mul3A_87, %add3A_406 : i32
        %get3A_408 = arith.index_cast %add3A_407 : i32 to index
        %get3A_409 = arith.constant 80 : index
        %get3A_410 = tpu.vector_load %arg10[%get3A_408, %get3A_409] {strides = array<i32>} : memref<128x128xf32, #tpu.memory_space<vmem>>, vector<1x16xf32>,
        %get3A_411 = vector.shape_cast %get3A_410 : vector<1x16xf32> to vector<16xf32>
        %mul3A_412 = vector.broadcast %squeeze3A_330 : f32 to vector<16xf32>
        %mul3A_413 = arith.mulf %get3A_411, %mul3A_412 : vector<16xf32>
        %add3A_414 = arith.constant 2 : i32
        %add3A_415 = arith.addi %mul3A_87, %add3A_414 : i32
        %swap3A_416 = arith.index_cast %add3A_415 : i32 to index
        %swap3A_417 = arith.constant 80 : index
        %swap3A_418 = tpu.vector_load %arg10[%swap3A_416, %swap3A_417] {strides = array<i32>} : memref<128x128xf32, #tpu.memory_space<vmem>>, vector<1x16xf32>,
        %swap3A_419 = vector.shape_cast %swap3A_418 : vector<1x16xf32> to vector<16xf32>
        %swap3A_420 = vector.shape_cast %mul3A_413 : vector<16xf32> to vector<1x16xf32>
        tpu.vector_store %arg10[%swap3A_416, %swap3A_417], %swap3A_420 {strides = array<i32>} : memref<128x128xf32, #tpu.memory_space<vmem>>, vector<1x16xf32>,
        %add3A_421 = arith.constant 2 : i32
        %add3A_422 = arith.addi %mul3A_87, %add3A_421 : i32
        %get3A_423 = arith.index_cast %add3A_422 : i32 to index
        %get3A_424 = arith.constant 96 : index
        %get3A_425 = tpu.vector_load %arg10[%get3A_423, %get3A_424] {strides = array<i32>} : memref<128x128xf32, #tpu.memory_space<vmem>>, vector<1x16xf32>,
        %get3A_426 = vector.shape_cast %get3A_425 : vector<1x16xf32> to vector<16xf32>
        %mul3A_427 = vector.broadcast %squeeze3A_330 : f32 to vector<16xf32>
        %mul3A_428 = arith.mulf %get3A_426, %mul3A_427 : vector<16xf32>
        %add3A_429 = arith.constant 2 : i32
        %add3A_430 = arith.addi %mul3A_87, %add3A_429 : i32
        %swap3A_431 = arith.index_cast %add3A_430 : i32 to index
        %swap3A_432 = arith.constant 96 : index
        %swap3A_433 = tpu.vector_load %arg10[%swap3A_431, %swap3A_432] {strides = array<i32>} : memref<128x128xf32, #tpu.memory_space<vmem>>, vector<1x16xf32>,
        %swap3A_434 = vector.shape_cast %swap3A_433 : vector<1x16xf32> to vector<16xf32>
        %swap3A_435 = vector.shape_cast %mul3A_428 : vector<16xf32> to vector<1x16xf32>
        tpu.vector_store %arg10[%swap3A_431, %swap3A_432], %swap3A_435 {strides = array<i32>} : memref<128x128xf32, #tpu.memory_space<vmem>>, vector<1x16xf32>,
        %add3A_436 = arith.constant 2 : i32
        %add3A_437 = arith.addi %mul3A_87, %add3A_436 : i32
        %get3A_438 = arith.index_cast %add3A_437 : i32 to index
        %get3A_439 = arith.constant 112 : index
        %get3A_440 = tpu.vector_load %arg10[%get3A_438, %get3A_439] {strides = array<i32>} : memref<128x128xf32, #tpu.memory_space<vmem>>, vector<1x16xf32>,
        %get3A_441 = vector.shape_cast %get3A_440 : vector<1x16xf32> to vector<16xf32>
        %mul3A_442 = vector.broadcast %squeeze3A_330 : f32 to vector<16xf32>
        %mul3A_443 = arith.mulf %get3A_441, %mul3A_442 : vector<16xf32>
        %add3A_444 = arith.constant 2 : i32
        %add3A_445 = arith.addi %mul3A_87, %add3A_444 : i32
        %swap3A_446 = arith.index_cast %add3A_445 : i32 to index
        %swap3A_447 = arith.constant 112 : index
        %swap3A_448 = tpu.vector_load %arg10[%swap3A_446, %swap3A_447] {strides = array<i32>} : memref<128x128xf32, #tpu.memory_space<vmem>>, vector<1x16xf32>,
        %swap3A_449 = vector.shape_cast %swap3A_448 : vector<1x16xf32> to vector<16xf32>
        %swap3A_450 = vector.shape_cast %mul3A_443 : vector<16xf32> to vector<1x16xf32>
        tpu.vector_store %arg10[%swap3A_446, %swap3A_447], %swap3A_450 {strides = array<i32>} : memref<128x128xf32, #tpu.memory_space<vmem>>, vector<1x16xf32>,
        %slice3A_451 = vector.extract_strided_slice %get3A_85 {offsets = [3], sizes = [1], strides = [1]} : vector<16xf32> to vector<1xf32>
        %squeeze3A_452 = vector.extract %slice3A_451[0] : f32 from vector<1xf32>
        %add3A_453 = arith.constant 3 : i32
        %add3A_454 = arith.addi %mul3A_87, %add3A_453 : i32
        %get3A_455 = arith.index_cast %add3A_454 : i32 to index
        %get3A_456 = arith.constant 0 : index
        %get3A_457 = tpu.vector_load %arg10[%get3A_455, %get3A_456] {strides = array<i32>} : memref<128x128xf32, #tpu.memory_space<vmem>>, vector<1x16xf32>,
        %get3A_458 = vector.shape_cast %get3A_457 : vector<1x16xf32> to vector<16xf32>
        %mul3A_459 = vector.broadcast %squeeze3A_452 : f32 to vector<16xf32>
        %mul3A_460 = arith.mulf %get3A_458, %mul3A_459 : vector<16xf32>
        %add3A_461 = arith.constant 3 : i32
        %add3A_462 = arith.addi %mul3A_87, %add3A_461 : i32
        %swap3A_463 = arith.index_cast %add3A_462 : i32 to index
        %swap3A_464 = arith.constant 0 : index
        %swap3A_465 = tpu.vector_load %arg10[%swap3A_463, %swap3A_464] {strides = array<i32>} : memref<128x128xf32, #tpu.memory_space<vmem>>, vector<1x16xf32>,
        %swap3A_466 = vector.shape_cast %swap3A_465 : vector<1x16xf32> to vector<16xf32>
        %swap3A_467 = vector.shape_cast %mul3A_460 : vector<16xf32> to vector<1x16xf32>
        tpu.vector_store %arg10[%swap3A_463, %swap3A_464], %swap3A_467 {strides = array<i32>} : memref<128x128xf32, #tpu.memory_space<vmem>>, vector<1x16xf32>,
        %add3A_468 = arith.constant 3 : i32
        %add3A_469 = arith.addi %mul3A_87, %add3A_468 : i32
        %get3A_470 = arith.index_cast %add3A_469 : i32 to index
        %get3A_471 = arith.constant 16 : index
        %get3A_472 = tpu.vector_load %arg10[%get3A_470, %get3A_471] {strides = array<i32>} : memref<128x128xf32, #tpu.memory_space<vmem>>, vector<1x16xf32>,
        %get3A_473 = vector.shape_cast %get3A_472 : vector<1x16xf32> to vector<16xf32>
        %mul3A_474 = vector.broadcast %squeeze3A_452 : f32 to vector<16xf32>
        %mul3A_475 = arith.mulf %get3A_473, %mul3A_474 : vector<16xf32>
        %add3A_476 = arith.constant 3 : i32
        %add3A_477 = arith.addi %mul3A_87, %add3A_476 : i32
        %swap3A_478 = arith.index_cast %add3A_477 : i32 to index
        %swap3A_479 = arith.constant 16 : index
        %swap3A_480 = tpu.vector_load %arg10[%swap3A_478, %swap3A_479] {strides = array<i32>} : memref<128x128xf32, #tpu.memory_space<vmem>>, vector<1x16xf32>,
        %swap3A_481 = vector.shape_cast %swap3A_480 : vector<1x16xf32> to vector<16xf32>
        %swap3A_482 = vector.shape_cast %mul3A_475 : vector<16xf32> to vector<1x16xf32>
        tpu.vector_store %arg10[%swap3A_478, %swap3A_479], %swap3A_482 {strides = array<i32>} : memref<128x128xf32, #tpu.memory_space<vmem>>, vector<1x16xf32>,
        %add3A_483 = arith.constant 3 : i32
        %add3A_484 = arith.addi %mul3A_87, %add3A_483 : i32
        %get3A_485 = arith.index_cast %add3A_484 : i32 to index
        %get3A_486 = arith.constant 32 : index
        %get3A_487 = tpu.vector_load %arg10[%get3A_485, %get3A_486] {strides = array<i32>} : memref<128x128xf32, #tpu.memory_space<vmem>>, vector<1x16xf32>,
        %get3A_488 = vector.shape_cast %get3A_487 : vector<1x16xf32> to vector<16xf32>
        %mul3A_489 = vector.broadcast %squeeze3A_452 : f32 to vector<16xf32>
        %mul3A_490 = arith.mulf %get3A_488, %mul3A_489 : vector<16xf32>
        %add3A_491 = arith.constant 3 : i32
        %add3A_492 = arith.addi %mul3A_87, %add3A_491 : i32
        %swap3A_493 = arith.index_cast %add3A_492 : i32 to index
        %swap3A_494 = arith.constant 32 : index
        %swap3A_495 = tpu.vector_load %arg10[%swap3A_493, %swap3A_494] {strides = array<i32>} : memref<128x128xf32, #tpu.memory_space<vmem>>, vector<1x16xf32>,
        %swap3A_496 = vector.shape_cast %swap3A_495 : vector<1x16xf32> to vector<16xf32>
        %swap3A_497 = vector.shape_cast %mul3A_490 : vector<16xf32> to vector<1x16xf32>
        tpu.vector_store %arg10[%swap3A_493, %swap3A_494], %swap3A_497 {strides = array<i32>} : memref<128x128xf32, #tpu.memory_space<vmem>>, vector<1x16xf32>,
        %add3A_498 = arith.constant 3 : i32
        %add3A_499 = arith.addi %mul3A_87, %add3A_498 : i32
        %get3A_500 = arith.index_cast %add3A_499 : i32 to index
        %get3A_501 = arith.constant 48 : index
        %get3A_502 = tpu.vector_load %arg10[%get3A_500, %get3A_501] {strides = array<i32>} : memref<128x128xf32, #tpu.memory_space<vmem>>, vector<1x16xf32>,
        %get3A_503 = vector.shape_cast %get3A_502 : vector<1x16xf32> to vector<16xf32>
        %mul3A_504 = vector.broadcast %squeeze3A_452 : f32 to vector<16xf32>
        %mul3A_505 = arith.mulf %get3A_503, %mul3A_504 : vector<16xf32>
        %add3A_506 = arith.constant 3 : i32
        %add3A_507 = arith.addi %mul3A_87, %add3A_506 : i32
        %swap3A_508 = arith.index_cast %add3A_507 : i32 to index
        %swap3A_509 = arith.constant 48 : index
        %swap3A_510 = tpu.vector_load %arg10[%swap3A_508, %swap3A_509] {strides = array<i32>} : memref<128x128xf32, #tpu.memory_space<vmem>>, vector<1x16xf32>,
        %swap3A_511 = vector.shape_cast %swap3A_510 : vector<1x16xf32> to vector<16xf32>
        %swap3A_512 = vector.shape_cast %mul3A_505 : vector<16xf32> to vector<1x16xf32>
        tpu.vector_store %arg10[%swap3A_508, %swap3A_509], %swap3A_512 {strides = array<i32>} : memref<128x128xf32, #tpu.memory_space<vmem>>, vector<1x16xf32>,
        %add3A_513 = arith.constant 3 : i32
        %add3A_514 = arith.addi %mul3A_87, %add3A_513 : i32
        %get3A_515 = arith.index_cast %add3A_514 : i32 to index
        %get3A_516 = arith.constant 64 : index
        %get3A_517 = tpu.vector_load %arg10[%get3A_515, %get3A_516] {strides = array<i32>} : memref<128x128xf32, #tpu.memory_space<vmem>>, vector<1x16xf32>,
        %get3A_518 = vector.shape_cast %get3A_517 : vector<1x16xf32> to vector<16xf32>
        %mul3A_519 = vector.broadcast %squeeze3A_452 : f32 to vector<16xf32>
        %mul3A_520 = arith.mulf %get3A_518, %mul3A_519 : vector<16xf32>
        %add3A_521 = arith.constant 3 : i32
        %add3A_522 = arith.addi %mul3A_87, %add3A_521 : i32
        %swap3A_523 = arith.index_cast %add3A_522 : i32 to index
        %swap3A_524 = arith.constant 64 : index
        %swap3A_525 = tpu.vector_load %arg10[%swap3A_523, %swap3A_524] {strides = array<i32>} : memref<128x128xf32, #tpu.memory_space<vmem>>, vector<1x16xf32>,
        %swap3A_526 = vector.shape_cast %swap3A_525 : vector<1x16xf32> to vector<16xf32>
        %swap3A_527 = vector.shape_cast %mul3A_520 : vector<16xf32> to vector<1x16xf32>
        tpu.vector_store %arg10[%swap3A_523, %swap3A_524], %swap3A_527 {strides = array<i32>} : memref<128x128xf32, #tpu.memory_space<vmem>>, vector<1x16xf32>,
        %add3A_528 = arith.constant 3 : i32
        %add3A_529 = arith.addi %mul3A_87, %add3A_528 : i32
        %get3A_530 = arith.index_cast %add3A_529 : i32 to index
        %get3A_531 = arith.constant 80 : index
        %get3A_532 = tpu.vector_load %arg10[%get3A_530, %get3A_531] {strides = array<i32>} : memref<128x128xf32, #tpu.memory_space<vmem>>, vector<1x16xf32>,
        %get3A_533 = vector.shape_cast %get3A_532 : vector<1x16xf32> to vector<16xf32>
        %mul3A_534 = vector.broadcast %squeeze3A_452 : f32 to vector<16xf32>
        %mul3A_535 = arith.mulf %get3A_533, %mul3A_534 : vector<16xf32>
        %add3A_536 = arith.constant 3 : i32
        %add3A_537 = arith.addi %mul3A_87, %add3A_536 : i32
        %swap3A_538 = arith.index_cast %add3A_537 : i32 to index
        %swap3A_539 = arith.constant 80 : index
        %swap3A_540 = tpu.vector_load %arg10[%swap3A_538, %swap3A_539] {strides = array<i32>} : memref<128x128xf32, #tpu.memory_space<vmem>>, vector<1x16xf32>,
        %swap3A_541 = vector.shape_cast %swap3A_540 : vector<1x16xf32> to vector<16xf32>
        %swap3A_542 = vector.shape_cast %mul3A_535 : vector<16xf32> to vector<1x16xf32>
        tpu.vector_store %arg10[%swap3A_538, %swap3A_539], %swap3A_542 {strides = array<i32>} : memref<128x128xf32, #tpu.memory_space<vmem>>, vector<1x16xf32>,
        %add3A_543 = arith.constant 3 : i32
        %add3A_544 = arith.addi %mul3A_87, %add3A_543 : i32
        %get3A_545 = arith.index_cast %add3A_544 : i32 to index
        %get3A_546 = arith.constant 96 : index
        %get3A_547 = tpu.vector_load %arg10[%get3A_545, %get3A_546] {strides = array<i32>} : memref<128x128xf32, #tpu.memory_space<vmem>>, vector<1x16xf32>,
        %get3A_548 = vector.shape_cast %get3A_547 : vector<1x16xf32> to vector<16xf32>
        %mul3A_549 = vector.broadcast %squeeze3A_452 : f32 to vector<16xf32>
        %mul3A_550 = arith.mulf %get3A_548, %mul3A_549 : vector<16xf32>
        %add3A_551 = arith.constant 3 : i32
        %add3A_552 = arith.addi %mul3A_87, %add3A_551 : i32
        %swap3A_553 = arith.index_cast %add3A_552 : i32 to index
        %swap3A_554 = arith.constant 96 : index
        %swap3A_555 = tpu.vector_load %arg10[%swap3A_553, %swap3A_554] {strides = array<i32>} : memref<128x128xf32, #tpu.memory_space<vmem>>, vector<1x16xf32>,
        %swap3A_556 = vector.shape_cast %swap3A_555 : vector<1x16xf32> to vector<16xf32>
        %swap3A_557 = vector.shape_cast %mul3A_550 : vector<16xf32> to vector<1x16xf32>
        tpu.vector_store %arg10[%swap3A_553, %swap3A_554], %swap3A_557 {strides = array<i32>} : memref<128x128xf32, #tpu.memory_space<vmem>>, vector<1x16xf32>,
        %add3A_558 = arith.constant 3 : i32
        %add3A_559 = arith.addi %mul3A_87, %add3A_558 : i32
        %get3A_560 = arith.index_cast %add3A_559 : i32 to index
        %get3A_561 = arith.constant 112 : index
        %get3A_562 = tpu.vector_load %arg10[%get3A_560, %get3A_561] {strides = array<i32>} : memref<128x128xf32, #tpu.memory_space<vmem>>, vector<1x16xf32>,
        %get3A_563 = vector.shape_cast %get3A_562 : vector<1x16xf32> to vector<16xf32>
        %mul3A_564 = vector.broadcast %squeeze3A_452 : f32 to vector<16xf32>
        %mul3A_565 = arith.mulf %get3A_563, %mul3A_564 : vector<16xf32>
        %add3A_566 = arith.constant 3 : i32
        %add3A_567 = arith.addi %mul3A_87, %add3A_566 : i32
        %swap3A_568 = arith.index_cast %add3A_567 : i32 to index
        %swap3A_569 = arith.constant 112 : index
        %swap3A_570 = tpu.vector_load %arg10[%swap3A_568, %swap3A_569] {strides = array<i32>} : memref<128x128xf32, #tpu.memory_space<vmem>>, vector<1x16xf32>,
        %swap3A_571 = vector.shape_cast %swap3A_570 : vector<1x16xf32> to vector<16xf32>
        %swap3A_572 = vector.shape_cast %mul3A_565 : vector<16xf32> to vector<1x16xf32>
        tpu.vector_store %arg10[%swap3A_568, %swap3A_569], %swap3A_572 {strides = array<i32>} : memref<128x128xf32, #tpu.memory_space<vmem>>, vector<1x16xf32>,
        %slice3A_573 = vector.extract_strided_slice %get3A_85 {offsets = [4], sizes = [1], strides = [1]} : vector<16xf32> to vector<1xf32>
        %squeeze3A_574 = vector.extract %slice3A_573[0] : f32 from vector<1xf32>
        %add3A_575 = arith.constant 4 : i32
        %add3A_576 = arith.addi %mul3A_87, %add3A_575 : i32
        %get3A_577 = arith.index_cast %add3A_576 : i32 to index
        %get3A_578 = arith.constant 0 : index
        %get3A_579 = tpu.vector_load %arg10[%get3A_577, %get3A_578] {strides = array<i32>} : memref<128x128xf32, #tpu.memory_space<vmem>>, vector<1x16xf32>,
        %get3A_580 = vector.shape_cast %get3A_579 : vector<1x16xf32> to vector<16xf32>
        %mul3A_581 = vector.broadcast %squeeze3A_574 : f32 to vector<16xf32>
        %mul3A_582 = arith.mulf %get3A_580, %mul3A_581 : vector<16xf32>
        %add3A_583 = arith.constant 4 : i32
        %add3A_584 = arith.addi %mul3A_87, %add3A_583 : i32
        %swap3A_585 = arith.index_cast %add3A_584 : i32 to index
        %swap3A_586 = arith.constant 0 : index
        %swap3A_587 = tpu.vector_load %arg10[%swap3A_585, %swap3A_586] {strides = array<i32>} : memref<128x128xf32, #tpu.memory_space<vmem>>, vector<1x16xf32>,
        %swap3A_588 = vector.shape_cast %swap3A_587 : vector<1x16xf32> to vector<16xf32>
        %swap3A_589 = vector.shape_cast %mul3A_582 : vector<16xf32> to vector<1x16xf32>
        tpu.vector_store %arg10[%swap3A_585, %swap3A_586], %swap3A_589 {strides = array<i32>} : memref<128x128xf32, #tpu.memory_space<vmem>>, vector<1x16xf32>,
        %add3A_590 = arith.constant 4 : i32
        %add3A_591 = arith.addi %mul3A_87, %add3A_590 : i32
        %get3A_592 = arith.index_cast %add3A_591 : i32 to index
        %get3A_593 = arith.constant 16 : index
        %get3A_594 = tpu.vector_load %arg10[%get3A_592, %get3A_593] {strides = array<i32>} : memref<128x128xf32, #tpu.memory_space<vmem>>, vector<1x16xf32>,
        %get3A_595 = vector.shape_cast %get3A_594 : vector<1x16xf32> to vector<16xf32>
        %mul3A_596 = vector.broadcast %squeeze3A_574 : f32 to vector<16xf32>
        %mul3A_597 = arith.mulf %get3A_595, %mul3A_596 : vector<16xf32>
        %add3A_598 = arith.constant 4 : i32
        %add3A_599 = arith.addi %mul3A_87, %add3A_598 : i32
        %swap3A_600 = arith.index_cast %add3A_599 : i32 to index
        %swap3A_601 = arith.constant 16 : index
        %swap3A_602 = tpu.vector_load %arg10[%swap3A_600, %swap3A_601] {strides = array<i32>} : memref<128x128xf32, #tpu.memory_space<vmem>>, vector<1x16xf32>,
        %swap3A_603 = vector.shape_cast %swap3A_602 : vector<1x16xf32> to vector<16xf32>
        %swap3A_604 = vector.shape_cast %mul3A_597 : vector<16xf32> to vector<1x16xf32>
        tpu.vector_store %arg10[%swap3A_600, %swap3A_601], %swap3A_604 {strides = array<i32>} : memref<128x128xf32, #tpu.memory_space<vmem>>, vector<1x16xf32>,
        %add3A_605 = arith.constant 4 : i32
        %add3A_606 = arith.addi %mul3A_87, %add3A_605 : i32
        %get3A_607 = arith.index_cast %add3A_606 : i32 to index
        %get3A_608 = arith.constant 32 : index
        %get3A_609 = tpu.vector_load %arg10[%get3A_607, %get3A_608] {strides = array<i32>} : memref<128x128xf32, #tpu.memory_space<vmem>>, vector<1x16xf32>,
        %get3A_610 = vector.shape_cast %get3A_609 : vector<1x16xf32> to vector<16xf32>
        %mul3A_611 = vector.broadcast %squeeze3A_574 : f32 to vector<16xf32>
        %mul3A_612 = arith.mulf %get3A_610, %mul3A_611 : vector<16xf32>
        %add3A_613 = arith.constant 4 : i32
        %add3A_614 = arith.addi %mul3A_87, %add3A_613 : i32
        %swap3A_615 = arith.index_cast %add3A_614 : i32 to index
        %swap3A_616 = arith.constant 32 : index
        %swap3A_617 = tpu.vector_load %arg10[%swap3A_615, %swap3A_616] {strides = array<i32>} : memref<128x128xf32, #tpu.memory_space<vmem>>, vector<1x16xf32>,
        %swap3A_618 = vector.shape_cast %swap3A_617 : vector<1x16xf32> to vector<16xf32>
        %swap3A_619 = vector.shape_cast %mul3A_612 : vector<16xf32> to vector<1x16xf32>
        tpu.vector_store %arg10[%swap3A_615, %swap3A_616], %swap3A_619 {strides = array<i32>} : memref<128x128xf32, #tpu.memory_space<vmem>>, vector<1x16xf32>,
        %add3A_620 = arith.constant 4 : i32
        %add3A_621 = arith.addi %mul3A_87, %add3A_620 : i32
        %get3A_622 = arith.index_cast %add3A_621 : i32 to index
        %get3A_623 = arith.constant 48 : index
        %get3A_624 = tpu.vector_load %arg10[%get3A_622, %get3A_623] {strides = array<i32>} : memref<128x128xf32, #tpu.memory_space<vmem>>, vector<1x16xf32>,
        %get3A_625 = vector.shape_cast %get3A_624 : vector<1x16xf32> to vector<16xf32>
        %mul3A_626 = vector.broadcast %squeeze3A_574 : f32 to vector<16xf32>
        %mul3A_627 = arith.mulf %get3A_625, %mul3A_626 : vector<16xf32>
        %add3A_628 = arith.constant 4 : i32
        %add3A_629 = arith.addi %mul3A_87, %add3A_628 : i32
        %swap3A_630 = arith.index_cast %add3A_629 : i32 to index
        %swap3A_631 = arith.constant 48 : index
        %swap3A_632 = tpu.vector_load %arg10[%swap3A_630, %swap3A_631] {strides = array<i32>} : memref<128x128xf32, #tpu.memory_space<vmem>>, vector<1x16xf32>,
        %swap3A_633 = vector.shape_cast %swap3A_632 : vector<1x16xf32> to vector<16xf32>
        %swap3A_634 = vector.shape_cast %mul3A_627 : vector<16xf32> to vector<1x16xf32>
        tpu.vector_store %arg10[%swap3A_630, %swap3A_631], %swap3A_634 {strides = array<i32>} : memref<128x128xf32, #tpu.memory_space<vmem>>, vector<1x16xf32>,
        %add3A_635 = arith.constant 4 : i32
        %add3A_636 = arith.addi %mul3A_87, %add3A_635 : i32
        %get3A_637 = arith.index_cast %add3A_636 : i32 to index
        %get3A_638 = arith.constant 64 : index
        %get3A_639 = tpu.vector_load %arg10[%get3A_637, %get3A_638] {strides = array<i32>} : memref<128x128xf32, #tpu.memory_space<vmem>>, vector<1x16xf32>,
        %get3A_640 = vector.shape_cast %get3A_639 : vector<1x16xf32> to vector<16xf32>
        %mul3A_641 = vector.broadcast %squeeze3A_574 : f32 to vector<16xf32>
        %mul3A_642 = arith.mulf %get3A_640, %mul3A_641 : vector<16xf32>
        %add3A_643 = arith.constant 4 : i32
        %add3A_644 = arith.addi %mul3A_87, %add3A_643 : i32
        %swap3A_645 = arith.index_cast %add3A_644 : i32 to index
        %swap3A_646 = arith.constant 64 : index
        %swap3A_647 = tpu.vector_load %arg10[%swap3A_645, %swap3A_646] {strides = array<i32>} : memref<128x128xf32, #tpu.memory_space<vmem>>, vector<1x16xf32>,
        %swap3A_648 = vector.shape_cast %swap3A_647 : vector<1x16xf32> to vector<16xf32>
        %swap3A_649 = vector.shape_cast %mul3A_642 : vector<16xf32> to vector<1x16xf32>
        tpu.vector_store %arg10[%swap3A_645, %swap3A_646], %swap3A_649 {strides = array<i32>} : memref<128x128xf32, #tpu.memory_space<vmem>>, vector<1x16xf32>,
        %add3A_650 = arith.constant 4 : i32
        %add3A_651 = arith.addi %mul3A_87, %add3A_650 : i32
        %get3A_652 = arith.index_cast %add3A_651 : i32 to index
        %get3A_653 = arith.constant 80 : index
        %get3A_654 = tpu.vector_load %arg10[%get3A_652, %get3A_653] {strides = array<i32>} : memref<128x128xf32, #tpu.memory_space<vmem>>, vector<1x16xf32>,
        %get3A_655 = vector.shape_cast %get3A_654 : vector<1x16xf32> to vector<16xf32>
        %mul3A_656 = vector.broadcast %squeeze3A_574 : f32 to vector<16xf32>
        %mul3A_657 = arith.mulf %get3A_655, %mul3A_656 : vector<16xf32>
        %add3A_658 = arith.constant 4 : i32
        %add3A_659 = arith.addi %mul3A_87, %add3A_658 : i32
        %swap3A_660 = arith.index_cast %add3A_659 : i32 to index
        %swap3A_661 = arith.constant 80 : index
        %swap3A_662 = tpu.vector_load %arg10[%swap3A_660, %swap3A_661] {strides = array<i32>} : memref<128x128xf32, #tpu.memory_space<vmem>>, vector<1x16xf32>,
        %swap3A_663 = vector.shape_cast %swap3A_662 : vector<1x16xf32> to vector<16xf32>
        %swap3A_664 = vector.shape_cast %mul3A_657 : vector<16xf32> to vector<1x16xf32>
        tpu.vector_store %arg10[%swap3A_660, %swap3A_661], %swap3A_664 {strides = array<i32>} : memref<128x128xf32, #tpu.memory_space<vmem>>, vector<1x16xf32>,
        %add3A_665 = arith.constant 4 : i32
        %add3A_666 = arith.addi %mul3A_87, %add3A_665 : i32
        %get3A_667 = arith.index_cast %add3A_666 : i32 to index
        %get3A_668 = arith.constant 96 : index
        %get3A_669 = tpu.vector_load %arg10[%get3A_667, %get3A_668] {strides = array<i32>} : memref<128x128xf32, #tpu.memory_space<vmem>>, vector<1x16xf32>,
        %get3A_670 = vector.shape_cast %get3A_669 : vector<1x16xf32> to vector<16xf32>
        %mul3A_671 = vector.broadcast %squeeze3A_574 : f32 to vector<16xf32>
        %mul3A_672 = arith.mulf %get3A_670, %mul3A_671 : vector<16xf32>
        %add3A_673 = arith.constant 4 : i32
        %add3A_674 = arith.addi %mul3A_87, %add3A_673 : i32
        %swap3A_675 = arith.index_cast %add3A_674 : i32 to index
        %swap3A_676 = arith.constant 96 : index
        %swap3A_677 = tpu.vector_load %arg10[%swap3A_675, %swap3A_676] {strides = array<i32>} : memref<128x128xf32, #tpu.memory_space<vmem>>, vector<1x16xf32>,
        %swap3A_678 = vector.shape_cast %swap3A_677 : vector<1x16xf32> to vector<16xf32>
        %swap3A_679 = vector.shape_cast %mul3A_672 : vector<16xf32> to vector<1x16xf32>
        tpu.vector_store %arg10[%swap3A_675, %swap3A_676], %swap3A_679 {strides = array<i32>} : memref<128x128xf32, #tpu.memory_space<vmem>>, vector<1x16xf32>,
        %add3A_680 = arith.constant 4 : i32
        %add3A_681 = arith.addi %mul3A_87, %add3A_680 : i32
        %get3A_682 = arith.index_cast %add3A_681 : i32 to index
        %get3A_683 = arith.constant 112 : index
        %get3A_684 = tpu.vector_load %arg10[%get3A_682, %get3A_683] {strides = array<i32>} : memref<128x128xf32, #tpu.memory_space<vmem>>, vector<1x16xf32>,
        %get3A_685 = vector.shape_cast %get3A_684 : vector<1x16xf32> to vector<16xf32>
        %mul3A_686 = vector.broadcast %squeeze3A_574 : f32 to vector<16xf32>
        %mul3A_687 = arith.mulf %get3A_685, %mul3A_686 : vector<16xf32>
        %add3A_688 = arith.constant 4 : i32
        %add3A_689 = arith.addi %mul3A_87, %add3A_688 : i32
        %swap3A_690 = arith.index_cast %add3A_689 : i32 to index
        %swap3A_691 = arith.constant 112 : index
        %swap3A_692 = tpu.vector_load %arg10[%swap3A_690, %swap3A_691] {strides = array<i32>} : memref<128x128xf32, #tpu.memory_space<vmem>>, vector<1x16xf32>,
        %swap3A_693 = vector.shape_cast %swap3A_692 : vector<1x16xf32> to vector<16xf32>
        %swap3A_694 = vector.shape_cast %mul3A_687 : vector<16xf32> to vector<1x16xf32>
        tpu.vector_store %arg10[%swap3A_690, %swap3A_691], %swap3A_694 {strides = array<i32>} : memref<128x128xf32, #tpu.memory_space<vmem>>, vector<1x16xf32>,
        %slice3A_695 = vector.extract_strided_slice %get3A_85 {offsets = [5], sizes = [1], strides = [1]} : vector<16xf32> to vector<1xf32>
        %squeeze3A_696 = vector.extract %slice3A_695[0] : f32 from vector<1xf32>
        %add3A_697 = arith.constant 5 : i32
        %add3A_698 = arith.addi %mul3A_87, %add3A_697 : i32
        %get3A_699 = arith.index_cast %add3A_698 : i32 to index
        %get3A_700 = arith.constant 0 : index
        %get3A_701 = tpu.vector_load %arg10[%get3A_699, %get3A_700] {strides = array<i32>} : memref<128x128xf32, #tpu.memory_space<vmem>>, vector<1x16xf32>,
        %get3A_702 = vector.shape_cast %get3A_701 : vector<1x16xf32> to vector<16xf32>
        %mul3A_703 = vector.broadcast %squeeze3A_696 : f32 to vector<16xf32>
        %mul3A_704 = arith.mulf %get3A_702, %mul3A_703 : vector<16xf32>
        %add3A_705 = arith.constant 5 : i32
        %add3A_706 = arith.addi %mul3A_87, %add3A_705 : i32
        %swap3A_707 = arith.index_cast %add3A_706 : i32 to index
        %swap3A_708 = arith.constant 0 : index
        %swap3A_709 = tpu.vector_load %arg10[%swap3A_707, %swap3A_708] {strides = array<i32>} : memref<128x128xf32, #tpu.memory_space<vmem>>, vector<1x16xf32>,
        %swap3A_710 = vector.shape_cast %swap3A_709 : vector<1x16xf32> to vector<16xf32>
        %swap3A_711 = vector.shape_cast %mul3A_704 : vector<16xf32> to vector<1x16xf32>
        tpu.vector_store %arg10[%swap3A_707, %swap3A_708], %swap3A_711 {strides = array<i32>} : memref<128x128xf32, #tpu.memory_space<vmem>>, vector<1x16xf32>,
        %add3A_712 = arith.constant 5 : i32
        %add3A_713 = arith.addi %mul3A_87, %add3A_712 : i32
        %get3A_714 = arith.index_cast %add3A_713 : i32 to index
        %get3A_715 = arith.constant 16 : index
        %get3A_716 = tpu.vector_load %arg10[%get3A_714, %get3A_715] {strides = array<i32>} : memref<128x128xf32, #tpu.memory_space<vmem>>, vector<1x16xf32>,
        %get3A_717 = vector.shape_cast %get3A_716 : vector<1x16xf32> to vector<16xf32>
        %mul3A_718 = vector.broadcast %squeeze3A_696 : f32 to vector<16xf32>
        %mul3A_719 = arith.mulf %get3A_717, %mul3A_718 : vector<16xf32>
        %add3A_720 = arith.constant 5 : i32
        %add3A_721 = arith.addi %mul3A_87, %add3A_720 : i32
        %swap3A_722 = arith.index_cast %add3A_721 : i32 to index
        %swap3A_723 = arith.constant 16 : index
        %swap3A_724 = tpu.vector_load %arg10[%swap3A_722, %swap3A_723] {strides = array<i32>} : memref<128x128xf32, #tpu.memory_space<vmem>>, vector<1x16xf32>,
        %swap3A_725 = vector.shape_cast %swap3A_724 : vector<1x16xf32> to vector<16xf32>
        %swap3A_726 = vector.shape_cast %mul3A_719 : vector<16xf32> to vector<1x16xf32>
        tpu.vector_store %arg10[%swap3A_722, %swap3A_723], %swap3A_726 {strides = array<i32>} : memref<128x128xf32, #tpu.memory_space<vmem>>, vector<1x16xf32>,
        %add3A_727 = arith.constant 5 : i32
        %add3A_728 = arith.addi %mul3A_87, %add3A_727 : i32
        %get3A_729 = arith.index_cast %add3A_728 : i32 to index
        %get3A_730 = arith.constant 32 : index
        %get3A_731 = tpu.vector_load %arg10[%get3A_729, %get3A_730] {strides = array<i32>} : memref<128x128xf32, #tpu.memory_space<vmem>>, vector<1x16xf32>,
        %get3A_732 = vector.shape_cast %get3A_731 : vector<1x16xf32> to vector<16xf32>
        %mul3A_733 = vector.broadcast %squeeze3A_696 : f32 to vector<16xf32>
        %mul3A_734 = arith.mulf %get3A_732, %mul3A_733 : vector<16xf32>
        %add3A_735 = arith.constant 5 : i32
        %add3A_736 = arith.addi %mul3A_87, %add3A_735 : i32
        %swap3A_737 = arith.index_cast %add3A_736 : i32 to index
        %swap3A_738 = arith.constant 32 : index
        %swap3A_739 = tpu.vector_load %arg10[%swap3A_737, %swap3A_738] {strides = array<i32>} : memref<128x128xf32, #tpu.memory_space<vmem>>, vector<1x16xf32>,
        %swap3A_740 = vector.shape_cast %swap3A_739 : vector<1x16xf32> to vector<16xf32>
        %swap3A_741 = vector.shape_cast %mul3A_734 : vector<16xf32> to vector<1x16xf32>
        tpu.vector_store %arg10[%swap3A_737, %swap3A_738], %swap3A_741 {strides = array<i32>} : memref<128x128xf32, #tpu.memory_space<vmem>>, vector<1x16xf32>,
        %add3A_742 = arith.constant 5 : i32
        %add3A_743 = arith.addi %mul3A_87, %add3A_742 : i32
        %get3A_744 = arith.index_cast %add3A_743 : i32 to index
        %get3A_745 = arith.constant 48 : index
        %get3A_746 = tpu.vector_load %arg10[%get3A_744, %get3A_745] {strides = array<i32>} : memref<128x128xf32, #tpu.memory_space<vmem>>, vector<1x16xf32>,
        %get3A_747 = vector.shape_cast %get3A_746 : vector<1x16xf32> to vector<16xf32>
        %mul3A_748 = vector.broadcast %squeeze3A_696 : f32 to vector<16xf32>
        %mul3A_749 = arith.mulf %get3A_747, %mul3A_748 : vector<16xf32>
        %add3A_750 = arith.constant 5 : i32
        %add3A_751 = arith.addi %mul3A_87, %add3A_750 : i32
        %swap3A_752 = arith.index_cast %add3A_751 : i32 to index
        %swap3A_753 = arith.constant 48 : index
        %swap3A_754 = tpu.vector_load %arg10[%swap3A_752, %swap3A_753] {strides = array<i32>} : memref<128x128xf32, #tpu.memory_space<vmem>>, vector<1x16xf32>,
        %swap3A_755 = vector.shape_cast %swap3A_754 : vector<1x16xf32> to vector<16xf32>
        %swap3A_756 = vector.shape_cast %mul3A_749 : vector<16xf32> to vector<1x16xf32>
        tpu.vector_store %arg10[%swap3A_752, %swap3A_753], %swap3A_756 {strides = array<i32>} : memref<128x128xf32, #tpu.memory_space<vmem>>, vector<1x16xf32>,
        %add3A_757 = arith.constant 5 : i32
        %add3A_758 = arith.addi %mul3A_87, %add3A_757 : i32
        %get3A_759 = arith.index_cast %add3A_758 : i32 to index
        %get3A_760 = arith.constant 64 : index
        %get3A_761 = tpu.vector_load %arg10[%get3A_759, %get3A_760] {strides = array<i32>} : memref<128x128xf32, #tpu.memory_space<vmem>>, vector<1x16xf32>,
        %get3A_762 = vector.shape_cast %get3A_761 : vector<1x16xf32> to vector<16xf32>
        %mul3A_763 = vector.broadcast %squeeze3A_696 : f32 to vector<16xf32>
        %mul3A_764 = arith.mulf %get3A_762, %mul3A_763 : vector<16xf32>
        %add3A_765 = arith.constant 5 : i32
        %add3A_766 = arith.addi %mul3A_87, %add3A_765 : i32
        %swap3A_767 = arith.index_cast %add3A_766 : i32 to index
        %swap3A_768 = arith.constant 64 : index
        %swap3A_769 = tpu.vector_load %arg10[%swap3A_767, %swap3A_768] {strides = array<i32>} : memref<128x128xf32, #tpu.memory_space<vmem>>, vector<1x16xf32>,
        %swap3A_770 = vector.shape_cast %swap3A_769 : vector<1x16xf32> to vector<16xf32>
        %swap3A_771 = vector.shape_cast %mul3A_764 : vector<16xf32> to vector<1x16xf32>
        tpu.vector_store %arg10[%swap3A_767, %swap3A_768], %swap3A_771 {strides = array<i32>} : memref<128x128xf32, #tpu.memory_space<vmem>>, vector<1x16xf32>,
        %add3A_772 = arith.constant 5 : i32
        %add3A_773 = arith.addi %mul3A_87, %add3A_772 : i32
        %get3A_774 = arith.index_cast %add3A_773 : i32 to index
        %get3A_775 = arith.constant 80 : index
        %get3A_776 = tpu.vector_load %arg10[%get3A_774, %get3A_775] {strides = array<i32>} : memref<128x128xf32, #tpu.memory_space<vmem>>, vector<1x16xf32>,
        %get3A_777 = vector.shape_cast %get3A_776 : vector<1x16xf32> to vector<16xf32>
        %mul3A_778 = vector.broadcast %squeeze3A_696 : f32 to vector<16xf32>
        %mul3A_779 = arith.mulf %get3A_777, %mul3A_778 : vector<16xf32>
        %add3A_780 = arith.constant 5 : i32
        %add3A_781 = arith.addi %mul3A_87, %add3A_780 : i32
        %swap3A_782 = arith.index_cast %add3A_781 : i32 to index
        %swap3A_783 = arith.constant 80 : index
        %swap3A_784 = tpu.vector_load %arg10[%swap3A_782, %swap3A_783] {strides = array<i32>} : memref<128x128xf32, #tpu.memory_space<vmem>>, vector<1x16xf32>,
        %swap3A_785 = vector.shape_cast %swap3A_784 : vector<1x16xf32> to vector<16xf32>
        %swap3A_786 = vector.shape_cast %mul3A_779 : vector<16xf32> to vector<1x16xf32>
        tpu.vector_store %arg10[%swap3A_782, %swap3A_783], %swap3A_786 {strides = array<i32>} : memref<128x128xf32, #tpu.memory_space<vmem>>, vector<1x16xf32>,
        %add3A_787 = arith.constant 5 : i32
        %add3A_788 = arith.addi %mul3A_87, %add3A_787 : i32
        %get3A_789 = arith.index_cast %add3A_788 : i32 to index
        %get3A_790 = arith.constant 96 : index
        %get3A_791 = tpu.vector_load %arg10[%get3A_789, %get3A_790] {strides = array<i32>} : memref<128x128xf32, #tpu.memory_space<vmem>>, vector<1x16xf32>,
        %get3A_792 = vector.shape_cast %get3A_791 : vector<1x16xf32> to vector<16xf32>
        %mul3A_793 = vector.broadcast %squeeze3A_696 : f32 to vector<16xf32>
        %mul3A_794 = arith.mulf %get3A_792, %mul3A_793 : vector<16xf32>
        %add3A_795 = arith.constant 5 : i32
        %add3A_796 = arith.addi %mul3A_87, %add3A_795 : i32
        %swap3A_797 = arith.index_cast %add3A_796 : i32 to index
        %swap3A_798 = arith.constant 96 : index
        %swap3A_799 = tpu.vector_load %arg10[%swap3A_797, %swap3A_798] {strides = array<i32>} : memref<128x128xf32, #tpu.memory_space<vmem>>, vector<1x16xf32>,
        %swap3A_800 = vector.shape_cast %swap3A_799 : vector<1x16xf32> to vector<16xf32>
        %swap3A_801 = vector.shape_cast %mul3A_794 : vector<16xf32> to vector<1x16xf32>
        tpu.vector_store %arg10[%swap3A_797, %swap3A_798], %swap3A_801 {strides = array<i32>} : memref<128x128xf32, #tpu.memory_space<vmem>>, vector<1x16xf32>,
        %add3A_802 = arith.constant 5 : i32
        %add3A_803 = arith.addi %mul3A_87, %add3A_802 : i32
        %get3A_804 = arith.index_cast %add3A_803 : i32 to index
        %get3A_805 = arith.constant 112 : index
        %get3A_806 = tpu.vector_load %arg10[%get3A_804, %get3A_805] {strides = array<i32>} : memref<128x128xf32, #tpu.memory_space<vmem>>, vector<1x16xf32>,
        %get3A_807 = vector.shape_cast %get3A_806 : vector<1x16xf32> to vector<16xf32>
        %mul3A_808 = vector.broadcast %squeeze3A_696 : f32 to vector<16xf32>
        %mul3A_809 = arith.mulf %get3A_807, %mul3A_808 : vector<16xf32>
        %add3A_810 = arith.constant 5 : i32
        %add3A_811 = arith.addi %mul3A_87, %add3A_810 : i32
        %swap3A_812 = arith.index_cast %add3A_811 : i32 to index
        %swap3A_813 = arith.constant 112 : index
        %swap3A_814 = tpu.vector_load %arg10[%swap3A_812, %swap3A_813] {strides = array<i32>} : memref<128x128xf32, #tpu.memory_space<vmem>>, vector<1x16xf32>,
        %swap3A_815 = vector.shape_cast %swap3A_814 : vector<1x16xf32> to vector<16xf32>
        %swap3A_816 = vector.shape_cast %mul3A_809 : vector<16xf32> to vector<1x16xf32>
        tpu.vector_store %arg10[%swap3A_812, %swap3A_813], %swap3A_816 {strides = array<i32>} : memref<128x128xf32, #tpu.memory_space<vmem>>, vector<1x16xf32>,
        %slice3A_817 = vector.extract_strided_slice %get3A_85 {offsets = [6], sizes = [1], strides = [1]} : vector<16xf32> to vector<1xf32>
        %squeeze3A_818 = vector.extract %slice3A_817[0] : f32 from vector<1xf32>
        %add3A_819 = arith.constant 6 : i32
        %add3A_820 = arith.addi %mul3A_87, %add3A_819 : i32
        %get3A_821 = arith.index_cast %add3A_820 : i32 to index
        %get3A_822 = arith.constant 0 : index
        %get3A_823 = tpu.vector_load %arg10[%get3A_821, %get3A_822] {strides = array<i32>} : memref<128x128xf32, #tpu.memory_space<vmem>>, vector<1x16xf32>,
        %get3A_824 = vector.shape_cast %get3A_823 : vector<1x16xf32> to vector<16xf32>
        %mul3A_825 = vector.broadcast %squeeze3A_818 : f32 to vector<16xf32>
        %mul3A_826 = arith.mulf %get3A_824, %mul3A_825 : vector<16xf32>
        %add3A_827 = arith.constant 6 : i32
        %add3A_828 = arith.addi %mul3A_87, %add3A_827 : i32
        %swap3A_829 = arith.index_cast %add3A_828 : i32 to index
        %swap3A_830 = arith.constant 0 : index
        %swap3A_831 = tpu.vector_load %arg10[%swap3A_829, %swap3A_830] {strides = array<i32>} : memref<128x128xf32, #tpu.memory_space<vmem>>, vector<1x16xf32>,
        %swap3A_832 = vector.shape_cast %swap3A_831 : vector<1x16xf32> to vector<16xf32>
        %swap3A_833 = vector.shape_cast %mul3A_826 : vector<16xf32> to vector<1x16xf32>
        tpu.vector_store %arg10[%swap3A_829, %swap3A_830], %swap3A_833 {strides = array<i32>} : memref<128x128xf32, #tpu.memory_space<vmem>>, vector<1x16xf32>,
        %add3A_834 = arith.constant 6 : i32
        %add3A_835 = arith.addi %mul3A_87, %add3A_834 : i32
        %get3A_836 = arith.index_cast %add3A_835 : i32 to index
        %get3A_837 = arith.constant 16 : index
        %get3A_838 = tpu.vector_load %arg10[%get3A_836, %get3A_837] {strides = array<i32>} : memref<128x128xf32, #tpu.memory_space<vmem>>, vector<1x16xf32>,
        %get3A_839 = vector.shape_cast %get3A_838 : vector<1x16xf32> to vector<16xf32>
        %mul3A_840 = vector.broadcast %squeeze3A_818 : f32 to vector<16xf32>
        %mul3A_841 = arith.mulf %get3A_839, %mul3A_840 : vector<16xf32>
        %add3A_842 = arith.constant 6 : i32
        %add3A_843 = arith.addi %mul3A_87, %add3A_842 : i32
        %swap3A_844 = arith.index_cast %add3A_843 : i32 to index
        %swap3A_845 = arith.constant 16 : index
        %swap3A_846 = tpu.vector_load %arg10[%swap3A_844, %swap3A_845] {strides = array<i32>} : memref<128x128xf32, #tpu.memory_space<vmem>>, vector<1x16xf32>,
        %swap3A_847 = vector.shape_cast %swap3A_846 : vector<1x16xf32> to vector<16xf32>
        %swap3A_848 = vector.shape_cast %mul3A_841 : vector<16xf32> to vector<1x16xf32>
        tpu.vector_store %arg10[%swap3A_844, %swap3A_845], %swap3A_848 {strides = array<i32>} : memref<128x128xf32, #tpu.memory_space<vmem>>, vector<1x16xf32>,
        %add3A_849 = arith.constant 6 : i32
        %add3A_850 = arith.addi %mul3A_87, %add3A_849 : i32
        %get3A_851 = arith.index_cast %add3A_850 : i32 to index
        %get3A_852 = arith.constant 32 : index
        %get3A_853 = tpu.vector_load %arg10[%get3A_851, %get3A_852] {strides = array<i32>} : memref<128x128xf32, #tpu.memory_space<vmem>>, vector<1x16xf32>,
        %get3A_854 = vector.shape_cast %get3A_853 : vector<1x16xf32> to vector<16xf32>
        %mul3A_855 = vector.broadcast %squeeze3A_818 : f32 to vector<16xf32>
        %mul3A_856 = arith.mulf %get3A_854, %mul3A_855 : vector<16xf32>
        %add3A_857 = arith.constant 6 : i32
        %add3A_858 = arith.addi %mul3A_87, %add3A_857 : i32
        %swap3A_859 = arith.index_cast %add3A_858 : i32 to index
        %swap3A_860 = arith.constant 32 : index
        %swap3A_861 = tpu.vector_load %arg10[%swap3A_859, %swap3A_860] {strides = array<i32>} : memref<128x128xf32, #tpu.memory_space<vmem>>, vector<1x16xf32>,
        %swap3A_862 = vector.shape_cast %swap3A_861 : vector<1x16xf32> to vector<16xf32>
        %swap3A_863 = vector.shape_cast %mul3A_856 : vector<16xf32> to vector<1x16xf32>
        tpu.vector_store %arg10[%swap3A_859, %swap3A_860], %swap3A_863 {strides = array<i32>} : memref<128x128xf32, #tpu.memory_space<vmem>>, vector<1x16xf32>,
        %add3A_864 = arith.constant 6 : i32
        %add3A_865 = arith.addi %mul3A_87, %add3A_864 : i32
        %get3A_866 = arith.index_cast %add3A_865 : i32 to index
        %get3A_867 = arith.constant 48 : index
        %get3A_868 = tpu.vector_load %arg10[%get3A_866, %get3A_867] {strides = array<i32>} : memref<128x128xf32, #tpu.memory_space<vmem>>, vector<1x16xf32>,
        %get3A_869 = vector.shape_cast %get3A_868 : vector<1x16xf32> to vector<16xf32>
        %mul3A_870 = vector.broadcast %squeeze3A_818 : f32 to vector<16xf32>
        %mul3A_871 = arith.mulf %get3A_869, %mul3A_870 : vector<16xf32>
        %add3A_872 = arith.constant 6 : i32
        %add3A_873 = arith.addi %mul3A_87, %add3A_872 : i32
        %swap3A_874 = arith.index_cast %add3A_873 : i32 to index
        %swap3A_875 = arith.constant 48 : index
        %swap3A_876 = tpu.vector_load %arg10[%swap3A_874, %swap3A_875] {strides = array<i32>} : memref<128x128xf32, #tpu.memory_space<vmem>>, vector<1x16xf32>,
        %swap3A_877 = vector.shape_cast %swap3A_876 : vector<1x16xf32> to vector<16xf32>
        %swap3A_878 = vector.shape_cast %mul3A_871 : vector<16xf32> to vector<1x16xf32>
        tpu.vector_store %arg10[%swap3A_874, %swap3A_875], %swap3A_878 {strides = array<i32>} : memref<128x128xf32, #tpu.memory_space<vmem>>, vector<1x16xf32>,
        %add3A_879 = arith.constant 6 : i32
        %add3A_880 = arith.addi %mul3A_87, %add3A_879 : i32
        %get3A_881 = arith.index_cast %add3A_880 : i32 to index
        %get3A_882 = arith.constant 64 : index
        %get3A_883 = tpu.vector_load %arg10[%get3A_881, %get3A_882] {strides = array<i32>} : memref<128x128xf32, #tpu.memory_space<vmem>>, vector<1x16xf32>,
        %get3A_884 = vector.shape_cast %get3A_883 : vector<1x16xf32> to vector<16xf32>
        %mul3A_885 = vector.broadcast %squeeze3A_818 : f32 to vector<16xf32>
        %mul3A_886 = arith.mulf %get3A_884, %mul3A_885 : vector<16xf32>
        %add3A_887 = arith.constant 6 : i32
        %add3A_888 = arith.addi %mul3A_87, %add3A_887 : i32
        %swap3A_889 = arith.index_cast %add3A_888 : i32 to index
        %swap3A_890 = arith.constant 64 : index
        %swap3A_891 = tpu.vector_load %arg10[%swap3A_889, %swap3A_890] {strides = array<i32>} : memref<128x128xf32, #tpu.memory_space<vmem>>, vector<1x16xf32>,
        %swap3A_892 = vector.shape_cast %swap3A_891 : vector<1x16xf32> to vector<16xf32>
        %swap3A_893 = vector.shape_cast %mul3A_886 : vector<16xf32> to vector<1x16xf32>
        tpu.vector_store %arg10[%swap3A_889, %swap3A_890], %swap3A_893 {strides = array<i32>} : memref<128x128xf32, #tpu.memory_space<vmem>>, vector<1x16xf32>,
        %add3A_894 = arith.constant 6 : i32
        %add3A_895 = arith.addi %mul3A_87, %add3A_894 : i32
        %get3A_896 = arith.index_cast %add3A_895 : i32 to index
        %get3A_897 = arith.constant 80 : index
        %get3A_898 = tpu.vector_load %arg10[%get3A_896, %get3A_897] {strides = array<i32>} : memref<128x128xf32, #tpu.memory_space<vmem>>, vector<1x16xf32>,
        %get3A_899 = vector.shape_cast %get3A_898 : vector<1x16xf32> to vector<16xf32>
        %mul3A_900 = vector.broadcast %squeeze3A_818 : f32 to vector<16xf32>
        %mul3A_901 = arith.mulf %get3A_899, %mul3A_900 : vector<16xf32>
        %add3A_902 = arith.constant 6 : i32
        %add3A_903 = arith.addi %mul3A_87, %add3A_902 : i32
        %swap3A_904 = arith.index_cast %add3A_903 : i32 to index
        %swap3A_905 = arith.constant 80 : index
        %swap3A_906 = tpu.vector_load %arg10[%swap3A_904, %swap3A_905] {strides = array<i32>} : memref<128x128xf32, #tpu.memory_space<vmem>>, vector<1x16xf32>,
        %swap3A_907 = vector.shape_cast %swap3A_906 : vector<1x16xf32> to vector<16xf32>
        %swap3A_908 = vector.shape_cast %mul3A_901 : vector<16xf32> to vector<1x16xf32>
        tpu.vector_store %arg10[%swap3A_904, %swap3A_905], %swap3A_908 {strides = array<i32>} : memref<128x128xf32, #tpu.memory_space<vmem>>, vector<1x16xf32>,
        %add3A_909 = arith.constant 6 : i32
        %add3A_910 = arith.addi %mul3A_87, %add3A_909 : i32
        %get3A_911 = arith.index_cast %add3A_910 : i32 to index
        %get3A_912 = arith.constant 96 : index
        %get3A_913 = tpu.vector_load %arg10[%get3A_911, %get3A_912] {strides = array<i32>} : memref<128x128xf32, #tpu.memory_space<vmem>>, vector<1x16xf32>,
        %get3A_914 = vector.shape_cast %get3A_913 : vector<1x16xf32> to vector<16xf32>
        %mul3A_915 = vector.broadcast %squeeze3A_818 : f32 to vector<16xf32>
        %mul3A_916 = arith.mulf %get3A_914, %mul3A_915 : vector<16xf32>
        %add3A_917 = arith.constant 6 : i32
        %add3A_918 = arith.addi %mul3A_87, %add3A_917 : i32
        %swap3A_919 = arith.index_cast %add3A_918 : i32 to index
        %swap3A_920 = arith.constant 96 : index
        %swap3A_921 = tpu.vector_load %arg10[%swap3A_919, %swap3A_920] {strides = array<i32>} : memref<128x128xf32, #tpu.memory_space<vmem>>, vector<1x16xf32>,
        %swap3A_922 = vector.shape_cast %swap3A_921 : vector<1x16xf32> to vector<16xf32>
        %swap3A_923 = vector.shape_cast %mul3A_916 : vector<16xf32> to vector<1x16xf32>
        tpu.vector_store %arg10[%swap3A_919, %swap3A_920], %swap3A_923 {strides = array<i32>} : memref<128x128xf32, #tpu.memory_space<vmem>>, vector<1x16xf32>,
        %add3A_924 = arith.constant 6 : i32
        %add3A_925 = arith.addi %mul3A_87, %add3A_924 : i32
        %get3A_926 = arith.index_cast %add3A_925 : i32 to index
        %get3A_927 = arith.constant 112 : index
        %get3A_928 = tpu.vector_load %arg10[%get3A_926, %get3A_927] {strides = array<i32>} : memref<128x128xf32, #tpu.memory_space<vmem>>, vector<1x16xf32>,
        %get3A_929 = vector.shape_cast %get3A_928 : vector<1x16xf32> to vector<16xf32>
        %mul3A_930 = vector.broadcast %squeeze3A_818 : f32 to vector<16xf32>
        %mul3A_931 = arith.mulf %get3A_929, %mul3A_930 : vector<16xf32>
        %add3A_932 = arith.constant 6 : i32
        %add3A_933 = arith.addi %mul3A_87, %add3A_932 : i32
        %swap3A_934 = arith.index_cast %add3A_933 : i32 to index
        %swap3A_935 = arith.constant 112 : index
        %swap3A_936 = tpu.vector_load %arg10[%swap3A_934, %swap3A_935] {strides = array<i32>} : memref<128x128xf32, #tpu.memory_space<vmem>>, vector<1x16xf32>,
        %swap3A_937 = vector.shape_cast %swap3A_936 : vector<1x16xf32> to vector<16xf32>
        %swap3A_938 = vector.shape_cast %mul3A_931 : vector<16xf32> to vector<1x16xf32>
        tpu.vector_store %arg10[%swap3A_934, %swap3A_935], %swap3A_938 {strides = array<i32>} : memref<128x128xf32, #tpu.memory_space<vmem>>, vector<1x16xf32>,
        %slice3A_939 = vector.extract_strided_slice %get3A_85 {offsets = [7], sizes = [1], strides = [1]} : vector<16xf32> to vector<1xf32>
        %squeeze3A_940 = vector.extract %slice3A_939[0] : f32 from vector<1xf32>
        %add3A_941 = arith.constant 7 : i32
        %add3A_942 = arith.addi %mul3A_87, %add3A_941 : i32
        %get3A_943 = arith.index_cast %add3A_942 : i32 to index
        %get3A_944 = arith.constant 0 : index
        %get3A_945 = tpu.vector_load %arg10[%get3A_943, %get3A_944] {strides = array<i32>} : memref<128x128xf32, #tpu.memory_space<vmem>>, vector<1x16xf32>,
        %get3A_946 = vector.shape_cast %get3A_945 : vector<1x16xf32> to vector<16xf32>
        %mul3A_947 = vector.broadcast %squeeze3A_940 : f32 to vector<16xf32>
        %mul3A_948 = arith.mulf %get3A_946, %mul3A_947 : vector<16xf32>
        %add3A_949 = arith.constant 7 : i32
        %add3A_950 = arith.addi %mul3A_87, %add3A_949 : i32
        %swap3A_951 = arith.index_cast %add3A_950 : i32 to index
        %swap3A_952 = arith.constant 0 : index
        %swap3A_953 = tpu.vector_load %arg10[%swap3A_951, %swap3A_952] {strides = array<i32>} : memref<128x128xf32, #tpu.memory_space<vmem>>, vector<1x16xf32>,
        %swap3A_954 = vector.shape_cast %swap3A_953 : vector<1x16xf32> to vector<16xf32>
        %swap3A_955 = vector.shape_cast %mul3A_948 : vector<16xf32> to vector<1x16xf32>
        tpu.vector_store %arg10[%swap3A_951, %swap3A_952], %swap3A_955 {strides = array<i32>} : memref<128x128xf32, #tpu.memory_space<vmem>>, vector<1x16xf32>,
        %add3A_956 = arith.constant 7 : i32
        %add3A_957 = arith.addi %mul3A_87, %add3A_956 : i32
        %get3A_958 = arith.index_cast %add3A_957 : i32 to index
        %get3A_959 = arith.constant 16 : index
        %get3A_960 = tpu.vector_load %arg10[%get3A_958, %get3A_959] {strides = array<i32>} : memref<128x128xf32, #tpu.memory_space<vmem>>, vector<1x16xf32>,
        %get3A_961 = vector.shape_cast %get3A_960 : vector<1x16xf32> to vector<16xf32>
        %mul3A_962 = vector.broadcast %squeeze3A_940 : f32 to vector<16xf32>
        %mul3A_963 = arith.mulf %get3A_961, %mul3A_962 : vector<16xf32>
        %add3A_964 = arith.constant 7 : i32
        %add3A_965 = arith.addi %mul3A_87, %add3A_964 : i32
        %swap3A_966 = arith.index_cast %add3A_965 : i32 to index
        %swap3A_967 = arith.constant 16 : index
        %swap3A_968 = tpu.vector_load %arg10[%swap3A_966, %swap3A_967] {strides = array<i32>} : memref<128x128xf32, #tpu.memory_space<vmem>>, vector<1x16xf32>,
        %swap3A_969 = vector.shape_cast %swap3A_968 : vector<1x16xf32> to vector<16xf32>
        %swap3A_970 = vector.shape_cast %mul3A_963 : vector<16xf32> to vector<1x16xf32>
        tpu.vector_store %arg10[%swap3A_966, %swap3A_967], %swap3A_970 {strides = array<i32>} : memref<128x128xf32, #tpu.memory_space<vmem>>, vector<1x16xf32>,
        %add3A_971 = arith.constant 7 : i32
        %add3A_972 = arith.addi %mul3A_87, %add3A_971 : i32
        %get3A_973 = arith.index_cast %add3A_972 : i32 to index
        %get3A_974 = arith.constant 32 : index
        %get3A_975 = tpu.vector_load %arg10[%get3A_973, %get3A_974] {strides = array<i32>} : memref<128x128xf32, #tpu.memory_space<vmem>>, vector<1x16xf32>,
        %get3A_976 = vector.shape_cast %get3A_975 : vector<1x16xf32> to vector<16xf32>
        %mul3A_977 = vector.broadcast %squeeze3A_940 : f32 to vector<16xf32>
        %mul3A_978 = arith.mulf %get3A_976, %mul3A_977 : vector<16xf32>
        %add3A_979 = arith.constant 7 : i32
        %add3A_980 = arith.addi %mul3A_87, %add3A_979 : i32
        %swap3A_981 = arith.index_cast %add3A_980 : i32 to index
        %swap3A_982 = arith.constant 32 : index
        %swap3A_983 = tpu.vector_load %arg10[%swap3A_981, %swap3A_982] {strides = array<i32>} : memref<128x128xf32, #tpu.memory_space<vmem>>, vector<1x16xf32>,
        %swap3A_984 = vector.shape_cast %swap3A_983 : vector<1x16xf32> to vector<16xf32>
        %swap3A_985 = vector.shape_cast %mul3A_978 : vector<16xf32> to vector<1x16xf32>
        tpu.vector_store %arg10[%swap3A_981, %swap3A_982], %swap3A_985 {strides = array<i32>} : memref<128x128xf32, #tpu.memory_space<vmem>>, vector<1x16xf32>,
        %add3A_986 = arith.constant 7 : i32
        %add3A_987 = arith.addi %mul3A_87, %add3A_986 : i32
        %get3A_988 = arith.index_cast %add3A_987 : i32 to index
        %get3A_989 = arith.constant 48 : index
        %get3A_990 = tpu.vector_load %arg10[%get3A_988, %get3A_989] {strides = array<i32>} : memref<128x128xf32, #tpu.memory_space<vmem>>, vector<1x16xf32>,
        %get3A_991 = vector.shape_cast %get3A_990 : vector<1x16xf32> to vector<16xf32>
        %mul3A_992 = vector.broadcast %squeeze3A_940 : f32 to vector<16xf32>
        %mul3A_993 = arith.mulf %get3A_991, %mul3A_992 : vector<16xf32>
        %add3A_994 = arith.constant 7 : i32
        %add3A_995 = arith.addi %mul3A_87, %add3A_994 : i32
        %swap3A_996 = arith.index_cast %add3A_995 : i32 to index
        %swap3A_997 = arith.constant 48 : index
        %swap3A_998 = tpu.vector_load %arg10[%swap3A_996, %swap3A_997] {strides = array<i32>} : memref<128x128xf32, #tpu.memory_space<vmem>>, vector<1x16xf32>,
        %swap3A_999 = vector.shape_cast %swap3A_998 : vector<1x16xf32> to vector<16xf32>
        %swap3A_1000 = vector.shape_cast %mul3A_993 : vector<16xf32> to vector<1x16xf32>
        tpu.vector_store %arg10[%swap3A_996, %swap3A_997], %swap3A_1000 {strides = array<i32>} : memref<128x128xf32, #tpu.memory_space<vmem>>, vector<1x16xf32>,
        %add3A_1001 = arith.constant 7 : i32
        %add3A_1002 = arith.addi %mul3A_87, %add3A_1001 : i32
        %get3A_1003 = arith.index_cast %add3A_1002 : i32 to index
        %get3A_1004 = arith.constant 64 : index
        %get3A_1005 = tpu.vector_load %arg10[%get3A_1003, %get3A_1004] {strides = array<i32>} : memref<128x128xf32, #tpu.memory_space<vmem>>, vector<1x16xf32>,
        %get3A_1006 = vector.shape_cast %get3A_1005 : vector<1x16xf32> to vector<16xf32>
        %mul3A_1007 = vector.broadcast %squeeze3A_940 : f32 to vector<16xf32>
        %mul3A_1008 = arith.mulf %get3A_1006, %mul3A_1007 : vector<16xf32>
        %add3A_1009 = arith.constant 7 : i32
        %add3A_1010 = arith.addi %mul3A_87, %add3A_1009 : i32
        %swap3A_1011 = arith.index_cast %add3A_1010 : i32 to index
        %swap3A_1012 = arith.constant 64 : index
        %swap3A_1013 = tpu.vector_load %arg10[%swap3A_1011, %swap3A_1012] {strides = array<i32>} : memref<128x128xf32, #tpu.memory_space<vmem>>, vector<1x16xf32>,
        %swap3A_1014 = vector.shape_cast %swap3A_1013 : vector<1x16xf32> to vector<16xf32>
        %swap3A_1015 = vector.shape_cast %mul3A_1008 : vector<16xf32> to vector<1x16xf32>
        tpu.vector_store %arg10[%swap3A_1011, %swap3A_1012], %swap3A_1015 {strides = array<i32>} : memref<128x128xf32, #tpu.memory_space<vmem>>, vector<1x16xf32>,
        %add3A_1016 = arith.constant 7 : i32
        %add3A_1017 = arith.addi %mul3A_87, %add3A_1016 : i32
        %get3A_1018 = arith.index_cast %add3A_1017 : i32 to index
        %get3A_1019 = arith.constant 80 : index
        %get3A_1020 = tpu.vector_load %arg10[%get3A_1018, %get3A_1019] {strides = array<i32>} : memref<128x128xf32, #tpu.memory_space<vmem>>, vector<1x16xf32>,
        %get3A_1021 = vector.shape_cast %get3A_1020 : vector<1x16xf32> to vector<16xf32>
        %mul3A_1022 = vector.broadcast %squeeze3A_940 : f32 to vector<16xf32>
        %mul3A_1023 = arith.mulf %get3A_1021, %mul3A_1022 : vector<16xf32>
        %add3A_1024 = arith.constant 7 : i32
        %add3A_1025 = arith.addi %mul3A_87, %add3A_1024 : i32
        %swap3A_1026 = arith.index_cast %add3A_1025 : i32 to index
        %swap3A_1027 = arith.constant 80 : index
        %swap3A_1028 = tpu.vector_load %arg10[%swap3A_1026, %swap3A_1027] {strides = array<i32>} : memref<128x128xf32, #tpu.memory_space<vmem>>, vector<1x16xf32>,
        %swap3A_1029 = vector.shape_cast %swap3A_1028 : vector<1x16xf32> to vector<16xf32>
        %swap3A_1030 = vector.shape_cast %mul3A_1023 : vector<16xf32> to vector<1x16xf32>
        tpu.vector_store %arg10[%swap3A_1026, %swap3A_1027], %swap3A_1030 {strides = array<i32>} : memref<128x128xf32, #tpu.memory_space<vmem>>, vector<1x16xf32>,
        %add3A_1031 = arith.constant 7 : i32
        %add3A_1032 = arith.addi %mul3A_87, %add3A_1031 : i32
        %get3A_1033 = arith.index_cast %add3A_1032 : i32 to index
        %get3A_1034 = arith.constant 96 : index
        %get3A_1035 = tpu.vector_load %arg10[%get3A_1033, %get3A_1034] {strides = array<i32>} : memref<128x128xf32, #tpu.memory_space<vmem>>, vector<1x16xf32>,
        %get3A_1036 = vector.shape_cast %get3A_1035 : vector<1x16xf32> to vector<16xf32>
        %mul3A_1037 = vector.broadcast %squeeze3A_940 : f32 to vector<16xf32>
        %mul3A_1038 = arith.mulf %get3A_1036, %mul3A_1037 : vector<16xf32>
        %add3A_1039 = arith.constant 7 : i32
        %add3A_1040 = arith.addi %mul3A_87, %add3A_1039 : i32
        %swap3A_1041 = arith.index_cast %add3A_1040 : i32 to index
        %swap3A_1042 = arith.constant 96 : index
        %swap3A_1043 = tpu.vector_load %arg10[%swap3A_1041, %swap3A_1042] {strides = array<i32>} : memref<128x128xf32, #tpu.memory_space<vmem>>, vector<1x16xf32>,
        %swap3A_1044 = vector.shape_cast %swap3A_1043 : vector<1x16xf32> to vector<16xf32>
        %swap3A_1045 = vector.shape_cast %mul3A_1038 : vector<16xf32> to vector<1x16xf32>
        tpu.vector_store %arg10[%swap3A_1041, %swap3A_1042], %swap3A_1045 {strides = array<i32>} : memref<128x128xf32, #tpu.memory_space<vmem>>, vector<1x16xf32>,
        %add3A_1046 = arith.constant 7 : i32
        %add3A_1047 = arith.addi %mul3A_87, %add3A_1046 : i32
        %get3A_1048 = arith.index_cast %add3A_1047 : i32 to index
        %get3A_1049 = arith.constant 112 : index
        %get3A_1050 = tpu.vector_load %arg10[%get3A_1048, %get3A_1049] {strides = array<i32>} : memref<128x128xf32, #tpu.memory_space<vmem>>, vector<1x16xf32>,
        %get3A_1051 = vector.shape_cast %get3A_1050 : vector<1x16xf32> to vector<16xf32>
        %mul3A_1052 = vector.broadcast %squeeze3A_940 : f32 to vector<16xf32>
        %mul3A_1053 = arith.mulf %get3A_1051, %mul3A_1052 : vector<16xf32>
        %add3A_1054 = arith.constant 7 : i32
        %add3A_1055 = arith.addi %mul3A_87, %add3A_1054 : i32
        %swap3A_1056 = arith.index_cast %add3A_1055 : i32 to index
        %swap3A_1057 = arith.constant 112 : index
        %swap3A_1058 = tpu.vector_load %arg10[%swap3A_1056, %swap3A_1057] {strides = array<i32>} : memref<128x128xf32, #tpu.memory_space<vmem>>, vector<1x16xf32>,
        %swap3A_1059 = vector.shape_cast %swap3A_1058 : vector<1x16xf32> to vector<16xf32>
        %swap3A_1060 = vector.shape_cast %mul3A_1053 : vector<16xf32> to vector<1x16xf32>
        tpu.vector_store %arg10[%swap3A_1056, %swap3A_1057], %swap3A_1060 {strides = array<i32>} : memref<128x128xf32, #tpu.memory_space<vmem>>, vector<1x16xf32>,
        %slice3A_1061 = vector.extract_strided_slice %get3A_85 {offsets = [8], sizes = [1], strides = [1]} : vector<16xf32> to vector<1xf32>
        %squeeze3A_1062 = vector.extract %slice3A_1061[0] : f32 from vector<1xf32>
        %add3A_1063 = arith.constant 8 : i32
        %add3A_1064 = arith.addi %mul3A_87, %add3A_1063 : i32
        %get3A_1065 = arith.index_cast %add3A_1064 : i32 to index
        %get3A_1066 = arith.constant 0 : index
        %get3A_1067 = tpu.vector_load %arg10[%get3A_1065, %get3A_1066] {strides = array<i32>} : memref<128x128xf32, #tpu.memory_space<vmem>>, vector<1x16xf32>,
        %get3A_1068 = vector.shape_cast %get3A_1067 : vector<1x16xf32> to vector<16xf32>
        %mul3A_1069 = vector.broadcast %squeeze3A_1062 : f32 to vector<16xf32>
        %mul3A_1070 = arith.mulf %get3A_1068, %mul3A_1069 : vector<16xf32>
        %add3A_1071 = arith.constant 8 : i32
        %add3A_1072 = arith.addi %mul3A_87, %add3A_1071 : i32
        %swap3A_1073 = arith.index_cast %add3A_1072 : i32 to index
        %swap3A_1074 = arith.constant 0 : index
        %swap3A_1075 = tpu.vector_load %arg10[%swap3A_1073, %swap3A_1074] {strides = array<i32>} : memref<128x128xf32, #tpu.memory_space<vmem>>, vector<1x16xf32>,
        %swap3A_1076 = vector.shape_cast %swap3A_1075 : vector<1x16xf32> to vector<16xf32>
        %swap3A_1077 = vector.shape_cast %mul3A_1070 : vector<16xf32> to vector<1x16xf32>
        tpu.vector_store %arg10[%swap3A_1073, %swap3A_1074], %swap3A_1077 {strides = array<i32>} : memref<128x128xf32, #tpu.memory_space<vmem>>, vector<1x16xf32>,
        %add3A_1078 = arith.constant 8 : i32
        %add3A_1079 = arith.addi %mul3A_87, %add3A_1078 : i32
        %get3A_1080 = arith.index_cast %add3A_1079 : i32 to index
        %get3A_1081 = arith.constant 16 : index
        %get3A_1082 = tpu.vector_load %arg10[%get3A_1080, %get3A_1081] {strides = array<i32>} : memref<128x128xf32, #tpu.memory_space<vmem>>, vector<1x16xf32>,
        %get3A_1083 = vector.shape_cast %get3A_1082 : vector<1x16xf32> to vector<16xf32>
        %mul3A_1084 = vector.broadcast %squeeze3A_1062 : f32 to vector<16xf32>
        %mul3A_1085 = arith.mulf %get3A_1083, %mul3A_1084 : vector<16xf32>
        %add3A_1086 = arith.constant 8 : i32
        %add3A_1087 = arith.addi %mul3A_87, %add3A_1086 : i32
        %swap3A_1088 = arith.index_cast %add3A_1087 : i32 to index
        %swap3A_1089 = arith.constant 16 : index
        %swap3A_1090 = tpu.vector_load %arg10[%swap3A_1088, %swap3A_1089] {strides = array<i32>} : memref<128x128xf32, #tpu.memory_space<vmem>>, vector<1x16xf32>,
        %swap3A_1091 = vector.shape_cast %swap3A_1090 : vector<1x16xf32> to vector<16xf32>
        %swap3A_1092 = vector.shape_cast %mul3A_1085 : vector<16xf32> to vector<1x16xf32>
        tpu.vector_store %arg10[%swap3A_1088, %swap3A_1089], %swap3A_1092 {strides = array<i32>} : memref<128x128xf32, #tpu.memory_space<vmem>>, vector<1x16xf32>,
        %add3A_1093 = arith.constant 8 : i32
        %add3A_1094 = arith.addi %mul3A_87, %add3A_1093 : i32
        %get3A_1095 = arith.index_cast %add3A_1094 : i32 to index
        %get3A_1096 = arith.constant 32 : index
        %get3A_1097 = tpu.vector_load %arg10[%get3A_1095, %get3A_1096] {strides = array<i32>} : memref<128x128xf32, #tpu.memory_space<vmem>>, vector<1x16xf32>,
        %get3A_1098 = vector.shape_cast %get3A_1097 : vector<1x16xf32> to vector<16xf32>
        %mul3A_1099 = vector.broadcast %squeeze3A_1062 : f32 to vector<16xf32>
        %mul3A_1100 = arith.mulf %get3A_1098, %mul3A_1099 : vector<16xf32>
        %add3A_1101 = arith.constant 8 : i32
        %add3A_1102 = arith.addi %mul3A_87, %add3A_1101 : i32
        %swap3A_1103 = arith.index_cast %add3A_1102 : i32 to index
        %swap3A_1104 = arith.constant 32 : index
        %swap3A_1105 = tpu.vector_load %arg10[%swap3A_1103, %swap3A_1104] {strides = array<i32>} : memref<128x128xf32, #tpu.memory_space<vmem>>, vector<1x16xf32>,
        %swap3A_1106 = vector.shape_cast %swap3A_1105 : vector<1x16xf32> to vector<16xf32>
        %swap3A_1107 = vector.shape_cast %mul3A_1100 : vector<16xf32> to vector<1x16xf32>
        tpu.vector_store %arg10[%swap3A_1103, %swap3A_1104], %swap3A_1107 {strides = array<i32>} : memref<128x128xf32, #tpu.memory_space<vmem>>, vector<1x16xf32>,
        %add3A_1108 = arith.constant 8 : i32
        %add3A_1109 = arith.addi %mul3A_87, %add3A_1108 : i32
        %get3A_1110 = arith.index_cast %add3A_1109 : i32 to index
        %get3A_1111 = arith.constant 48 : index
        %get3A_1112 = tpu.vector_load %arg10[%get3A_1110, %get3A_1111] {strides = array<i32>} : memref<128x128xf32, #tpu.memory_space<vmem>>, vector<1x16xf32>,
        %get3A_1113 = vector.shape_cast %get3A_1112 : vector<1x16xf32> to vector<16xf32>
        %mul3A_1114 = vector.broadcast %squeeze3A_1062 : f32 to vector<16xf32>
        %mul3A_1115 = arith.mulf %get3A_1113, %mul3A_1114 : vector<16xf32>
        %add3A_1116 = arith.constant 8 : i32
        %add3A_1117 = arith.addi %mul3A_87, %add3A_1116 : i32
        %swap3A_1118 = arith.index_cast %add3A_1117 : i32 to index
        %swap3A_1119 = arith.constant 48 : index
        %swap3A_1120 = tpu.vector_load %arg10[%swap3A_1118, %swap3A_1119] {strides = array<i32>} : memref<128x128xf32, #tpu.memory_space<vmem>>, vector<1x16xf32>,
        %swap3A_1121 = vector.shape_cast %swap3A_1120 : vector<1x16xf32> to vector<16xf32>
        %swap3A_1122 = vector.shape_cast %mul3A_1115 : vector<16xf32> to vector<1x16xf32>
        tpu.vector_store %arg10[%swap3A_1118, %swap3A_1119], %swap3A_1122 {strides = array<i32>} : memref<128x128xf32, #tpu.memory_space<vmem>>, vector<1x16xf32>,
        %add3A_1123 = arith.constant 8 : i32
        %add3A_1124 = arith.addi %mul3A_87, %add3A_1123 : i32
        %get3A_1125 = arith.index_cast %add3A_1124 : i32 to index
        %get3A_1126 = arith.constant 64 : index
        %get3A_1127 = tpu.vector_load %arg10[%get3A_1125, %get3A_1126] {strides = array<i32>} : memref<128x128xf32, #tpu.memory_space<vmem>>, vector<1x16xf32>,
        %get3A_1128 = vector.shape_cast %get3A_1127 : vector<1x16xf32> to vector<16xf32>
        %mul3A_1129 = vector.broadcast %squeeze3A_1062 : f32 to vector<16xf32>
        %mul3A_1130 = arith.mulf %get3A_1128, %mul3A_1129 : vector<16xf32>
        %add3A_1131 = arith.constant 8 : i32
        %add3A_1132 = arith.addi %mul3A_87, %add3A_1131 : i32
        %swap3A_1133 = arith.index_cast %add3A_1132 : i32 to index
        %swap3A_1134 = arith.constant 64 : index
        %swap3A_1135 = tpu.vector_load %arg10[%swap3A_1133, %swap3A_1134] {strides = array<i32>} : memref<128x128xf32, #tpu.memory_space<vmem>>, vector<1x16xf32>,
        %swap3A_1136 = vector.shape_cast %swap3A_1135 : vector<1x16xf32> to vector<16xf32>
        %swap3A_1137 = vector.shape_cast %mul3A_1130 : vector<16xf32> to vector<1x16xf32>
        tpu.vector_store %arg10[%swap3A_1133, %swap3A_1134], %swap3A_1137 {strides = array<i32>} : memref<128x128xf32, #tpu.memory_space<vmem>>, vector<1x16xf32>,
        %add3A_1138 = arith.constant 8 : i32
        %add3A_1139 = arith.addi %mul3A_87, %add3A_1138 : i32
        %get3A_1140 = arith.index_cast %add3A_1139 : i32 to index
        %get3A_1141 = arith.constant 80 : index
        %get3A_1142 = tpu.vector_load %arg10[%get3A_1140, %get3A_1141] {strides = array<i32>} : memref<128x128xf32, #tpu.memory_space<vmem>>, vector<1x16xf32>,
        %get3A_1143 = vector.shape_cast %get3A_1142 : vector<1x16xf32> to vector<16xf32>
        %mul3A_1144 = vector.broadcast %squeeze3A_1062 : f32 to vector<16xf32>
        %mul3A_1145 = arith.mulf %get3A_1143, %mul3A_1144 : vector<16xf32>
        %add3A_1146 = arith.constant 8 : i32
        %add3A_1147 = arith.addi %mul3A_87, %add3A_1146 : i32
        %swap3A_1148 = arith.index_cast %add3A_1147 : i32 to index
        %swap3A_1149 = arith.constant 80 : index
        %swap3A_1150 = tpu.vector_load %arg10[%swap3A_1148, %swap3A_1149] {strides = array<i32>} : memref<128x128xf32, #tpu.memory_space<vmem>>, vector<1x16xf32>,
        %swap3A_1151 = vector.shape_cast %swap3A_1150 : vector<1x16xf32> to vector<16xf32>
        %swap3A_1152 = vector.shape_cast %mul3A_1145 : vector<16xf32> to vector<1x16xf32>
        tpu.vector_store %arg10[%swap3A_1148, %swap3A_1149], %swap3A_1152 {strides = array<i32>} : memref<128x128xf32, #tpu.memory_space<vmem>>, vector<1x16xf32>,
        %add3A_1153 = arith.constant 8 : i32
        %add3A_1154 = arith.addi %mul3A_87, %add3A_1153 : i32
        %get3A_1155 = arith.index_cast %add3A_1154 : i32 to index
        %get3A_1156 = arith.constant 96 : index
        %get3A_1157 = tpu.vector_load %arg10[%get3A_1155, %get3A_1156] {strides = array<i32>} : memref<128x128xf32, #tpu.memory_space<vmem>>, vector<1x16xf32>,
        %get3A_1158 = vector.shape_cast %get3A_1157 : vector<1x16xf32> to vector<16xf32>
        %mul3A_1159 = vector.broadcast %squeeze3A_1062 : f32 to vector<16xf32>
        %mul3A_1160 = arith.mulf %get3A_1158, %mul3A_1159 : vector<16xf32>
        %add3A_1161 = arith.constant 8 : i32
        %add3A_1162 = arith.addi %mul3A_87, %add3A_1161 : i32
        %swap3A_1163 = arith.index_cast %add3A_1162 : i32 to index
        %swap3A_1164 = arith.constant 96 : index
        %swap3A_1165 = tpu.vector_load %arg10[%swap3A_1163, %swap3A_1164] {strides = array<i32>} : memref<128x128xf32, #tpu.memory_space<vmem>>, vector<1x16xf32>,
        %swap3A_1166 = vector.shape_cast %swap3A_1165 : vector<1x16xf32> to vector<16xf32>
        %swap3A_1167 = vector.shape_cast %mul3A_1160 : vector<16xf32> to vector<1x16xf32>
        tpu.vector_store %arg10[%swap3A_1163, %swap3A_1164], %swap3A_1167 {strides = array<i32>} : memref<128x128xf32, #tpu.memory_space<vmem>>, vector<1x16xf32>,
        %add3A_1168 = arith.constant 8 : i32
        %add3A_1169 = arith.addi %mul3A_87, %add3A_1168 : i32
        %get3A_1170 = arith.index_cast %add3A_1169 : i32 to index
        %get3A_1171 = arith.constant 112 : index
        %get3A_1172 = tpu.vector_load %arg10[%get3A_1170, %get3A_1171] {strides = array<i32>} : memref<128x128xf32, #tpu.memory_space<vmem>>, vector<1x16xf32>,
        %get3A_1173 = vector.shape_cast %get3A_1172 : vector<1x16xf32> to vector<16xf32>
        %mul3A_1174 = vector.broadcast %squeeze3A_1062 : f32 to vector<16xf32>
        %mul3A_1175 = arith.mulf %get3A_1173, %mul3A_1174 : vector<16xf32>
        %add3A_1176 = arith.constant 8 : i32
        %add3A_1177 = arith.addi %mul3A_87, %add3A_1176 : i32
        %swap3A_1178 = arith.index_cast %add3A_1177 : i32 to index
        %swap3A_1179 = arith.constant 112 : index
        %swap3A_1180 = tpu.vector_load %arg10[%swap3A_1178, %swap3A_1179] {strides = array<i32>} : memref<128x128xf32, #tpu.memory_space<vmem>>, vector<1x16xf32>,
        %swap3A_1181 = vector.shape_cast %swap3A_1180 : vector<1x16xf32> to vector<16xf32>
        %swap3A_1182 = vector.shape_cast %mul3A_1175 : vector<16xf32> to vector<1x16xf32>
        tpu.vector_store %arg10[%swap3A_1178, %swap3A_1179], %swap3A_1182 {strides = array<i32>} : memref<128x128xf32, #tpu.memory_space<vmem>>, vector<1x16xf32>,
        %slice3A_1183 = vector.extract_strided_slice %get3A_85 {offsets = [9], sizes = [1], strides = [1]} : vector<16xf32> to vector<1xf32>
        %squeeze3A_1184 = vector.extract %slice3A_1183[0] : f32 from vector<1xf32>
        %add3A_1185 = arith.constant 9 : i32
        %add3A_1186 = arith.addi %mul3A_87, %add3A_1185 : i32
        %get3A_1187 = arith.index_cast %add3A_1186 : i32 to index
        %get3A_1188 = arith.constant 0 : index
        %get3A_1189 = tpu.vector_load %arg10[%get3A_1187, %get3A_1188] {strides = array<i32>} : memref<128x128xf32, #tpu.memory_space<vmem>>, vector<1x16xf32>,
        %get3A_1190 = vector.shape_cast %get3A_1189 : vector<1x16xf32> to vector<16xf32>
        %mul3A_1191 = vector.broadcast %squeeze3A_1184 : f32 to vector<16xf32>
        %mul3A_1192 = arith.mulf %get3A_1190, %mul3A_1191 : vector<16xf32>
        %add3A_1193 = arith.constant 9 : i32
        %add3A_1194 = arith.addi %mul3A_87, %add3A_1193 : i32
        %swap3A_1195 = arith.index_cast %add3A_1194 : i32 to index
        %swap3A_1196 = arith.constant 0 : index
        %swap3A_1197 = tpu.vector_load %arg10[%swap3A_1195, %swap3A_1196] {strides = array<i32>} : memref<128x128xf32, #tpu.memory_space<vmem>>, vector<1x16xf32>,
        %swap3A_1198 = vector.shape_cast %swap3A_1197 : vector<1x16xf32> to vector<16xf32>
        %swap3A_1199 = vector.shape_cast %mul3A_1192 : vector<16xf32> to vector<1x16xf32>
        tpu.vector_store %arg10[%swap3A_1195, %swap3A_1196], %swap3A_1199 {strides = array<i32>} : memref<128x128xf32, #tpu.memory_space<vmem>>, vector<1x16xf32>,
        %add3A_1200 = arith.constant 9 : i32
        %add3A_1201 = arith.addi %mul3A_87, %add3A_1200 : i32
        %get3A_1202 = arith.index_cast %add3A_1201 : i32 to index
        %get3A_1203 = arith.constant 16 : index
        %get3A_1204 = tpu.vector_load %arg10[%get3A_1202, %get3A_1203] {strides = array<i32>} : memref<128x128xf32, #tpu.memory_space<vmem>>, vector<1x16xf32>,
        %get3A_1205 = vector.shape_cast %get3A_1204 : vector<1x16xf32> to vector<16xf32>
        %mul3A_1206 = vector.broadcast %squeeze3A_1184 : f32 to vector<16xf32>
        %mul3A_1207 = arith.mulf %get3A_1205, %mul3A_1206 : vector<16xf32>
        %add3A_1208 = arith.constant 9 : i32
        %add3A_1209 = arith.addi %mul3A_87, %add3A_1208 : i32
        %swap3A_1210 = arith.index_cast %add3A_1209 : i32 to index
        %swap3A_1211 = arith.constant 16 : index
        %swap3A_1212 = tpu.vector_load %arg10[%swap3A_1210, %swap3A_1211] {strides = array<i32>} : memref<128x128xf32, #tpu.memory_space<vmem>>, vector<1x16xf32>,
        %swap3A_1213 = vector.shape_cast %swap3A_1212 : vector<1x16xf32> to vector<16xf32>
        %swap3A_1214 = vector.shape_cast %mul3A_1207 : vector<16xf32> to vector<1x16xf32>
        tpu.vector_store %arg10[%swap3A_1210, %swap3A_1211], %swap3A_1214 {strides = array<i32>} : memref<128x128xf32, #tpu.memory_space<vmem>>, vector<1x16xf32>,
        %add3A_1215 = arith.constant 9 : i32
        %add3A_1216 = arith.addi %mul3A_87, %add3A_1215 : i32
        %get3A_1217 = arith.index_cast %add3A_1216 : i32 to index
        %get3A_1218 = arith.constant 32 : index
        %get3A_1219 = tpu.vector_load %arg10[%get3A_1217, %get3A_1218] {strides = array<i32>} : memref<128x128xf32, #tpu.memory_space<vmem>>, vector<1x16xf32>,
        %get3A_1220 = vector.shape_cast %get3A_1219 : vector<1x16xf32> to vector<16xf32>
        %mul3A_1221 = vector.broadcast %squeeze3A_1184 : f32 to vector<16xf32>
        %mul3A_1222 = arith.mulf %get3A_1220, %mul3A_1221 : vector<16xf32>
        %add3A_1223 = arith.constant 9 : i32
        %add3A_1224 = arith.addi %mul3A_87, %add3A_1223 : i32
        %swap3A_1225 = arith.index_cast %add3A_1224 : i32 to index
        %swap3A_1226 = arith.constant 32 : index
        %swap3A_1227 = tpu.vector_load %arg10[%swap3A_1225, %swap3A_1226] {strides = array<i32>} : memref<128x128xf32, #tpu.memory_space<vmem>>, vector<1x16xf32>,
        %swap3A_1228 = vector.shape_cast %swap3A_1227 : vector<1x16xf32> to vector<16xf32>
        %swap3A_1229 = vector.shape_cast %mul3A_1222 : vector<16xf32> to vector<1x16xf32>
        tpu.vector_store %arg10[%swap3A_1225, %swap3A_1226], %swap3A_1229 {strides = array<i32>} : memref<128x128xf32, #tpu.memory_space<vmem>>, vector<1x16xf32>,
        %add3A_1230 = arith.constant 9 : i32
        %add3A_1231 = arith.addi %mul3A_87, %add3A_1230 : i32
        %get3A_1232 = arith.index_cast %add3A_1231 : i32 to index
        %get3A_1233 = arith.constant 48 : index
        %get3A_1234 = tpu.vector_load %arg10[%get3A_1232, %get3A_1233] {strides = array<i32>} : memref<128x128xf32, #tpu.memory_space<vmem>>, vector<1x16xf32>,
        %get3A_1235 = vector.shape_cast %get3A_1234 : vector<1x16xf32> to vector<16xf32>
        %mul3A_1236 = vector.broadcast %squeeze3A_1184 : f32 to vector<16xf32>
        %mul3A_1237 = arith.mulf %get3A_1235, %mul3A_1236 : vector<16xf32>
        %add3A_1238 = arith.constant 9 : i32
        %add3A_1239 = arith.addi %mul3A_87, %add3A_1238 : i32
        %swap3A_1240 = arith.index_cast %add3A_1239 : i32 to index
        %swap3A_1241 = arith.constant 48 : index
        %swap3A_1242 = tpu.vector_load %arg10[%swap3A_1240, %swap3A_1241] {strides = array<i32>} : memref<128x128xf32, #tpu.memory_space<vmem>>, vector<1x16xf32>,
        %swap3A_1243 = vector.shape_cast %swap3A_1242 : vector<1x16xf32> to vector<16xf32>
        %swap3A_1244 = vector.shape_cast %mul3A_1237 : vector<16xf32> to vector<1x16xf32>
        tpu.vector_store %arg10[%swap3A_1240, %swap3A_1241], %swap3A_1244 {strides = array<i32>} : memref<128x128xf32, #tpu.memory_space<vmem>>, vector<1x16xf32>,
        %add3A_1245 = arith.constant 9 : i32
        %add3A_1246 = arith.addi %mul3A_87, %add3A_1245 : i32
        %get3A_1247 = arith.index_cast %add3A_1246 : i32 to index
        %get3A_1248 = arith.constant 64 : index
        %get3A_1249 = tpu.vector_load %arg10[%get3A_1247, %get3A_1248] {strides = array<i32>} : memref<128x128xf32, #tpu.memory_space<vmem>>, vector<1x16xf32>,
        %get3A_1250 = vector.shape_cast %get3A_1249 : vector<1x16xf32> to vector<16xf32>
        %mul3A_1251 = vector.broadcast %squeeze3A_1184 : f32 to vector<16xf32>
        %mul3A_1252 = arith.mulf %get3A_1250, %mul3A_1251 : vector<16xf32>
        %add3A_1253 = arith.constant 9 : i32
        %add3A_1254 = arith.addi %mul3A_87, %add3A_1253 : i32
        %swap3A_1255 = arith.index_cast %add3A_1254 : i32 to index
        %swap3A_1256 = arith.constant 64 : index
        %swap3A_1257 = tpu.vector_load %arg10[%swap3A_1255, %swap3A_1256] {strides = array<i32>} : memref<128x128xf32, #tpu.memory_space<vmem>>, vector<1x16xf32>,
        %swap3A_1258 = vector.shape_cast %swap3A_1257 : vector<1x16xf32> to vector<16xf32>
        %swap3A_1259 = vector.shape_cast %mul3A_1252 : vector<16xf32> to vector<1x16xf32>
        tpu.vector_store %arg10[%swap3A_1255, %swap3A_1256], %swap3A_1259 {strides = array<i32>} : memref<128x128xf32, #tpu.memory_space<vmem>>, vector<1x16xf32>,
        %add3A_1260 = arith.constant 9 : i32
        %add3A_1261 = arith.addi %mul3A_87, %add3A_1260 : i32
        %get3A_1262 = arith.index_cast %add3A_1261 : i32 to index
        %get3A_1263 = arith.constant 80 : index
        %get3A_1264 = tpu.vector_load %arg10[%get3A_1262, %get3A_1263] {strides = array<i32>} : memref<128x128xf32, #tpu.memory_space<vmem>>, vector<1x16xf32>,
        %get3A_1265 = vector.shape_cast %get3A_1264 : vector<1x16xf32> to vector<16xf32>
        %mul3A_1266 = vector.broadcast %squeeze3A_1184 : f32 to vector<16xf32>
        %mul3A_1267 = arith.mulf %get3A_1265, %mul3A_1266 : vector<16xf32>
        %add3A_1268 = arith.constant 9 : i32
        %add3A_1269 = arith.addi %mul3A_87, %add3A_1268 : i32
        %swap3A_1270 = arith.index_cast %add3A_1269 : i32 to index
        %swap3A_1271 = arith.constant 80 : index
        %swap3A_1272 = tpu.vector_load %arg10[%swap3A_1270, %swap3A_1271] {strides = array<i32>} : memref<128x128xf32, #tpu.memory_space<vmem>>, vector<1x16xf32>,
        %swap3A_1273 = vector.shape_cast %swap3A_1272 : vector<1x16xf32> to vector<16xf32>
        %swap3A_1274 = vector.shape_cast %mul3A_1267 : vector<16xf32> to vector<1x16xf32>
        tpu.vector_store %arg10[%swap3A_1270, %swap3A_1271], %swap3A_1274 {strides = array<i32>} : memref<128x128xf32, #tpu.memory_space<vmem>>, vector<1x16xf32>,
        %add3A_1275 = arith.constant 9 : i32
        %add3A_1276 = arith.addi %mul3A_87, %add3A_1275 : i32
        %get3A_1277 = arith.index_cast %add3A_1276 : i32 to index
        %get3A_1278 = arith.constant 96 : index
        %get3A_1279 = tpu.vector_load %arg10[%get3A_1277, %get3A_1278] {strides = array<i32>} : memref<128x128xf32, #tpu.memory_space<vmem>>, vector<1x16xf32>,
        %get3A_1280 = vector.shape_cast %get3A_1279 : vector<1x16xf32> to vector<16xf32>
        %mul3A_1281 = vector.broadcast %squeeze3A_1184 : f32 to vector<16xf32>
        %mul3A_1282 = arith.mulf %get3A_1280, %mul3A_1281 : vector<16xf32>
        %add3A_1283 = arith.constant 9 : i32
        %add3A_1284 = arith.addi %mul3A_87, %add3A_1283 : i32
        %swap3A_1285 = arith.index_cast %add3A_1284 : i32 to index
        %swap3A_1286 = arith.constant 96 : index
        %swap3A_1287 = tpu.vector_load %arg10[%swap3A_1285, %swap3A_1286] {strides = array<i32>} : memref<128x128xf32, #tpu.memory_space<vmem>>, vector<1x16xf32>,
        %swap3A_1288 = vector.shape_cast %swap3A_1287 : vector<1x16xf32> to vector<16xf32>
        %swap3A_1289 = vector.shape_cast %mul3A_1282 : vector<16xf32> to vector<1x16xf32>
        tpu.vector_store %arg10[%swap3A_1285, %swap3A_1286], %swap3A_1289 {strides = array<i32>} : memref<128x128xf32, #tpu.memory_space<vmem>>, vector<1x16xf32>,
        %add3A_1290 = arith.constant 9 : i32
        %add3A_1291 = arith.addi %mul3A_87, %add3A_1290 : i32
        %get3A_1292 = arith.index_cast %add3A_1291 : i32 to index
        %get3A_1293 = arith.constant 112 : index
        %get3A_1294 = tpu.vector_load %arg10[%get3A_1292, %get3A_1293] {strides = array<i32>} : memref<128x128xf32, #tpu.memory_space<vmem>>, vector<1x16xf32>,
        %get3A_1295 = vector.shape_cast %get3A_1294 : vector<1x16xf32> to vector<16xf32>
        %mul3A_1296 = vector.broadcast %squeeze3A_1184 : f32 to vector<16xf32>
        %mul3A_1297 = arith.mulf %get3A_1295, %mul3A_1296 : vector<16xf32>
        %add3A_1298 = arith.constant 9 : i32
        %add3A_1299 = arith.addi %mul3A_87, %add3A_1298 : i32
        %swap3A_1300 = arith.index_cast %add3A_1299 : i32 to index
        %swap3A_1301 = arith.constant 112 : index
        %swap3A_1302 = tpu.vector_load %arg10[%swap3A_1300, %swap3A_1301] {strides = array<i32>} : memref<128x128xf32, #tpu.memory_space<vmem>>, vector<1x16xf32>,
        %swap3A_1303 = vector.shape_cast %swap3A_1302 : vector<1x16xf32> to vector<16xf32>
        %swap3A_1304 = vector.shape_cast %mul3A_1297 : vector<16xf32> to vector<1x16xf32>
        tpu.vector_store %arg10[%swap3A_1300, %swap3A_1301], %swap3A_1304 {strides = array<i32>} : memref<128x128xf32, #tpu.memory_space<vmem>>, vector<1x16xf32>,
        %slice3A_1305 = vector.extract_strided_slice %get3A_85 {offsets = [10], sizes = [1], strides = [1]} : vector<16xf32> to vector<1xf32>
        %squeeze3A_1306 = vector.extract %slice3A_1305[0] : f32 from vector<1xf32>
        %add3A_1307 = arith.constant 10 : i32
        %add3A_1308 = arith.addi %mul3A_87, %add3A_1307 : i32
        %get3A_1309 = arith.index_cast %add3A_1308 : i32 to index
        %get3A_1310 = arith.constant 0 : index
        %get3A_1311 = tpu.vector_load %arg10[%get3A_1309, %get3A_1310] {strides = array<i32>} : memref<128x128xf32, #tpu.memory_space<vmem>>, vector<1x16xf32>,
        %get3A_1312 = vector.shape_cast %get3A_1311 : vector<1x16xf32> to vector<16xf32>
        %mul3A_1313 = vector.broadcast %squeeze3A_1306 : f32 to vector<16xf32>
        %mul3A_1314 = arith.mulf %get3A_1312, %mul3A_1313 : vector<16xf32>
        %add3A_1315 = arith.constant 10 : i32
        %add3A_1316 = arith.addi %mul3A_87, %add3A_1315 : i32
        %swap3A_1317 = arith.index_cast %add3A_1316 : i32 to index
        %swap3A_1318 = arith.constant 0 : index
        %swap3A_1319 = tpu.vector_load %arg10[%swap3A_1317, %swap3A_1318] {strides = array<i32>} : memref<128x128xf32, #tpu.memory_space<vmem>>, vector<1x16xf32>,
        %swap3A_1320 = vector.shape_cast %swap3A_1319 : vector<1x16xf32> to vector<16xf32>
        %swap3A_1321 = vector.shape_cast %mul3A_1314 : vector<16xf32> to vector<1x16xf32>
        tpu.vector_store %arg10[%swap3A_1317, %swap3A_1318], %swap3A_1321 {strides = array<i32>} : memref<128x128xf32, #tpu.memory_space<vmem>>, vector<1x16xf32>,
        %add3A_1322 = arith.constant 10 : i32
        %add3A_1323 = arith.addi %mul3A_87, %add3A_1322 : i32
        %get3A_1324 = arith.index_cast %add3A_1323 : i32 to index
        %get3A_1325 = arith.constant 16 : index
        %get3A_1326 = tpu.vector_load %arg10[%get3A_1324, %get3A_1325] {strides = array<i32>} : memref<128x128xf32, #tpu.memory_space<vmem>>, vector<1x16xf32>,
        %get3A_1327 = vector.shape_cast %get3A_1326 : vector<1x16xf32> to vector<16xf32>
        %mul3A_1328 = vector.broadcast %squeeze3A_1306 : f32 to vector<16xf32>
        %mul3A_1329 = arith.mulf %get3A_1327, %mul3A_1328 : vector<16xf32>
        %add3A_1330 = arith.constant 10 : i32
        %add3A_1331 = arith.addi %mul3A_87, %add3A_1330 : i32
        %swap3A_1332 = arith.index_cast %add3A_1331 : i32 to index
        %swap3A_1333 = arith.constant 16 : index
        %swap3A_1334 = tpu.vector_load %arg10[%swap3A_1332, %swap3A_1333] {strides = array<i32>} : memref<128x128xf32, #tpu.memory_space<vmem>>, vector<1x16xf32>,
        %swap3A_1335 = vector.shape_cast %swap3A_1334 : vector<1x16xf32> to vector<16xf32>
        %swap3A_1336 = vector.shape_cast %mul3A_1329 : vector<16xf32> to vector<1x16xf32>
        tpu.vector_store %arg10[%swap3A_1332, %swap3A_1333], %swap3A_1336 {strides = array<i32>} : memref<128x128xf32, #tpu.memory_space<vmem>>, vector<1x16xf32>,
        %add3A_1337 = arith.constant 10 : i32
        %add3A_1338 = arith.addi %mul3A_87, %add3A_1337 : i32
        %get3A_1339 = arith.index_cast %add3A_1338 : i32 to index
        %get3A_1340 = arith.constant 32 : index
        %get3A_1341 = tpu.vector_load %arg10[%get3A_1339, %get3A_1340] {strides = array<i32>} : memref<128x128xf32, #tpu.memory_space<vmem>>, vector<1x16xf32>,
        %get3A_1342 = vector.shape_cast %get3A_1341 : vector<1x16xf32> to vector<16xf32>
        %mul3A_1343 = vector.broadcast %squeeze3A_1306 : f32 to vector<16xf32>
        %mul3A_1344 = arith.mulf %get3A_1342, %mul3A_1343 : vector<16xf32>
        %add3A_1345 = arith.constant 10 : i32
        %add3A_1346 = arith.addi %mul3A_87, %add3A_1345 : i32
        %swap3A_1347 = arith.index_cast %add3A_1346 : i32 to index
        %swap3A_1348 = arith.constant 32 : index
        %swap3A_1349 = tpu.vector_load %arg10[%swap3A_1347, %swap3A_1348] {strides = array<i32>} : memref<128x128xf32, #tpu.memory_space<vmem>>, vector<1x16xf32>,
        %swap3A_1350 = vector.shape_cast %swap3A_1349 : vector<1x16xf32> to vector<16xf32>
        %swap3A_1351 = vector.shape_cast %mul3A_1344 : vector<16xf32> to vector<1x16xf32>
        tpu.vector_store %arg10[%swap3A_1347, %swap3A_1348], %swap3A_1351 {strides = array<i32>} : memref<128x128xf32, #tpu.memory_space<vmem>>, vector<1x16xf32>,
        %add3A_1352 = arith.constant 10 : i32
        %add3A_1353 = arith.addi %mul3A_87, %add3A_1352 : i32
        %get3A_1354 = arith.index_cast %add3A_1353 : i32 to index
        %get3A_1355 = arith.constant 48 : index
        %get3A_1356 = tpu.vector_load %arg10[%get3A_1354, %get3A_1355] {strides = array<i32>} : memref<128x128xf32, #tpu.memory_space<vmem>>, vector<1x16xf32>,
        %get3A_1357 = vector.shape_cast %get3A_1356 : vector<1x16xf32> to vector<16xf32>
        %mul3A_1358 = vector.broadcast %squeeze3A_1306 : f32 to vector<16xf32>
        %mul3A_1359 = arith.mulf %get3A_1357, %mul3A_1358 : vector<16xf32>
        %add3A_1360 = arith.constant 10 : i32
        %add3A_1361 = arith.addi %mul3A_87, %add3A_1360 : i32
        %swap3A_1362 = arith.index_cast %add3A_1361 : i32 to index
        %swap3A_1363 = arith.constant 48 : index
        %swap3A_1364 = tpu.vector_load %arg10[%swap3A_1362, %swap3A_1363] {strides = array<i32>} : memref<128x128xf32, #tpu.memory_space<vmem>>, vector<1x16xf32>,
        %swap3A_1365 = vector.shape_cast %swap3A_1364 : vector<1x16xf32> to vector<16xf32>
        %swap3A_1366 = vector.shape_cast %mul3A_1359 : vector<16xf32> to vector<1x16xf32>
        tpu.vector_store %arg10[%swap3A_1362, %swap3A_1363], %swap3A_1366 {strides = array<i32>} : memref<128x128xf32, #tpu.memory_space<vmem>>, vector<1x16xf32>,
        %add3A_1367 = arith.constant 10 : i32
        %add3A_1368 = arith.addi %mul3A_87, %add3A_1367 : i32
        %get3A_1369 = arith.index_cast %add3A_1368 : i32 to index
        %get3A_1370 = arith.constant 64 : index
        %get3A_1371 = tpu.vector_load %arg10[%get3A_1369, %get3A_1370] {strides = array<i32>} : memref<128x128xf32, #tpu.memory_space<vmem>>, vector<1x16xf32>,
        %get3A_1372 = vector.shape_cast %get3A_1371 : vector<1x16xf32> to vector<16xf32>
        %mul3A_1373 = vector.broadcast %squeeze3A_1306 : f32 to vector<16xf32>
        %mul3A_1374 = arith.mulf %get3A_1372, %mul3A_1373 : vector<16xf32>
        %add3A_1375 = arith.constant 10 : i32
        %add3A_1376 = arith.addi %mul3A_87, %add3A_1375 : i32
        %swap3A_1377 = arith.index_cast %add3A_1376 : i32 to index
        %swap3A_1378 = arith.constant 64 : index
        %swap3A_1379 = tpu.vector_load %arg10[%swap3A_1377, %swap3A_1378] {strides = array<i32>} : memref<128x128xf32, #tpu.memory_space<vmem>>, vector<1x16xf32>,
        %swap3A_1380 = vector.shape_cast %swap3A_1379 : vector<1x16xf32> to vector<16xf32>
        %swap3A_1381 = vector.shape_cast %mul3A_1374 : vector<16xf32> to vector<1x16xf32>
        tpu.vector_store %arg10[%swap3A_1377, %swap3A_1378], %swap3A_1381 {strides = array<i32>} : memref<128x128xf32, #tpu.memory_space<vmem>>, vector<1x16xf32>,
        %add3A_1382 = arith.constant 10 : i32
        %add3A_1383 = arith.addi %mul3A_87, %add3A_1382 : i32
        %get3A_1384 = arith.index_cast %add3A_1383 : i32 to index
        %get3A_1385 = arith.constant 80 : index
        %get3A_1386 = tpu.vector_load %arg10[%get3A_1384, %get3A_1385] {strides = array<i32>} : memref<128x128xf32, #tpu.memory_space<vmem>>, vector<1x16xf32>,
        %get3A_1387 = vector.shape_cast %get3A_1386 : vector<1x16xf32> to vector<16xf32>
        %mul3A_1388 = vector.broadcast %squeeze3A_1306 : f32 to vector<16xf32>
        %mul3A_1389 = arith.mulf %get3A_1387, %mul3A_1388 : vector<16xf32>
        %add3A_1390 = arith.constant 10 : i32
        %add3A_1391 = arith.addi %mul3A_87, %add3A_1390 : i32
        %swap3A_1392 = arith.index_cast %add3A_1391 : i32 to index
        %swap3A_1393 = arith.constant 80 : index
        %swap3A_1394 = tpu.vector_load %arg10[%swap3A_1392, %swap3A_1393] {strides = array<i32>} : memref<128x128xf32, #tpu.memory_space<vmem>>, vector<1x16xf32>,
        %swap3A_1395 = vector.shape_cast %swap3A_1394 : vector<1x16xf32> to vector<16xf32>
        %swap3A_1396 = vector.shape_cast %mul3A_1389 : vector<16xf32> to vector<1x16xf32>
        tpu.vector_store %arg10[%swap3A_1392, %swap3A_1393], %swap3A_1396 {strides = array<i32>} : memref<128x128xf32, #tpu.memory_space<vmem>>, vector<1x16xf32>,
        %add3A_1397 = arith.constant 10 : i32
        %add3A_1398 = arith.addi %mul3A_87, %add3A_1397 : i32
        %get3A_1399 = arith.index_cast %add3A_1398 : i32 to index
        %get3A_1400 = arith.constant 96 : index
        %get3A_1401 = tpu.vector_load %arg10[%get3A_1399, %get3A_1400] {strides = array<i32>} : memref<128x128xf32, #tpu.memory_space<vmem>>, vector<1x16xf32>,
        %get3A_1402 = vector.shape_cast %get3A_1401 : vector<1x16xf32> to vector<16xf32>
        %mul3A_1403 = vector.broadcast %squeeze3A_1306 : f32 to vector<16xf32>
        %mul3A_1404 = arith.mulf %get3A_1402, %mul3A_1403 : vector<16xf32>
        %add3A_1405 = arith.constant 10 : i32
        %add3A_1406 = arith.addi %mul3A_87, %add3A_1405 : i32
        %swap3A_1407 = arith.index_cast %add3A_1406 : i32 to index
        %swap3A_1408 = arith.constant 96 : index
        %swap3A_1409 = tpu.vector_load %arg10[%swap3A_1407, %swap3A_1408] {strides = array<i32>} : memref<128x128xf32, #tpu.memory_space<vmem>>, vector<1x16xf32>,
        %swap3A_1410 = vector.shape_cast %swap3A_1409 : vector<1x16xf32> to vector<16xf32>
        %swap3A_1411 = vector.shape_cast %mul3A_1404 : vector<16xf32> to vector<1x16xf32>
        tpu.vector_store %arg10[%swap3A_1407, %swap3A_1408], %swap3A_1411 {strides = array<i32>} : memref<128x128xf32, #tpu.memory_space<vmem>>, vector<1x16xf32>,
        %add3A_1412 = arith.constant 10 : i32
        %add3A_1413 = arith.addi %mul3A_87, %add3A_1412 : i32
        %get3A_1414 = arith.index_cast %add3A_1413 : i32 to index
        %get3A_1415 = arith.constant 112 : index
        %get3A_1416 = tpu.vector_load %arg10[%get3A_1414, %get3A_1415] {strides = array<i32>} : memref<128x128xf32, #tpu.memory_space<vmem>>, vector<1x16xf32>,
        %get3A_1417 = vector.shape_cast %get3A_1416 : vector<1x16xf32> to vector<16xf32>
        %mul3A_1418 = vector.broadcast %squeeze3A_1306 : f32 to vector<16xf32>
        %mul3A_1419 = arith.mulf %get3A_1417, %mul3A_1418 : vector<16xf32>
        %add3A_1420 = arith.constant 10 : i32
        %add3A_1421 = arith.addi %mul3A_87, %add3A_1420 : i32
        %swap3A_1422 = arith.index_cast %add3A_1421 : i32 to index
        %swap3A_1423 = arith.constant 112 : index
        %swap3A_1424 = tpu.vector_load %arg10[%swap3A_1422, %swap3A_1423] {strides = array<i32>} : memref<128x128xf32, #tpu.memory_space<vmem>>, vector<1x16xf32>,
        %swap3A_1425 = vector.shape_cast %swap3A_1424 : vector<1x16xf32> to vector<16xf32>
        %swap3A_1426 = vector.shape_cast %mul3A_1419 : vector<16xf32> to vector<1x16xf32>
        tpu.vector_store %arg10[%swap3A_1422, %swap3A_1423], %swap3A_1426 {strides = array<i32>} : memref<128x128xf32, #tpu.memory_space<vmem>>, vector<1x16xf32>,
        %slice3A_1427 = vector.extract_strided_slice %get3A_85 {offsets = [11], sizes = [1], strides = [1]} : vector<16xf32> to vector<1xf32>
        %squeeze3A_1428 = vector.extract %slice3A_1427[0] : f32 from vector<1xf32>
        %add3A_1429 = arith.constant 11 : i32
        %add3A_1430 = arith.addi %mul3A_87, %add3A_1429 : i32
        %get3A_1431 = arith.index_cast %add3A_1430 : i32 to index
        %get3A_1432 = arith.constant 0 : index
        %get3A_1433 = tpu.vector_load %arg10[%get3A_1431, %get3A_1432] {strides = array<i32>} : memref<128x128xf32, #tpu.memory_space<vmem>>, vector<1x16xf32>,
        %get3A_1434 = vector.shape_cast %get3A_1433 : vector<1x16xf32> to vector<16xf32>
        %mul3A_1435 = vector.broadcast %squeeze3A_1428 : f32 to vector<16xf32>
        %mul3A_1436 = arith.mulf %get3A_1434, %mul3A_1435 : vector<16xf32>
        %add3A_1437 = arith.constant 11 : i32
        %add3A_1438 = arith.addi %mul3A_87, %add3A_1437 : i32
        %swap3A_1439 = arith.index_cast %add3A_1438 : i32 to index
        %swap3A_1440 = arith.constant 0 : index
        %swap3A_1441 = tpu.vector_load %arg10[%swap3A_1439, %swap3A_1440] {strides = array<i32>} : memref<128x128xf32, #tpu.memory_space<vmem>>, vector<1x16xf32>,
        %swap3A_1442 = vector.shape_cast %swap3A_1441 : vector<1x16xf32> to vector<16xf32>
        %swap3A_1443 = vector.shape_cast %mul3A_1436 : vector<16xf32> to vector<1x16xf32>
        tpu.vector_store %arg10[%swap3A_1439, %swap3A_1440], %swap3A_1443 {strides = array<i32>} : memref<128x128xf32, #tpu.memory_space<vmem>>, vector<1x16xf32>,
        %add3A_1444 = arith.constant 11 : i32
        %add3A_1445 = arith.addi %mul3A_87, %add3A_1444 : i32
        %get3A_1446 = arith.index_cast %add3A_1445 : i32 to index
        %get3A_1447 = arith.constant 16 : index
        %get3A_1448 = tpu.vector_load %arg10[%get3A_1446, %get3A_1447] {strides = array<i32>} : memref<128x128xf32, #tpu.memory_space<vmem>>, vector<1x16xf32>,
        %get3A_1449 = vector.shape_cast %get3A_1448 : vector<1x16xf32> to vector<16xf32>
        %mul3A_1450 = vector.broadcast %squeeze3A_1428 : f32 to vector<16xf32>
        %mul3A_1451 = arith.mulf %get3A_1449, %mul3A_1450 : vector<16xf32>
        %add3A_1452 = arith.constant 11 : i32
        %add3A_1453 = arith.addi %mul3A_87, %add3A_1452 : i32
        %swap3A_1454 = arith.index_cast %add3A_1453 : i32 to index
        %swap3A_1455 = arith.constant 16 : index
        %swap3A_1456 = tpu.vector_load %arg10[%swap3A_1454, %swap3A_1455] {strides = array<i32>} : memref<128x128xf32, #tpu.memory_space<vmem>>, vector<1x16xf32>,
        %swap3A_1457 = vector.shape_cast %swap3A_1456 : vector<1x16xf32> to vector<16xf32>
        %swap3A_1458 = vector.shape_cast %mul3A_1451 : vector<16xf32> to vector<1x16xf32>
        tpu.vector_store %arg10[%swap3A_1454, %swap3A_1455], %swap3A_1458 {strides = array<i32>} : memref<128x128xf32, #tpu.memory_space<vmem>>, vector<1x16xf32>,
        %add3A_1459 = arith.constant 11 : i32
        %add3A_1460 = arith.addi %mul3A_87, %add3A_1459 : i32
        %get3A_1461 = arith.index_cast %add3A_1460 : i32 to index
        %get3A_1462 = arith.constant 32 : index
        %get3A_1463 = tpu.vector_load %arg10[%get3A_1461, %get3A_1462] {strides = array<i32>} : memref<128x128xf32, #tpu.memory_space<vmem>>, vector<1x16xf32>,
        %get3A_1464 = vector.shape_cast %get3A_1463 : vector<1x16xf32> to vector<16xf32>
        %mul3A_1465 = vector.broadcast %squeeze3A_1428 : f32 to vector<16xf32>
        %mul3A_1466 = arith.mulf %get3A_1464, %mul3A_1465 : vector<16xf32>
        %add3A_1467 = arith.constant 11 : i32
        %add3A_1468 = arith.addi %mul3A_87, %add3A_1467 : i32
        %swap3A_1469 = arith.index_cast %add3A_1468 : i32 to index
        %swap3A_1470 = arith.constant 32 : index
        %swap3A_1471 = tpu.vector_load %arg10[%swap3A_1469, %swap3A_1470] {strides = array<i32>} : memref<128x128xf32, #tpu.memory_space<vmem>>, vector<1x16xf32>,
        %swap3A_1472 = vector.shape_cast %swap3A_1471 : vector<1x16xf32> to vector<16xf32>
        %swap3A_1473 = vector.shape_cast %mul3A_1466 : vector<16xf32> to vector<1x16xf32>
        tpu.vector_store %arg10[%swap3A_1469, %swap3A_1470], %swap3A_1473 {strides = array<i32>} : memref<128x128xf32, #tpu.memory_space<vmem>>, vector<1x16xf32>,
        %add3A_1474 = arith.constant 11 : i32
        %add3A_1475 = arith.addi %mul3A_87, %add3A_1474 : i32
        %get3A_1476 = arith.index_cast %add3A_1475 : i32 to index
        %get3A_1477 = arith.constant 48 : index
        %get3A_1478 = tpu.vector_load %arg10[%get3A_1476, %get3A_1477] {strides = array<i32>} : memref<128x128xf32, #tpu.memory_space<vmem>>, vector<1x16xf32>,
        %get3A_1479 = vector.shape_cast %get3A_1478 : vector<1x16xf32> to vector<16xf32>
        %mul3A_1480 = vector.broadcast %squeeze3A_1428 : f32 to vector<16xf32>
        %mul3A_1481 = arith.mulf %get3A_1479, %mul3A_1480 : vector<16xf32>
        %add3A_1482 = arith.constant 11 : i32
        %add3A_1483 = arith.addi %mul3A_87, %add3A_1482 : i32
        %swap3A_1484 = arith.index_cast %add3A_1483 : i32 to index
        %swap3A_1485 = arith.constant 48 : index
        %swap3A_1486 = tpu.vector_load %arg10[%swap3A_1484, %swap3A_1485] {strides = array<i32>} : memref<128x128xf32, #tpu.memory_space<vmem>>, vector<1x16xf32>,
        %swap3A_1487 = vector.shape_cast %swap3A_1486 : vector<1x16xf32> to vector<16xf32>
        %swap3A_1488 = vector.shape_cast %mul3A_1481 : vector<16xf32> to vector<1x16xf32>
        tpu.vector_store %arg10[%swap3A_1484, %swap3A_1485], %swap3A_1488 {strides = array<i32>} : memref<128x128xf32, #tpu.memory_space<vmem>>, vector<1x16xf32>,
        %add3A_1489 = arith.constant 11 : i32
        %add3A_1490 = arith.addi %mul3A_87, %add3A_1489 : i32
        %get3A_1491 = arith.index_cast %add3A_1490 : i32 to index
        %get3A_1492 = arith.constant 64 : index
        %get3A_1493 = tpu.vector_load %arg10[%get3A_1491, %get3A_1492] {strides = array<i32>} : memref<128x128xf32, #tpu.memory_space<vmem>>, vector<1x16xf32>,
        %get3A_1494 = vector.shape_cast %get3A_1493 : vector<1x16xf32> to vector<16xf32>
        %mul3A_1495 = vector.broadcast %squeeze3A_1428 : f32 to vector<16xf32>
        %mul3A_1496 = arith.mulf %get3A_1494, %mul3A_1495 : vector<16xf32>
        %add3A_1497 = arith.constant 11 : i32
        %add3A_1498 = arith.addi %mul3A_87, %add3A_1497 : i32
        %swap3A_1499 = arith.index_cast %add3A_1498 : i32 to index
        %swap3A_1500 = arith.constant 64 : index
        %swap3A_1501 = tpu.vector_load %arg10[%swap3A_1499, %swap3A_1500] {strides = array<i32>} : memref<128x128xf32, #tpu.memory_space<vmem>>, vector<1x16xf32>,
        %swap3A_1502 = vector.shape_cast %swap3A_1501 : vector<1x16xf32> to vector<16xf32>
        %swap3A_1503 = vector.shape_cast %mul3A_1496 : vector<16xf32> to vector<1x16xf32>
        tpu.vector_store %arg10[%swap3A_1499, %swap3A_1500], %swap3A_1503 {strides = array<i32>} : memref<128x128xf32, #tpu.memory_space<vmem>>, vector<1x16xf32>,
        %add3A_1504 = arith.constant 11 : i32
        %add3A_1505 = arith.addi %mul3A_87, %add3A_1504 : i32
        %get3A_1506 = arith.index_cast %add3A_1505 : i32 to index
        %get3A_1507 = arith.constant 80 : index
        %get3A_1508 = tpu.vector_load %arg10[%get3A_1506, %get3A_1507] {strides = array<i32>} : memref<128x128xf32, #tpu.memory_space<vmem>>, vector<1x16xf32>,
        %get3A_1509 = vector.shape_cast %get3A_1508 : vector<1x16xf32> to vector<16xf32>
        %mul3A_1510 = vector.broadcast %squeeze3A_1428 : f32 to vector<16xf32>
        %mul3A_1511 = arith.mulf %get3A_1509, %mul3A_1510 : vector<16xf32>
        %add3A_1512 = arith.constant 11 : i32
        %add3A_1513 = arith.addi %mul3A_87, %add3A_1512 : i32
        %swap3A_1514 = arith.index_cast %add3A_1513 : i32 to index
        %swap3A_1515 = arith.constant 80 : index
        %swap3A_1516 = tpu.vector_load %arg10[%swap3A_1514, %swap3A_1515] {strides = array<i32>} : memref<128x128xf32, #tpu.memory_space<vmem>>, vector<1x16xf32>,
        %swap3A_1517 = vector.shape_cast %swap3A_1516 : vector<1x16xf32> to vector<16xf32>
        %swap3A_1518 = vector.shape_cast %mul3A_1511 : vector<16xf32> to vector<1x16xf32>
        tpu.vector_store %arg10[%swap3A_1514, %swap3A_1515], %swap3A_1518 {strides = array<i32>} : memref<128x128xf32, #tpu.memory_space<vmem>>, vector<1x16xf32>,
        %add3A_1519 = arith.constant 11 : i32
        %add3A_1520 = arith.addi %mul3A_87, %add3A_1519 : i32
        %get3A_1521 = arith.index_cast %add3A_1520 : i32 to index
        %get3A_1522 = arith.constant 96 : index
        %get3A_1523 = tpu.vector_load %arg10[%get3A_1521, %get3A_1522] {strides = array<i32>} : memref<128x128xf32, #tpu.memory_space<vmem>>, vector<1x16xf32>,
        %get3A_1524 = vector.shape_cast %get3A_1523 : vector<1x16xf32> to vector<16xf32>
        %mul3A_1525 = vector.broadcast %squeeze3A_1428 : f32 to vector<16xf32>
        %mul3A_1526 = arith.mulf %get3A_1524, %mul3A_1525 : vector<16xf32>
        %add3A_1527 = arith.constant 11 : i32
        %add3A_1528 = arith.addi %mul3A_87, %add3A_1527 : i32
        %swap3A_1529 = arith.index_cast %add3A_1528 : i32 to index
        %swap3A_1530 = arith.constant 96 : index
        %swap3A_1531 = tpu.vector_load %arg10[%swap3A_1529, %swap3A_1530] {strides = array<i32>} : memref<128x128xf32, #tpu.memory_space<vmem>>, vector<1x16xf32>,
        %swap3A_1532 = vector.shape_cast %swap3A_1531 : vector<1x16xf32> to vector<16xf32>
        %swap3A_1533 = vector.shape_cast %mul3A_1526 : vector<16xf32> to vector<1x16xf32>
        tpu.vector_store %arg10[%swap3A_1529, %swap3A_1530], %swap3A_1533 {strides = array<i32>} : memref<128x128xf32, #tpu.memory_space<vmem>>, vector<1x16xf32>,
        %add3A_1534 = arith.constant 11 : i32
        %add3A_1535 = arith.addi %mul3A_87, %add3A_1534 : i32
        %get3A_1536 = arith.index_cast %add3A_1535 : i32 to index
        %get3A_1537 = arith.constant 112 : index
        %get3A_1538 = tpu.vector_load %arg10[%get3A_1536, %get3A_1537] {strides = array<i32>} : memref<128x128xf32, #tpu.memory_space<vmem>>, vector<1x16xf32>,
        %get3A_1539 = vector.shape_cast %get3A_1538 : vector<1x16xf32> to vector<16xf32>
        %mul3A_1540 = vector.broadcast %squeeze3A_1428 : f32 to vector<16xf32>
        %mul3A_1541 = arith.mulf %get3A_1539, %mul3A_1540 : vector<16xf32>
        %add3A_1542 = arith.constant 11 : i32
        %add3A_1543 = arith.addi %mul3A_87, %add3A_1542 : i32
        %swap3A_1544 = arith.index_cast %add3A_1543 : i32 to index
        %swap3A_1545 = arith.constant 112 : index
        %swap3A_1546 = tpu.vector_load %arg10[%swap3A_1544, %swap3A_1545] {strides = array<i32>} : memref<128x128xf32, #tpu.memory_space<vmem>>, vector<1x16xf32>,
        %swap3A_1547 = vector.shape_cast %swap3A_1546 : vector<1x16xf32> to vector<16xf32>
        %swap3A_1548 = vector.shape_cast %mul3A_1541 : vector<16xf32> to vector<1x16xf32>
        tpu.vector_store %arg10[%swap3A_1544, %swap3A_1545], %swap3A_1548 {strides = array<i32>} : memref<128x128xf32, #tpu.memory_space<vmem>>, vector<1x16xf32>,
        %slice3A_1549 = vector.extract_strided_slice %get3A_85 {offsets = [12], sizes = [1], strides = [1]} : vector<16xf32> to vector<1xf32>
        %squeeze3A_1550 = vector.extract %slice3A_1549[0] : f32 from vector<1xf32>
        %add3A_1551 = arith.constant 12 : i32
        %add3A_1552 = arith.addi %mul3A_87, %add3A_1551 : i32
        %get3A_1553 = arith.index_cast %add3A_1552 : i32 to index
        %get3A_1554 = arith.constant 0 : index
        %get3A_1555 = tpu.vector_load %arg10[%get3A_1553, %get3A_1554] {strides = array<i32>} : memref<128x128xf32, #tpu.memory_space<vmem>>, vector<1x16xf32>,
        %get3A_1556 = vector.shape_cast %get3A_1555 : vector<1x16xf32> to vector<16xf32>
        %mul3A_1557 = vector.broadcast %squeeze3A_1550 : f32 to vector<16xf32>
        %mul3A_1558 = arith.mulf %get3A_1556, %mul3A_1557 : vector<16xf32>
        %add3A_1559 = arith.constant 12 : i32
        %add3A_1560 = arith.addi %mul3A_87, %add3A_1559 : i32
        %swap3A_1561 = arith.index_cast %add3A_1560 : i32 to index
        %swap3A_1562 = arith.constant 0 : index
        %swap3A_1563 = tpu.vector_load %arg10[%swap3A_1561, %swap3A_1562] {strides = array<i32>} : memref<128x128xf32, #tpu.memory_space<vmem>>, vector<1x16xf32>,
        %swap3A_1564 = vector.shape_cast %swap3A_1563 : vector<1x16xf32> to vector<16xf32>
        %swap3A_1565 = vector.shape_cast %mul3A_1558 : vector<16xf32> to vector<1x16xf32>
        tpu.vector_store %arg10[%swap3A_1561, %swap3A_1562], %swap3A_1565 {strides = array<i32>} : memref<128x128xf32, #tpu.memory_space<vmem>>, vector<1x16xf32>,
        %add3A_1566 = arith.constant 12 : i32
        %add3A_1567 = arith.addi %mul3A_87, %add3A_1566 : i32
        %get3A_1568 = arith.index_cast %add3A_1567 : i32 to index
        %get3A_1569 = arith.constant 16 : index
        %get3A_1570 = tpu.vector_load %arg10[%get3A_1568, %get3A_1569] {strides = array<i32>} : memref<128x128xf32, #tpu.memory_space<vmem>>, vector<1x16xf32>,
        %get3A_1571 = vector.shape_cast %get3A_1570 : vector<1x16xf32> to vector<16xf32>
        %mul3A_1572 = vector.broadcast %squeeze3A_1550 : f32 to vector<16xf32>
        %mul3A_1573 = arith.mulf %get3A_1571, %mul3A_1572 : vector<16xf32>
        %add3A_1574 = arith.constant 12 : i32
        %add3A_1575 = arith.addi %mul3A_87, %add3A_1574 : i32
        %swap3A_1576 = arith.index_cast %add3A_1575 : i32 to index
        %swap3A_1577 = arith.constant 16 : index
        %swap3A_1578 = tpu.vector_load %arg10[%swap3A_1576, %swap3A_1577] {strides = array<i32>} : memref<128x128xf32, #tpu.memory_space<vmem>>, vector<1x16xf32>,
        %swap3A_1579 = vector.shape_cast %swap3A_1578 : vector<1x16xf32> to vector<16xf32>
        %swap3A_1580 = vector.shape_cast %mul3A_1573 : vector<16xf32> to vector<1x16xf32>
        tpu.vector_store %arg10[%swap3A_1576, %swap3A_1577], %swap3A_1580 {strides = array<i32>} : memref<128x128xf32, #tpu.memory_space<vmem>>, vector<1x16xf32>,
        %add3A_1581 = arith.constant 12 : i32
        %add3A_1582 = arith.addi %mul3A_87, %add3A_1581 : i32
        %get3A_1583 = arith.index_cast %add3A_1582 : i32 to index
        %get3A_1584 = arith.constant 32 : index
        %get3A_1585 = tpu.vector_load %arg10[%get3A_1583, %get3A_1584] {strides = array<i32>} : memref<128x128xf32, #tpu.memory_space<vmem>>, vector<1x16xf32>,
        %get3A_1586 = vector.shape_cast %get3A_1585 : vector<1x16xf32> to vector<16xf32>
        %mul3A_1587 = vector.broadcast %squeeze3A_1550 : f32 to vector<16xf32>
        %mul3A_1588 = arith.mulf %get3A_1586, %mul3A_1587 : vector<16xf32>
        %add3A_1589 = arith.constant 12 : i32
        %add3A_1590 = arith.addi %mul3A_87, %add3A_1589 : i32
        %swap3A_1591 = arith.index_cast %add3A_1590 : i32 to index
        %swap3A_1592 = arith.constant 32 : index
        %swap3A_1593 = tpu.vector_load %arg10[%swap3A_1591, %swap3A_1592] {strides = array<i32>} : memref<128x128xf32, #tpu.memory_space<vmem>>, vector<1x16xf32>,
        %swap3A_1594 = vector.shape_cast %swap3A_1593 : vector<1x16xf32> to vector<16xf32>
        %swap3A_1595 = vector.shape_cast %mul3A_1588 : vector<16xf32> to vector<1x16xf32>
        tpu.vector_store %arg10[%swap3A_1591, %swap3A_1592], %swap3A_1595 {strides = array<i32>} : memref<128x128xf32, #tpu.memory_space<vmem>>, vector<1x16xf32>,
        %add3A_1596 = arith.constant 12 : i32
        %add3A_1597 = arith.addi %mul3A_87, %add3A_1596 : i32
        %get3A_1598 = arith.index_cast %add3A_1597 : i32 to index
        %get3A_1599 = arith.constant 48 : index
        %get3A_1600 = tpu.vector_load %arg10[%get3A_1598, %get3A_1599] {strides = array<i32>} : memref<128x128xf32, #tpu.memory_space<vmem>>, vector<1x16xf32>,
        %get3A_1601 = vector.shape_cast %get3A_1600 : vector<1x16xf32> to vector<16xf32>
        %mul3A_1602 = vector.broadcast %squeeze3A_1550 : f32 to vector<16xf32>
        %mul3A_1603 = arith.mulf %get3A_1601, %mul3A_1602 : vector<16xf32>
        %add3A_1604 = arith.constant 12 : i32
        %add3A_1605 = arith.addi %mul3A_87, %add3A_1604 : i32
        %swap3A_1606 = arith.index_cast %add3A_1605 : i32 to index
        %swap3A_1607 = arith.constant 48 : index
        %swap3A_1608 = tpu.vector_load %arg10[%swap3A_1606, %swap3A_1607] {strides = array<i32>} : memref<128x128xf32, #tpu.memory_space<vmem>>, vector<1x16xf32>,
        %swap3A_1609 = vector.shape_cast %swap3A_1608 : vector<1x16xf32> to vector<16xf32>
        %swap3A_1610 = vector.shape_cast %mul3A_1603 : vector<16xf32> to vector<1x16xf32>
        tpu.vector_store %arg10[%swap3A_1606, %swap3A_1607], %swap3A_1610 {strides = array<i32>} : memref<128x128xf32, #tpu.memory_space<vmem>>, vector<1x16xf32>,
        %add3A_1611 = arith.constant 12 : i32
        %add3A_1612 = arith.addi %mul3A_87, %add3A_1611 : i32
        %get3A_1613 = arith.index_cast %add3A_1612 : i32 to index
        %get3A_1614 = arith.constant 64 : index
        %get3A_1615 = tpu.vector_load %arg10[%get3A_1613, %get3A_1614] {strides = array<i32>} : memref<128x128xf32, #tpu.memory_space<vmem>>, vector<1x16xf32>,
        %get3A_1616 = vector.shape_cast %get3A_1615 : vector<1x16xf32> to vector<16xf32>
        %mul3A_1617 = vector.broadcast %squeeze3A_1550 : f32 to vector<16xf32>
        %mul3A_1618 = arith.mulf %get3A_1616, %mul3A_1617 : vector<16xf32>
        %add3A_1619 = arith.constant 12 : i32
        %add3A_1620 = arith.addi %mul3A_87, %add3A_1619 : i32
        %swap3A_1621 = arith.index_cast %add3A_1620 : i32 to index
        %swap3A_1622 = arith.constant 64 : index
        %swap3A_1623 = tpu.vector_load %arg10[%swap3A_1621, %swap3A_1622] {strides = array<i32>} : memref<128x128xf32, #tpu.memory_space<vmem>>, vector<1x16xf32>,
        %swap3A_1624 = vector.shape_cast %swap3A_1623 : vector<1x16xf32> to vector<16xf32>
        %swap3A_1625 = vector.shape_cast %mul3A_1618 : vector<16xf32> to vector<1x16xf32>
        tpu.vector_store %arg10[%swap3A_1621, %swap3A_1622], %swap3A_1625 {strides = array<i32>} : memref<128x128xf32, #tpu.memory_space<vmem>>, vector<1x16xf32>,
        %add3A_1626 = arith.constant 12 : i32
        %add3A_1627 = arith.addi %mul3A_87, %add3A_1626 : i32
        %get3A_1628 = arith.index_cast %add3A_1627 : i32 to index
        %get3A_1629 = arith.constant 80 : index
        %get3A_1630 = tpu.vector_load %arg10[%get3A_1628, %get3A_1629] {strides = array<i32>} : memref<128x128xf32, #tpu.memory_space<vmem>>, vector<1x16xf32>,
        %get3A_1631 = vector.shape_cast %get3A_1630 : vector<1x16xf32> to vector<16xf32>
        %mul3A_1632 = vector.broadcast %squeeze3A_1550 : f32 to vector<16xf32>
        %mul3A_1633 = arith.mulf %get3A_1631, %mul3A_1632 : vector<16xf32>
        %add3A_1634 = arith.constant 12 : i32
        %add3A_1635 = arith.addi %mul3A_87, %add3A_1634 : i32
        %swap3A_1636 = arith.index_cast %add3A_1635 : i32 to index
        %swap3A_1637 = arith.constant 80 : index
        %swap3A_1638 = tpu.vector_load %arg10[%swap3A_1636, %swap3A_1637] {strides = array<i32>} : memref<128x128xf32, #tpu.memory_space<vmem>>, vector<1x16xf32>,
        %swap3A_1639 = vector.shape_cast %swap3A_1638 : vector<1x16xf32> to vector<16xf32>
        %swap3A_1640 = vector.shape_cast %mul3A_1633 : vector<16xf32> to vector<1x16xf32>
        tpu.vector_store %arg10[%swap3A_1636, %swap3A_1637], %swap3A_1640 {strides = array<i32>} : memref<128x128xf32, #tpu.memory_space<vmem>>, vector<1x16xf32>,
        %add3A_1641 = arith.constant 12 : i32
        %add3A_1642 = arith.addi %mul3A_87, %add3A_1641 : i32
        %get3A_1643 = arith.index_cast %add3A_1642 : i32 to index
        %get3A_1644 = arith.constant 96 : index
        %get3A_1645 = tpu.vector_load %arg10[%get3A_1643, %get3A_1644] {strides = array<i32>} : memref<128x128xf32, #tpu.memory_space<vmem>>, vector<1x16xf32>,
        %get3A_1646 = vector.shape_cast %get3A_1645 : vector<1x16xf32> to vector<16xf32>
        %mul3A_1647 = vector.broadcast %squeeze3A_1550 : f32 to vector<16xf32>
        %mul3A_1648 = arith.mulf %get3A_1646, %mul3A_1647 : vector<16xf32>
        %add3A_1649 = arith.constant 12 : i32
        %add3A_1650 = arith.addi %mul3A_87, %add3A_1649 : i32
        %swap3A_1651 = arith.index_cast %add3A_1650 : i32 to index
        %swap3A_1652 = arith.constant 96 : index
        %swap3A_1653 = tpu.vector_load %arg10[%swap3A_1651, %swap3A_1652] {strides = array<i32>} : memref<128x128xf32, #tpu.memory_space<vmem>>, vector<1x16xf32>,
        %swap3A_1654 = vector.shape_cast %swap3A_1653 : vector<1x16xf32> to vector<16xf32>
        %swap3A_1655 = vector.shape_cast %mul3A_1648 : vector<16xf32> to vector<1x16xf32>
        tpu.vector_store %arg10[%swap3A_1651, %swap3A_1652], %swap3A_1655 {strides = array<i32>} : memref<128x128xf32, #tpu.memory_space<vmem>>, vector<1x16xf32>,
        %add3A_1656 = arith.constant 12 : i32
        %add3A_1657 = arith.addi %mul3A_87, %add3A_1656 : i32
        %get3A_1658 = arith.index_cast %add3A_1657 : i32 to index
        %get3A_1659 = arith.constant 112 : index
        %get3A_1660 = tpu.vector_load %arg10[%get3A_1658, %get3A_1659] {strides = array<i32>} : memref<128x128xf32, #tpu.memory_space<vmem>>, vector<1x16xf32>,
        %get3A_1661 = vector.shape_cast %get3A_1660 : vector<1x16xf32> to vector<16xf32>
        %mul3A_1662 = vector.broadcast %squeeze3A_1550 : f32 to vector<16xf32>
        %mul3A_1663 = arith.mulf %get3A_1661, %mul3A_1662 : vector<16xf32>
        %add3A_1664 = arith.constant 12 : i32
        %add3A_1665 = arith.addi %mul3A_87, %add3A_1664 : i32
        %swap3A_1666 = arith.index_cast %add3A_1665 : i32 to index
        %swap3A_1667 = arith.constant 112 : index
        %swap3A_1668 = tpu.vector_load %arg10[%swap3A_1666, %swap3A_1667] {strides = array<i32>} : memref<128x128xf32, #tpu.memory_space<vmem>>, vector<1x16xf32>,
        %swap3A_1669 = vector.shape_cast %swap3A_1668 : vector<1x16xf32> to vector<16xf32>
        %swap3A_1670 = vector.shape_cast %mul3A_1663 : vector<16xf32> to vector<1x16xf32>
        tpu.vector_store %arg10[%swap3A_1666, %swap3A_1667], %swap3A_1670 {strides = array<i32>} : memref<128x128xf32, #tpu.memory_space<vmem>>, vector<1x16xf32>,
        %slice3A_1671 = vector.extract_strided_slice %get3A_85 {offsets = [13], sizes = [1], strides = [1]} : vector<16xf32> to vector<1xf32>
        %squeeze3A_1672 = vector.extract %slice3A_1671[0] : f32 from vector<1xf32>
        %add3A_1673 = arith.constant 13 : i32
        %add3A_1674 = arith.addi %mul3A_87, %add3A_1673 : i32
        %get3A_1675 = arith.index_cast %add3A_1674 : i32 to index
        %get3A_1676 = arith.constant 0 : index
        %get3A_1677 = tpu.vector_load %arg10[%get3A_1675, %get3A_1676] {strides = array<i32>} : memref<128x128xf32, #tpu.memory_space<vmem>>, vector<1x16xf32>,
        %get3A_1678 = vector.shape_cast %get3A_1677 : vector<1x16xf32> to vector<16xf32>
        %mul3A_1679 = vector.broadcast %squeeze3A_1672 : f32 to vector<16xf32>
        %mul3A_1680 = arith.mulf %get3A_1678, %mul3A_1679 : vector<16xf32>
        %add3A_1681 = arith.constant 13 : i32
        %add3A_1682 = arith.addi %mul3A_87, %add3A_1681 : i32
        %swap3A_1683 = arith.index_cast %add3A_1682 : i32 to index
        %swap3A_1684 = arith.constant 0 : index
        %swap3A_1685 = tpu.vector_load %arg10[%swap3A_1683, %swap3A_1684] {strides = array<i32>} : memref<128x128xf32, #tpu.memory_space<vmem>>, vector<1x16xf32>,
        %swap3A_1686 = vector.shape_cast %swap3A_1685 : vector<1x16xf32> to vector<16xf32>
        %swap3A_1687 = vector.shape_cast %mul3A_1680 : vector<16xf32> to vector<1x16xf32>
        tpu.vector_store %arg10[%swap3A_1683, %swap3A_1684], %swap3A_1687 {strides = array<i32>} : memref<128x128xf32, #tpu.memory_space<vmem>>, vector<1x16xf32>,
        %add3A_1688 = arith.constant 13 : i32
        %add3A_1689 = arith.addi %mul3A_87, %add3A_1688 : i32
        %get3A_1690 = arith.index_cast %add3A_1689 : i32 to index
        %get3A_1691 = arith.constant 16 : index
        %get3A_1692 = tpu.vector_load %arg10[%get3A_1690, %get3A_1691] {strides = array<i32>} : memref<128x128xf32, #tpu.memory_space<vmem>>, vector<1x16xf32>,
        %get3A_1693 = vector.shape_cast %get3A_1692 : vector<1x16xf32> to vector<16xf32>
        %mul3A_1694 = vector.broadcast %squeeze3A_1672 : f32 to vector<16xf32>
        %mul3A_1695 = arith.mulf %get3A_1693, %mul3A_1694 : vector<16xf32>
        %add3A_1696 = arith.constant 13 : i32
        %add3A_1697 = arith.addi %mul3A_87, %add3A_1696 : i32
        %swap3A_1698 = arith.index_cast %add3A_1697 : i32 to index
        %swap3A_1699 = arith.constant 16 : index
        %swap3A_1700 = tpu.vector_load %arg10[%swap3A_1698, %swap3A_1699] {strides = array<i32>} : memref<128x128xf32, #tpu.memory_space<vmem>>, vector<1x16xf32>,
        %swap3A_1701 = vector.shape_cast %swap3A_1700 : vector<1x16xf32> to vector<16xf32>
        %swap3A_1702 = vector.shape_cast %mul3A_1695 : vector<16xf32> to vector<1x16xf32>
        tpu.vector_store %arg10[%swap3A_1698, %swap3A_1699], %swap3A_1702 {strides = array<i32>} : memref<128x128xf32, #tpu.memory_space<vmem>>, vector<1x16xf32>,
        %add3A_1703 = arith.constant 13 : i32
        %add3A_1704 = arith.addi %mul3A_87, %add3A_1703 : i32
        %get3A_1705 = arith.index_cast %add3A_1704 : i32 to index
        %get3A_1706 = arith.constant 32 : index
        %get3A_1707 = tpu.vector_load %arg10[%get3A_1705, %get3A_1706] {strides = array<i32>} : memref<128x128xf32, #tpu.memory_space<vmem>>, vector<1x16xf32>,
        %get3A_1708 = vector.shape_cast %get3A_1707 : vector<1x16xf32> to vector<16xf32>
        %mul3A_1709 = vector.broadcast %squeeze3A_1672 : f32 to vector<16xf32>
        %mul3A_1710 = arith.mulf %get3A_1708, %mul3A_1709 : vector<16xf32>
        %add3A_1711 = arith.constant 13 : i32
        %add3A_1712 = arith.addi %mul3A_87, %add3A_1711 : i32
        %swap3A_1713 = arith.index_cast %add3A_1712 : i32 to index
        %swap3A_1714 = arith.constant 32 : index
        %swap3A_1715 = tpu.vector_load %arg10[%swap3A_1713, %swap3A_1714] {strides = array<i32>} : memref<128x128xf32, #tpu.memory_space<vmem>>, vector<1x16xf32>,
        %swap3A_1716 = vector.shape_cast %swap3A_1715 : vector<1x16xf32> to vector<16xf32>
        %swap3A_1717 = vector.shape_cast %mul3A_1710 : vector<16xf32> to vector<1x16xf32>
        tpu.vector_store %arg10[%swap3A_1713, %swap3A_1714], %swap3A_1717 {strides = array<i32>} : memref<128x128xf32, #tpu.memory_space<vmem>>, vector<1x16xf32>,
        %add3A_1718 = arith.constant 13 : i32
        %add3A_1719 = arith.addi %mul3A_87, %add3A_1718 : i32
        %get3A_1720 = arith.index_cast %add3A_1719 : i32 to index
        %get3A_1721 = arith.constant 48 : index
        %get3A_1722 = tpu.vector_load %arg10[%get3A_1720, %get3A_1721] {strides = array<i32>} : memref<128x128xf32, #tpu.memory_space<vmem>>, vector<1x16xf32>,
        %get3A_1723 = vector.shape_cast %get3A_1722 : vector<1x16xf32> to vector<16xf32>
        %mul3A_1724 = vector.broadcast %squeeze3A_1672 : f32 to vector<16xf32>
        %mul3A_1725 = arith.mulf %get3A_1723, %mul3A_1724 : vector<16xf32>
        %add3A_1726 = arith.constant 13 : i32
        %add3A_1727 = arith.addi %mul3A_87, %add3A_1726 : i32
        %swap3A_1728 = arith.index_cast %add3A_1727 : i32 to index
        %swap3A_1729 = arith.constant 48 : index
        %swap3A_1730 = tpu.vector_load %arg10[%swap3A_1728, %swap3A_1729] {strides = array<i32>} : memref<128x128xf32, #tpu.memory_space<vmem>>, vector<1x16xf32>,
        %swap3A_1731 = vector.shape_cast %swap3A_1730 : vector<1x16xf32> to vector<16xf32>
        %swap3A_1732 = vector.shape_cast %mul3A_1725 : vector<16xf32> to vector<1x16xf32>
        tpu.vector_store %arg10[%swap3A_1728, %swap3A_1729], %swap3A_1732 {strides = array<i32>} : memref<128x128xf32, #tpu.memory_space<vmem>>, vector<1x16xf32>,
        %add3A_1733 = arith.constant 13 : i32
        %add3A_1734 = arith.addi %mul3A_87, %add3A_1733 : i32
        %get3A_1735 = arith.index_cast %add3A_1734 : i32 to index
        %get3A_1736 = arith.constant 64 : index
        %get3A_1737 = tpu.vector_load %arg10[%get3A_1735, %get3A_1736] {strides = array<i32>} : memref<128x128xf32, #tpu.memory_space<vmem>>, vector<1x16xf32>,
        %get3A_1738 = vector.shape_cast %get3A_1737 : vector<1x16xf32> to vector<16xf32>
        %mul3A_1739 = vector.broadcast %squeeze3A_1672 : f32 to vector<16xf32>
        %mul3A_1740 = arith.mulf %get3A_1738, %mul3A_1739 : vector<16xf32>
        %add3A_1741 = arith.constant 13 : i32
        %add3A_1742 = arith.addi %mul3A_87, %add3A_1741 : i32
        %swap3A_1743 = arith.index_cast %add3A_1742 : i32 to index
        %swap3A_1744 = arith.constant 64 : index
        %swap3A_1745 = tpu.vector_load %arg10[%swap3A_1743, %swap3A_1744] {strides = array<i32>} : memref<128x128xf32, #tpu.memory_space<vmem>>, vector<1x16xf32>,
        %swap3A_1746 = vector.shape_cast %swap3A_1745 : vector<1x16xf32> to vector<16xf32>
        %swap3A_1747 = vector.shape_cast %mul3A_1740 : vector<16xf32> to vector<1x16xf32>
        tpu.vector_store %arg10[%swap3A_1743, %swap3A_1744], %swap3A_1747 {strides = array<i32>} : memref<128x128xf32, #tpu.memory_space<vmem>>, vector<1x16xf32>,
        %add3A_1748 = arith.constant 13 : i32
        %add3A_1749 = arith.addi %mul3A_87, %add3A_1748 : i32
        %get3A_1750 = arith.index_cast %add3A_1749 : i32 to index
        %get3A_1751 = arith.constant 80 : index
        %get3A_1752 = tpu.vector_load %arg10[%get3A_1750, %get3A_1751] {strides = array<i32>} : memref<128x128xf32, #tpu.memory_space<vmem>>, vector<1x16xf32>,
        %get3A_1753 = vector.shape_cast %get3A_1752 : vector<1x16xf32> to vector<16xf32>
        %mul3A_1754 = vector.broadcast %squeeze3A_1672 : f32 to vector<16xf32>
        %mul3A_1755 = arith.mulf %get3A_1753, %mul3A_1754 : vector<16xf32>
        %add3A_1756 = arith.constant 13 : i32
        %add3A_1757 = arith.addi %mul3A_87, %add3A_1756 : i32
        %swap3A_1758 = arith.index_cast %add3A_1757 : i32 to index
        %swap3A_1759 = arith.constant 80 : index
        %swap3A_1760 = tpu.vector_load %arg10[%swap3A_1758, %swap3A_1759] {strides = array<i32>} : memref<128x128xf32, #tpu.memory_space<vmem>>, vector<1x16xf32>,
        %swap3A_1761 = vector.shape_cast %swap3A_1760 : vector<1x16xf32> to vector<16xf32>
        %swap3A_1762 = vector.shape_cast %mul3A_1755 : vector<16xf32> to vector<1x16xf32>
        tpu.vector_store %arg10[%swap3A_1758, %swap3A_1759], %swap3A_1762 {strides = array<i32>} : memref<128x128xf32, #tpu.memory_space<vmem>>, vector<1x16xf32>,
        %add3A_1763 = arith.constant 13 : i32
        %add3A_1764 = arith.addi %mul3A_87, %add3A_1763 : i32
        %get3A_1765 = arith.index_cast %add3A_1764 : i32 to index
        %get3A_1766 = arith.constant 96 : index
        %get3A_1767 = tpu.vector_load %arg10[%get3A_1765, %get3A_1766] {strides = array<i32>} : memref<128x128xf32, #tpu.memory_space<vmem>>, vector<1x16xf32>,
        %get3A_1768 = vector.shape_cast %get3A_1767 : vector<1x16xf32> to vector<16xf32>
        %mul3A_1769 = vector.broadcast %squeeze3A_1672 : f32 to vector<16xf32>
        %mul3A_1770 = arith.mulf %get3A_1768, %mul3A_1769 : vector<16xf32>
        %add3A_1771 = arith.constant 13 : i32
        %add3A_1772 = arith.addi %mul3A_87, %add3A_1771 : i32
        %swap3A_1773 = arith.index_cast %add3A_1772 : i32 to index
        %swap3A_1774 = arith.constant 96 : index
        %swap3A_1775 = tpu.vector_load %arg10[%swap3A_1773, %swap3A_1774] {strides = array<i32>} : memref<128x128xf32, #tpu.memory_space<vmem>>, vector<1x16xf32>,
        %swap3A_1776 = vector.shape_cast %swap3A_1775 : vector<1x16xf32> to vector<16xf32>
        %swap3A_1777 = vector.shape_cast %mul3A_1770 : vector<16xf32> to vector<1x16xf32>
        tpu.vector_store %arg10[%swap3A_1773, %swap3A_1774], %swap3A_1777 {strides = array<i32>} : memref<128x128xf32, #tpu.memory_space<vmem>>, vector<1x16xf32>,
        %add3A_1778 = arith.constant 13 : i32
        %add3A_1779 = arith.addi %mul3A_87, %add3A_1778 : i32
        %get3A_1780 = arith.index_cast %add3A_1779 : i32 to index
        %get3A_1781 = arith.constant 112 : index
        %get3A_1782 = tpu.vector_load %arg10[%get3A_1780, %get3A_1781] {strides = array<i32>} : memref<128x128xf32, #tpu.memory_space<vmem>>, vector<1x16xf32>,
        %get3A_1783 = vector.shape_cast %get3A_1782 : vector<1x16xf32> to vector<16xf32>
        %mul3A_1784 = vector.broadcast %squeeze3A_1672 : f32 to vector<16xf32>
        %mul3A_1785 = arith.mulf %get3A_1783, %mul3A_1784 : vector<16xf32>
        %add3A_1786 = arith.constant 13 : i32
        %add3A_1787 = arith.addi %mul3A_87, %add3A_1786 : i32
        %swap3A_1788 = arith.index_cast %add3A_1787 : i32 to index
        %swap3A_1789 = arith.constant 112 : index
        %swap3A_1790 = tpu.vector_load %arg10[%swap3A_1788, %swap3A_1789] {strides = array<i32>} : memref<128x128xf32, #tpu.memory_space<vmem>>, vector<1x16xf32>,
        %swap3A_1791 = vector.shape_cast %swap3A_1790 : vector<1x16xf32> to vector<16xf32>
        %swap3A_1792 = vector.shape_cast %mul3A_1785 : vector<16xf32> to vector<1x16xf32>
        tpu.vector_store %arg10[%swap3A_1788, %swap3A_1789], %swap3A_1792 {strides = array<i32>} : memref<128x128xf32, #tpu.memory_space<vmem>>, vector<1x16xf32>,
        %slice3A_1793 = vector.extract_strided_slice %get3A_85 {offsets = [14], sizes = [1], strides = [1]} : vector<16xf32> to vector<1xf32>
        %squeeze3A_1794 = vector.extract %slice3A_1793[0] : f32 from vector<1xf32>
        %add3A_1795 = arith.constant 14 : i32
        %add3A_1796 = arith.addi %mul3A_87, %add3A_1795 : i32
        %get3A_1797 = arith.index_cast %add3A_1796 : i32 to index
        %get3A_1798 = arith.constant 0 : index
        %get3A_1799 = tpu.vector_load %arg10[%get3A_1797, %get3A_1798] {strides = array<i32>} : memref<128x128xf32, #tpu.memory_space<vmem>>, vector<1x16xf32>,
        %get3A_1800 = vector.shape_cast %get3A_1799 : vector<1x16xf32> to vector<16xf32>
        %mul3A_1801 = vector.broadcast %squeeze3A_1794 : f32 to vector<16xf32>
        %mul3A_1802 = arith.mulf %get3A_1800, %mul3A_1801 : vector<16xf32>
        %add3A_1803 = arith.constant 14 : i32
        %add3A_1804 = arith.addi %mul3A_87, %add3A_1803 : i32
        %swap3A_1805 = arith.index_cast %add3A_1804 : i32 to index
        %swap3A_1806 = arith.constant 0 : index
        %swap3A_1807 = tpu.vector_load %arg10[%swap3A_1805, %swap3A_1806] {strides = array<i32>} : memref<128x128xf32, #tpu.memory_space<vmem>>, vector<1x16xf32>,
        %swap3A_1808 = vector.shape_cast %swap3A_1807 : vector<1x16xf32> to vector<16xf32>
        %swap3A_1809 = vector.shape_cast %mul3A_1802 : vector<16xf32> to vector<1x16xf32>
        tpu.vector_store %arg10[%swap3A_1805, %swap3A_1806], %swap3A_1809 {strides = array<i32>} : memref<128x128xf32, #tpu.memory_space<vmem>>, vector<1x16xf32>,
        %add3A_1810 = arith.constant 14 : i32
        %add3A_1811 = arith.addi %mul3A_87, %add3A_1810 : i32
        %get3A_1812 = arith.index_cast %add3A_1811 : i32 to index
        %get3A_1813 = arith.constant 16 : index
        %get3A_1814 = tpu.vector_load %arg10[%get3A_1812, %get3A_1813] {strides = array<i32>} : memref<128x128xf32, #tpu.memory_space<vmem>>, vector<1x16xf32>,
        %get3A_1815 = vector.shape_cast %get3A_1814 : vector<1x16xf32> to vector<16xf32>
        %mul3A_1816 = vector.broadcast %squeeze3A_1794 : f32 to vector<16xf32>
        %mul3A_1817 = arith.mulf %get3A_1815, %mul3A_1816 : vector<16xf32>
        %add3A_1818 = arith.constant 14 : i32
        %add3A_1819 = arith.addi %mul3A_87, %add3A_1818 : i32
        %swap3A_1820 = arith.index_cast %add3A_1819 : i32 to index
        %swap3A_1821 = arith.constant 16 : index
        %swap3A_1822 = tpu.vector_load %arg10[%swap3A_1820, %swap3A_1821] {strides = array<i32>} : memref<128x128xf32, #tpu.memory_space<vmem>>, vector<1x16xf32>,
        %swap3A_1823 = vector.shape_cast %swap3A_1822 : vector<1x16xf32> to vector<16xf32>
        %swap3A_1824 = vector.shape_cast %mul3A_1817 : vector<16xf32> to vector<1x16xf32>
        tpu.vector_store %arg10[%swap3A_1820, %swap3A_1821], %swap3A_1824 {strides = array<i32>} : memref<128x128xf32, #tpu.memory_space<vmem>>, vector<1x16xf32>,
        %add3A_1825 = arith.constant 14 : i32
        %add3A_1826 = arith.addi %mul3A_87, %add3A_1825 : i32
        %get3A_1827 = arith.index_cast %add3A_1826 : i32 to index
        %get3A_1828 = arith.constant 32 : index
        %get3A_1829 = tpu.vector_load %arg10[%get3A_1827, %get3A_1828] {strides = array<i32>} : memref<128x128xf32, #tpu.memory_space<vmem>>, vector<1x16xf32>,
        %get3A_1830 = vector.shape_cast %get3A_1829 : vector<1x16xf32> to vector<16xf32>
        %mul3A_1831 = vector.broadcast %squeeze3A_1794 : f32 to vector<16xf32>
        %mul3A_1832 = arith.mulf %get3A_1830, %mul3A_1831 : vector<16xf32>
        %add3A_1833 = arith.constant 14 : i32
        %add3A_1834 = arith.addi %mul3A_87, %add3A_1833 : i32
        %swap3A_1835 = arith.index_cast %add3A_1834 : i32 to index
        %swap3A_1836 = arith.constant 32 : index
        %swap3A_1837 = tpu.vector_load %arg10[%swap3A_1835, %swap3A_1836] {strides = array<i32>} : memref<128x128xf32, #tpu.memory_space<vmem>>, vector<1x16xf32>,
        %swap3A_1838 = vector.shape_cast %swap3A_1837 : vector<1x16xf32> to vector<16xf32>
        %swap3A_1839 = vector.shape_cast %mul3A_1832 : vector<16xf32> to vector<1x16xf32>
        tpu.vector_store %arg10[%swap3A_1835, %swap3A_1836], %swap3A_1839 {strides = array<i32>} : memref<128x128xf32, #tpu.memory_space<vmem>>, vector<1x16xf32>,
        %add3A_1840 = arith.constant 14 : i32
        %add3A_1841 = arith.addi %mul3A_87, %add3A_1840 : i32
        %get3A_1842 = arith.index_cast %add3A_1841 : i32 to index
        %get3A_1843 = arith.constant 48 : index
        %get3A_1844 = tpu.vector_load %arg10[%get3A_1842, %get3A_1843] {strides = array<i32>} : memref<128x128xf32, #tpu.memory_space<vmem>>, vector<1x16xf32>,
        %get3A_1845 = vector.shape_cast %get3A_1844 : vector<1x16xf32> to vector<16xf32>
        %mul3A_1846 = vector.broadcast %squeeze3A_1794 : f32 to vector<16xf32>
        %mul3A_1847 = arith.mulf %get3A_1845, %mul3A_1846 : vector<16xf32>
        %add3A_1848 = arith.constant 14 : i32
        %add3A_1849 = arith.addi %mul3A_87, %add3A_1848 : i32
        %swap3A_1850 = arith.index_cast %add3A_1849 : i32 to index
        %swap3A_1851 = arith.constant 48 : index
        %swap3A_1852 = tpu.vector_load %arg10[%swap3A_1850, %swap3A_1851] {strides = array<i32>} : memref<128x128xf32, #tpu.memory_space<vmem>>, vector<1x16xf32>,
        %swap3A_1853 = vector.shape_cast %swap3A_1852 : vector<1x16xf32> to vector<16xf32>
        %swap3A_1854 = vector.shape_cast %mul3A_1847 : vector<16xf32> to vector<1x16xf32>
        tpu.vector_store %arg10[%swap3A_1850, %swap3A_1851], %swap3A_1854 {strides = array<i32>} : memref<128x128xf32, #tpu.memory_space<vmem>>, vector<1x16xf32>,
        %add3A_1855 = arith.constant 14 : i32
        %add3A_1856 = arith.addi %mul3A_87, %add3A_1855 : i32
        %get3A_1857 = arith.index_cast %add3A_1856 : i32 to index
        %get3A_1858 = arith.constant 64 : index
        %get3A_1859 = tpu.vector_load %arg10[%get3A_1857, %get3A_1858] {strides = array<i32>} : memref<128x128xf32, #tpu.memory_space<vmem>>, vector<1x16xf32>,
        %get3A_1860 = vector.shape_cast %get3A_1859 : vector<1x16xf32> to vector<16xf32>
        %mul3A_1861 = vector.broadcast %squeeze3A_1794 : f32 to vector<16xf32>
        %mul3A_1862 = arith.mulf %get3A_1860, %mul3A_1861 : vector<16xf32>
        %add3A_1863 = arith.constant 14 : i32
        %add3A_1864 = arith.addi %mul3A_87, %add3A_1863 : i32
        %swap3A_1865 = arith.index_cast %add3A_1864 : i32 to index
        %swap3A_1866 = arith.constant 64 : index
        %swap3A_1867 = tpu.vector_load %arg10[%swap3A_1865, %swap3A_1866] {strides = array<i32>} : memref<128x128xf32, #tpu.memory_space<vmem>>, vector<1x16xf32>,
        %swap3A_1868 = vector.shape_cast %swap3A_1867 : vector<1x16xf32> to vector<16xf32>
        %swap3A_1869 = vector.shape_cast %mul3A_1862 : vector<16xf32> to vector<1x16xf32>
        tpu.vector_store %arg10[%swap3A_1865, %swap3A_1866], %swap3A_1869 {strides = array<i32>} : memref<128x128xf32, #tpu.memory_space<vmem>>, vector<1x16xf32>,
        %add3A_1870 = arith.constant 14 : i32
        %add3A_1871 = arith.addi %mul3A_87, %add3A_1870 : i32
        %get3A_1872 = arith.index_cast %add3A_1871 : i32 to index
        %get3A_1873 = arith.constant 80 : index
        %get3A_1874 = tpu.vector_load %arg10[%get3A_1872, %get3A_1873] {strides = array<i32>} : memref<128x128xf32, #tpu.memory_space<vmem>>, vector<1x16xf32>,
        %get3A_1875 = vector.shape_cast %get3A_1874 : vector<1x16xf32> to vector<16xf32>
        %mul3A_1876 = vector.broadcast %squeeze3A_1794 : f32 to vector<16xf32>
        %mul3A_1877 = arith.mulf %get3A_1875, %mul3A_1876 : vector<16xf32>
        %add3A_1878 = arith.constant 14 : i32
        %add3A_1879 = arith.addi %mul3A_87, %add3A_1878 : i32
        %swap3A_1880 = arith.index_cast %add3A_1879 : i32 to index
        %swap3A_1881 = arith.constant 80 : index
        %swap3A_1882 = tpu.vector_load %arg10[%swap3A_1880, %swap3A_1881] {strides = array<i32>} : memref<128x128xf32, #tpu.memory_space<vmem>>, vector<1x16xf32>,
        %swap3A_1883 = vector.shape_cast %swap3A_1882 : vector<1x16xf32> to vector<16xf32>
        %swap3A_1884 = vector.shape_cast %mul3A_1877 : vector<16xf32> to vector<1x16xf32>
        tpu.vector_store %arg10[%swap3A_1880, %swap3A_1881], %swap3A_1884 {strides = array<i32>} : memref<128x128xf32, #tpu.memory_space<vmem>>, vector<1x16xf32>,
        %add3A_1885 = arith.constant 14 : i32
        %add3A_1886 = arith.addi %mul3A_87, %add3A_1885 : i32
        %get3A_1887 = arith.index_cast %add3A_1886 : i32 to index
        %get3A_1888 = arith.constant 96 : index
        %get3A_1889 = tpu.vector_load %arg10[%get3A_1887, %get3A_1888] {strides = array<i32>} : memref<128x128xf32, #tpu.memory_space<vmem>>, vector<1x16xf32>,
        %get3A_1890 = vector.shape_cast %get3A_1889 : vector<1x16xf32> to vector<16xf32>
        %mul3A_1891 = vector.broadcast %squeeze3A_1794 : f32 to vector<16xf32>
        %mul3A_1892 = arith.mulf %get3A_1890, %mul3A_1891 : vector<16xf32>
        %add3A_1893 = arith.constant 14 : i32
        %add3A_1894 = arith.addi %mul3A_87, %add3A_1893 : i32
        %swap3A_1895 = arith.index_cast %add3A_1894 : i32 to index
        %swap3A_1896 = arith.constant 96 : index
        %swap3A_1897 = tpu.vector_load %arg10[%swap3A_1895, %swap3A_1896] {strides = array<i32>} : memref<128x128xf32, #tpu.memory_space<vmem>>, vector<1x16xf32>,
        %swap3A_1898 = vector.shape_cast %swap3A_1897 : vector<1x16xf32> to vector<16xf32>
        %swap3A_1899 = vector.shape_cast %mul3A_1892 : vector<16xf32> to vector<1x16xf32>
        tpu.vector_store %arg10[%swap3A_1895, %swap3A_1896], %swap3A_1899 {strides = array<i32>} : memref<128x128xf32, #tpu.memory_space<vmem>>, vector<1x16xf32>,
        %add3A_1900 = arith.constant 14 : i32
        %add3A_1901 = arith.addi %mul3A_87, %add3A_1900 : i32
        %get3A_1902 = arith.index_cast %add3A_1901 : i32 to index
        %get3A_1903 = arith.constant 112 : index
        %get3A_1904 = tpu.vector_load %arg10[%get3A_1902, %get3A_1903] {strides = array<i32>} : memref<128x128xf32, #tpu.memory_space<vmem>>, vector<1x16xf32>,
        %get3A_1905 = vector.shape_cast %get3A_1904 : vector<1x16xf32> to vector<16xf32>
        %mul3A_1906 = vector.broadcast %squeeze3A_1794 : f32 to vector<16xf32>
        %mul3A_1907 = arith.mulf %get3A_1905, %mul3A_1906 : vector<16xf32>
        %add3A_1908 = arith.constant 14 : i32
        %add3A_1909 = arith.addi %mul3A_87, %add3A_1908 : i32
        %swap3A_1910 = arith.index_cast %add3A_1909 : i32 to index
        %swap3A_1911 = arith.constant 112 : index
        %swap3A_1912 = tpu.vector_load %arg10[%swap3A_1910, %swap3A_1911] {strides = array<i32>} : memref<128x128xf32, #tpu.memory_space<vmem>>, vector<1x16xf32>,
        %swap3A_1913 = vector.shape_cast %swap3A_1912 : vector<1x16xf32> to vector<16xf32>
        %swap3A_1914 = vector.shape_cast %mul3A_1907 : vector<16xf32> to vector<1x16xf32>
        tpu.vector_store %arg10[%swap3A_1910, %swap3A_1911], %swap3A_1914 {strides = array<i32>} : memref<128x128xf32, #tpu.memory_space<vmem>>, vector<1x16xf32>,
        %slice3A_1915 = vector.extract_strided_slice %get3A_85 {offsets = [15], sizes = [1], strides = [1]} : vector<16xf32> to vector<1xf32>
        %squeeze3A_1916 = vector.extract %slice3A_1915[0] : f32 from vector<1xf32>
        %add3A_1917 = arith.constant 15 : i32
        %add3A_1918 = arith.addi %mul3A_87, %add3A_1917 : i32
        %get3A_1919 = arith.index_cast %add3A_1918 : i32 to index
        %get3A_1920 = arith.constant 0 : index
        %get3A_1921 = tpu.vector_load %arg10[%get3A_1919, %get3A_1920] {strides = array<i32>} : memref<128x128xf32, #tpu.memory_space<vmem>>, vector<1x16xf32>,
        %get3A_1922 = vector.shape_cast %get3A_1921 : vector<1x16xf32> to vector<16xf32>
        %mul3A_1923 = vector.broadcast %squeeze3A_1916 : f32 to vector<16xf32>
        %mul3A_1924 = arith.mulf %get3A_1922, %mul3A_1923 : vector<16xf32>
        %add3A_1925 = arith.constant 15 : i32
        %add3A_1926 = arith.addi %mul3A_87, %add3A_1925 : i32
        %swap3A_1927 = arith.index_cast %add3A_1926 : i32 to index
        %swap3A_1928 = arith.constant 0 : index
        %swap3A_1929 = tpu.vector_load %arg10[%swap3A_1927, %swap3A_1928] {strides = array<i32>} : memref<128x128xf32, #tpu.memory_space<vmem>>, vector<1x16xf32>,
        %swap3A_1930 = vector.shape_cast %swap3A_1929 : vector<1x16xf32> to vector<16xf32>
        %swap3A_1931 = vector.shape_cast %mul3A_1924 : vector<16xf32> to vector<1x16xf32>
        tpu.vector_store %arg10[%swap3A_1927, %swap3A_1928], %swap3A_1931 {strides = array<i32>} : memref<128x128xf32, #tpu.memory_space<vmem>>, vector<1x16xf32>,
        %add3A_1932 = arith.constant 15 : i32
        %add3A_1933 = arith.addi %mul3A_87, %add3A_1932 : i32
        %get3A_1934 = arith.index_cast %add3A_1933 : i32 to index
        %get3A_1935 = arith.constant 16 : index
        %get3A_1936 = tpu.vector_load %arg10[%get3A_1934, %get3A_1935] {strides = array<i32>} : memref<128x128xf32, #tpu.memory_space<vmem>>, vector<1x16xf32>,
        %get3A_1937 = vector.shape_cast %get3A_1936 : vector<1x16xf32> to vector<16xf32>
        %mul3A_1938 = vector.broadcast %squeeze3A_1916 : f32 to vector<16xf32>
        %mul3A_1939 = arith.mulf %get3A_1937, %mul3A_1938 : vector<16xf32>
        %add3A_1940 = arith.constant 15 : i32
        %add3A_1941 = arith.addi %mul3A_87, %add3A_1940 : i32
        %swap3A_1942 = arith.index_cast %add3A_1941 : i32 to index
        %swap3A_1943 = arith.constant 16 : index
        %swap3A_1944 = tpu.vector_load %arg10[%swap3A_1942, %swap3A_1943] {strides = array<i32>} : memref<128x128xf32, #tpu.memory_space<vmem>>, vector<1x16xf32>,
        %swap3A_1945 = vector.shape_cast %swap3A_1944 : vector<1x16xf32> to vector<16xf32>
        %swap3A_1946 = vector.shape_cast %mul3A_1939 : vector<16xf32> to vector<1x16xf32>
        tpu.vector_store %arg10[%swap3A_1942, %swap3A_1943], %swap3A_1946 {strides = array<i32>} : memref<128x128xf32, #tpu.memory_space<vmem>>, vector<1x16xf32>,
        %add3A_1947 = arith.constant 15 : i32
        %add3A_1948 = arith.addi %mul3A_87, %add3A_1947 : i32
        %get3A_1949 = arith.index_cast %add3A_1948 : i32 to index
        %get3A_1950 = arith.constant 32 : index
        %get3A_1951 = tpu.vector_load %arg10[%get3A_1949, %get3A_1950] {strides = array<i32>} : memref<128x128xf32, #tpu.memory_space<vmem>>, vector<1x16xf32>,
        %get3A_1952 = vector.shape_cast %get3A_1951 : vector<1x16xf32> to vector<16xf32>
        %mul3A_1953 = vector.broadcast %squeeze3A_1916 : f32 to vector<16xf32>
        %mul3A_1954 = arith.mulf %get3A_1952, %mul3A_1953 : vector<16xf32>
        %add3A_1955 = arith.constant 15 : i32
        %add3A_1956 = arith.addi %mul3A_87, %add3A_1955 : i32
        %swap3A_1957 = arith.index_cast %add3A_1956 : i32 to index
        %swap3A_1958 = arith.constant 32 : index
        %swap3A_1959 = tpu.vector_load %arg10[%swap3A_1957, %swap3A_1958] {strides = array<i32>} : memref<128x128xf32, #tpu.memory_space<vmem>>, vector<1x16xf32>,
        %swap3A_1960 = vector.shape_cast %swap3A_1959 : vector<1x16xf32> to vector<16xf32>
        %swap3A_1961 = vector.shape_cast %mul3A_1954 : vector<16xf32> to vector<1x16xf32>
        tpu.vector_store %arg10[%swap3A_1957, %swap3A_1958], %swap3A_1961 {strides = array<i32>} : memref<128x128xf32, #tpu.memory_space<vmem>>, vector<1x16xf32>,
        %add3A_1962 = arith.constant 15 : i32
        %add3A_1963 = arith.addi %mul3A_87, %add3A_1962 : i32
        %get3A_1964 = arith.index_cast %add3A_1963 : i32 to index
        %get3A_1965 = arith.constant 48 : index
        %get3A_1966 = tpu.vector_load %arg10[%get3A_1964, %get3A_1965] {strides = array<i32>} : memref<128x128xf32, #tpu.memory_space<vmem>>, vector<1x16xf32>,
        %get3A_1967 = vector.shape_cast %get3A_1966 : vector<1x16xf32> to vector<16xf32>
        %mul3A_1968 = vector.broadcast %squeeze3A_1916 : f32 to vector<16xf32>
        %mul3A_1969 = arith.mulf %get3A_1967, %mul3A_1968 : vector<16xf32>
        %add3A_1970 = arith.constant 15 : i32
        %add3A_1971 = arith.addi %mul3A_87, %add3A_1970 : i32
        %swap3A_1972 = arith.index_cast %add3A_1971 : i32 to index
        %swap3A_1973 = arith.constant 48 : index
        %swap3A_1974 = tpu.vector_load %arg10[%swap3A_1972, %swap3A_1973] {strides = array<i32>} : memref<128x128xf32, #tpu.memory_space<vmem>>, vector<1x16xf32>,
        %swap3A_1975 = vector.shape_cast %swap3A_1974 : vector<1x16xf32> to vector<16xf32>
        %swap3A_1976 = vector.shape_cast %mul3A_1969 : vector<16xf32> to vector<1x16xf32>
        tpu.vector_store %arg10[%swap3A_1972, %swap3A_1973], %swap3A_1976 {strides = array<i32>} : memref<128x128xf32, #tpu.memory_space<vmem>>, vector<1x16xf32>,
        %add3A_1977 = arith.constant 15 : i32
        %add3A_1978 = arith.addi %mul3A_87, %add3A_1977 : i32
        %get3A_1979 = arith.index_cast %add3A_1978 : i32 to index
        %get3A_1980 = arith.constant 64 : index
        %get3A_1981 = tpu.vector_load %arg10[%get3A_1979, %get3A_1980] {strides = array<i32>} : memref<128x128xf32, #tpu.memory_space<vmem>>, vector<1x16xf32>,
        %get3A_1982 = vector.shape_cast %get3A_1981 : vector<1x16xf32> to vector<16xf32>
        %mul3A_1983 = vector.broadcast %squeeze3A_1916 : f32 to vector<16xf32>
        %mul3A_1984 = arith.mulf %get3A_1982, %mul3A_1983 : vector<16xf32>
        %add3A_1985 = arith.constant 15 : i32
        %add3A_1986 = arith.addi %mul3A_87, %add3A_1985 : i32
        %swap3A_1987 = arith.index_cast %add3A_1986 : i32 to index
        %swap3A_1988 = arith.constant 64 : index
        %swap3A_1989 = tpu.vector_load %arg10[%swap3A_1987, %swap3A_1988] {strides = array<i32>} : memref<128x128xf32, #tpu.memory_space<vmem>>, vector<1x16xf32>,
        %swap3A_1990 = vector.shape_cast %swap3A_1989 : vector<1x16xf32> to vector<16xf32>
        %swap3A_1991 = vector.shape_cast %mul3A_1984 : vector<16xf32> to vector<1x16xf32>
        tpu.vector_store %arg10[%swap3A_1987, %swap3A_1988], %swap3A_1991 {strides = array<i32>} : memref<128x128xf32, #tpu.memory_space<vmem>>, vector<1x16xf32>,
        %add3A_1992 = arith.constant 15 : i32
        %add3A_1993 = arith.addi %mul3A_87, %add3A_1992 : i32
        %get3A_1994 = arith.index_cast %add3A_1993 : i32 to index
        %get3A_1995 = arith.constant 80 : index
        %get3A_1996 = tpu.vector_load %arg10[%get3A_1994, %get3A_1995] {strides = array<i32>} : memref<128x128xf32, #tpu.memory_space<vmem>>, vector<1x16xf32>,
        %get3A_1997 = vector.shape_cast %get3A_1996 : vector<1x16xf32> to vector<16xf32>
        %mul3A_1998 = vector.broadcast %squeeze3A_1916 : f32 to vector<16xf32>
        %mul3A_1999 = arith.mulf %get3A_1997, %mul3A_1998 : vector<16xf32>
        %add3A_2000 = arith.constant 15 : i32
        %add3A_2001 = arith.addi %mul3A_87, %add3A_2000 : i32
        %swap3A_2002 = arith.index_cast %add3A_2001 : i32 to index
        %swap3A_2003 = arith.constant 80 : index
        %swap3A_2004 = tpu.vector_load %arg10[%swap3A_2002, %swap3A_2003] {strides = array<i32>} : memref<128x128xf32, #tpu.memory_space<vmem>>, vector<1x16xf32>,
        %swap3A_2005 = vector.shape_cast %swap3A_2004 : vector<1x16xf32> to vector<16xf32>
        %swap3A_2006 = vector.shape_cast %mul3A_1999 : vector<16xf32> to vector<1x16xf32>
        tpu.vector_store %arg10[%swap3A_2002, %swap3A_2003], %swap3A_2006 {strides = array<i32>} : memref<128x128xf32, #tpu.memory_space<vmem>>, vector<1x16xf32>,
        %add3A_2007 = arith.constant 15 : i32
        %add3A_2008 = arith.addi %mul3A_87, %add3A_2007 : i32
        %get3A_2009 = arith.index_cast %add3A_2008 : i32 to index
        %get3A_2010 = arith.constant 96 : index
        %get3A_2011 = tpu.vector_load %arg10[%get3A_2009, %get3A_2010] {strides = array<i32>} : memref<128x128xf32, #tpu.memory_space<vmem>>, vector<1x16xf32>,
        %get3A_2012 = vector.shape_cast %get3A_2011 : vector<1x16xf32> to vector<16xf32>
        %mul3A_2013 = vector.broadcast %squeeze3A_1916 : f32 to vector<16xf32>
        %mul3A_2014 = arith.mulf %get3A_2012, %mul3A_2013 : vector<16xf32>
        %add3A_2015 = arith.constant 15 : i32
        %add3A_2016 = arith.addi %mul3A_87, %add3A_2015 : i32
        %swap3A_2017 = arith.index_cast %add3A_2016 : i32 to index
        %swap3A_2018 = arith.constant 96 : index
        %swap3A_2019 = tpu.vector_load %arg10[%swap3A_2017, %swap3A_2018] {strides = array<i32>} : memref<128x128xf32, #tpu.memory_space<vmem>>, vector<1x16xf32>,
        %swap3A_2020 = vector.shape_cast %swap3A_2019 : vector<1x16xf32> to vector<16xf32>
        %swap3A_2021 = vector.shape_cast %mul3A_2014 : vector<16xf32> to vector<1x16xf32>
        tpu.vector_store %arg10[%swap3A_2017, %swap3A_2018], %swap3A_2021 {strides = array<i32>} : memref<128x128xf32, #tpu.memory_space<vmem>>, vector<1x16xf32>,
        %add3A_2022 = arith.constant 15 : i32
        %add3A_2023 = arith.addi %mul3A_87, %add3A_2022 : i32
        %get3A_2024 = arith.index_cast %add3A_2023 : i32 to index
        %get3A_2025 = arith.constant 112 : index
        %get3A_2026 = tpu.vector_load %arg10[%get3A_2024, %get3A_2025] {strides = array<i32>} : memref<128x128xf32, #tpu.memory_space<vmem>>, vector<1x16xf32>,
        %get3A_2027 = vector.shape_cast %get3A_2026 : vector<1x16xf32> to vector<16xf32>
        %mul3A_2028 = vector.broadcast %squeeze3A_1916 : f32 to vector<16xf32>
        %mul3A_2029 = arith.mulf %get3A_2027, %mul3A_2028 : vector<16xf32>
        %add3A_2030 = arith.constant 15 : i32
        %add3A_2031 = arith.addi %mul3A_87, %add3A_2030 : i32
        %swap3A_2032 = arith.index_cast %add3A_2031 : i32 to index
        %swap3A_2033 = arith.constant 112 : index
        %swap3A_2034 = tpu.vector_load %arg10[%swap3A_2032, %swap3A_2033] {strides = array<i32>} : memref<128x128xf32, #tpu.memory_space<vmem>>, vector<1x16xf32>,
        %swap3A_2035 = vector.shape_cast %swap3A_2034 : vector<1x16xf32> to vector<16xf32>
        %swap3A_2036 = vector.shape_cast %mul3A_2029 : vector<16xf32> to vector<1x16xf32>
        tpu.vector_store %arg10[%swap3A_2032, %swap3A_2033], %swap3A_2036 {strides = array<i32>} : memref<128x128xf32, #tpu.memory_space<vmem>>, vector<1x16xf32>,
        %scan3A_2037 = arith.constant 0 : i32
        scf.yield %scan3A_2037 : i32
      }
      %scan3A_65 = arith.constant 8 : i32
      "tpu.region"() ({
        %run_scoped3A = tpu.sem_alloc : memref<!tpu.dma_semaphore, #tpu.memory_space<semaphore_mem>>
        %dma_start3A_80 = arith.constant 0 : i32
        %dma_start3A_81 = arith.constant 0 : i32
        %dma_start3A_82 = tpu.memref_slice %arg11[%dma_start3A_80, %dma_start3A_81] : memref<8192x128xf32, #tpu.memory_space<vmem_shared>> -> memref<8192x128xf32, #tpu.memory_space<vmem_shared>>
        tpu.enqueue_indirect_dma source(%arg10 : memref<128x128xf32, #tpu.memory_space<vmem>>) target(%dma_start3A_82 : memref<8192x128xf32, #tpu.memory_space<vmem_shared>>) offsets(%arg7 : memref<128xi32, #tpu.memory_space<vmem>>) semaphore(%run_scoped3A : memref<!tpu.dma_semaphore, #tpu.memory_space<semaphore_mem>>) {add = true}
        %dma_wait3A_83 = arith.constant 0 : i32
        %dma_wait3A_84 = arith.constant 0 : i32
        %dma_wait3A_85 = tpu.memref_slice %arg11[%dma_wait3A_83, %dma_wait3A_84] : memref<8192x128xf32, #tpu.memory_space<vmem_shared>> -> memref<8192x128xf32, #tpu.memory_space<vmem_shared>>
        tpu.wait_indirect_dma semaphore(%run_scoped3A : memref<!tpu.dma_semaphore, #tpu.memory_space<semaphore_mem>>) src(%arg10 : memref<128x128xf32, #tpu.memory_space<vmem>>) dst(%dma_wait3A_85 : memref<8192x128xf32, #tpu.memory_space<vmem_shared>>)
        tpu.yield
      }) : () -> ()
      %dma_start3A_66 = arith.constant 0 : i32
      %dma_start3A_67 = arith.constant 0 : i32
      %dma_start3A_68 = tpu.memref_slice %arg5[%dma_start3A_66, %dma_start3A_67] : memref<8192x128xf32, #tpu.memory_space<hbm>> -> memref<8192x128xf32, #tpu.memory_space<hbm>>
      tpu.enqueue_indirect_dma source(%dma_start3A_68 : memref<8192x128xf32, #tpu.memory_space<hbm>>) target(%arg10 : memref<128x128xf32, #tpu.memory_space<vmem>>) offsets(%arg7 : memref<128xi32, #tpu.memory_space<vmem>>) semaphore(%arg12 : memref<!tpu.dma_semaphore, #tpu.memory_space<semaphore_mem>>)
      %dma_wait3A_69 = arith.constant 0 : i32
      %dma_wait3A_70 = arith.constant 0 : i32
      %dma_wait3A_71 = tpu.memref_slice %arg5[%dma_wait3A_69, %dma_wait3A_70] : memref<8192x128xf32, #tpu.memory_space<hbm>> -> memref<8192x128xf32, #tpu.memory_space<hbm>>
      tpu.wait_indirect_dma semaphore(%arg12 : memref<!tpu.dma_semaphore, #tpu.memory_space<semaphore_mem>>) src(%dma_wait3A_71 : memref<8192x128xf32, #tpu.memory_space<hbm>>) dst(%arg10 : memref<128x128xf32, #tpu.memory_space<vmem>>)
      %scan3A_72 = arith.constant 0 : i32
      %scan3A_73 = arith.constant 0 : i32
      %scan3A_74 = arith.constant 8 : i32
      %scan3A_75 = arith.addi %scan3A_73, %scan3A_74 : i32
      %scan3A_76 = arith.constant 1 : i32
      %scan3A_77 = scf.for %scan3A_80 = %scan3A_73 to %scan3A_75 step %scan3A_76 iter_args(%scan3A_81 = %scan3A_72) -> (i32)  : i32 {
        %mul3A_82 = arith.constant 16 : i32
        %mul3A_83 = arith.muli %scan3A_80, %mul3A_82 : i32
        %get3A = arith.index_cast %mul3A_83 : i32 to index
        %get3A_84 = tpu.vector_load %arg9[%get3A] {strides = array<i32>} : memref<128xf32, #tpu.memory_space<vmem>>, vector<16xf32>,
        %get3A_85 = vector.shape_cast %get3A_84 : vector<16xf32> to vector<16xf32>
        %mul3A_86 = arith.constant 16 : i32
        %mul3A_87 = arith.muli %scan3A_80, %mul3A_86 : i32
        %slice3A = vector.extract_strided_slice %get3A_85 {offsets = [0], sizes = [1], strides = [1]} : vector<16xf32> to vector<1xf32>
        %squeeze3A = vector.extract %slice3A[0] : f32 from vector<1xf32>
        %add3A_88 = arith.constant 0 : i32
        %add3A_89 = arith.addi %mul3A_87, %add3A_88 : i32
        %get3A_90 = arith.index_cast %add3A_89 : i32 to index
        %get3A_91 = arith.constant 0 : index
        %get3A_92 = tpu.vector_load %arg10[%get3A_90, %get3A_91] {strides = array<i32>} : memref<128x128xf32, #tpu.memory_space<vmem>>, vector<1x16xf32>,
        %get3A_93 = vector.shape_cast %get3A_92 : vector<1x16xf32> to vector<16xf32>
        %mul3A_94 = vector.broadcast %squeeze3A : f32 to vector<16xf32>
        %mul3A_95 = arith.mulf %get3A_93, %mul3A_94 : vector<16xf32>
        %add3A_96 = arith.constant 0 : i32
        %add3A_97 = arith.addi %mul3A_87, %add3A_96 : i32
        %swap3A = arith.index_cast %add3A_97 : i32 to index
        %swap3A_98 = arith.constant 0 : index
        %swap3A_99 = tpu.vector_load %arg10[%swap3A, %swap3A_98] {strides = array<i32>} : memref<128x128xf32, #tpu.memory_space<vmem>>, vector<1x16xf32>,
        %swap3A_100 = vector.shape_cast %swap3A_99 : vector<1x16xf32> to vector<16xf32>
        %swap3A_101 = vector.shape_cast %mul3A_95 : vector<16xf32> to vector<1x16xf32>
        tpu.vector_store %arg10[%swap3A, %swap3A_98], %swap3A_101 {strides = array<i32>} : memref<128x128xf32, #tpu.memory_space<vmem>>, vector<1x16xf32>,
        %add3A_102 = arith.constant 0 : i32
        %add3A_103 = arith.addi %mul3A_87, %add3A_102 : i32
        %get3A_104 = arith.index_cast %add3A_103 : i32 to index
        %get3A_105 = arith.constant 16 : index
        %get3A_106 = tpu.vector_load %arg10[%get3A_104, %get3A_105] {strides = array<i32>} : memref<128x128xf32, #tpu.memory_space<vmem>>, vector<1x16xf32>,
        %get3A_107 = vector.shape_cast %get3A_106 : vector<1x16xf32> to vector<16xf32>
        %mul3A_108 = vector.broadcast %squeeze3A : f32 to vector<16xf32>
        %mul3A_109 = arith.mulf %get3A_107, %mul3A_108 : vector<16xf32>
        %add3A_110 = arith.constant 0 : i32
        %add3A_111 = arith.addi %mul3A_87, %add3A_110 : i32
        %swap3A_112 = arith.index_cast %add3A_111 : i32 to index
        %swap3A_113 = arith.constant 16 : index
        %swap3A_114 = tpu.vector_load %arg10[%swap3A_112, %swap3A_113] {strides = array<i32>} : memref<128x128xf32, #tpu.memory_space<vmem>>, vector<1x16xf32>,
        %swap3A_115 = vector.shape_cast %swap3A_114 : vector<1x16xf32> to vector<16xf32>
        %swap3A_116 = vector.shape_cast %mul3A_109 : vector<16xf32> to vector<1x16xf32>
        tpu.vector_store %arg10[%swap3A_112, %swap3A_113], %swap3A_116 {strides = array<i32>} : memref<128x128xf32, #tpu.memory_space<vmem>>, vector<1x16xf32>,
        %add3A_117 = arith.constant 0 : i32
        %add3A_118 = arith.addi %mul3A_87, %add3A_117 : i32
        %get3A_119 = arith.index_cast %add3A_118 : i32 to index
        %get3A_120 = arith.constant 32 : index
        %get3A_121 = tpu.vector_load %arg10[%get3A_119, %get3A_120] {strides = array<i32>} : memref<128x128xf32, #tpu.memory_space<vmem>>, vector<1x16xf32>,
        %get3A_122 = vector.shape_cast %get3A_121 : vector<1x16xf32> to vector<16xf32>
        %mul3A_123 = vector.broadcast %squeeze3A : f32 to vector<16xf32>
        %mul3A_124 = arith.mulf %get3A_122, %mul3A_123 : vector<16xf32>
        %add3A_125 = arith.constant 0 : i32
        %add3A_126 = arith.addi %mul3A_87, %add3A_125 : i32
        %swap3A_127 = arith.index_cast %add3A_126 : i32 to index
        %swap3A_128 = arith.constant 32 : index
        %swap3A_129 = tpu.vector_load %arg10[%swap3A_127, %swap3A_128] {strides = array<i32>} : memref<128x128xf32, #tpu.memory_space<vmem>>, vector<1x16xf32>,
        %swap3A_130 = vector.shape_cast %swap3A_129 : vector<1x16xf32> to vector<16xf32>
        %swap3A_131 = vector.shape_cast %mul3A_124 : vector<16xf32> to vector<1x16xf32>
        tpu.vector_store %arg10[%swap3A_127, %swap3A_128], %swap3A_131 {strides = array<i32>} : memref<128x128xf32, #tpu.memory_space<vmem>>, vector<1x16xf32>,
        %add3A_132 = arith.constant 0 : i32
        %add3A_133 = arith.addi %mul3A_87, %add3A_132 : i32
        %get3A_134 = arith.index_cast %add3A_133 : i32 to index
        %get3A_135 = arith.constant 48 : index
        %get3A_136 = tpu.vector_load %arg10[%get3A_134, %get3A_135] {strides = array<i32>} : memref<128x128xf32, #tpu.memory_space<vmem>>, vector<1x16xf32>,
        %get3A_137 = vector.shape_cast %get3A_136 : vector<1x16xf32> to vector<16xf32>
        %mul3A_138 = vector.broadcast %squeeze3A : f32 to vector<16xf32>
        %mul3A_139 = arith.mulf %get3A_137, %mul3A_138 : vector<16xf32>
        %add3A_140 = arith.constant 0 : i32
        %add3A_141 = arith.addi %mul3A_87, %add3A_140 : i32
        %swap3A_142 = arith.index_cast %add3A_141 : i32 to index
        %swap3A_143 = arith.constant 48 : index
        %swap3A_144 = tpu.vector_load %arg10[%swap3A_142, %swap3A_143] {strides = array<i32>} : memref<128x128xf32, #tpu.memory_space<vmem>>, vector<1x16xf32>,
        %swap3A_145 = vector.shape_cast %swap3A_144 : vector<1x16xf32> to vector<16xf32>
        %swap3A_146 = vector.shape_cast %mul3A_139 : vector<16xf32> to vector<1x16xf32>
        tpu.vector_store %arg10[%swap3A_142, %swap3A_143], %swap3A_146 {strides = array<i32>} : memref<128x128xf32, #tpu.memory_space<vmem>>, vector<1x16xf32>,
        %add3A_147 = arith.constant 0 : i32
        %add3A_148 = arith.addi %mul3A_87, %add3A_147 : i32
        %get3A_149 = arith.index_cast %add3A_148 : i32 to index
        %get3A_150 = arith.constant 64 : index
        %get3A_151 = tpu.vector_load %arg10[%get3A_149, %get3A_150] {strides = array<i32>} : memref<128x128xf32, #tpu.memory_space<vmem>>, vector<1x16xf32>,
        %get3A_152 = vector.shape_cast %get3A_151 : vector<1x16xf32> to vector<16xf32>
        %mul3A_153 = vector.broadcast %squeeze3A : f32 to vector<16xf32>
        %mul3A_154 = arith.mulf %get3A_152, %mul3A_153 : vector<16xf32>
        %add3A_155 = arith.constant 0 : i32
        %add3A_156 = arith.addi %mul3A_87, %add3A_155 : i32
        %swap3A_157 = arith.index_cast %add3A_156 : i32 to index
        %swap3A_158 = arith.constant 64 : index
        %swap3A_159 = tpu.vector_load %arg10[%swap3A_157, %swap3A_158] {strides = array<i32>} : memref<128x128xf32, #tpu.memory_space<vmem>>, vector<1x16xf32>,
        %swap3A_160 = vector.shape_cast %swap3A_159 : vector<1x16xf32> to vector<16xf32>
        %swap3A_161 = vector.shape_cast %mul3A_154 : vector<16xf32> to vector<1x16xf32>
        tpu.vector_store %arg10[%swap3A_157, %swap3A_158], %swap3A_161 {strides = array<i32>} : memref<128x128xf32, #tpu.memory_space<vmem>>, vector<1x16xf32>,
        %add3A_162 = arith.constant 0 : i32
        %add3A_163 = arith.addi %mul3A_87, %add3A_162 : i32
        %get3A_164 = arith.index_cast %add3A_163 : i32 to index
        %get3A_165 = arith.constant 80 : index
        %get3A_166 = tpu.vector_load %arg10[%get3A_164, %get3A_165] {strides = array<i32>} : memref<128x128xf32, #tpu.memory_space<vmem>>, vector<1x16xf32>,
        %get3A_167 = vector.shape_cast %get3A_166 : vector<1x16xf32> to vector<16xf32>
        %mul3A_168 = vector.broadcast %squeeze3A : f32 to vector<16xf32>
        %mul3A_169 = arith.mulf %get3A_167, %mul3A_168 : vector<16xf32>
        %add3A_170 = arith.constant 0 : i32
        %add3A_171 = arith.addi %mul3A_87, %add3A_170 : i32
        %swap3A_172 = arith.index_cast %add3A_171 : i32 to index
        %swap3A_173 = arith.constant 80 : index
        %swap3A_174 = tpu.vector_load %arg10[%swap3A_172, %swap3A_173] {strides = array<i32>} : memref<128x128xf32, #tpu.memory_space<vmem>>, vector<1x16xf32>,
        %swap3A_175 = vector.shape_cast %swap3A_174 : vector<1x16xf32> to vector<16xf32>
        %swap3A_176 = vector.shape_cast %mul3A_169 : vector<16xf32> to vector<1x16xf32>
        tpu.vector_store %arg10[%swap3A_172, %swap3A_173], %swap3A_176 {strides = array<i32>} : memref<128x128xf32, #tpu.memory_space<vmem>>, vector<1x16xf32>,
        %add3A_177 = arith.constant 0 : i32
        %add3A_178 = arith.addi %mul3A_87, %add3A_177 : i32
        %get3A_179 = arith.index_cast %add3A_178 : i32 to index
        %get3A_180 = arith.constant 96 : index
        %get3A_181 = tpu.vector_load %arg10[%get3A_179, %get3A_180] {strides = array<i32>} : memref<128x128xf32, #tpu.memory_space<vmem>>, vector<1x16xf32>,
        %get3A_182 = vector.shape_cast %get3A_181 : vector<1x16xf32> to vector<16xf32>
        %mul3A_183 = vector.broadcast %squeeze3A : f32 to vector<16xf32>
        %mul3A_184 = arith.mulf %get3A_182, %mul3A_183 : vector<16xf32>
        %add3A_185 = arith.constant 0 : i32
        %add3A_186 = arith.addi %mul3A_87, %add3A_185 : i32
        %swap3A_187 = arith.index_cast %add3A_186 : i32 to index
        %swap3A_188 = arith.constant 96 : index
        %swap3A_189 = tpu.vector_load %arg10[%swap3A_187, %swap3A_188] {strides = array<i32>} : memref<128x128xf32, #tpu.memory_space<vmem>>, vector<1x16xf32>,
        %swap3A_190 = vector.shape_cast %swap3A_189 : vector<1x16xf32> to vector<16xf32>
        %swap3A_191 = vector.shape_cast %mul3A_184 : vector<16xf32> to vector<1x16xf32>
        tpu.vector_store %arg10[%swap3A_187, %swap3A_188], %swap3A_191 {strides = array<i32>} : memref<128x128xf32, #tpu.memory_space<vmem>>, vector<1x16xf32>,
        %add3A_192 = arith.constant 0 : i32
        %add3A_193 = arith.addi %mul3A_87, %add3A_192 : i32
        %get3A_194 = arith.index_cast %add3A_193 : i32 to index
        %get3A_195 = arith.constant 112 : index
        %get3A_196 = tpu.vector_load %arg10[%get3A_194, %get3A_195] {strides = array<i32>} : memref<128x128xf32, #tpu.memory_space<vmem>>, vector<1x16xf32>,
        %get3A_197 = vector.shape_cast %get3A_196 : vector<1x16xf32> to vector<16xf32>
        %mul3A_198 = vector.broadcast %squeeze3A : f32 to vector<16xf32>
        %mul3A_199 = arith.mulf %get3A_197, %mul3A_198 : vector<16xf32>
        %add3A_200 = arith.constant 0 : i32
        %add3A_201 = arith.addi %mul3A_87, %add3A_200 : i32
        %swap3A_202 = arith.index_cast %add3A_201 : i32 to index
        %swap3A_203 = arith.constant 112 : index
        %swap3A_204 = tpu.vector_load %arg10[%swap3A_202, %swap3A_203] {strides = array<i32>} : memref<128x128xf32, #tpu.memory_space<vmem>>, vector<1x16xf32>,
        %swap3A_205 = vector.shape_cast %swap3A_204 : vector<1x16xf32> to vector<16xf32>
        %swap3A_206 = vector.shape_cast %mul3A_199 : vector<16xf32> to vector<1x16xf32>
        tpu.vector_store %arg10[%swap3A_202, %swap3A_203], %swap3A_206 {strides = array<i32>} : memref<128x128xf32, #tpu.memory_space<vmem>>, vector<1x16xf32>,
        %slice3A_207 = vector.extract_strided_slice %get3A_85 {offsets = [1], sizes = [1], strides = [1]} : vector<16xf32> to vector<1xf32>
        %squeeze3A_208 = vector.extract %slice3A_207[0] : f32 from vector<1xf32>
        %add3A_209 = arith.constant 1 : i32
        %add3A_210 = arith.addi %mul3A_87, %add3A_209 : i32
        %get3A_211 = arith.index_cast %add3A_210 : i32 to index
        %get3A_212 = arith.constant 0 : index
        %get3A_213 = tpu.vector_load %arg10[%get3A_211, %get3A_212] {strides = array<i32>} : memref<128x128xf32, #tpu.memory_space<vmem>>, vector<1x16xf32>,
        %get3A_214 = vector.shape_cast %get3A_213 : vector<1x16xf32> to vector<16xf32>
        %mul3A_215 = vector.broadcast %squeeze3A_208 : f32 to vector<16xf32>
        %mul3A_216 = arith.mulf %get3A_214, %mul3A_215 : vector<16xf32>
        %add3A_217 = arith.constant 1 : i32
        %add3A_218 = arith.addi %mul3A_87, %add3A_217 : i32
        %swap3A_219 = arith.index_cast %add3A_218 : i32 to index
        %swap3A_220 = arith.constant 0 : index
        %swap3A_221 = tpu.vector_load %arg10[%swap3A_219, %swap3A_220] {strides = array<i32>} : memref<128x128xf32, #tpu.memory_space<vmem>>, vector<1x16xf32>,
        %swap3A_222 = vector.shape_cast %swap3A_221 : vector<1x16xf32> to vector<16xf32>
        %swap3A_223 = vector.shape_cast %mul3A_216 : vector<16xf32> to vector<1x16xf32>
        tpu.vector_store %arg10[%swap3A_219, %swap3A_220], %swap3A_223 {strides = array<i32>} : memref<128x128xf32, #tpu.memory_space<vmem>>, vector<1x16xf32>,
        %add3A_224 = arith.constant 1 : i32
        %add3A_225 = arith.addi %mul3A_87, %add3A_224 : i32
        %get3A_226 = arith.index_cast %add3A_225 : i32 to index
        %get3A_227 = arith.constant 16 : index
        %get3A_228 = tpu.vector_load %arg10[%get3A_226, %get3A_227] {strides = array<i32>} : memref<128x128xf32, #tpu.memory_space<vmem>>, vector<1x16xf32>,
        %get3A_229 = vector.shape_cast %get3A_228 : vector<1x16xf32> to vector<16xf32>
        %mul3A_230 = vector.broadcast %squeeze3A_208 : f32 to vector<16xf32>
        %mul3A_231 = arith.mulf %get3A_229, %mul3A_230 : vector<16xf32>
        %add3A_232 = arith.constant 1 : i32
        %add3A_233 = arith.addi %mul3A_87, %add3A_232 : i32
        %swap3A_234 = arith.index_cast %add3A_233 : i32 to index
        %swap3A_235 = arith.constant 16 : index
        %swap3A_236 = tpu.vector_load %arg10[%swap3A_234, %swap3A_235] {strides = array<i32>} : memref<128x128xf32, #tpu.memory_space<vmem>>, vector<1x16xf32>,
        %swap3A_237 = vector.shape_cast %swap3A_236 : vector<1x16xf32> to vector<16xf32>
        %swap3A_238 = vector.shape_cast %mul3A_231 : vector<16xf32> to vector<1x16xf32>
        tpu.vector_store %arg10[%swap3A_234, %swap3A_235], %swap3A_238 {strides = array<i32>} : memref<128x128xf32, #tpu.memory_space<vmem>>, vector<1x16xf32>,
        %add3A_239 = arith.constant 1 : i32
        %add3A_240 = arith.addi %mul3A_87, %add3A_239 : i32
        %get3A_241 = arith.index_cast %add3A_240 : i32 to index
        %get3A_242 = arith.constant 32 : index
        %get3A_243 = tpu.vector_load %arg10[%get3A_241, %get3A_242] {strides = array<i32>} : memref<128x128xf32, #tpu.memory_space<vmem>>, vector<1x16xf32>,
        %get3A_244 = vector.shape_cast %get3A_243 : vector<1x16xf32> to vector<16xf32>
        %mul3A_245 = vector.broadcast %squeeze3A_208 : f32 to vector<16xf32>
        %mul3A_246 = arith.mulf %get3A_244, %mul3A_245 : vector<16xf32>
        %add3A_247 = arith.constant 1 : i32
        %add3A_248 = arith.addi %mul3A_87, %add3A_247 : i32
        %swap3A_249 = arith.index_cast %add3A_248 : i32 to index
        %swap3A_250 = arith.constant 32 : index
        %swap3A_251 = tpu.vector_load %arg10[%swap3A_249, %swap3A_250] {strides = array<i32>} : memref<128x128xf32, #tpu.memory_space<vmem>>, vector<1x16xf32>,
        %swap3A_252 = vector.shape_cast %swap3A_251 : vector<1x16xf32> to vector<16xf32>
        %swap3A_253 = vector.shape_cast %mul3A_246 : vector<16xf32> to vector<1x16xf32>
        tpu.vector_store %arg10[%swap3A_249, %swap3A_250], %swap3A_253 {strides = array<i32>} : memref<128x128xf32, #tpu.memory_space<vmem>>, vector<1x16xf32>,
        %add3A_254 = arith.constant 1 : i32
        %add3A_255 = arith.addi %mul3A_87, %add3A_254 : i32
        %get3A_256 = arith.index_cast %add3A_255 : i32 to index
        %get3A_257 = arith.constant 48 : index
        %get3A_258 = tpu.vector_load %arg10[%get3A_256, %get3A_257] {strides = array<i32>} : memref<128x128xf32, #tpu.memory_space<vmem>>, vector<1x16xf32>,
        %get3A_259 = vector.shape_cast %get3A_258 : vector<1x16xf32> to vector<16xf32>
        %mul3A_260 = vector.broadcast %squeeze3A_208 : f32 to vector<16xf32>
        %mul3A_261 = arith.mulf %get3A_259, %mul3A_260 : vector<16xf32>
        %add3A_262 = arith.constant 1 : i32
        %add3A_263 = arith.addi %mul3A_87, %add3A_262 : i32
        %swap3A_264 = arith.index_cast %add3A_263 : i32 to index
        %swap3A_265 = arith.constant 48 : index
        %swap3A_266 = tpu.vector_load %arg10[%swap3A_264, %swap3A_265] {strides = array<i32>} : memref<128x128xf32, #tpu.memory_space<vmem>>, vector<1x16xf32>,
        %swap3A_267 = vector.shape_cast %swap3A_266 : vector<1x16xf32> to vector<16xf32>
        %swap3A_268 = vector.shape_cast %mul3A_261 : vector<16xf32> to vector<1x16xf32>
        tpu.vector_store %arg10[%swap3A_264, %swap3A_265], %swap3A_268 {strides = array<i32>} : memref<128x128xf32, #tpu.memory_space<vmem>>, vector<1x16xf32>,
        %add3A_269 = arith.constant 1 : i32
        %add3A_270 = arith.addi %mul3A_87, %add3A_269 : i32
        %get3A_271 = arith.index_cast %add3A_270 : i32 to index
        %get3A_272 = arith.constant 64 : index
        %get3A_273 = tpu.vector_load %arg10[%get3A_271, %get3A_272] {strides = array<i32>} : memref<128x128xf32, #tpu.memory_space<vmem>>, vector<1x16xf32>,
        %get3A_274 = vector.shape_cast %get3A_273 : vector<1x16xf32> to vector<16xf32>
        %mul3A_275 = vector.broadcast %squeeze3A_208 : f32 to vector<16xf32>
        %mul3A_276 = arith.mulf %get3A_274, %mul3A_275 : vector<16xf32>
        %add3A_277 = arith.constant 1 : i32
        %add3A_278 = arith.addi %mul3A_87, %add3A_277 : i32
        %swap3A_279 = arith.index_cast %add3A_278 : i32 to index
        %swap3A_280 = arith.constant 64 : index
        %swap3A_281 = tpu.vector_load %arg10[%swap3A_279, %swap3A_280] {strides = array<i32>} : memref<128x128xf32, #tpu.memory_space<vmem>>, vector<1x16xf32>,
        %swap3A_282 = vector.shape_cast %swap3A_281 : vector<1x16xf32> to vector<16xf32>
        %swap3A_283 = vector.shape_cast %mul3A_276 : vector<16xf32> to vector<1x16xf32>
        tpu.vector_store %arg10[%swap3A_279, %swap3A_280], %swap3A_283 {strides = array<i32>} : memref<128x128xf32, #tpu.memory_space<vmem>>, vector<1x16xf32>,
        %add3A_284 = arith.constant 1 : i32
        %add3A_285 = arith.addi %mul3A_87, %add3A_284 : i32
        %get3A_286 = arith.index_cast %add3A_285 : i32 to index
        %get3A_287 = arith.constant 80 : index
        %get3A_288 = tpu.vector_load %arg10[%get3A_286, %get3A_287] {strides = array<i32>} : memref<128x128xf32, #tpu.memory_space<vmem>>, vector<1x16xf32>,
        %get3A_289 = vector.shape_cast %get3A_288 : vector<1x16xf32> to vector<16xf32>
        %mul3A_290 = vector.broadcast %squeeze3A_208 : f32 to vector<16xf32>
        %mul3A_291 = arith.mulf %get3A_289, %mul3A_290 : vector<16xf32>
        %add3A_292 = arith.constant 1 : i32
        %add3A_293 = arith.addi %mul3A_87, %add3A_292 : i32
        %swap3A_294 = arith.index_cast %add3A_293 : i32 to index
        %swap3A_295 = arith.constant 80 : index
        %swap3A_296 = tpu.vector_load %arg10[%swap3A_294, %swap3A_295] {strides = array<i32>} : memref<128x128xf32, #tpu.memory_space<vmem>>, vector<1x16xf32>,
        %swap3A_297 = vector.shape_cast %swap3A_296 : vector<1x16xf32> to vector<16xf32>
        %swap3A_298 = vector.shape_cast %mul3A_291 : vector<16xf32> to vector<1x16xf32>
        tpu.vector_store %arg10[%swap3A_294, %swap3A_295], %swap3A_298 {strides = array<i32>} : memref<128x128xf32, #tpu.memory_space<vmem>>, vector<1x16xf32>,
        %add3A_299 = arith.constant 1 : i32
        %add3A_300 = arith.addi %mul3A_87, %add3A_299 : i32
        %get3A_301 = arith.index_cast %add3A_300 : i32 to index
        %get3A_302 = arith.constant 96 : index
        %get3A_303 = tpu.vector_load %arg10[%get3A_301, %get3A_302] {strides = array<i32>} : memref<128x128xf32, #tpu.memory_space<vmem>>, vector<1x16xf32>,
        %get3A_304 = vector.shape_cast %get3A_303 : vector<1x16xf32> to vector<16xf32>
        %mul3A_305 = vector.broadcast %squeeze3A_208 : f32 to vector<16xf32>
        %mul3A_306 = arith.mulf %get3A_304, %mul3A_305 : vector<16xf32>
        %add3A_307 = arith.constant 1 : i32
        %add3A_308 = arith.addi %mul3A_87, %add3A_307 : i32
        %swap3A_309 = arith.index_cast %add3A_308 : i32 to index
        %swap3A_310 = arith.constant 96 : index
        %swap3A_311 = tpu.vector_load %arg10[%swap3A_309, %swap3A_310] {strides = array<i32>} : memref<128x128xf32, #tpu.memory_space<vmem>>, vector<1x16xf32>,
        %swap3A_312 = vector.shape_cast %swap3A_311 : vector<1x16xf32> to vector<16xf32>
        %swap3A_313 = vector.shape_cast %mul3A_306 : vector<16xf32> to vector<1x16xf32>
        tpu.vector_store %arg10[%swap3A_309, %swap3A_310], %swap3A_313 {strides = array<i32>} : memref<128x128xf32, #tpu.memory_space<vmem>>, vector<1x16xf32>,
        %add3A_314 = arith.constant 1 : i32
        %add3A_315 = arith.addi %mul3A_87, %add3A_314 : i32
        %get3A_316 = arith.index_cast %add3A_315 : i32 to index
        %get3A_317 = arith.constant 112 : index
        %get3A_318 = tpu.vector_load %arg10[%get3A_316, %get3A_317] {strides = array<i32>} : memref<128x128xf32, #tpu.memory_space<vmem>>, vector<1x16xf32>,
        %get3A_319 = vector.shape_cast %get3A_318 : vector<1x16xf32> to vector<16xf32>
        %mul3A_320 = vector.broadcast %squeeze3A_208 : f32 to vector<16xf32>
        %mul3A_321 = arith.mulf %get3A_319, %mul3A_320 : vector<16xf32>
        %add3A_322 = arith.constant 1 : i32
        %add3A_323 = arith.addi %mul3A_87, %add3A_322 : i32
        %swap3A_324 = arith.index_cast %add3A_323 : i32 to index
        %swap3A_325 = arith.constant 112 : index
        %swap3A_326 = tpu.vector_load %arg10[%swap3A_324, %swap3A_325] {strides = array<i32>} : memref<128x128xf32, #tpu.memory_space<vmem>>, vector<1x16xf32>,
        %swap3A_327 = vector.shape_cast %swap3A_326 : vector<1x16xf32> to vector<16xf32>
        %swap3A_328 = vector.shape_cast %mul3A_321 : vector<16xf32> to vector<1x16xf32>
        tpu.vector_store %arg10[%swap3A_324, %swap3A_325], %swap3A_328 {strides = array<i32>} : memref<128x128xf32, #tpu.memory_space<vmem>>, vector<1x16xf32>,
        %slice3A_329 = vector.extract_strided_slice %get3A_85 {offsets = [2], sizes = [1], strides = [1]} : vector<16xf32> to vector<1xf32>
        %squeeze3A_330 = vector.extract %slice3A_329[0] : f32 from vector<1xf32>
        %add3A_331 = arith.constant 2 : i32
        %add3A_332 = arith.addi %mul3A_87, %add3A_331 : i32
        %get3A_333 = arith.index_cast %add3A_332 : i32 to index
        %get3A_334 = arith.constant 0 : index
        %get3A_335 = tpu.vector_load %arg10[%get3A_333, %get3A_334] {strides = array<i32>} : memref<128x128xf32, #tpu.memory_space<vmem>>, vector<1x16xf32>,
        %get3A_336 = vector.shape_cast %get3A_335 : vector<1x16xf32> to vector<16xf32>
        %mul3A_337 = vector.broadcast %squeeze3A_330 : f32 to vector<16xf32>
        %mul3A_338 = arith.mulf %get3A_336, %mul3A_337 : vector<16xf32>
        %add3A_339 = arith.constant 2 : i32
        %add3A_340 = arith.addi %mul3A_87, %add3A_339 : i32
        %swap3A_341 = arith.index_cast %add3A_340 : i32 to index
        %swap3A_342 = arith.constant 0 : index
        %swap3A_343 = tpu.vector_load %arg10[%swap3A_341, %swap3A_342] {strides = array<i32>} : memref<128x128xf32, #tpu.memory_space<vmem>>, vector<1x16xf32>,
        %swap3A_344 = vector.shape_cast %swap3A_343 : vector<1x16xf32> to vector<16xf32>
        %swap3A_345 = vector.shape_cast %mul3A_338 : vector<16xf32> to vector<1x16xf32>
        tpu.vector_store %arg10[%swap3A_341, %swap3A_342], %swap3A_345 {strides = array<i32>} : memref<128x128xf32, #tpu.memory_space<vmem>>, vector<1x16xf32>,
        %add3A_346 = arith.constant 2 : i32
        %add3A_347 = arith.addi %mul3A_87, %add3A_346 : i32
        %get3A_348 = arith.index_cast %add3A_347 : i32 to index
        %get3A_349 = arith.constant 16 : index
        %get3A_350 = tpu.vector_load %arg10[%get3A_348, %get3A_349] {strides = array<i32>} : memref<128x128xf32, #tpu.memory_space<vmem>>, vector<1x16xf32>,
        %get3A_351 = vector.shape_cast %get3A_350 : vector<1x16xf32> to vector<16xf32>
        %mul3A_352 = vector.broadcast %squeeze3A_330 : f32 to vector<16xf32>
        %mul3A_353 = arith.mulf %get3A_351, %mul3A_352 : vector<16xf32>
        %add3A_354 = arith.constant 2 : i32
        %add3A_355 = arith.addi %mul3A_87, %add3A_354 : i32
        %swap3A_356 = arith.index_cast %add3A_355 : i32 to index
        %swap3A_357 = arith.constant 16 : index
        %swap3A_358 = tpu.vector_load %arg10[%swap3A_356, %swap3A_357] {strides = array<i32>} : memref<128x128xf32, #tpu.memory_space<vmem>>, vector<1x16xf32>,
        %swap3A_359 = vector.shape_cast %swap3A_358 : vector<1x16xf32> to vector<16xf32>
        %swap3A_360 = vector.shape_cast %mul3A_353 : vector<16xf32> to vector<1x16xf32>
        tpu.vector_store %arg10[%swap3A_356, %swap3A_357], %swap3A_360 {strides = array<i32>} : memref<128x128xf32, #tpu.memory_space<vmem>>, vector<1x16xf32>,
        %add3A_361 = arith.constant 2 : i32
        %add3A_362 = arith.addi %mul3A_87, %add3A_361 : i32
        %get3A_363 = arith.index_cast %add3A_362 : i32 to index
        %get3A_364 = arith.constant 32 : index
        %get3A_365 = tpu.vector_load %arg10[%get3A_363, %get3A_364] {strides = array<i32>} : memref<128x128xf32, #tpu.memory_space<vmem>>, vector<1x16xf32>,
        %get3A_366 = vector.shape_cast %get3A_365 : vector<1x16xf32> to vector<16xf32>
        %mul3A_367 = vector.broadcast %squeeze3A_330 : f32 to vector<16xf32>
        %mul3A_368 = arith.mulf %get3A_366, %mul3A_367 : vector<16xf32>
        %add3A_369 = arith.constant 2 : i32
        %add3A_370 = arith.addi %mul3A_87, %add3A_369 : i32
        %swap3A_371 = arith.index_cast %add3A_370 : i32 to index
        %swap3A_372 = arith.constant 32 : index
        %swap3A_373 = tpu.vector_load %arg10[%swap3A_371, %swap3A_372] {strides = array<i32>} : memref<128x128xf32, #tpu.memory_space<vmem>>, vector<1x16xf32>,
        %swap3A_374 = vector.shape_cast %swap3A_373 : vector<1x16xf32> to vector<16xf32>
        %swap3A_375 = vector.shape_cast %mul3A_368 : vector<16xf32> to vector<1x16xf32>
        tpu.vector_store %arg10[%swap3A_371, %swap3A_372], %swap3A_375 {strides = array<i32>} : memref<128x128xf32, #tpu.memory_space<vmem>>, vector<1x16xf32>,
        %add3A_376 = arith.constant 2 : i32
        %add3A_377 = arith.addi %mul3A_87, %add3A_376 : i32
        %get3A_378 = arith.index_cast %add3A_377 : i32 to index
        %get3A_379 = arith.constant 48 : index
        %get3A_380 = tpu.vector_load %arg10[%get3A_378, %get3A_379] {strides = array<i32>} : memref<128x128xf32, #tpu.memory_space<vmem>>, vector<1x16xf32>,
        %get3A_381 = vector.shape_cast %get3A_380 : vector<1x16xf32> to vector<16xf32>
        %mul3A_382 = vector.broadcast %squeeze3A_330 : f32 to vector<16xf32>
        %mul3A_383 = arith.mulf %get3A_381, %mul3A_382 : vector<16xf32>
        %add3A_384 = arith.constant 2 : i32
        %add3A_385 = arith.addi %mul3A_87, %add3A_384 : i32
        %swap3A_386 = arith.index_cast %add3A_385 : i32 to index
        %swap3A_387 = arith.constant 48 : index
        %swap3A_388 = tpu.vector_load %arg10[%swap3A_386, %swap3A_387] {strides = array<i32>} : memref<128x128xf32, #tpu.memory_space<vmem>>, vector<1x16xf32>,
        %swap3A_389 = vector.shape_cast %swap3A_388 : vector<1x16xf32> to vector<16xf32>
        %swap3A_390 = vector.shape_cast %mul3A_383 : vector<16xf32> to vector<1x16xf32>
        tpu.vector_store %arg10[%swap3A_386, %swap3A_387], %swap3A_390 {strides = array<i32>} : memref<128x128xf32, #tpu.memory_space<vmem>>, vector<1x16xf32>,
        %add3A_391 = arith.constant 2 : i32
        %add3A_392 = arith.addi %mul3A_87, %add3A_391 : i32
        %get3A_393 = arith.index_cast %add3A_392 : i32 to index
        %get3A_394 = arith.constant 64 : index
        %get3A_395 = tpu.vector_load %arg10[%get3A_393, %get3A_394] {strides = array<i32>} : memref<128x128xf32, #tpu.memory_space<vmem>>, vector<1x16xf32>,
        %get3A_396 = vector.shape_cast %get3A_395 : vector<1x16xf32> to vector<16xf32>
        %mul3A_397 = vector.broadcast %squeeze3A_330 : f32 to vector<16xf32>
        %mul3A_398 = arith.mulf %get3A_396, %mul3A_397 : vector<16xf32>
        %add3A_399 = arith.constant 2 : i32
        %add3A_400 = arith.addi %mul3A_87, %add3A_399 : i32
        %swap3A_401 = arith.index_cast %add3A_400 : i32 to index
        %swap3A_402 = arith.constant 64 : index
        %swap3A_403 = tpu.vector_load %arg10[%swap3A_401, %swap3A_402] {strides = array<i32>} : memref<128x128xf32, #tpu.memory_space<vmem>>, vector<1x16xf32>,
        %swap3A_404 = vector.shape_cast %swap3A_403 : vector<1x16xf32> to vector<16xf32>
        %swap3A_405 = vector.shape_cast %mul3A_398 : vector<16xf32> to vector<1x16xf32>
        tpu.vector_store %arg10[%swap3A_401, %swap3A_402], %swap3A_405 {strides = array<i32>} : memref<128x128xf32, #tpu.memory_space<vmem>>, vector<1x16xf32>,
        %add3A_406 = arith.constant 2 : i32
        %add3A_407 = arith.addi %mul3A_87, %add3A_406 : i32
        %get3A_408 = arith.index_cast %add3A_407 : i32 to index
        %get3A_409 = arith.constant 80 : index
        %get3A_410 = tpu.vector_load %arg10[%get3A_408, %get3A_409] {strides = array<i32>} : memref<128x128xf32, #tpu.memory_space<vmem>>, vector<1x16xf32>,
        %get3A_411 = vector.shape_cast %get3A_410 : vector<1x16xf32> to vector<16xf32>
        %mul3A_412 = vector.broadcast %squeeze3A_330 : f32 to vector<16xf32>
        %mul3A_413 = arith.mulf %get3A_411, %mul3A_412 : vector<16xf32>
        %add3A_414 = arith.constant 2 : i32
        %add3A_415 = arith.addi %mul3A_87, %add3A_414 : i32
        %swap3A_416 = arith.index_cast %add3A_415 : i32 to index
        %swap3A_417 = arith.constant 80 : index
        %swap3A_418 = tpu.vector_load %arg10[%swap3A_416, %swap3A_417] {strides = array<i32>} : memref<128x128xf32, #tpu.memory_space<vmem>>, vector<1x16xf32>,
        %swap3A_419 = vector.shape_cast %swap3A_418 : vector<1x16xf32> to vector<16xf32>
        %swap3A_420 = vector.shape_cast %mul3A_413 : vector<16xf32> to vector<1x16xf32>
        tpu.vector_store %arg10[%swap3A_416, %swap3A_417], %swap3A_420 {strides = array<i32>} : memref<128x128xf32, #tpu.memory_space<vmem>>, vector<1x16xf32>,
        %add3A_421 = arith.constant 2 : i32
        %add3A_422 = arith.addi %mul3A_87, %add3A_421 : i32
        %get3A_423 = arith.index_cast %add3A_422 : i32 to index
        %get3A_424 = arith.constant 96 : index
        %get3A_425 = tpu.vector_load %arg10[%get3A_423, %get3A_424] {strides = array<i32>} : memref<128x128xf32, #tpu.memory_space<vmem>>, vector<1x16xf32>,
        %get3A_426 = vector.shape_cast %get3A_425 : vector<1x16xf32> to vector<16xf32>
        %mul3A_427 = vector.broadcast %squeeze3A_330 : f32 to vector<16xf32>
        %mul3A_428 = arith.mulf %get3A_426, %mul3A_427 : vector<16xf32>
        %add3A_429 = arith.constant 2 : i32
        %add3A_430 = arith.addi %mul3A_87, %add3A_429 : i32
        %swap3A_431 = arith.index_cast %add3A_430 : i32 to index
        %swap3A_432 = arith.constant 96 : index
        %swap3A_433 = tpu.vector_load %arg10[%swap3A_431, %swap3A_432] {strides = array<i32>} : memref<128x128xf32, #tpu.memory_space<vmem>>, vector<1x16xf32>,
        %swap3A_434 = vector.shape_cast %swap3A_433 : vector<1x16xf32> to vector<16xf32>
        %swap3A_435 = vector.shape_cast %mul3A_428 : vector<16xf32> to vector<1x16xf32>
        tpu.vector_store %arg10[%swap3A_431, %swap3A_432], %swap3A_435 {strides = array<i32>} : memref<128x128xf32, #tpu.memory_space<vmem>>, vector<1x16xf32>,
        %add3A_436 = arith.constant 2 : i32
        %add3A_437 = arith.addi %mul3A_87, %add3A_436 : i32
        %get3A_438 = arith.index_cast %add3A_437 : i32 to index
        %get3A_439 = arith.constant 112 : index
        %get3A_440 = tpu.vector_load %arg10[%get3A_438, %get3A_439] {strides = array<i32>} : memref<128x128xf32, #tpu.memory_space<vmem>>, vector<1x16xf32>,
        %get3A_441 = vector.shape_cast %get3A_440 : vector<1x16xf32> to vector<16xf32>
        %mul3A_442 = vector.broadcast %squeeze3A_330 : f32 to vector<16xf32>
        %mul3A_443 = arith.mulf %get3A_441, %mul3A_442 : vector<16xf32>
        %add3A_444 = arith.constant 2 : i32
        %add3A_445 = arith.addi %mul3A_87, %add3A_444 : i32
        %swap3A_446 = arith.index_cast %add3A_445 : i32 to index
        %swap3A_447 = arith.constant 112 : index
        %swap3A_448 = tpu.vector_load %arg10[%swap3A_446, %swap3A_447] {strides = array<i32>} : memref<128x128xf32, #tpu.memory_space<vmem>>, vector<1x16xf32>,
        %swap3A_449 = vector.shape_cast %swap3A_448 : vector<1x16xf32> to vector<16xf32>
        %swap3A_450 = vector.shape_cast %mul3A_443 : vector<16xf32> to vector<1x16xf32>
        tpu.vector_store %arg10[%swap3A_446, %swap3A_447], %swap3A_450 {strides = array<i32>} : memref<128x128xf32, #tpu.memory_space<vmem>>, vector<1x16xf32>,
        %slice3A_451 = vector.extract_strided_slice %get3A_85 {offsets = [3], sizes = [1], strides = [1]} : vector<16xf32> to vector<1xf32>
        %squeeze3A_452 = vector.extract %slice3A_451[0] : f32 from vector<1xf32>
        %add3A_453 = arith.constant 3 : i32
        %add3A_454 = arith.addi %mul3A_87, %add3A_453 : i32
        %get3A_455 = arith.index_cast %add3A_454 : i32 to index
        %get3A_456 = arith.constant 0 : index
        %get3A_457 = tpu.vector_load %arg10[%get3A_455, %get3A_456] {strides = array<i32>} : memref<128x128xf32, #tpu.memory_space<vmem>>, vector<1x16xf32>,
        %get3A_458 = vector.shape_cast %get3A_457 : vector<1x16xf32> to vector<16xf32>
        %mul3A_459 = vector.broadcast %squeeze3A_452 : f32 to vector<16xf32>
        %mul3A_460 = arith.mulf %get3A_458, %mul3A_459 : vector<16xf32>
        %add3A_461 = arith.constant 3 : i32
        %add3A_462 = arith.addi %mul3A_87, %add3A_461 : i32
        %swap3A_463 = arith.index_cast %add3A_462 : i32 to index
        %swap3A_464 = arith.constant 0 : index
        %swap3A_465 = tpu.vector_load %arg10[%swap3A_463, %swap3A_464] {strides = array<i32>} : memref<128x128xf32, #tpu.memory_space<vmem>>, vector<1x16xf32>,
        %swap3A_466 = vector.shape_cast %swap3A_465 : vector<1x16xf32> to vector<16xf32>
        %swap3A_467 = vector.shape_cast %mul3A_460 : vector<16xf32> to vector<1x16xf32>
        tpu.vector_store %arg10[%swap3A_463, %swap3A_464], %swap3A_467 {strides = array<i32>} : memref<128x128xf32, #tpu.memory_space<vmem>>, vector<1x16xf32>,
        %add3A_468 = arith.constant 3 : i32
        %add3A_469 = arith.addi %mul3A_87, %add3A_468 : i32
        %get3A_470 = arith.index_cast %add3A_469 : i32 to index
        %get3A_471 = arith.constant 16 : index
        %get3A_472 = tpu.vector_load %arg10[%get3A_470, %get3A_471] {strides = array<i32>} : memref<128x128xf32, #tpu.memory_space<vmem>>, vector<1x16xf32>,
        %get3A_473 = vector.shape_cast %get3A_472 : vector<1x16xf32> to vector<16xf32>
        %mul3A_474 = vector.broadcast %squeeze3A_452 : f32 to vector<16xf32>
        %mul3A_475 = arith.mulf %get3A_473, %mul3A_474 : vector<16xf32>
        %add3A_476 = arith.constant 3 : i32
        %add3A_477 = arith.addi %mul3A_87, %add3A_476 : i32
        %swap3A_478 = arith.index_cast %add3A_477 : i32 to index
        %swap3A_479 = arith.constant 16 : index
        %swap3A_480 = tpu.vector_load %arg10[%swap3A_478, %swap3A_479] {strides = array<i32>} : memref<128x128xf32, #tpu.memory_space<vmem>>, vector<1x16xf32>,
        %swap3A_481 = vector.shape_cast %swap3A_480 : vector<1x16xf32> to vector<16xf32>
        %swap3A_482 = vector.shape_cast %mul3A_475 : vector<16xf32> to vector<1x16xf32>
        tpu.vector_store %arg10[%swap3A_478, %swap3A_479], %swap3A_482 {strides = array<i32>} : memref<128x128xf32, #tpu.memory_space<vmem>>, vector<1x16xf32>,
        %add3A_483 = arith.constant 3 : i32
        %add3A_484 = arith.addi %mul3A_87, %add3A_483 : i32
        %get3A_485 = arith.index_cast %add3A_484 : i32 to index
        %get3A_486 = arith.constant 32 : index
        %get3A_487 = tpu.vector_load %arg10[%get3A_485, %get3A_486] {strides = array<i32>} : memref<128x128xf32, #tpu.memory_space<vmem>>, vector<1x16xf32>,
        %get3A_488 = vector.shape_cast %get3A_487 : vector<1x16xf32> to vector<16xf32>
        %mul3A_489 = vector.broadcast %squeeze3A_452 : f32 to vector<16xf32>
        %mul3A_490 = arith.mulf %get3A_488, %mul3A_489 : vector<16xf32>
        %add3A_491 = arith.constant 3 : i32
        %add3A_492 = arith.addi %mul3A_87, %add3A_491 : i32
        %swap3A_493 = arith.index_cast %add3A_492 : i32 to index
        %swap3A_494 = arith.constant 32 : index
        %swap3A_495 = tpu.vector_load %arg10[%swap3A_493, %swap3A_494] {strides = array<i32>} : memref<128x128xf32, #tpu.memory_space<vmem>>, vector<1x16xf32>,
        %swap3A_496 = vector.shape_cast %swap3A_495 : vector<1x16xf32> to vector<16xf32>
        %swap3A_497 = vector.shape_cast %mul3A_490 : vector<16xf32> to vector<1x16xf32>
        tpu.vector_store %arg10[%swap3A_493, %swap3A_494], %swap3A_497 {strides = array<i32>} : memref<128x128xf32, #tpu.memory_space<vmem>>, vector<1x16xf32>,
        %add3A_498 = arith.constant 3 : i32
        %add3A_499 = arith.addi %mul3A_87, %add3A_498 : i32
        %get3A_500 = arith.index_cast %add3A_499 : i32 to index
        %get3A_501 = arith.constant 48 : index
        %get3A_502 = tpu.vector_load %arg10[%get3A_500, %get3A_501] {strides = array<i32>} : memref<128x128xf32, #tpu.memory_space<vmem>>, vector<1x16xf32>,
        %get3A_503 = vector.shape_cast %get3A_502 : vector<1x16xf32> to vector<16xf32>
        %mul3A_504 = vector.broadcast %squeeze3A_452 : f32 to vector<16xf32>
        %mul3A_505 = arith.mulf %get3A_503, %mul3A_504 : vector<16xf32>
        %add3A_506 = arith.constant 3 : i32
        %add3A_507 = arith.addi %mul3A_87, %add3A_506 : i32
        %swap3A_508 = arith.index_cast %add3A_507 : i32 to index
        %swap3A_509 = arith.constant 48 : index
        %swap3A_510 = tpu.vector_load %arg10[%swap3A_508, %swap3A_509] {strides = array<i32>} : memref<128x128xf32, #tpu.memory_space<vmem>>, vector<1x16xf32>,
        %swap3A_511 = vector.shape_cast %swap3A_510 : vector<1x16xf32> to vector<16xf32>
        %swap3A_512 = vector.shape_cast %mul3A_505 : vector<16xf32> to vector<1x16xf32>
        tpu.vector_store %arg10[%swap3A_508, %swap3A_509], %swap3A_512 {strides = array<i32>} : memref<128x128xf32, #tpu.memory_space<vmem>>, vector<1x16xf32>,
        %add3A_513 = arith.constant 3 : i32
        %add3A_514 = arith.addi %mul3A_87, %add3A_513 : i32
        %get3A_515 = arith.index_cast %add3A_514 : i32 to index
        %get3A_516 = arith.constant 64 : index
        %get3A_517 = tpu.vector_load %arg10[%get3A_515, %get3A_516] {strides = array<i32>} : memref<128x128xf32, #tpu.memory_space<vmem>>, vector<1x16xf32>,
        %get3A_518 = vector.shape_cast %get3A_517 : vector<1x16xf32> to vector<16xf32>
        %mul3A_519 = vector.broadcast %squeeze3A_452 : f32 to vector<16xf32>
        %mul3A_520 = arith.mulf %get3A_518, %mul3A_519 : vector<16xf32>
        %add3A_521 = arith.constant 3 : i32
        %add3A_522 = arith.addi %mul3A_87, %add3A_521 : i32
        %swap3A_523 = arith.index_cast %add3A_522 : i32 to index
        %swap3A_524 = arith.constant 64 : index
        %swap3A_525 = tpu.vector_load %arg10[%swap3A_523, %swap3A_524] {strides = array<i32>} : memref<128x128xf32, #tpu.memory_space<vmem>>, vector<1x16xf32>,
        %swap3A_526 = vector.shape_cast %swap3A_525 : vector<1x16xf32> to vector<16xf32>
        %swap3A_527 = vector.shape_cast %mul3A_520 : vector<16xf32> to vector<1x16xf32>
        tpu.vector_store %arg10[%swap3A_523, %swap3A_524], %swap3A_527 {strides = array<i32>} : memref<128x128xf32, #tpu.memory_space<vmem>>, vector<1x16xf32>,
        %add3A_528 = arith.constant 3 : i32
        %add3A_529 = arith.addi %mul3A_87, %add3A_528 : i32
        %get3A_530 = arith.index_cast %add3A_529 : i32 to index
        %get3A_531 = arith.constant 80 : index
        %get3A_532 = tpu.vector_load %arg10[%get3A_530, %get3A_531] {strides = array<i32>} : memref<128x128xf32, #tpu.memory_space<vmem>>, vector<1x16xf32>,
        %get3A_533 = vector.shape_cast %get3A_532 : vector<1x16xf32> to vector<16xf32>
        %mul3A_534 = vector.broadcast %squeeze3A_452 : f32 to vector<16xf32>
        %mul3A_535 = arith.mulf %get3A_533, %mul3A_534 : vector<16xf32>
        %add3A_536 = arith.constant 3 : i32
        %add3A_537 = arith.addi %mul3A_87, %add3A_536 : i32
        %swap3A_538 = arith.index_cast %add3A_537 : i32 to index
        %swap3A_539 = arith.constant 80 : index
        %swap3A_540 = tpu.vector_load %arg10[%swap3A_538, %swap3A_539] {strides = array<i32>} : memref<128x128xf32, #tpu.memory_space<vmem>>, vector<1x16xf32>,
        %swap3A_541 = vector.shape_cast %swap3A_540 : vector<1x16xf32> to vector<16xf32>
        %swap3A_542 = vector.shape_cast %mul3A_535 : vector<16xf32> to vector<1x16xf32>
        tpu.vector_store %arg10[%swap3A_538, %swap3A_539], %swap3A_542 {strides = array<i32>} : memref<128x128xf32, #tpu.memory_space<vmem>>, vector<1x16xf32>,
        %add3A_543 = arith.constant 3 : i32
        %add3A_544 = arith.addi %mul3A_87, %add3A_543 : i32
        %get3A_545 = arith.index_cast %add3A_544 : i32 to index
        %get3A_546 = arith.constant 96 : index
        %get3A_547 = tpu.vector_load %arg10[%get3A_545, %get3A_546] {strides = array<i32>} : memref<128x128xf32, #tpu.memory_space<vmem>>, vector<1x16xf32>,
        %get3A_548 = vector.shape_cast %get3A_547 : vector<1x16xf32> to vector<16xf32>
        %mul3A_549 = vector.broadcast %squeeze3A_452 : f32 to vector<16xf32>
        %mul3A_550 = arith.mulf %get3A_548, %mul3A_549 : vector<16xf32>
        %add3A_551 = arith.constant 3 : i32
        %add3A_552 = arith.addi %mul3A_87, %add3A_551 : i32
        %swap3A_553 = arith.index_cast %add3A_552 : i32 to index
        %swap3A_554 = arith.constant 96 : index
        %swap3A_555 = tpu.vector_load %arg10[%swap3A_553, %swap3A_554] {strides = array<i32>} : memref<128x128xf32, #tpu.memory_space<vmem>>, vector<1x16xf32>,
        %swap3A_556 = vector.shape_cast %swap3A_555 : vector<1x16xf32> to vector<16xf32>
        %swap3A_557 = vector.shape_cast %mul3A_550 : vector<16xf32> to vector<1x16xf32>
        tpu.vector_store %arg10[%swap3A_553, %swap3A_554], %swap3A_557 {strides = array<i32>} : memref<128x128xf32, #tpu.memory_space<vmem>>, vector<1x16xf32>,
        %add3A_558 = arith.constant 3 : i32
        %add3A_559 = arith.addi %mul3A_87, %add3A_558 : i32
        %get3A_560 = arith.index_cast %add3A_559 : i32 to index
        %get3A_561 = arith.constant 112 : index
        %get3A_562 = tpu.vector_load %arg10[%get3A_560, %get3A_561] {strides = array<i32>} : memref<128x128xf32, #tpu.memory_space<vmem>>, vector<1x16xf32>,
        %get3A_563 = vector.shape_cast %get3A_562 : vector<1x16xf32> to vector<16xf32>
        %mul3A_564 = vector.broadcast %squeeze3A_452 : f32 to vector<16xf32>
        %mul3A_565 = arith.mulf %get3A_563, %mul3A_564 : vector<16xf32>
        %add3A_566 = arith.constant 3 : i32
        %add3A_567 = arith.addi %mul3A_87, %add3A_566 : i32
        %swap3A_568 = arith.index_cast %add3A_567 : i32 to index
        %swap3A_569 = arith.constant 112 : index
        %swap3A_570 = tpu.vector_load %arg10[%swap3A_568, %swap3A_569] {strides = array<i32>} : memref<128x128xf32, #tpu.memory_space<vmem>>, vector<1x16xf32>,
        %swap3A_571 = vector.shape_cast %swap3A_570 : vector<1x16xf32> to vector<16xf32>
        %swap3A_572 = vector.shape_cast %mul3A_565 : vector<16xf32> to vector<1x16xf32>
        tpu.vector_store %arg10[%swap3A_568, %swap3A_569], %swap3A_572 {strides = array<i32>} : memref<128x128xf32, #tpu.memory_space<vmem>>, vector<1x16xf32>,
        %slice3A_573 = vector.extract_strided_slice %get3A_85 {offsets = [4], sizes = [1], strides = [1]} : vector<16xf32> to vector<1xf32>
        %squeeze3A_574 = vector.extract %slice3A_573[0] : f32 from vector<1xf32>
        %add3A_575 = arith.constant 4 : i32
        %add3A_576 = arith.addi %mul3A_87, %add3A_575 : i32
        %get3A_577 = arith.index_cast %add3A_576 : i32 to index
        %get3A_578 = arith.constant 0 : index
        %get3A_579 = tpu.vector_load %arg10[%get3A_577, %get3A_578] {strides = array<i32>} : memref<128x128xf32, #tpu.memory_space<vmem>>, vector<1x16xf32>,
        %get3A_580 = vector.shape_cast %get3A_579 : vector<1x16xf32> to vector<16xf32>
        %mul3A_581 = vector.broadcast %squeeze3A_574 : f32 to vector<16xf32>
        %mul3A_582 = arith.mulf %get3A_580, %mul3A_581 : vector<16xf32>
        %add3A_583 = arith.constant 4 : i32
        %add3A_584 = arith.addi %mul3A_87, %add3A_583 : i32
        %swap3A_585 = arith.index_cast %add3A_584 : i32 to index
        %swap3A_586 = arith.constant 0 : index
        %swap3A_587 = tpu.vector_load %arg10[%swap3A_585, %swap3A_586] {strides = array<i32>} : memref<128x128xf32, #tpu.memory_space<vmem>>, vector<1x16xf32>,
        %swap3A_588 = vector.shape_cast %swap3A_587 : vector<1x16xf32> to vector<16xf32>
        %swap3A_589 = vector.shape_cast %mul3A_582 : vector<16xf32> to vector<1x16xf32>
        tpu.vector_store %arg10[%swap3A_585, %swap3A_586], %swap3A_589 {strides = array<i32>} : memref<128x128xf32, #tpu.memory_space<vmem>>, vector<1x16xf32>,
        %add3A_590 = arith.constant 4 : i32
        %add3A_591 = arith.addi %mul3A_87, %add3A_590 : i32
        %get3A_592 = arith.index_cast %add3A_591 : i32 to index
        %get3A_593 = arith.constant 16 : index
        %get3A_594 = tpu.vector_load %arg10[%get3A_592, %get3A_593] {strides = array<i32>} : memref<128x128xf32, #tpu.memory_space<vmem>>, vector<1x16xf32>,
        %get3A_595 = vector.shape_cast %get3A_594 : vector<1x16xf32> to vector<16xf32>
        %mul3A_596 = vector.broadcast %squeeze3A_574 : f32 to vector<16xf32>
        %mul3A_597 = arith.mulf %get3A_595, %mul3A_596 : vector<16xf32>
        %add3A_598 = arith.constant 4 : i32
        %add3A_599 = arith.addi %mul3A_87, %add3A_598 : i32
        %swap3A_600 = arith.index_cast %add3A_599 : i32 to index
        %swap3A_601 = arith.constant 16 : index
        %swap3A_602 = tpu.vector_load %arg10[%swap3A_600, %swap3A_601] {strides = array<i32>} : memref<128x128xf32, #tpu.memory_space<vmem>>, vector<1x16xf32>,
        %swap3A_603 = vector.shape_cast %swap3A_602 : vector<1x16xf32> to vector<16xf32>
        %swap3A_604 = vector.shape_cast %mul3A_597 : vector<16xf32> to vector<1x16xf32>
        tpu.vector_store %arg10[%swap3A_600, %swap3A_601], %swap3A_604 {strides = array<i32>} : memref<128x128xf32, #tpu.memory_space<vmem>>, vector<1x16xf32>,
        %add3A_605 = arith.constant 4 : i32
        %add3A_606 = arith.addi %mul3A_87, %add3A_605 : i32
        %get3A_607 = arith.index_cast %add3A_606 : i32 to index
        %get3A_608 = arith.constant 32 : index
        %get3A_609 = tpu.vector_load %arg10[%get3A_607, %get3A_608] {strides = array<i32>} : memref<128x128xf32, #tpu.memory_space<vmem>>, vector<1x16xf32>,
        %get3A_610 = vector.shape_cast %get3A_609 : vector<1x16xf32> to vector<16xf32>
        %mul3A_611 = vector.broadcast %squeeze3A_574 : f32 to vector<16xf32>
        %mul3A_612 = arith.mulf %get3A_610, %mul3A_611 : vector<16xf32>
        %add3A_613 = arith.constant 4 : i32
        %add3A_614 = arith.addi %mul3A_87, %add3A_613 : i32
        %swap3A_615 = arith.index_cast %add3A_614 : i32 to index
        %swap3A_616 = arith.constant 32 : index
        %swap3A_617 = tpu.vector_load %arg10[%swap3A_615, %swap3A_616] {strides = array<i32>} : memref<128x128xf32, #tpu.memory_space<vmem>>, vector<1x16xf32>,
        %swap3A_618 = vector.shape_cast %swap3A_617 : vector<1x16xf32> to vector<16xf32>
        %swap3A_619 = vector.shape_cast %mul3A_612 : vector<16xf32> to vector<1x16xf32>
        tpu.vector_store %arg10[%swap3A_615, %swap3A_616], %swap3A_619 {strides = array<i32>} : memref<128x128xf32, #tpu.memory_space<vmem>>, vector<1x16xf32>,
        %add3A_620 = arith.constant 4 : i32
        %add3A_621 = arith.addi %mul3A_87, %add3A_620 : i32
        %get3A_622 = arith.index_cast %add3A_621 : i32 to index
        %get3A_623 = arith.constant 48 : index
        %get3A_624 = tpu.vector_load %arg10[%get3A_622, %get3A_623] {strides = array<i32>} : memref<128x128xf32, #tpu.memory_space<vmem>>, vector<1x16xf32>,
        %get3A_625 = vector.shape_cast %get3A_624 : vector<1x16xf32> to vector<16xf32>
        %mul3A_626 = vector.broadcast %squeeze3A_574 : f32 to vector<16xf32>
        %mul3A_627 = arith.mulf %get3A_625, %mul3A_626 : vector<16xf32>
        %add3A_628 = arith.constant 4 : i32
        %add3A_629 = arith.addi %mul3A_87, %add3A_628 : i32
        %swap3A_630 = arith.index_cast %add3A_629 : i32 to index
        %swap3A_631 = arith.constant 48 : index
        %swap3A_632 = tpu.vector_load %arg10[%swap3A_630, %swap3A_631] {strides = array<i32>} : memref<128x128xf32, #tpu.memory_space<vmem>>, vector<1x16xf32>,
        %swap3A_633 = vector.shape_cast %swap3A_632 : vector<1x16xf32> to vector<16xf32>
        %swap3A_634 = vector.shape_cast %mul3A_627 : vector<16xf32> to vector<1x16xf32>
        tpu.vector_store %arg10[%swap3A_630, %swap3A_631], %swap3A_634 {strides = array<i32>} : memref<128x128xf32, #tpu.memory_space<vmem>>, vector<1x16xf32>,
        %add3A_635 = arith.constant 4 : i32
        %add3A_636 = arith.addi %mul3A_87, %add3A_635 : i32
        %get3A_637 = arith.index_cast %add3A_636 : i32 to index
        %get3A_638 = arith.constant 64 : index
        %get3A_639 = tpu.vector_load %arg10[%get3A_637, %get3A_638] {strides = array<i32>} : memref<128x128xf32, #tpu.memory_space<vmem>>, vector<1x16xf32>,
        %get3A_640 = vector.shape_cast %get3A_639 : vector<1x16xf32> to vector<16xf32>
        %mul3A_641 = vector.broadcast %squeeze3A_574 : f32 to vector<16xf32>
        %mul3A_642 = arith.mulf %get3A_640, %mul3A_641 : vector<16xf32>
        %add3A_643 = arith.constant 4 : i32
        %add3A_644 = arith.addi %mul3A_87, %add3A_643 : i32
        %swap3A_645 = arith.index_cast %add3A_644 : i32 to index
        %swap3A_646 = arith.constant 64 : index
        %swap3A_647 = tpu.vector_load %arg10[%swap3A_645, %swap3A_646] {strides = array<i32>} : memref<128x128xf32, #tpu.memory_space<vmem>>, vector<1x16xf32>,
        %swap3A_648 = vector.shape_cast %swap3A_647 : vector<1x16xf32> to vector<16xf32>
        %swap3A_649 = vector.shape_cast %mul3A_642 : vector<16xf32> to vector<1x16xf32>
        tpu.vector_store %arg10[%swap3A_645, %swap3A_646], %swap3A_649 {strides = array<i32>} : memref<128x128xf32, #tpu.memory_space<vmem>>, vector<1x16xf32>,
        %add3A_650 = arith.constant 4 : i32
        %add3A_651 = arith.addi %mul3A_87, %add3A_650 : i32
        %get3A_652 = arith.index_cast %add3A_651 : i32 to index
        %get3A_653 = arith.constant 80 : index
        %get3A_654 = tpu.vector_load %arg10[%get3A_652, %get3A_653] {strides = array<i32>} : memref<128x128xf32, #tpu.memory_space<vmem>>, vector<1x16xf32>,
        %get3A_655 = vector.shape_cast %get3A_654 : vector<1x16xf32> to vector<16xf32>
        %mul3A_656 = vector.broadcast %squeeze3A_574 : f32 to vector<16xf32>
        %mul3A_657 = arith.mulf %get3A_655, %mul3A_656 : vector<16xf32>
        %add3A_658 = arith.constant 4 : i32
        %add3A_659 = arith.addi %mul3A_87, %add3A_658 : i32
        %swap3A_660 = arith.index_cast %add3A_659 : i32 to index
        %swap3A_661 = arith.constant 80 : index
        %swap3A_662 = tpu.vector_load %arg10[%swap3A_660, %swap3A_661] {strides = array<i32>} : memref<128x128xf32, #tpu.memory_space<vmem>>, vector<1x16xf32>,
        %swap3A_663 = vector.shape_cast %swap3A_662 : vector<1x16xf32> to vector<16xf32>
        %swap3A_664 = vector.shape_cast %mul3A_657 : vector<16xf32> to vector<1x16xf32>
        tpu.vector_store %arg10[%swap3A_660, %swap3A_661], %swap3A_664 {strides = array<i32>} : memref<128x128xf32, #tpu.memory_space<vmem>>, vector<1x16xf32>,
        %add3A_665 = arith.constant 4 : i32
        %add3A_666 = arith.addi %mul3A_87, %add3A_665 : i32
        %get3A_667 = arith.index_cast %add3A_666 : i32 to index
        %get3A_668 = arith.constant 96 : index
        %get3A_669 = tpu.vector_load %arg10[%get3A_667, %get3A_668] {strides = array<i32>} : memref<128x128xf32, #tpu.memory_space<vmem>>, vector<1x16xf32>,
        %get3A_670 = vector.shape_cast %get3A_669 : vector<1x16xf32> to vector<16xf32>
        %mul3A_671 = vector.broadcast %squeeze3A_574 : f32 to vector<16xf32>
        %mul3A_672 = arith.mulf %get3A_670, %mul3A_671 : vector<16xf32>
        %add3A_673 = arith.constant 4 : i32
        %add3A_674 = arith.addi %mul3A_87, %add3A_673 : i32
        %swap3A_675 = arith.index_cast %add3A_674 : i32 to index
        %swap3A_676 = arith.constant 96 : index
        %swap3A_677 = tpu.vector_load %arg10[%swap3A_675, %swap3A_676] {strides = array<i32>} : memref<128x128xf32, #tpu.memory_space<vmem>>, vector<1x16xf32>,
        %swap3A_678 = vector.shape_cast %swap3A_677 : vector<1x16xf32> to vector<16xf32>
        %swap3A_679 = vector.shape_cast %mul3A_672 : vector<16xf32> to vector<1x16xf32>
        tpu.vector_store %arg10[%swap3A_675, %swap3A_676], %swap3A_679 {strides = array<i32>} : memref<128x128xf32, #tpu.memory_space<vmem>>, vector<1x16xf32>,
        %add3A_680 = arith.constant 4 : i32
        %add3A_681 = arith.addi %mul3A_87, %add3A_680 : i32
        %get3A_682 = arith.index_cast %add3A_681 : i32 to index
        %get3A_683 = arith.constant 112 : index
        %get3A_684 = tpu.vector_load %arg10[%get3A_682, %get3A_683] {strides = array<i32>} : memref<128x128xf32, #tpu.memory_space<vmem>>, vector<1x16xf32>,
        %get3A_685 = vector.shape_cast %get3A_684 : vector<1x16xf32> to vector<16xf32>
        %mul3A_686 = vector.broadcast %squeeze3A_574 : f32 to vector<16xf32>
        %mul3A_687 = arith.mulf %get3A_685, %mul3A_686 : vector<16xf32>
        %add3A_688 = arith.constant 4 : i32
        %add3A_689 = arith.addi %mul3A_87, %add3A_688 : i32
        %swap3A_690 = arith.index_cast %add3A_689 : i32 to index
        %swap3A_691 = arith.constant 112 : index
        %swap3A_692 = tpu.vector_load %arg10[%swap3A_690, %swap3A_691] {strides = array<i32>} : memref<128x128xf32, #tpu.memory_space<vmem>>, vector<1x16xf32>,
        %swap3A_693 = vector.shape_cast %swap3A_692 : vector<1x16xf32> to vector<16xf32>
        %swap3A_694 = vector.shape_cast %mul3A_687 : vector<16xf32> to vector<1x16xf32>
        tpu.vector_store %arg10[%swap3A_690, %swap3A_691], %swap3A_694 {strides = array<i32>} : memref<128x128xf32, #tpu.memory_space<vmem>>, vector<1x16xf32>,
        %slice3A_695 = vector.extract_strided_slice %get3A_85 {offsets = [5], sizes = [1], strides = [1]} : vector<16xf32> to vector<1xf32>
        %squeeze3A_696 = vector.extract %slice3A_695[0] : f32 from vector<1xf32>
        %add3A_697 = arith.constant 5 : i32
        %add3A_698 = arith.addi %mul3A_87, %add3A_697 : i32
        %get3A_699 = arith.index_cast %add3A_698 : i32 to index
        %get3A_700 = arith.constant 0 : index
        %get3A_701 = tpu.vector_load %arg10[%get3A_699, %get3A_700] {strides = array<i32>} : memref<128x128xf32, #tpu.memory_space<vmem>>, vector<1x16xf32>,
        %get3A_702 = vector.shape_cast %get3A_701 : vector<1x16xf32> to vector<16xf32>
        %mul3A_703 = vector.broadcast %squeeze3A_696 : f32 to vector<16xf32>
        %mul3A_704 = arith.mulf %get3A_702, %mul3A_703 : vector<16xf32>
        %add3A_705 = arith.constant 5 : i32
        %add3A_706 = arith.addi %mul3A_87, %add3A_705 : i32
        %swap3A_707 = arith.index_cast %add3A_706 : i32 to index
        %swap3A_708 = arith.constant 0 : index
        %swap3A_709 = tpu.vector_load %arg10[%swap3A_707, %swap3A_708] {strides = array<i32>} : memref<128x128xf32, #tpu.memory_space<vmem>>, vector<1x16xf32>,
        %swap3A_710 = vector.shape_cast %swap3A_709 : vector<1x16xf32> to vector<16xf32>
        %swap3A_711 = vector.shape_cast %mul3A_704 : vector<16xf32> to vector<1x16xf32>
        tpu.vector_store %arg10[%swap3A_707, %swap3A_708], %swap3A_711 {strides = array<i32>} : memref<128x128xf32, #tpu.memory_space<vmem>>, vector<1x16xf32>,
        %add3A_712 = arith.constant 5 : i32
        %add3A_713 = arith.addi %mul3A_87, %add3A_712 : i32
        %get3A_714 = arith.index_cast %add3A_713 : i32 to index
        %get3A_715 = arith.constant 16 : index
        %get3A_716 = tpu.vector_load %arg10[%get3A_714, %get3A_715] {strides = array<i32>} : memref<128x128xf32, #tpu.memory_space<vmem>>, vector<1x16xf32>,
        %get3A_717 = vector.shape_cast %get3A_716 : vector<1x16xf32> to vector<16xf32>
        %mul3A_718 = vector.broadcast %squeeze3A_696 : f32 to vector<16xf32>
        %mul3A_719 = arith.mulf %get3A_717, %mul3A_718 : vector<16xf32>
        %add3A_720 = arith.constant 5 : i32
        %add3A_721 = arith.addi %mul3A_87, %add3A_720 : i32
        %swap3A_722 = arith.index_cast %add3A_721 : i32 to index
        %swap3A_723 = arith.constant 16 : index
        %swap3A_724 = tpu.vector_load %arg10[%swap3A_722, %swap3A_723] {strides = array<i32>} : memref<128x128xf32, #tpu.memory_space<vmem>>, vector<1x16xf32>,
        %swap3A_725 = vector.shape_cast %swap3A_724 : vector<1x16xf32> to vector<16xf32>
        %swap3A_726 = vector.shape_cast %mul3A_719 : vector<16xf32> to vector<1x16xf32>
        tpu.vector_store %arg10[%swap3A_722, %swap3A_723], %swap3A_726 {strides = array<i32>} : memref<128x128xf32, #tpu.memory_space<vmem>>, vector<1x16xf32>,
        %add3A_727 = arith.constant 5 : i32
        %add3A_728 = arith.addi %mul3A_87, %add3A_727 : i32
        %get3A_729 = arith.index_cast %add3A_728 : i32 to index
        %get3A_730 = arith.constant 32 : index
        %get3A_731 = tpu.vector_load %arg10[%get3A_729, %get3A_730] {strides = array<i32>} : memref<128x128xf32, #tpu.memory_space<vmem>>, vector<1x16xf32>,
        %get3A_732 = vector.shape_cast %get3A_731 : vector<1x16xf32> to vector<16xf32>
        %mul3A_733 = vector.broadcast %squeeze3A_696 : f32 to vector<16xf32>
        %mul3A_734 = arith.mulf %get3A_732, %mul3A_733 : vector<16xf32>
        %add3A_735 = arith.constant 5 : i32
        %add3A_736 = arith.addi %mul3A_87, %add3A_735 : i32
        %swap3A_737 = arith.index_cast %add3A_736 : i32 to index
        %swap3A_738 = arith.constant 32 : index
        %swap3A_739 = tpu.vector_load %arg10[%swap3A_737, %swap3A_738] {strides = array<i32>} : memref<128x128xf32, #tpu.memory_space<vmem>>, vector<1x16xf32>,
        %swap3A_740 = vector.shape_cast %swap3A_739 : vector<1x16xf32> to vector<16xf32>
        %swap3A_741 = vector.shape_cast %mul3A_734 : vector<16xf32> to vector<1x16xf32>
        tpu.vector_store %arg10[%swap3A_737, %swap3A_738], %swap3A_741 {strides = array<i32>} : memref<128x128xf32, #tpu.memory_space<vmem>>, vector<1x16xf32>,
        %add3A_742 = arith.constant 5 : i32
        %add3A_743 = arith.addi %mul3A_87, %add3A_742 : i32
        %get3A_744 = arith.index_cast %add3A_743 : i32 to index
        %get3A_745 = arith.constant 48 : index
        %get3A_746 = tpu.vector_load %arg10[%get3A_744, %get3A_745] {strides = array<i32>} : memref<128x128xf32, #tpu.memory_space<vmem>>, vector<1x16xf32>,
        %get3A_747 = vector.shape_cast %get3A_746 : vector<1x16xf32> to vector<16xf32>
        %mul3A_748 = vector.broadcast %squeeze3A_696 : f32 to vector<16xf32>
        %mul3A_749 = arith.mulf %get3A_747, %mul3A_748 : vector<16xf32>
        %add3A_750 = arith.constant 5 : i32
        %add3A_751 = arith.addi %mul3A_87, %add3A_750 : i32
        %swap3A_752 = arith.index_cast %add3A_751 : i32 to index
        %swap3A_753 = arith.constant 48 : index
        %swap3A_754 = tpu.vector_load %arg10[%swap3A_752, %swap3A_753] {strides = array<i32>} : memref<128x128xf32, #tpu.memory_space<vmem>>, vector<1x16xf32>,
        %swap3A_755 = vector.shape_cast %swap3A_754 : vector<1x16xf32> to vector<16xf32>
        %swap3A_756 = vector.shape_cast %mul3A_749 : vector<16xf32> to vector<1x16xf32>
        tpu.vector_store %arg10[%swap3A_752, %swap3A_753], %swap3A_756 {strides = array<i32>} : memref<128x128xf32, #tpu.memory_space<vmem>>, vector<1x16xf32>,
        %add3A_757 = arith.constant 5 : i32
        %add3A_758 = arith.addi %mul3A_87, %add3A_757 : i32
        %get3A_759 = arith.index_cast %add3A_758 : i32 to index
        %get3A_760 = arith.constant 64 : index
        %get3A_761 = tpu.vector_load %arg10[%get3A_759, %get3A_760] {strides = array<i32>} : memref<128x128xf32, #tpu.memory_space<vmem>>, vector<1x16xf32>,
        %get3A_762 = vector.shape_cast %get3A_761 : vector<1x16xf32> to vector<16xf32>
        %mul3A_763 = vector.broadcast %squeeze3A_696 : f32 to vector<16xf32>
        %mul3A_764 = arith.mulf %get3A_762, %mul3A_763 : vector<16xf32>
        %add3A_765 = arith.constant 5 : i32
        %add3A_766 = arith.addi %mul3A_87, %add3A_765 : i32
        %swap3A_767 = arith.index_cast %add3A_766 : i32 to index
        %swap3A_768 = arith.constant 64 : index
        %swap3A_769 = tpu.vector_load %arg10[%swap3A_767, %swap3A_768] {strides = array<i32>} : memref<128x128xf32, #tpu.memory_space<vmem>>, vector<1x16xf32>,
        %swap3A_770 = vector.shape_cast %swap3A_769 : vector<1x16xf32> to vector<16xf32>
        %swap3A_771 = vector.shape_cast %mul3A_764 : vector<16xf32> to vector<1x16xf32>
        tpu.vector_store %arg10[%swap3A_767, %swap3A_768], %swap3A_771 {strides = array<i32>} : memref<128x128xf32, #tpu.memory_space<vmem>>, vector<1x16xf32>,
        %add3A_772 = arith.constant 5 : i32
        %add3A_773 = arith.addi %mul3A_87, %add3A_772 : i32
        %get3A_774 = arith.index_cast %add3A_773 : i32 to index
        %get3A_775 = arith.constant 80 : index
        %get3A_776 = tpu.vector_load %arg10[%get3A_774, %get3A_775] {strides = array<i32>} : memref<128x128xf32, #tpu.memory_space<vmem>>, vector<1x16xf32>,
        %get3A_777 = vector.shape_cast %get3A_776 : vector<1x16xf32> to vector<16xf32>
        %mul3A_778 = vector.broadcast %squeeze3A_696 : f32 to vector<16xf32>
        %mul3A_779 = arith.mulf %get3A_777, %mul3A_778 : vector<16xf32>
        %add3A_780 = arith.constant 5 : i32
        %add3A_781 = arith.addi %mul3A_87, %add3A_780 : i32
        %swap3A_782 = arith.index_cast %add3A_781 : i32 to index
        %swap3A_783 = arith.constant 80 : index
        %swap3A_784 = tpu.vector_load %arg10[%swap3A_782, %swap3A_783] {strides = array<i32>} : memref<128x128xf32, #tpu.memory_space<vmem>>, vector<1x16xf32>,
        %swap3A_785 = vector.shape_cast %swap3A_784 : vector<1x16xf32> to vector<16xf32>
        %swap3A_786 = vector.shape_cast %mul3A_779 : vector<16xf32> to vector<1x16xf32>
        tpu.vector_store %arg10[%swap3A_782, %swap3A_783], %swap3A_786 {strides = array<i32>} : memref<128x128xf32, #tpu.memory_space<vmem>>, vector<1x16xf32>,
        %add3A_787 = arith.constant 5 : i32
        %add3A_788 = arith.addi %mul3A_87, %add3A_787 : i32
        %get3A_789 = arith.index_cast %add3A_788 : i32 to index
        %get3A_790 = arith.constant 96 : index
        %get3A_791 = tpu.vector_load %arg10[%get3A_789, %get3A_790] {strides = array<i32>} : memref<128x128xf32, #tpu.memory_space<vmem>>, vector<1x16xf32>,
        %get3A_792 = vector.shape_cast %get3A_791 : vector<1x16xf32> to vector<16xf32>
        %mul3A_793 = vector.broadcast %squeeze3A_696 : f32 to vector<16xf32>
        %mul3A_794 = arith.mulf %get3A_792, %mul3A_793 : vector<16xf32>
        %add3A_795 = arith.constant 5 : i32
        %add3A_796 = arith.addi %mul3A_87, %add3A_795 : i32
        %swap3A_797 = arith.index_cast %add3A_796 : i32 to index
        %swap3A_798 = arith.constant 96 : index
        %swap3A_799 = tpu.vector_load %arg10[%swap3A_797, %swap3A_798] {strides = array<i32>} : memref<128x128xf32, #tpu.memory_space<vmem>>, vector<1x16xf32>,
        %swap3A_800 = vector.shape_cast %swap3A_799 : vector<1x16xf32> to vector<16xf32>
        %swap3A_801 = vector.shape_cast %mul3A_794 : vector<16xf32> to vector<1x16xf32>
        tpu.vector_store %arg10[%swap3A_797, %swap3A_798], %swap3A_801 {strides = array<i32>} : memref<128x128xf32, #tpu.memory_space<vmem>>, vector<1x16xf32>,
        %add3A_802 = arith.constant 5 : i32
        %add3A_803 = arith.addi %mul3A_87, %add3A_802 : i32
        %get3A_804 = arith.index_cast %add3A_803 : i32 to index
        %get3A_805 = arith.constant 112 : index
        %get3A_806 = tpu.vector_load %arg10[%get3A_804, %get3A_805] {strides = array<i32>} : memref<128x128xf32, #tpu.memory_space<vmem>>, vector<1x16xf32>,
        %get3A_807 = vector.shape_cast %get3A_806 : vector<1x16xf32> to vector<16xf32>
        %mul3A_808 = vector.broadcast %squeeze3A_696 : f32 to vector<16xf32>
        %mul3A_809 = arith.mulf %get3A_807, %mul3A_808 : vector<16xf32>
        %add3A_810 = arith.constant 5 : i32
        %add3A_811 = arith.addi %mul3A_87, %add3A_810 : i32
        %swap3A_812 = arith.index_cast %add3A_811 : i32 to index
        %swap3A_813 = arith.constant 112 : index
        %swap3A_814 = tpu.vector_load %arg10[%swap3A_812, %swap3A_813] {strides = array<i32>} : memref<128x128xf32, #tpu.memory_space<vmem>>, vector<1x16xf32>,
        %swap3A_815 = vector.shape_cast %swap3A_814 : vector<1x16xf32> to vector<16xf32>
        %swap3A_816 = vector.shape_cast %mul3A_809 : vector<16xf32> to vector<1x16xf32>
        tpu.vector_store %arg10[%swap3A_812, %swap3A_813], %swap3A_816 {strides = array<i32>} : memref<128x128xf32, #tpu.memory_space<vmem>>, vector<1x16xf32>,
        %slice3A_817 = vector.extract_strided_slice %get3A_85 {offsets = [6], sizes = [1], strides = [1]} : vector<16xf32> to vector<1xf32>
        %squeeze3A_818 = vector.extract %slice3A_817[0] : f32 from vector<1xf32>
        %add3A_819 = arith.constant 6 : i32
        %add3A_820 = arith.addi %mul3A_87, %add3A_819 : i32
        %get3A_821 = arith.index_cast %add3A_820 : i32 to index
        %get3A_822 = arith.constant 0 : index
        %get3A_823 = tpu.vector_load %arg10[%get3A_821, %get3A_822] {strides = array<i32>} : memref<128x128xf32, #tpu.memory_space<vmem>>, vector<1x16xf32>,
        %get3A_824 = vector.shape_cast %get3A_823 : vector<1x16xf32> to vector<16xf32>
        %mul3A_825 = vector.broadcast %squeeze3A_818 : f32 to vector<16xf32>
        %mul3A_826 = arith.mulf %get3A_824, %mul3A_825 : vector<16xf32>
        %add3A_827 = arith.constant 6 : i32
        %add3A_828 = arith.addi %mul3A_87, %add3A_827 : i32
        %swap3A_829 = arith.index_cast %add3A_828 : i32 to index
        %swap3A_830 = arith.constant 0 : index
        %swap3A_831 = tpu.vector_load %arg10[%swap3A_829, %swap3A_830] {strides = array<i32>} : memref<128x128xf32, #tpu.memory_space<vmem>>, vector<1x16xf32>,
        %swap3A_832 = vector.shape_cast %swap3A_831 : vector<1x16xf32> to vector<16xf32>
        %swap3A_833 = vector.shape_cast %mul3A_826 : vector<16xf32> to vector<1x16xf32>
        tpu.vector_store %arg10[%swap3A_829, %swap3A_830], %swap3A_833 {strides = array<i32>} : memref<128x128xf32, #tpu.memory_space<vmem>>, vector<1x16xf32>,
        %add3A_834 = arith.constant 6 : i32
        %add3A_835 = arith.addi %mul3A_87, %add3A_834 : i32
        %get3A_836 = arith.index_cast %add3A_835 : i32 to index
        %get3A_837 = arith.constant 16 : index
        %get3A_838 = tpu.vector_load %arg10[%get3A_836, %get3A_837] {strides = array<i32>} : memref<128x128xf32, #tpu.memory_space<vmem>>, vector<1x16xf32>,
        %get3A_839 = vector.shape_cast %get3A_838 : vector<1x16xf32> to vector<16xf32>
        %mul3A_840 = vector.broadcast %squeeze3A_818 : f32 to vector<16xf32>
        %mul3A_841 = arith.mulf %get3A_839, %mul3A_840 : vector<16xf32>
        %add3A_842 = arith.constant 6 : i32
        %add3A_843 = arith.addi %mul3A_87, %add3A_842 : i32
        %swap3A_844 = arith.index_cast %add3A_843 : i32 to index
        %swap3A_845 = arith.constant 16 : index
        %swap3A_846 = tpu.vector_load %arg10[%swap3A_844, %swap3A_845] {strides = array<i32>} : memref<128x128xf32, #tpu.memory_space<vmem>>, vector<1x16xf32>,
        %swap3A_847 = vector.shape_cast %swap3A_846 : vector<1x16xf32> to vector<16xf32>
        %swap3A_848 = vector.shape_cast %mul3A_841 : vector<16xf32> to vector<1x16xf32>
        tpu.vector_store %arg10[%swap3A_844, %swap3A_845], %swap3A_848 {strides = array<i32>} : memref<128x128xf32, #tpu.memory_space<vmem>>, vector<1x16xf32>,
        %add3A_849 = arith.constant 6 : i32
        %add3A_850 = arith.addi %mul3A_87, %add3A_849 : i32
        %get3A_851 = arith.index_cast %add3A_850 : i32 to index
        %get3A_852 = arith.constant 32 : index
        %get3A_853 = tpu.vector_load %arg10[%get3A_851, %get3A_852] {strides = array<i32>} : memref<128x128xf32, #tpu.memory_space<vmem>>, vector<1x16xf32>,
        %get3A_854 = vector.shape_cast %get3A_853 : vector<1x16xf32> to vector<16xf32>
        %mul3A_855 = vector.broadcast %squeeze3A_818 : f32 to vector<16xf32>
        %mul3A_856 = arith.mulf %get3A_854, %mul3A_855 : vector<16xf32>
        %add3A_857 = arith.constant 6 : i32
        %add3A_858 = arith.addi %mul3A_87, %add3A_857 : i32
        %swap3A_859 = arith.index_cast %add3A_858 : i32 to index
        %swap3A_860 = arith.constant 32 : index
        %swap3A_861 = tpu.vector_load %arg10[%swap3A_859, %swap3A_860] {strides = array<i32>} : memref<128x128xf32, #tpu.memory_space<vmem>>, vector<1x16xf32>,
        %swap3A_862 = vector.shape_cast %swap3A_861 : vector<1x16xf32> to vector<16xf32>
        %swap3A_863 = vector.shape_cast %mul3A_856 : vector<16xf32> to vector<1x16xf32>
        tpu.vector_store %arg10[%swap3A_859, %swap3A_860], %swap3A_863 {strides = array<i32>} : memref<128x128xf32, #tpu.memory_space<vmem>>, vector<1x16xf32>,
        %add3A_864 = arith.constant 6 : i32
        %add3A_865 = arith.addi %mul3A_87, %add3A_864 : i32
        %get3A_866 = arith.index_cast %add3A_865 : i32 to index
        %get3A_867 = arith.constant 48 : index
        %get3A_868 = tpu.vector_load %arg10[%get3A_866, %get3A_867] {strides = array<i32>} : memref<128x128xf32, #tpu.memory_space<vmem>>, vector<1x16xf32>,
        %get3A_869 = vector.shape_cast %get3A_868 : vector<1x16xf32> to vector<16xf32>
        %mul3A_870 = vector.broadcast %squeeze3A_818 : f32 to vector<16xf32>
        %mul3A_871 = arith.mulf %get3A_869, %mul3A_870 : vector<16xf32>
        %add3A_872 = arith.constant 6 : i32
        %add3A_873 = arith.addi %mul3A_87, %add3A_872 : i32
        %swap3A_874 = arith.index_cast %add3A_873 : i32 to index
        %swap3A_875 = arith.constant 48 : index
        %swap3A_876 = tpu.vector_load %arg10[%swap3A_874, %swap3A_875] {strides = array<i32>} : memref<128x128xf32, #tpu.memory_space<vmem>>, vector<1x16xf32>,
        %swap3A_877 = vector.shape_cast %swap3A_876 : vector<1x16xf32> to vector<16xf32>
        %swap3A_878 = vector.shape_cast %mul3A_871 : vector<16xf32> to vector<1x16xf32>
        tpu.vector_store %arg10[%swap3A_874, %swap3A_875], %swap3A_878 {strides = array<i32>} : memref<128x128xf32, #tpu.memory_space<vmem>>, vector<1x16xf32>,
        %add3A_879 = arith.constant 6 : i32
        %add3A_880 = arith.addi %mul3A_87, %add3A_879 : i32
        %get3A_881 = arith.index_cast %add3A_880 : i32 to index
        %get3A_882 = arith.constant 64 : index
        %get3A_883 = tpu.vector_load %arg10[%get3A_881, %get3A_882] {strides = array<i32>} : memref<128x128xf32, #tpu.memory_space<vmem>>, vector<1x16xf32>,
        %get3A_884 = vector.shape_cast %get3A_883 : vector<1x16xf32> to vector<16xf32>
        %mul3A_885 = vector.broadcast %squeeze3A_818 : f32 to vector<16xf32>
        %mul3A_886 = arith.mulf %get3A_884, %mul3A_885 : vector<16xf32>
        %add3A_887 = arith.constant 6 : i32
        %add3A_888 = arith.addi %mul3A_87, %add3A_887 : i32
        %swap3A_889 = arith.index_cast %add3A_888 : i32 to index
        %swap3A_890 = arith.constant 64 : index
        %swap3A_891 = tpu.vector_load %arg10[%swap3A_889, %swap3A_890] {strides = array<i32>} : memref<128x128xf32, #tpu.memory_space<vmem>>, vector<1x16xf32>,
        %swap3A_892 = vector.shape_cast %swap3A_891 : vector<1x16xf32> to vector<16xf32>
        %swap3A_893 = vector.shape_cast %mul3A_886 : vector<16xf32> to vector<1x16xf32>
        tpu.vector_store %arg10[%swap3A_889, %swap3A_890], %swap3A_893 {strides = array<i32>} : memref<128x128xf32, #tpu.memory_space<vmem>>, vector<1x16xf32>,
        %add3A_894 = arith.constant 6 : i32
        %add3A_895 = arith.addi %mul3A_87, %add3A_894 : i32
        %get3A_896 = arith.index_cast %add3A_895 : i32 to index
        %get3A_897 = arith.constant 80 : index
        %get3A_898 = tpu.vector_load %arg10[%get3A_896, %get3A_897] {strides = array<i32>} : memref<128x128xf32, #tpu.memory_space<vmem>>, vector<1x16xf32>,
        %get3A_899 = vector.shape_cast %get3A_898 : vector<1x16xf32> to vector<16xf32>
        %mul3A_900 = vector.broadcast %squeeze3A_818 : f32 to vector<16xf32>
        %mul3A_901 = arith.mulf %get3A_899, %mul3A_900 : vector<16xf32>
        %add3A_902 = arith.constant 6 : i32
        %add3A_903 = arith.addi %mul3A_87, %add3A_902 : i32
        %swap3A_904 = arith.index_cast %add3A_903 : i32 to index
        %swap3A_905 = arith.constant 80 : index
        %swap3A_906 = tpu.vector_load %arg10[%swap3A_904, %swap3A_905] {strides = array<i32>} : memref<128x128xf32, #tpu.memory_space<vmem>>, vector<1x16xf32>,
        %swap3A_907 = vector.shape_cast %swap3A_906 : vector<1x16xf32> to vector<16xf32>
        %swap3A_908 = vector.shape_cast %mul3A_901 : vector<16xf32> to vector<1x16xf32>
        tpu.vector_store %arg10[%swap3A_904, %swap3A_905], %swap3A_908 {strides = array<i32>} : memref<128x128xf32, #tpu.memory_space<vmem>>, vector<1x16xf32>,
        %add3A_909 = arith.constant 6 : i32
        %add3A_910 = arith.addi %mul3A_87, %add3A_909 : i32
        %get3A_911 = arith.index_cast %add3A_910 : i32 to index
        %get3A_912 = arith.constant 96 : index
        %get3A_913 = tpu.vector_load %arg10[%get3A_911, %get3A_912] {strides = array<i32>} : memref<128x128xf32, #tpu.memory_space<vmem>>, vector<1x16xf32>,
        %get3A_914 = vector.shape_cast %get3A_913 : vector<1x16xf32> to vector<16xf32>
        %mul3A_915 = vector.broadcast %squeeze3A_818 : f32 to vector<16xf32>
        %mul3A_916 = arith.mulf %get3A_914, %mul3A_915 : vector<16xf32>
        %add3A_917 = arith.constant 6 : i32
        %add3A_918 = arith.addi %mul3A_87, %add3A_917 : i32
        %swap3A_919 = arith.index_cast %add3A_918 : i32 to index
        %swap3A_920 = arith.constant 96 : index
        %swap3A_921 = tpu.vector_load %arg10[%swap3A_919, %swap3A_920] {strides = array<i32>} : memref<128x128xf32, #tpu.memory_space<vmem>>, vector<1x16xf32>,
        %swap3A_922 = vector.shape_cast %swap3A_921 : vector<1x16xf32> to vector<16xf32>
        %swap3A_923 = vector.shape_cast %mul3A_916 : vector<16xf32> to vector<1x16xf32>
        tpu.vector_store %arg10[%swap3A_919, %swap3A_920], %swap3A_923 {strides = array<i32>} : memref<128x128xf32, #tpu.memory_space<vmem>>, vector<1x16xf32>,
        %add3A_924 = arith.constant 6 : i32
        %add3A_925 = arith.addi %mul3A_87, %add3A_924 : i32
        %get3A_926 = arith.index_cast %add3A_925 : i32 to index
        %get3A_927 = arith.constant 112 : index
        %get3A_928 = tpu.vector_load %arg10[%get3A_926, %get3A_927] {strides = array<i32>} : memref<128x128xf32, #tpu.memory_space<vmem>>, vector<1x16xf32>,
        %get3A_929 = vector.shape_cast %get3A_928 : vector<1x16xf32> to vector<16xf32>
        %mul3A_930 = vector.broadcast %squeeze3A_818 : f32 to vector<16xf32>
        %mul3A_931 = arith.mulf %get3A_929, %mul3A_930 : vector<16xf32>
        %add3A_932 = arith.constant 6 : i32
        %add3A_933 = arith.addi %mul3A_87, %add3A_932 : i32
        %swap3A_934 = arith.index_cast %add3A_933 : i32 to index
        %swap3A_935 = arith.constant 112 : index
        %swap3A_936 = tpu.vector_load %arg10[%swap3A_934, %swap3A_935] {strides = array<i32>} : memref<128x128xf32, #tpu.memory_space<vmem>>, vector<1x16xf32>,
        %swap3A_937 = vector.shape_cast %swap3A_936 : vector<1x16xf32> to vector<16xf32>
        %swap3A_938 = vector.shape_cast %mul3A_931 : vector<16xf32> to vector<1x16xf32>
        tpu.vector_store %arg10[%swap3A_934, %swap3A_935], %swap3A_938 {strides = array<i32>} : memref<128x128xf32, #tpu.memory_space<vmem>>, vector<1x16xf32>,
        %slice3A_939 = vector.extract_strided_slice %get3A_85 {offsets = [7], sizes = [1], strides = [1]} : vector<16xf32> to vector<1xf32>
        %squeeze3A_940 = vector.extract %slice3A_939[0] : f32 from vector<1xf32>
        %add3A_941 = arith.constant 7 : i32
        %add3A_942 = arith.addi %mul3A_87, %add3A_941 : i32
        %get3A_943 = arith.index_cast %add3A_942 : i32 to index
        %get3A_944 = arith.constant 0 : index
        %get3A_945 = tpu.vector_load %arg10[%get3A_943, %get3A_944] {strides = array<i32>} : memref<128x128xf32, #tpu.memory_space<vmem>>, vector<1x16xf32>,
        %get3A_946 = vector.shape_cast %get3A_945 : vector<1x16xf32> to vector<16xf32>
        %mul3A_947 = vector.broadcast %squeeze3A_940 : f32 to vector<16xf32>
        %mul3A_948 = arith.mulf %get3A_946, %mul3A_947 : vector<16xf32>
        %add3A_949 = arith.constant 7 : i32
        %add3A_950 = arith.addi %mul3A_87, %add3A_949 : i32
        %swap3A_951 = arith.index_cast %add3A_950 : i32 to index
        %swap3A_952 = arith.constant 0 : index
        %swap3A_953 = tpu.vector_load %arg10[%swap3A_951, %swap3A_952] {strides = array<i32>} : memref<128x128xf32, #tpu.memory_space<vmem>>, vector<1x16xf32>,
        %swap3A_954 = vector.shape_cast %swap3A_953 : vector<1x16xf32> to vector<16xf32>
        %swap3A_955 = vector.shape_cast %mul3A_948 : vector<16xf32> to vector<1x16xf32>
        tpu.vector_store %arg10[%swap3A_951, %swap3A_952], %swap3A_955 {strides = array<i32>} : memref<128x128xf32, #tpu.memory_space<vmem>>, vector<1x16xf32>,
        %add3A_956 = arith.constant 7 : i32
        %add3A_957 = arith.addi %mul3A_87, %add3A_956 : i32
        %get3A_958 = arith.index_cast %add3A_957 : i32 to index
        %get3A_959 = arith.constant 16 : index
        %get3A_960 = tpu.vector_load %arg10[%get3A_958, %get3A_959] {strides = array<i32>} : memref<128x128xf32, #tpu.memory_space<vmem>>, vector<1x16xf32>,
        %get3A_961 = vector.shape_cast %get3A_960 : vector<1x16xf32> to vector<16xf32>
        %mul3A_962 = vector.broadcast %squeeze3A_940 : f32 to vector<16xf32>
        %mul3A_963 = arith.mulf %get3A_961, %mul3A_962 : vector<16xf32>
        %add3A_964 = arith.constant 7 : i32
        %add3A_965 = arith.addi %mul3A_87, %add3A_964 : i32
        %swap3A_966 = arith.index_cast %add3A_965 : i32 to index
        %swap3A_967 = arith.constant 16 : index
        %swap3A_968 = tpu.vector_load %arg10[%swap3A_966, %swap3A_967] {strides = array<i32>} : memref<128x128xf32, #tpu.memory_space<vmem>>, vector<1x16xf32>,
        %swap3A_969 = vector.shape_cast %swap3A_968 : vector<1x16xf32> to vector<16xf32>
        %swap3A_970 = vector.shape_cast %mul3A_963 : vector<16xf32> to vector<1x16xf32>
        tpu.vector_store %arg10[%swap3A_966, %swap3A_967], %swap3A_970 {strides = array<i32>} : memref<128x128xf32, #tpu.memory_space<vmem>>, vector<1x16xf32>,
        %add3A_971 = arith.constant 7 : i32
        %add3A_972 = arith.addi %mul3A_87, %add3A_971 : i32
        %get3A_973 = arith.index_cast %add3A_972 : i32 to index
        %get3A_974 = arith.constant 32 : index
        %get3A_975 = tpu.vector_load %arg10[%get3A_973, %get3A_974] {strides = array<i32>} : memref<128x128xf32, #tpu.memory_space<vmem>>, vector<1x16xf32>,
        %get3A_976 = vector.shape_cast %get3A_975 : vector<1x16xf32> to vector<16xf32>
        %mul3A_977 = vector.broadcast %squeeze3A_940 : f32 to vector<16xf32>
        %mul3A_978 = arith.mulf %get3A_976, %mul3A_977 : vector<16xf32>
        %add3A_979 = arith.constant 7 : i32
        %add3A_980 = arith.addi %mul3A_87, %add3A_979 : i32
        %swap3A_981 = arith.index_cast %add3A_980 : i32 to index
        %swap3A_982 = arith.constant 32 : index
        %swap3A_983 = tpu.vector_load %arg10[%swap3A_981, %swap3A_982] {strides = array<i32>} : memref<128x128xf32, #tpu.memory_space<vmem>>, vector<1x16xf32>,
        %swap3A_984 = vector.shape_cast %swap3A_983 : vector<1x16xf32> to vector<16xf32>
        %swap3A_985 = vector.shape_cast %mul3A_978 : vector<16xf32> to vector<1x16xf32>
        tpu.vector_store %arg10[%swap3A_981, %swap3A_982], %swap3A_985 {strides = array<i32>} : memref<128x128xf32, #tpu.memory_space<vmem>>, vector<1x16xf32>,
        %add3A_986 = arith.constant 7 : i32
        %add3A_987 = arith.addi %mul3A_87, %add3A_986 : i32
        %get3A_988 = arith.index_cast %add3A_987 : i32 to index
        %get3A_989 = arith.constant 48 : index
        %get3A_990 = tpu.vector_load %arg10[%get3A_988, %get3A_989] {strides = array<i32>} : memref<128x128xf32, #tpu.memory_space<vmem>>, vector<1x16xf32>,
        %get3A_991 = vector.shape_cast %get3A_990 : vector<1x16xf32> to vector<16xf32>
        %mul3A_992 = vector.broadcast %squeeze3A_940 : f32 to vector<16xf32>
        %mul3A_993 = arith.mulf %get3A_991, %mul3A_992 : vector<16xf32>
        %add3A_994 = arith.constant 7 : i32
        %add3A_995 = arith.addi %mul3A_87, %add3A_994 : i32
        %swap3A_996 = arith.index_cast %add3A_995 : i32 to index
        %swap3A_997 = arith.constant 48 : index
        %swap3A_998 = tpu.vector_load %arg10[%swap3A_996, %swap3A_997] {strides = array<i32>} : memref<128x128xf32, #tpu.memory_space<vmem>>, vector<1x16xf32>,
        %swap3A_999 = vector.shape_cast %swap3A_998 : vector<1x16xf32> to vector<16xf32>
        %swap3A_1000 = vector.shape_cast %mul3A_993 : vector<16xf32> to vector<1x16xf32>
        tpu.vector_store %arg10[%swap3A_996, %swap3A_997], %swap3A_1000 {strides = array<i32>} : memref<128x128xf32, #tpu.memory_space<vmem>>, vector<1x16xf32>,
        %add3A_1001 = arith.constant 7 : i32
        %add3A_1002 = arith.addi %mul3A_87, %add3A_1001 : i32
        %get3A_1003 = arith.index_cast %add3A_1002 : i32 to index
        %get3A_1004 = arith.constant 64 : index
        %get3A_1005 = tpu.vector_load %arg10[%get3A_1003, %get3A_1004] {strides = array<i32>} : memref<128x128xf32, #tpu.memory_space<vmem>>, vector<1x16xf32>,
        %get3A_1006 = vector.shape_cast %get3A_1005 : vector<1x16xf32> to vector<16xf32>
        %mul3A_1007 = vector.broadcast %squeeze3A_940 : f32 to vector<16xf32>
        %mul3A_1008 = arith.mulf %get3A_1006, %mul3A_1007 : vector<16xf32>
        %add3A_1009 = arith.constant 7 : i32
        %add3A_1010 = arith.addi %mul3A_87, %add3A_1009 : i32
        %swap3A_1011 = arith.index_cast %add3A_1010 : i32 to index
        %swap3A_1012 = arith.constant 64 : index
        %swap3A_1013 = tpu.vector_load %arg10[%swap3A_1011, %swap3A_1012] {strides = array<i32>} : memref<128x128xf32, #tpu.memory_space<vmem>>, vector<1x16xf32>,
        %swap3A_1014 = vector.shape_cast %swap3A_1013 : vector<1x16xf32> to vector<16xf32>
        %swap3A_1015 = vector.shape_cast %mul3A_1008 : vector<16xf32> to vector<1x16xf32>
        tpu.vector_store %arg10[%swap3A_1011, %swap3A_1012], %swap3A_1015 {strides = array<i32>} : memref<128x128xf32, #tpu.memory_space<vmem>>, vector<1x16xf32>,
        %add3A_1016 = arith.constant 7 : i32
        %add3A_1017 = arith.addi %mul3A_87, %add3A_1016 : i32
        %get3A_1018 = arith.index_cast %add3A_1017 : i32 to index
        %get3A_1019 = arith.constant 80 : index
        %get3A_1020 = tpu.vector_load %arg10[%get3A_1018, %get3A_1019] {strides = array<i32>} : memref<128x128xf32, #tpu.memory_space<vmem>>, vector<1x16xf32>,
        %get3A_1021 = vector.shape_cast %get3A_1020 : vector<1x16xf32> to vector<16xf32>
        %mul3A_1022 = vector.broadcast %squeeze3A_940 : f32 to vector<16xf32>
        %mul3A_1023 = arith.mulf %get3A_1021, %mul3A_1022 : vector<16xf32>
        %add3A_1024 = arith.constant 7 : i32
        %add3A_1025 = arith.addi %mul3A_87, %add3A_1024 : i32
        %swap3A_1026 = arith.index_cast %add3A_1025 : i32 to index
        %swap3A_1027 = arith.constant 80 : index
        %swap3A_1028 = tpu.vector_load %arg10[%swap3A_1026, %swap3A_1027] {strides = array<i32>} : memref<128x128xf32, #tpu.memory_space<vmem>>, vector<1x16xf32>,
        %swap3A_1029 = vector.shape_cast %swap3A_1028 : vector<1x16xf32> to vector<16xf32>
        %swap3A_1030 = vector.shape_cast %mul3A_1023 : vector<16xf32> to vector<1x16xf32>
        tpu.vector_store %arg10[%swap3A_1026, %swap3A_1027], %swap3A_1030 {strides = array<i32>} : memref<128x128xf32, #tpu.memory_space<vmem>>, vector<1x16xf32>,
        %add3A_1031 = arith.constant 7 : i32
        %add3A_1032 = arith.addi %mul3A_87, %add3A_1031 : i32
        %get3A_1033 = arith.index_cast %add3A_1032 : i32 to index
        %get3A_1034 = arith.constant 96 : index
        %get3A_1035 = tpu.vector_load %arg10[%get3A_1033, %get3A_1034] {strides = array<i32>} : memref<128x128xf32, #tpu.memory_space<vmem>>, vector<1x16xf32>,
        %get3A_1036 = vector.shape_cast %get3A_1035 : vector<1x16xf32> to vector<16xf32>
        %mul3A_1037 = vector.broadcast %squeeze3A_940 : f32 to vector<16xf32>
        %mul3A_1038 = arith.mulf %get3A_1036, %mul3A_1037 : vector<16xf32>
        %add3A_1039 = arith.constant 7 : i32
        %add3A_1040 = arith.addi %mul3A_87, %add3A_1039 : i32
        %swap3A_1041 = arith.index_cast %add3A_1040 : i32 to index
        %swap3A_1042 = arith.constant 96 : index
        %swap3A_1043 = tpu.vector_load %arg10[%swap3A_1041, %swap3A_1042] {strides = array<i32>} : memref<128x128xf32, #tpu.memory_space<vmem>>, vector<1x16xf32>,
        %swap3A_1044 = vector.shape_cast %swap3A_1043 : vector<1x16xf32> to vector<16xf32>
        %swap3A_1045 = vector.shape_cast %mul3A_1038 : vector<16xf32> to vector<1x16xf32>
        tpu.vector_store %arg10[%swap3A_1041, %swap3A_1042], %swap3A_1045 {strides = array<i32>} : memref<128x128xf32, #tpu.memory_space<vmem>>, vector<1x16xf32>,
        %add3A_1046 = arith.constant 7 : i32
        %add3A_1047 = arith.addi %mul3A_87, %add3A_1046 : i32
        %get3A_1048 = arith.index_cast %add3A_1047 : i32 to index
        %get3A_1049 = arith.constant 112 : index
        %get3A_1050 = tpu.vector_load %arg10[%get3A_1048, %get3A_1049] {strides = array<i32>} : memref<128x128xf32, #tpu.memory_space<vmem>>, vector<1x16xf32>,
        %get3A_1051 = vector.shape_cast %get3A_1050 : vector<1x16xf32> to vector<16xf32>
        %mul3A_1052 = vector.broadcast %squeeze3A_940 : f32 to vector<16xf32>
        %mul3A_1053 = arith.mulf %get3A_1051, %mul3A_1052 : vector<16xf32>
        %add3A_1054 = arith.constant 7 : i32
        %add3A_1055 = arith.addi %mul3A_87, %add3A_1054 : i32
        %swap3A_1056 = arith.index_cast %add3A_1055 : i32 to index
        %swap3A_1057 = arith.constant 112 : index
        %swap3A_1058 = tpu.vector_load %arg10[%swap3A_1056, %swap3A_1057] {strides = array<i32>} : memref<128x128xf32, #tpu.memory_space<vmem>>, vector<1x16xf32>,
        %swap3A_1059 = vector.shape_cast %swap3A_1058 : vector<1x16xf32> to vector<16xf32>
        %swap3A_1060 = vector.shape_cast %mul3A_1053 : vector<16xf32> to vector<1x16xf32>
        tpu.vector_store %arg10[%swap3A_1056, %swap3A_1057], %swap3A_1060 {strides = array<i32>} : memref<128x128xf32, #tpu.memory_space<vmem>>, vector<1x16xf32>,
        %slice3A_1061 = vector.extract_strided_slice %get3A_85 {offsets = [8], sizes = [1], strides = [1]} : vector<16xf32> to vector<1xf32>
        %squeeze3A_1062 = vector.extract %slice3A_1061[0] : f32 from vector<1xf32>
        %add3A_1063 = arith.constant 8 : i32
        %add3A_1064 = arith.addi %mul3A_87, %add3A_1063 : i32
        %get3A_1065 = arith.index_cast %add3A_1064 : i32 to index
        %get3A_1066 = arith.constant 0 : index
        %get3A_1067 = tpu.vector_load %arg10[%get3A_1065, %get3A_1066] {strides = array<i32>} : memref<128x128xf32, #tpu.memory_space<vmem>>, vector<1x16xf32>,
        %get3A_1068 = vector.shape_cast %get3A_1067 : vector<1x16xf32> to vector<16xf32>
        %mul3A_1069 = vector.broadcast %squeeze3A_1062 : f32 to vector<16xf32>
        %mul3A_1070 = arith.mulf %get3A_1068, %mul3A_1069 : vector<16xf32>
        %add3A_1071 = arith.constant 8 : i32
        %add3A_1072 = arith.addi %mul3A_87, %add3A_1071 : i32
        %swap3A_1073 = arith.index_cast %add3A_1072 : i32 to index
        %swap3A_1074 = arith.constant 0 : index
        %swap3A_1075 = tpu.vector_load %arg10[%swap3A_1073, %swap3A_1074] {strides = array<i32>} : memref<128x128xf32, #tpu.memory_space<vmem>>, vector<1x16xf32>,
        %swap3A_1076 = vector.shape_cast %swap3A_1075 : vector<1x16xf32> to vector<16xf32>
        %swap3A_1077 = vector.shape_cast %mul3A_1070 : vector<16xf32> to vector<1x16xf32>
        tpu.vector_store %arg10[%swap3A_1073, %swap3A_1074], %swap3A_1077 {strides = array<i32>} : memref<128x128xf32, #tpu.memory_space<vmem>>, vector<1x16xf32>,
        %add3A_1078 = arith.constant 8 : i32
        %add3A_1079 = arith.addi %mul3A_87, %add3A_1078 : i32
        %get3A_1080 = arith.index_cast %add3A_1079 : i32 to index
        %get3A_1081 = arith.constant 16 : index
        %get3A_1082 = tpu.vector_load %arg10[%get3A_1080, %get3A_1081] {strides = array<i32>} : memref<128x128xf32, #tpu.memory_space<vmem>>, vector<1x16xf32>,
        %get3A_1083 = vector.shape_cast %get3A_1082 : vector<1x16xf32> to vector<16xf32>
        %mul3A_1084 = vector.broadcast %squeeze3A_1062 : f32 to vector<16xf32>
        %mul3A_1085 = arith.mulf %get3A_1083, %mul3A_1084 : vector<16xf32>
        %add3A_1086 = arith.constant 8 : i32
        %add3A_1087 = arith.addi %mul3A_87, %add3A_1086 : i32
        %swap3A_1088 = arith.index_cast %add3A_1087 : i32 to index
        %swap3A_1089 = arith.constant 16 : index
        %swap3A_1090 = tpu.vector_load %arg10[%swap3A_1088, %swap3A_1089] {strides = array<i32>} : memref<128x128xf32, #tpu.memory_space<vmem>>, vector<1x16xf32>,
        %swap3A_1091 = vector.shape_cast %swap3A_1090 : vector<1x16xf32> to vector<16xf32>
        %swap3A_1092 = vector.shape_cast %mul3A_1085 : vector<16xf32> to vector<1x16xf32>
        tpu.vector_store %arg10[%swap3A_1088, %swap3A_1089], %swap3A_1092 {strides = array<i32>} : memref<128x128xf32, #tpu.memory_space<vmem>>, vector<1x16xf32>,
        %add3A_1093 = arith.constant 8 : i32
        %add3A_1094 = arith.addi %mul3A_87, %add3A_1093 : i32
        %get3A_1095 = arith.index_cast %add3A_1094 : i32 to index
        %get3A_1096 = arith.constant 32 : index
        %get3A_1097 = tpu.vector_load %arg10[%get3A_1095, %get3A_1096] {strides = array<i32>} : memref<128x128xf32, #tpu.memory_space<vmem>>, vector<1x16xf32>,
        %get3A_1098 = vector.shape_cast %get3A_1097 : vector<1x16xf32> to vector<16xf32>
        %mul3A_1099 = vector.broadcast %squeeze3A_1062 : f32 to vector<16xf32>
        %mul3A_1100 = arith.mulf %get3A_1098, %mul3A_1099 : vector<16xf32>
        %add3A_1101 = arith.constant 8 : i32
        %add3A_1102 = arith.addi %mul3A_87, %add3A_1101 : i32
        %swap3A_1103 = arith.index_cast %add3A_1102 : i32 to index
        %swap3A_1104 = arith.constant 32 : index
        %swap3A_1105 = tpu.vector_load %arg10[%swap3A_1103, %swap3A_1104] {strides = array<i32>} : memref<128x128xf32, #tpu.memory_space<vmem>>, vector<1x16xf32>,
        %swap3A_1106 = vector.shape_cast %swap3A_1105 : vector<1x16xf32> to vector<16xf32>
        %swap3A_1107 = vector.shape_cast %mul3A_1100 : vector<16xf32> to vector<1x16xf32>
        tpu.vector_store %arg10[%swap3A_1103, %swap3A_1104], %swap3A_1107 {strides = array<i32>} : memref<128x128xf32, #tpu.memory_space<vmem>>, vector<1x16xf32>,
        %add3A_1108 = arith.constant 8 : i32
        %add3A_1109 = arith.addi %mul3A_87, %add3A_1108 : i32
        %get3A_1110 = arith.index_cast %add3A_1109 : i32 to index
        %get3A_1111 = arith.constant 48 : index
        %get3A_1112 = tpu.vector_load %arg10[%get3A_1110, %get3A_1111] {strides = array<i32>} : memref<128x128xf32, #tpu.memory_space<vmem>>, vector<1x16xf32>,
        %get3A_1113 = vector.shape_cast %get3A_1112 : vector<1x16xf32> to vector<16xf32>
        %mul3A_1114 = vector.broadcast %squeeze3A_1062 : f32 to vector<16xf32>
        %mul3A_1115 = arith.mulf %get3A_1113, %mul3A_1114 : vector<16xf32>
        %add3A_1116 = arith.constant 8 : i32
        %add3A_1117 = arith.addi %mul3A_87, %add3A_1116 : i32
        %swap3A_1118 = arith.index_cast %add3A_1117 : i32 to index
        %swap3A_1119 = arith.constant 48 : index
        %swap3A_1120 = tpu.vector_load %arg10[%swap3A_1118, %swap3A_1119] {strides = array<i32>} : memref<128x128xf32, #tpu.memory_space<vmem>>, vector<1x16xf32>,
        %swap3A_1121 = vector.shape_cast %swap3A_1120 : vector<1x16xf32> to vector<16xf32>
        %swap3A_1122 = vector.shape_cast %mul3A_1115 : vector<16xf32> to vector<1x16xf32>
        tpu.vector_store %arg10[%swap3A_1118, %swap3A_1119], %swap3A_1122 {strides = array<i32>} : memref<128x128xf32, #tpu.memory_space<vmem>>, vector<1x16xf32>,
        %add3A_1123 = arith.constant 8 : i32
        %add3A_1124 = arith.addi %mul3A_87, %add3A_1123 : i32
        %get3A_1125 = arith.index_cast %add3A_1124 : i32 to index
        %get3A_1126 = arith.constant 64 : index
        %get3A_1127 = tpu.vector_load %arg10[%get3A_1125, %get3A_1126] {strides = array<i32>} : memref<128x128xf32, #tpu.memory_space<vmem>>, vector<1x16xf32>,
        %get3A_1128 = vector.shape_cast %get3A_1127 : vector<1x16xf32> to vector<16xf32>
        %mul3A_1129 = vector.broadcast %squeeze3A_1062 : f32 to vector<16xf32>
        %mul3A_1130 = arith.mulf %get3A_1128, %mul3A_1129 : vector<16xf32>
        %add3A_1131 = arith.constant 8 : i32
        %add3A_1132 = arith.addi %mul3A_87, %add3A_1131 : i32
        %swap3A_1133 = arith.index_cast %add3A_1132 : i32 to index
        %swap3A_1134 = arith.constant 64 : index
        %swap3A_1135 = tpu.vector_load %arg10[%swap3A_1133, %swap3A_1134] {strides = array<i32>} : memref<128x128xf32, #tpu.memory_space<vmem>>, vector<1x16xf32>,
        %swap3A_1136 = vector.shape_cast %swap3A_1135 : vector<1x16xf32> to vector<16xf32>
        %swap3A_1137 = vector.shape_cast %mul3A_1130 : vector<16xf32> to vector<1x16xf32>
        tpu.vector_store %arg10[%swap3A_1133, %swap3A_1134], %swap3A_1137 {strides = array<i32>} : memref<128x128xf32, #tpu.memory_space<vmem>>, vector<1x16xf32>,
        %add3A_1138 = arith.constant 8 : i32
        %add3A_1139 = arith.addi %mul3A_87, %add3A_1138 : i32
        %get3A_1140 = arith.index_cast %add3A_1139 : i32 to index
        %get3A_1141 = arith.constant 80 : index
        %get3A_1142 = tpu.vector_load %arg10[%get3A_1140, %get3A_1141] {strides = array<i32>} : memref<128x128xf32, #tpu.memory_space<vmem>>, vector<1x16xf32>,
        %get3A_1143 = vector.shape_cast %get3A_1142 : vector<1x16xf32> to vector<16xf32>
        %mul3A_1144 = vector.broadcast %squeeze3A_1062 : f32 to vector<16xf32>
        %mul3A_1145 = arith.mulf %get3A_1143, %mul3A_1144 : vector<16xf32>
        %add3A_1146 = arith.constant 8 : i32
        %add3A_1147 = arith.addi %mul3A_87, %add3A_1146 : i32
        %swap3A_1148 = arith.index_cast %add3A_1147 : i32 to index
        %swap3A_1149 = arith.constant 80 : index
        %swap3A_1150 = tpu.vector_load %arg10[%swap3A_1148, %swap3A_1149] {strides = array<i32>} : memref<128x128xf32, #tpu.memory_space<vmem>>, vector<1x16xf32>,
        %swap3A_1151 = vector.shape_cast %swap3A_1150 : vector<1x16xf32> to vector<16xf32>
        %swap3A_1152 = vector.shape_cast %mul3A_1145 : vector<16xf32> to vector<1x16xf32>
        tpu.vector_store %arg10[%swap3A_1148, %swap3A_1149], %swap3A_1152 {strides = array<i32>} : memref<128x128xf32, #tpu.memory_space<vmem>>, vector<1x16xf32>,
        %add3A_1153 = arith.constant 8 : i32
        %add3A_1154 = arith.addi %mul3A_87, %add3A_1153 : i32
        %get3A_1155 = arith.index_cast %add3A_1154 : i32 to index
        %get3A_1156 = arith.constant 96 : index
        %get3A_1157 = tpu.vector_load %arg10[%get3A_1155, %get3A_1156] {strides = array<i32>} : memref<128x128xf32, #tpu.memory_space<vmem>>, vector<1x16xf32>,
        %get3A_1158 = vector.shape_cast %get3A_1157 : vector<1x16xf32> to vector<16xf32>
        %mul3A_1159 = vector.broadcast %squeeze3A_1062 : f32 to vector<16xf32>
        %mul3A_1160 = arith.mulf %get3A_1158, %mul3A_1159 : vector<16xf32>
        %add3A_1161 = arith.constant 8 : i32
        %add3A_1162 = arith.addi %mul3A_87, %add3A_1161 : i32
        %swap3A_1163 = arith.index_cast %add3A_1162 : i32 to index
        %swap3A_1164 = arith.constant 96 : index
        %swap3A_1165 = tpu.vector_load %arg10[%swap3A_1163, %swap3A_1164] {strides = array<i32>} : memref<128x128xf32, #tpu.memory_space<vmem>>, vector<1x16xf32>,
        %swap3A_1166 = vector.shape_cast %swap3A_1165 : vector<1x16xf32> to vector<16xf32>
        %swap3A_1167 = vector.shape_cast %mul3A_1160 : vector<16xf32> to vector<1x16xf32>
        tpu.vector_store %arg10[%swap3A_1163, %swap3A_1164], %swap3A_1167 {strides = array<i32>} : memref<128x128xf32, #tpu.memory_space<vmem>>, vector<1x16xf32>,
        %add3A_1168 = arith.constant 8 : i32
        %add3A_1169 = arith.addi %mul3A_87, %add3A_1168 : i32
        %get3A_1170 = arith.index_cast %add3A_1169 : i32 to index
        %get3A_1171 = arith.constant 112 : index
        %get3A_1172 = tpu.vector_load %arg10[%get3A_1170, %get3A_1171] {strides = array<i32>} : memref<128x128xf32, #tpu.memory_space<vmem>>, vector<1x16xf32>,
        %get3A_1173 = vector.shape_cast %get3A_1172 : vector<1x16xf32> to vector<16xf32>
        %mul3A_1174 = vector.broadcast %squeeze3A_1062 : f32 to vector<16xf32>
        %mul3A_1175 = arith.mulf %get3A_1173, %mul3A_1174 : vector<16xf32>
        %add3A_1176 = arith.constant 8 : i32
        %add3A_1177 = arith.addi %mul3A_87, %add3A_1176 : i32
        %swap3A_1178 = arith.index_cast %add3A_1177 : i32 to index
        %swap3A_1179 = arith.constant 112 : index
        %swap3A_1180 = tpu.vector_load %arg10[%swap3A_1178, %swap3A_1179] {strides = array<i32>} : memref<128x128xf32, #tpu.memory_space<vmem>>, vector<1x16xf32>,
        %swap3A_1181 = vector.shape_cast %swap3A_1180 : vector<1x16xf32> to vector<16xf32>
        %swap3A_1182 = vector.shape_cast %mul3A_1175 : vector<16xf32> to vector<1x16xf32>
        tpu.vector_store %arg10[%swap3A_1178, %swap3A_1179], %swap3A_1182 {strides = array<i32>} : memref<128x128xf32, #tpu.memory_space<vmem>>, vector<1x16xf32>,
        %slice3A_1183 = vector.extract_strided_slice %get3A_85 {offsets = [9], sizes = [1], strides = [1]} : vector<16xf32> to vector<1xf32>
        %squeeze3A_1184 = vector.extract %slice3A_1183[0] : f32 from vector<1xf32>
        %add3A_1185 = arith.constant 9 : i32
        %add3A_1186 = arith.addi %mul3A_87, %add3A_1185 : i32
        %get3A_1187 = arith.index_cast %add3A_1186 : i32 to index
        %get3A_1188 = arith.constant 0 : index
        %get3A_1189 = tpu.vector_load %arg10[%get3A_1187, %get3A_1188] {strides = array<i32>} : memref<128x128xf32, #tpu.memory_space<vmem>>, vector<1x16xf32>,
        %get3A_1190 = vector.shape_cast %get3A_1189 : vector<1x16xf32> to vector<16xf32>
        %mul3A_1191 = vector.broadcast %squeeze3A_1184 : f32 to vector<16xf32>
        %mul3A_1192 = arith.mulf %get3A_1190, %mul3A_1191 : vector<16xf32>
        %add3A_1193 = arith.constant 9 : i32
        %add3A_1194 = arith.addi %mul3A_87, %add3A_1193 : i32
        %swap3A_1195 = arith.index_cast %add3A_1194 : i32 to index
        %swap3A_1196 = arith.constant 0 : index
        %swap3A_1197 = tpu.vector_load %arg10[%swap3A_1195, %swap3A_1196] {strides = array<i32>} : memref<128x128xf32, #tpu.memory_space<vmem>>, vector<1x16xf32>,
        %swap3A_1198 = vector.shape_cast %swap3A_1197 : vector<1x16xf32> to vector<16xf32>
        %swap3A_1199 = vector.shape_cast %mul3A_1192 : vector<16xf32> to vector<1x16xf32>
        tpu.vector_store %arg10[%swap3A_1195, %swap3A_1196], %swap3A_1199 {strides = array<i32>} : memref<128x128xf32, #tpu.memory_space<vmem>>, vector<1x16xf32>,
        %add3A_1200 = arith.constant 9 : i32
        %add3A_1201 = arith.addi %mul3A_87, %add3A_1200 : i32
        %get3A_1202 = arith.index_cast %add3A_1201 : i32 to index
        %get3A_1203 = arith.constant 16 : index
        %get3A_1204 = tpu.vector_load %arg10[%get3A_1202, %get3A_1203] {strides = array<i32>} : memref<128x128xf32, #tpu.memory_space<vmem>>, vector<1x16xf32>,
        %get3A_1205 = vector.shape_cast %get3A_1204 : vector<1x16xf32> to vector<16xf32>
        %mul3A_1206 = vector.broadcast %squeeze3A_1184 : f32 to vector<16xf32>
        %mul3A_1207 = arith.mulf %get3A_1205, %mul3A_1206 : vector<16xf32>
        %add3A_1208 = arith.constant 9 : i32
        %add3A_1209 = arith.addi %mul3A_87, %add3A_1208 : i32
        %swap3A_1210 = arith.index_cast %add3A_1209 : i32 to index
        %swap3A_1211 = arith.constant 16 : index
        %swap3A_1212 = tpu.vector_load %arg10[%swap3A_1210, %swap3A_1211] {strides = array<i32>} : memref<128x128xf32, #tpu.memory_space<vmem>>, vector<1x16xf32>,
        %swap3A_1213 = vector.shape_cast %swap3A_1212 : vector<1x16xf32> to vector<16xf32>
        %swap3A_1214 = vector.shape_cast %mul3A_1207 : vector<16xf32> to vector<1x16xf32>
        tpu.vector_store %arg10[%swap3A_1210, %swap3A_1211], %swap3A_1214 {strides = array<i32>} : memref<128x128xf32, #tpu.memory_space<vmem>>, vector<1x16xf32>,
        %add3A_1215 = arith.constant 9 : i32
        %add3A_1216 = arith.addi %mul3A_87, %add3A_1215 : i32
        %get3A_1217 = arith.index_cast %add3A_1216 : i32 to index
        %get3A_1218 = arith.constant 32 : index
        %get3A_1219 = tpu.vector_load %arg10[%get3A_1217, %get3A_1218] {strides = array<i32>} : memref<128x128xf32, #tpu.memory_space<vmem>>, vector<1x16xf32>,
        %get3A_1220 = vector.shape_cast %get3A_1219 : vector<1x16xf32> to vector<16xf32>
        %mul3A_1221 = vector.broadcast %squeeze3A_1184 : f32 to vector<16xf32>
        %mul3A_1222 = arith.mulf %get3A_1220, %mul3A_1221 : vector<16xf32>
        %add3A_1223 = arith.constant 9 : i32
        %add3A_1224 = arith.addi %mul3A_87, %add3A_1223 : i32
        %swap3A_1225 = arith.index_cast %add3A_1224 : i32 to index
        %swap3A_1226 = arith.constant 32 : index
        %swap3A_1227 = tpu.vector_load %arg10[%swap3A_1225, %swap3A_1226] {strides = array<i32>} : memref<128x128xf32, #tpu.memory_space<vmem>>, vector<1x16xf32>,
        %swap3A_1228 = vector.shape_cast %swap3A_1227 : vector<1x16xf32> to vector<16xf32>
        %swap3A_1229 = vector.shape_cast %mul3A_1222 : vector<16xf32> to vector<1x16xf32>
        tpu.vector_store %arg10[%swap3A_1225, %swap3A_1226], %swap3A_1229 {strides = array<i32>} : memref<128x128xf32, #tpu.memory_space<vmem>>, vector<1x16xf32>,
        %add3A_1230 = arith.constant 9 : i32
        %add3A_1231 = arith.addi %mul3A_87, %add3A_1230 : i32
        %get3A_1232 = arith.index_cast %add3A_1231 : i32 to index
        %get3A_1233 = arith.constant 48 : index
        %get3A_1234 = tpu.vector_load %arg10[%get3A_1232, %get3A_1233] {strides = array<i32>} : memref<128x128xf32, #tpu.memory_space<vmem>>, vector<1x16xf32>,
        %get3A_1235 = vector.shape_cast %get3A_1234 : vector<1x16xf32> to vector<16xf32>
        %mul3A_1236 = vector.broadcast %squeeze3A_1184 : f32 to vector<16xf32>
        %mul3A_1237 = arith.mulf %get3A_1235, %mul3A_1236 : vector<16xf32>
        %add3A_1238 = arith.constant 9 : i32
        %add3A_1239 = arith.addi %mul3A_87, %add3A_1238 : i32
        %swap3A_1240 = arith.index_cast %add3A_1239 : i32 to index
        %swap3A_1241 = arith.constant 48 : index
        %swap3A_1242 = tpu.vector_load %arg10[%swap3A_1240, %swap3A_1241] {strides = array<i32>} : memref<128x128xf32, #tpu.memory_space<vmem>>, vector<1x16xf32>,
        %swap3A_1243 = vector.shape_cast %swap3A_1242 : vector<1x16xf32> to vector<16xf32>
        %swap3A_1244 = vector.shape_cast %mul3A_1237 : vector<16xf32> to vector<1x16xf32>
        tpu.vector_store %arg10[%swap3A_1240, %swap3A_1241], %swap3A_1244 {strides = array<i32>} : memref<128x128xf32, #tpu.memory_space<vmem>>, vector<1x16xf32>,
        %add3A_1245 = arith.constant 9 : i32
        %add3A_1246 = arith.addi %mul3A_87, %add3A_1245 : i32
        %get3A_1247 = arith.index_cast %add3A_1246 : i32 to index
        %get3A_1248 = arith.constant 64 : index
        %get3A_1249 = tpu.vector_load %arg10[%get3A_1247, %get3A_1248] {strides = array<i32>} : memref<128x128xf32, #tpu.memory_space<vmem>>, vector<1x16xf32>,
        %get3A_1250 = vector.shape_cast %get3A_1249 : vector<1x16xf32> to vector<16xf32>
        %mul3A_1251 = vector.broadcast %squeeze3A_1184 : f32 to vector<16xf32>
        %mul3A_1252 = arith.mulf %get3A_1250, %mul3A_1251 : vector<16xf32>
        %add3A_1253 = arith.constant 9 : i32
        %add3A_1254 = arith.addi %mul3A_87, %add3A_1253 : i32
        %swap3A_1255 = arith.index_cast %add3A_1254 : i32 to index
        %swap3A_1256 = arith.constant 64 : index
        %swap3A_1257 = tpu.vector_load %arg10[%swap3A_1255, %swap3A_1256] {strides = array<i32>} : memref<128x128xf32, #tpu.memory_space<vmem>>, vector<1x16xf32>,
        %swap3A_1258 = vector.shape_cast %swap3A_1257 : vector<1x16xf32> to vector<16xf32>
        %swap3A_1259 = vector.shape_cast %mul3A_1252 : vector<16xf32> to vector<1x16xf32>
        tpu.vector_store %arg10[%swap3A_1255, %swap3A_1256], %swap3A_1259 {strides = array<i32>} : memref<128x128xf32, #tpu.memory_space<vmem>>, vector<1x16xf32>,
        %add3A_1260 = arith.constant 9 : i32
        %add3A_1261 = arith.addi %mul3A_87, %add3A_1260 : i32
        %get3A_1262 = arith.index_cast %add3A_1261 : i32 to index
        %get3A_1263 = arith.constant 80 : index
        %get3A_1264 = tpu.vector_load %arg10[%get3A_1262, %get3A_1263] {strides = array<i32>} : memref<128x128xf32, #tpu.memory_space<vmem>>, vector<1x16xf32>,
        %get3A_1265 = vector.shape_cast %get3A_1264 : vector<1x16xf32> to vector<16xf32>
        %mul3A_1266 = vector.broadcast %squeeze3A_1184 : f32 to vector<16xf32>
        %mul3A_1267 = arith.mulf %get3A_1265, %mul3A_1266 : vector<16xf32>
        %add3A_1268 = arith.constant 9 : i32
        %add3A_1269 = arith.addi %mul3A_87, %add3A_1268 : i32
        %swap3A_1270 = arith.index_cast %add3A_1269 : i32 to index
        %swap3A_1271 = arith.constant 80 : index
        %swap3A_1272 = tpu.vector_load %arg10[%swap3A_1270, %swap3A_1271] {strides = array<i32>} : memref<128x128xf32, #tpu.memory_space<vmem>>, vector<1x16xf32>,
        %swap3A_1273 = vector.shape_cast %swap3A_1272 : vector<1x16xf32> to vector<16xf32>
        %swap3A_1274 = vector.shape_cast %mul3A_1267 : vector<16xf32> to vector<1x16xf32>
        tpu.vector_store %arg10[%swap3A_1270, %swap3A_1271], %swap3A_1274 {strides = array<i32>} : memref<128x128xf32, #tpu.memory_space<vmem>>, vector<1x16xf32>,
        %add3A_1275 = arith.constant 9 : i32
        %add3A_1276 = arith.addi %mul3A_87, %add3A_1275 : i32
        %get3A_1277 = arith.index_cast %add3A_1276 : i32 to index
        %get3A_1278 = arith.constant 96 : index
        %get3A_1279 = tpu.vector_load %arg10[%get3A_1277, %get3A_1278] {strides = array<i32>} : memref<128x128xf32, #tpu.memory_space<vmem>>, vector<1x16xf32>,
        %get3A_1280 = vector.shape_cast %get3A_1279 : vector<1x16xf32> to vector<16xf32>
        %mul3A_1281 = vector.broadcast %squeeze3A_1184 : f32 to vector<16xf32>
        %mul3A_1282 = arith.mulf %get3A_1280, %mul3A_1281 : vector<16xf32>
        %add3A_1283 = arith.constant 9 : i32
        %add3A_1284 = arith.addi %mul3A_87, %add3A_1283 : i32
        %swap3A_1285 = arith.index_cast %add3A_1284 : i32 to index
        %swap3A_1286 = arith.constant 96 : index
        %swap3A_1287 = tpu.vector_load %arg10[%swap3A_1285, %swap3A_1286] {strides = array<i32>} : memref<128x128xf32, #tpu.memory_space<vmem>>, vector<1x16xf32>,
        %swap3A_1288 = vector.shape_cast %swap3A_1287 : vector<1x16xf32> to vector<16xf32>
        %swap3A_1289 = vector.shape_cast %mul3A_1282 : vector<16xf32> to vector<1x16xf32>
        tpu.vector_store %arg10[%swap3A_1285, %swap3A_1286], %swap3A_1289 {strides = array<i32>} : memref<128x128xf32, #tpu.memory_space<vmem>>, vector<1x16xf32>,
        %add3A_1290 = arith.constant 9 : i32
        %add3A_1291 = arith.addi %mul3A_87, %add3A_1290 : i32
        %get3A_1292 = arith.index_cast %add3A_1291 : i32 to index
        %get3A_1293 = arith.constant 112 : index
        %get3A_1294 = tpu.vector_load %arg10[%get3A_1292, %get3A_1293] {strides = array<i32>} : memref<128x128xf32, #tpu.memory_space<vmem>>, vector<1x16xf32>,
        %get3A_1295 = vector.shape_cast %get3A_1294 : vector<1x16xf32> to vector<16xf32>
        %mul3A_1296 = vector.broadcast %squeeze3A_1184 : f32 to vector<16xf32>
        %mul3A_1297 = arith.mulf %get3A_1295, %mul3A_1296 : vector<16xf32>
        %add3A_1298 = arith.constant 9 : i32
        %add3A_1299 = arith.addi %mul3A_87, %add3A_1298 : i32
        %swap3A_1300 = arith.index_cast %add3A_1299 : i32 to index
        %swap3A_1301 = arith.constant 112 : index
        %swap3A_1302 = tpu.vector_load %arg10[%swap3A_1300, %swap3A_1301] {strides = array<i32>} : memref<128x128xf32, #tpu.memory_space<vmem>>, vector<1x16xf32>,
        %swap3A_1303 = vector.shape_cast %swap3A_1302 : vector<1x16xf32> to vector<16xf32>
        %swap3A_1304 = vector.shape_cast %mul3A_1297 : vector<16xf32> to vector<1x16xf32>
        tpu.vector_store %arg10[%swap3A_1300, %swap3A_1301], %swap3A_1304 {strides = array<i32>} : memref<128x128xf32, #tpu.memory_space<vmem>>, vector<1x16xf32>,
        %slice3A_1305 = vector.extract_strided_slice %get3A_85 {offsets = [10], sizes = [1], strides = [1]} : vector<16xf32> to vector<1xf32>
        %squeeze3A_1306 = vector.extract %slice3A_1305[0] : f32 from vector<1xf32>
        %add3A_1307 = arith.constant 10 : i32
        %add3A_1308 = arith.addi %mul3A_87, %add3A_1307 : i32
        %get3A_1309 = arith.index_cast %add3A_1308 : i32 to index
        %get3A_1310 = arith.constant 0 : index
        %get3A_1311 = tpu.vector_load %arg10[%get3A_1309, %get3A_1310] {strides = array<i32>} : memref<128x128xf32, #tpu.memory_space<vmem>>, vector<1x16xf32>,
        %get3A_1312 = vector.shape_cast %get3A_1311 : vector<1x16xf32> to vector<16xf32>
        %mul3A_1313 = vector.broadcast %squeeze3A_1306 : f32 to vector<16xf32>
        %mul3A_1314 = arith.mulf %get3A_1312, %mul3A_1313 : vector<16xf32>
        %add3A_1315 = arith.constant 10 : i32
        %add3A_1316 = arith.addi %mul3A_87, %add3A_1315 : i32
        %swap3A_1317 = arith.index_cast %add3A_1316 : i32 to index
        %swap3A_1318 = arith.constant 0 : index
        %swap3A_1319 = tpu.vector_load %arg10[%swap3A_1317, %swap3A_1318] {strides = array<i32>} : memref<128x128xf32, #tpu.memory_space<vmem>>, vector<1x16xf32>,
        %swap3A_1320 = vector.shape_cast %swap3A_1319 : vector<1x16xf32> to vector<16xf32>
        %swap3A_1321 = vector.shape_cast %mul3A_1314 : vector<16xf32> to vector<1x16xf32>
        tpu.vector_store %arg10[%swap3A_1317, %swap3A_1318], %swap3A_1321 {strides = array<i32>} : memref<128x128xf32, #tpu.memory_space<vmem>>, vector<1x16xf32>,
        %add3A_1322 = arith.constant 10 : i32
        %add3A_1323 = arith.addi %mul3A_87, %add3A_1322 : i32
        %get3A_1324 = arith.index_cast %add3A_1323 : i32 to index
        %get3A_1325 = arith.constant 16 : index
        %get3A_1326 = tpu.vector_load %arg10[%get3A_1324, %get3A_1325] {strides = array<i32>} : memref<128x128xf32, #tpu.memory_space<vmem>>, vector<1x16xf32>,
        %get3A_1327 = vector.shape_cast %get3A_1326 : vector<1x16xf32> to vector<16xf32>
        %mul3A_1328 = vector.broadcast %squeeze3A_1306 : f32 to vector<16xf32>
        %mul3A_1329 = arith.mulf %get3A_1327, %mul3A_1328 : vector<16xf32>
        %add3A_1330 = arith.constant 10 : i32
        %add3A_1331 = arith.addi %mul3A_87, %add3A_1330 : i32
        %swap3A_1332 = arith.index_cast %add3A_1331 : i32 to index
        %swap3A_1333 = arith.constant 16 : index
        %swap3A_1334 = tpu.vector_load %arg10[%swap3A_1332, %swap3A_1333] {strides = array<i32>} : memref<128x128xf32, #tpu.memory_space<vmem>>, vector<1x16xf32>,
        %swap3A_1335 = vector.shape_cast %swap3A_1334 : vector<1x16xf32> to vector<16xf32>
        %swap3A_1336 = vector.shape_cast %mul3A_1329 : vector<16xf32> to vector<1x16xf32>
        tpu.vector_store %arg10[%swap3A_1332, %swap3A_1333], %swap3A_1336 {strides = array<i32>} : memref<128x128xf32, #tpu.memory_space<vmem>>, vector<1x16xf32>,
        %add3A_1337 = arith.constant 10 : i32
        %add3A_1338 = arith.addi %mul3A_87, %add3A_1337 : i32
        %get3A_1339 = arith.index_cast %add3A_1338 : i32 to index
        %get3A_1340 = arith.constant 32 : index
        %get3A_1341 = tpu.vector_load %arg10[%get3A_1339, %get3A_1340] {strides = array<i32>} : memref<128x128xf32, #tpu.memory_space<vmem>>, vector<1x16xf32>,
        %get3A_1342 = vector.shape_cast %get3A_1341 : vector<1x16xf32> to vector<16xf32>
        %mul3A_1343 = vector.broadcast %squeeze3A_1306 : f32 to vector<16xf32>
        %mul3A_1344 = arith.mulf %get3A_1342, %mul3A_1343 : vector<16xf32>
        %add3A_1345 = arith.constant 10 : i32
        %add3A_1346 = arith.addi %mul3A_87, %add3A_1345 : i32
        %swap3A_1347 = arith.index_cast %add3A_1346 : i32 to index
        %swap3A_1348 = arith.constant 32 : index
        %swap3A_1349 = tpu.vector_load %arg10[%swap3A_1347, %swap3A_1348] {strides = array<i32>} : memref<128x128xf32, #tpu.memory_space<vmem>>, vector<1x16xf32>,
        %swap3A_1350 = vector.shape_cast %swap3A_1349 : vector<1x16xf32> to vector<16xf32>
        %swap3A_1351 = vector.shape_cast %mul3A_1344 : vector<16xf32> to vector<1x16xf32>
        tpu.vector_store %arg10[%swap3A_1347, %swap3A_1348], %swap3A_1351 {strides = array<i32>} : memref<128x128xf32, #tpu.memory_space<vmem>>, vector<1x16xf32>,
        %add3A_1352 = arith.constant 10 : i32
        %add3A_1353 = arith.addi %mul3A_87, %add3A_1352 : i32
        %get3A_1354 = arith.index_cast %add3A_1353 : i32 to index
        %get3A_1355 = arith.constant 48 : index
        %get3A_1356 = tpu.vector_load %arg10[%get3A_1354, %get3A_1355] {strides = array<i32>} : memref<128x128xf32, #tpu.memory_space<vmem>>, vector<1x16xf32>,
        %get3A_1357 = vector.shape_cast %get3A_1356 : vector<1x16xf32> to vector<16xf32>
        %mul3A_1358 = vector.broadcast %squeeze3A_1306 : f32 to vector<16xf32>
        %mul3A_1359 = arith.mulf %get3A_1357, %mul3A_1358 : vector<16xf32>
        %add3A_1360 = arith.constant 10 : i32
        %add3A_1361 = arith.addi %mul3A_87, %add3A_1360 : i32
        %swap3A_1362 = arith.index_cast %add3A_1361 : i32 to index
        %swap3A_1363 = arith.constant 48 : index
        %swap3A_1364 = tpu.vector_load %arg10[%swap3A_1362, %swap3A_1363] {strides = array<i32>} : memref<128x128xf32, #tpu.memory_space<vmem>>, vector<1x16xf32>,
        %swap3A_1365 = vector.shape_cast %swap3A_1364 : vector<1x16xf32> to vector<16xf32>
        %swap3A_1366 = vector.shape_cast %mul3A_1359 : vector<16xf32> to vector<1x16xf32>
        tpu.vector_store %arg10[%swap3A_1362, %swap3A_1363], %swap3A_1366 {strides = array<i32>} : memref<128x128xf32, #tpu.memory_space<vmem>>, vector<1x16xf32>,
        %add3A_1367 = arith.constant 10 : i32
        %add3A_1368 = arith.addi %mul3A_87, %add3A_1367 : i32
        %get3A_1369 = arith.index_cast %add3A_1368 : i32 to index
        %get3A_1370 = arith.constant 64 : index
        %get3A_1371 = tpu.vector_load %arg10[%get3A_1369, %get3A_1370] {strides = array<i32>} : memref<128x128xf32, #tpu.memory_space<vmem>>, vector<1x16xf32>,
        %get3A_1372 = vector.shape_cast %get3A_1371 : vector<1x16xf32> to vector<16xf32>
        %mul3A_1373 = vector.broadcast %squeeze3A_1306 : f32 to vector<16xf32>
        %mul3A_1374 = arith.mulf %get3A_1372, %mul3A_1373 : vector<16xf32>
        %add3A_1375 = arith.constant 10 : i32
        %add3A_1376 = arith.addi %mul3A_87, %add3A_1375 : i32
        %swap3A_1377 = arith.index_cast %add3A_1376 : i32 to index
        %swap3A_1378 = arith.constant 64 : index
        %swap3A_1379 = tpu.vector_load %arg10[%swap3A_1377, %swap3A_1378] {strides = array<i32>} : memref<128x128xf32, #tpu.memory_space<vmem>>, vector<1x16xf32>,
        %swap3A_1380 = vector.shape_cast %swap3A_1379 : vector<1x16xf32> to vector<16xf32>
        %swap3A_1381 = vector.shape_cast %mul3A_1374 : vector<16xf32> to vector<1x16xf32>
        tpu.vector_store %arg10[%swap3A_1377, %swap3A_1378], %swap3A_1381 {strides = array<i32>} : memref<128x128xf32, #tpu.memory_space<vmem>>, vector<1x16xf32>,
        %add3A_1382 = arith.constant 10 : i32
        %add3A_1383 = arith.addi %mul3A_87, %add3A_1382 : i32
        %get3A_1384 = arith.index_cast %add3A_1383 : i32 to index
        %get3A_1385 = arith.constant 80 : index
        %get3A_1386 = tpu.vector_load %arg10[%get3A_1384, %get3A_1385] {strides = array<i32>} : memref<128x128xf32, #tpu.memory_space<vmem>>, vector<1x16xf32>,
        %get3A_1387 = vector.shape_cast %get3A_1386 : vector<1x16xf32> to vector<16xf32>
        %mul3A_1388 = vector.broadcast %squeeze3A_1306 : f32 to vector<16xf32>
        %mul3A_1389 = arith.mulf %get3A_1387, %mul3A_1388 : vector<16xf32>
        %add3A_1390 = arith.constant 10 : i32
        %add3A_1391 = arith.addi %mul3A_87, %add3A_1390 : i32
        %swap3A_1392 = arith.index_cast %add3A_1391 : i32 to index
        %swap3A_1393 = arith.constant 80 : index
        %swap3A_1394 = tpu.vector_load %arg10[%swap3A_1392, %swap3A_1393] {strides = array<i32>} : memref<128x128xf32, #tpu.memory_space<vmem>>, vector<1x16xf32>,
        %swap3A_1395 = vector.shape_cast %swap3A_1394 : vector<1x16xf32> to vector<16xf32>
        %swap3A_1396 = vector.shape_cast %mul3A_1389 : vector<16xf32> to vector<1x16xf32>
        tpu.vector_store %arg10[%swap3A_1392, %swap3A_1393], %swap3A_1396 {strides = array<i32>} : memref<128x128xf32, #tpu.memory_space<vmem>>, vector<1x16xf32>,
        %add3A_1397 = arith.constant 10 : i32
        %add3A_1398 = arith.addi %mul3A_87, %add3A_1397 : i32
        %get3A_1399 = arith.index_cast %add3A_1398 : i32 to index
        %get3A_1400 = arith.constant 96 : index
        %get3A_1401 = tpu.vector_load %arg10[%get3A_1399, %get3A_1400] {strides = array<i32>} : memref<128x128xf32, #tpu.memory_space<vmem>>, vector<1x16xf32>,
        %get3A_1402 = vector.shape_cast %get3A_1401 : vector<1x16xf32> to vector<16xf32>
        %mul3A_1403 = vector.broadcast %squeeze3A_1306 : f32 to vector<16xf32>
        %mul3A_1404 = arith.mulf %get3A_1402, %mul3A_1403 : vector<16xf32>
        %add3A_1405 = arith.constant 10 : i32
        %add3A_1406 = arith.addi %mul3A_87, %add3A_1405 : i32
        %swap3A_1407 = arith.index_cast %add3A_1406 : i32 to index
        %swap3A_1408 = arith.constant 96 : index
        %swap3A_1409 = tpu.vector_load %arg10[%swap3A_1407, %swap3A_1408] {strides = array<i32>} : memref<128x128xf32, #tpu.memory_space<vmem>>, vector<1x16xf32>,
        %swap3A_1410 = vector.shape_cast %swap3A_1409 : vector<1x16xf32> to vector<16xf32>
        %swap3A_1411 = vector.shape_cast %mul3A_1404 : vector<16xf32> to vector<1x16xf32>
        tpu.vector_store %arg10[%swap3A_1407, %swap3A_1408], %swap3A_1411 {strides = array<i32>} : memref<128x128xf32, #tpu.memory_space<vmem>>, vector<1x16xf32>,
        %add3A_1412 = arith.constant 10 : i32
        %add3A_1413 = arith.addi %mul3A_87, %add3A_1412 : i32
        %get3A_1414 = arith.index_cast %add3A_1413 : i32 to index
        %get3A_1415 = arith.constant 112 : index
        %get3A_1416 = tpu.vector_load %arg10[%get3A_1414, %get3A_1415] {strides = array<i32>} : memref<128x128xf32, #tpu.memory_space<vmem>>, vector<1x16xf32>,
        %get3A_1417 = vector.shape_cast %get3A_1416 : vector<1x16xf32> to vector<16xf32>
        %mul3A_1418 = vector.broadcast %squeeze3A_1306 : f32 to vector<16xf32>
        %mul3A_1419 = arith.mulf %get3A_1417, %mul3A_1418 : vector<16xf32>
        %add3A_1420 = arith.constant 10 : i32
        %add3A_1421 = arith.addi %mul3A_87, %add3A_1420 : i32
        %swap3A_1422 = arith.index_cast %add3A_1421 : i32 to index
        %swap3A_1423 = arith.constant 112 : index
        %swap3A_1424 = tpu.vector_load %arg10[%swap3A_1422, %swap3A_1423] {strides = array<i32>} : memref<128x128xf32, #tpu.memory_space<vmem>>, vector<1x16xf32>,
        %swap3A_1425 = vector.shape_cast %swap3A_1424 : vector<1x16xf32> to vector<16xf32>
        %swap3A_1426 = vector.shape_cast %mul3A_1419 : vector<16xf32> to vector<1x16xf32>
        tpu.vector_store %arg10[%swap3A_1422, %swap3A_1423], %swap3A_1426 {strides = array<i32>} : memref<128x128xf32, #tpu.memory_space<vmem>>, vector<1x16xf32>,
        %slice3A_1427 = vector.extract_strided_slice %get3A_85 {offsets = [11], sizes = [1], strides = [1]} : vector<16xf32> to vector<1xf32>
        %squeeze3A_1428 = vector.extract %slice3A_1427[0] : f32 from vector<1xf32>
        %add3A_1429 = arith.constant 11 : i32
        %add3A_1430 = arith.addi %mul3A_87, %add3A_1429 : i32
        %get3A_1431 = arith.index_cast %add3A_1430 : i32 to index
        %get3A_1432 = arith.constant 0 : index
        %get3A_1433 = tpu.vector_load %arg10[%get3A_1431, %get3A_1432] {strides = array<i32>} : memref<128x128xf32, #tpu.memory_space<vmem>>, vector<1x16xf32>,
        %get3A_1434 = vector.shape_cast %get3A_1433 : vector<1x16xf32> to vector<16xf32>
        %mul3A_1435 = vector.broadcast %squeeze3A_1428 : f32 to vector<16xf32>
        %mul3A_1436 = arith.mulf %get3A_1434, %mul3A_1435 : vector<16xf32>
        %add3A_1437 = arith.constant 11 : i32
        %add3A_1438 = arith.addi %mul3A_87, %add3A_1437 : i32
        %swap3A_1439 = arith.index_cast %add3A_1438 : i32 to index
        %swap3A_1440 = arith.constant 0 : index
        %swap3A_1441 = tpu.vector_load %arg10[%swap3A_1439, %swap3A_1440] {strides = array<i32>} : memref<128x128xf32, #tpu.memory_space<vmem>>, vector<1x16xf32>,
        %swap3A_1442 = vector.shape_cast %swap3A_1441 : vector<1x16xf32> to vector<16xf32>
        %swap3A_1443 = vector.shape_cast %mul3A_1436 : vector<16xf32> to vector<1x16xf32>
        tpu.vector_store %arg10[%swap3A_1439, %swap3A_1440], %swap3A_1443 {strides = array<i32>} : memref<128x128xf32, #tpu.memory_space<vmem>>, vector<1x16xf32>,
        %add3A_1444 = arith.constant 11 : i32
        %add3A_1445 = arith.addi %mul3A_87, %add3A_1444 : i32
        %get3A_1446 = arith.index_cast %add3A_1445 : i32 to index
        %get3A_1447 = arith.constant 16 : index
        %get3A_1448 = tpu.vector_load %arg10[%get3A_1446, %get3A_1447] {strides = array<i32>} : memref<128x128xf32, #tpu.memory_space<vmem>>, vector<1x16xf32>,
        %get3A_1449 = vector.shape_cast %get3A_1448 : vector<1x16xf32> to vector<16xf32>
        %mul3A_1450 = vector.broadcast %squeeze3A_1428 : f32 to vector<16xf32>
        %mul3A_1451 = arith.mulf %get3A_1449, %mul3A_1450 : vector<16xf32>
        %add3A_1452 = arith.constant 11 : i32
        %add3A_1453 = arith.addi %mul3A_87, %add3A_1452 : i32
        %swap3A_1454 = arith.index_cast %add3A_1453 : i32 to index
        %swap3A_1455 = arith.constant 16 : index
        %swap3A_1456 = tpu.vector_load %arg10[%swap3A_1454, %swap3A_1455] {strides = array<i32>} : memref<128x128xf32, #tpu.memory_space<vmem>>, vector<1x16xf32>,
        %swap3A_1457 = vector.shape_cast %swap3A_1456 : vector<1x16xf32> to vector<16xf32>
        %swap3A_1458 = vector.shape_cast %mul3A_1451 : vector<16xf32> to vector<1x16xf32>
        tpu.vector_store %arg10[%swap3A_1454, %swap3A_1455], %swap3A_1458 {strides = array<i32>} : memref<128x128xf32, #tpu.memory_space<vmem>>, vector<1x16xf32>,
        %add3A_1459 = arith.constant 11 : i32
        %add3A_1460 = arith.addi %mul3A_87, %add3A_1459 : i32
        %get3A_1461 = arith.index_cast %add3A_1460 : i32 to index
        %get3A_1462 = arith.constant 32 : index
        %get3A_1463 = tpu.vector_load %arg10[%get3A_1461, %get3A_1462] {strides = array<i32>} : memref<128x128xf32, #tpu.memory_space<vmem>>, vector<1x16xf32>,
        %get3A_1464 = vector.shape_cast %get3A_1463 : vector<1x16xf32> to vector<16xf32>
        %mul3A_1465 = vector.broadcast %squeeze3A_1428 : f32 to vector<16xf32>
        %mul3A_1466 = arith.mulf %get3A_1464, %mul3A_1465 : vector<16xf32>
        %add3A_1467 = arith.constant 11 : i32
        %add3A_1468 = arith.addi %mul3A_87, %add3A_1467 : i32
        %swap3A_1469 = arith.index_cast %add3A_1468 : i32 to index
        %swap3A_1470 = arith.constant 32 : index
        %swap3A_1471 = tpu.vector_load %arg10[%swap3A_1469, %swap3A_1470] {strides = array<i32>} : memref<128x128xf32, #tpu.memory_space<vmem>>, vector<1x16xf32>,
        %swap3A_1472 = vector.shape_cast %swap3A_1471 : vector<1x16xf32> to vector<16xf32>
        %swap3A_1473 = vector.shape_cast %mul3A_1466 : vector<16xf32> to vector<1x16xf32>
        tpu.vector_store %arg10[%swap3A_1469, %swap3A_1470], %swap3A_1473 {strides = array<i32>} : memref<128x128xf32, #tpu.memory_space<vmem>>, vector<1x16xf32>,
        %add3A_1474 = arith.constant 11 : i32
        %add3A_1475 = arith.addi %mul3A_87, %add3A_1474 : i32
        %get3A_1476 = arith.index_cast %add3A_1475 : i32 to index
        %get3A_1477 = arith.constant 48 : index
        %get3A_1478 = tpu.vector_load %arg10[%get3A_1476, %get3A_1477] {strides = array<i32>} : memref<128x128xf32, #tpu.memory_space<vmem>>, vector<1x16xf32>,
        %get3A_1479 = vector.shape_cast %get3A_1478 : vector<1x16xf32> to vector<16xf32>
        %mul3A_1480 = vector.broadcast %squeeze3A_1428 : f32 to vector<16xf32>
        %mul3A_1481 = arith.mulf %get3A_1479, %mul3A_1480 : vector<16xf32>
        %add3A_1482 = arith.constant 11 : i32
        %add3A_1483 = arith.addi %mul3A_87, %add3A_1482 : i32
        %swap3A_1484 = arith.index_cast %add3A_1483 : i32 to index
        %swap3A_1485 = arith.constant 48 : index
        %swap3A_1486 = tpu.vector_load %arg10[%swap3A_1484, %swap3A_1485] {strides = array<i32>} : memref<128x128xf32, #tpu.memory_space<vmem>>, vector<1x16xf32>,
        %swap3A_1487 = vector.shape_cast %swap3A_1486 : vector<1x16xf32> to vector<16xf32>
        %swap3A_1488 = vector.shape_cast %mul3A_1481 : vector<16xf32> to vector<1x16xf32>
        tpu.vector_store %arg10[%swap3A_1484, %swap3A_1485], %swap3A_1488 {strides = array<i32>} : memref<128x128xf32, #tpu.memory_space<vmem>>, vector<1x16xf32>,
        %add3A_1489 = arith.constant 11 : i32
        %add3A_1490 = arith.addi %mul3A_87, %add3A_1489 : i32
        %get3A_1491 = arith.index_cast %add3A_1490 : i32 to index
        %get3A_1492 = arith.constant 64 : index
        %get3A_1493 = tpu.vector_load %arg10[%get3A_1491, %get3A_1492] {strides = array<i32>} : memref<128x128xf32, #tpu.memory_space<vmem>>, vector<1x16xf32>,
        %get3A_1494 = vector.shape_cast %get3A_1493 : vector<1x16xf32> to vector<16xf32>
        %mul3A_1495 = vector.broadcast %squeeze3A_1428 : f32 to vector<16xf32>
        %mul3A_1496 = arith.mulf %get3A_1494, %mul3A_1495 : vector<16xf32>
        %add3A_1497 = arith.constant 11 : i32
        %add3A_1498 = arith.addi %mul3A_87, %add3A_1497 : i32
        %swap3A_1499 = arith.index_cast %add3A_1498 : i32 to index
        %swap3A_1500 = arith.constant 64 : index
        %swap3A_1501 = tpu.vector_load %arg10[%swap3A_1499, %swap3A_1500] {strides = array<i32>} : memref<128x128xf32, #tpu.memory_space<vmem>>, vector<1x16xf32>,
        %swap3A_1502 = vector.shape_cast %swap3A_1501 : vector<1x16xf32> to vector<16xf32>
        %swap3A_1503 = vector.shape_cast %mul3A_1496 : vector<16xf32> to vector<1x16xf32>
        tpu.vector_store %arg10[%swap3A_1499, %swap3A_1500], %swap3A_1503 {strides = array<i32>} : memref<128x128xf32, #tpu.memory_space<vmem>>, vector<1x16xf32>,
        %add3A_1504 = arith.constant 11 : i32
        %add3A_1505 = arith.addi %mul3A_87, %add3A_1504 : i32
        %get3A_1506 = arith.index_cast %add3A_1505 : i32 to index
        %get3A_1507 = arith.constant 80 : index
        %get3A_1508 = tpu.vector_load %arg10[%get3A_1506, %get3A_1507] {strides = array<i32>} : memref<128x128xf32, #tpu.memory_space<vmem>>, vector<1x16xf32>,
        %get3A_1509 = vector.shape_cast %get3A_1508 : vector<1x16xf32> to vector<16xf32>
        %mul3A_1510 = vector.broadcast %squeeze3A_1428 : f32 to vector<16xf32>
        %mul3A_1511 = arith.mulf %get3A_1509, %mul3A_1510 : vector<16xf32>
        %add3A_1512 = arith.constant 11 : i32
        %add3A_1513 = arith.addi %mul3A_87, %add3A_1512 : i32
        %swap3A_1514 = arith.index_cast %add3A_1513 : i32 to index
        %swap3A_1515 = arith.constant 80 : index
        %swap3A_1516 = tpu.vector_load %arg10[%swap3A_1514, %swap3A_1515] {strides = array<i32>} : memref<128x128xf32, #tpu.memory_space<vmem>>, vector<1x16xf32>,
        %swap3A_1517 = vector.shape_cast %swap3A_1516 : vector<1x16xf32> to vector<16xf32>
        %swap3A_1518 = vector.shape_cast %mul3A_1511 : vector<16xf32> to vector<1x16xf32>
        tpu.vector_store %arg10[%swap3A_1514, %swap3A_1515], %swap3A_1518 {strides = array<i32>} : memref<128x128xf32, #tpu.memory_space<vmem>>, vector<1x16xf32>,
        %add3A_1519 = arith.constant 11 : i32
        %add3A_1520 = arith.addi %mul3A_87, %add3A_1519 : i32
        %get3A_1521 = arith.index_cast %add3A_1520 : i32 to index
        %get3A_1522 = arith.constant 96 : index
        %get3A_1523 = tpu.vector_load %arg10[%get3A_1521, %get3A_1522] {strides = array<i32>} : memref<128x128xf32, #tpu.memory_space<vmem>>, vector<1x16xf32>,
        %get3A_1524 = vector.shape_cast %get3A_1523 : vector<1x16xf32> to vector<16xf32>
        %mul3A_1525 = vector.broadcast %squeeze3A_1428 : f32 to vector<16xf32>
        %mul3A_1526 = arith.mulf %get3A_1524, %mul3A_1525 : vector<16xf32>
        %add3A_1527 = arith.constant 11 : i32
        %add3A_1528 = arith.addi %mul3A_87, %add3A_1527 : i32
        %swap3A_1529 = arith.index_cast %add3A_1528 : i32 to index
        %swap3A_1530 = arith.constant 96 : index
        %swap3A_1531 = tpu.vector_load %arg10[%swap3A_1529, %swap3A_1530] {strides = array<i32>} : memref<128x128xf32, #tpu.memory_space<vmem>>, vector<1x16xf32>,
        %swap3A_1532 = vector.shape_cast %swap3A_1531 : vector<1x16xf32> to vector<16xf32>
        %swap3A_1533 = vector.shape_cast %mul3A_1526 : vector<16xf32> to vector<1x16xf32>
        tpu.vector_store %arg10[%swap3A_1529, %swap3A_1530], %swap3A_1533 {strides = array<i32>} : memref<128x128xf32, #tpu.memory_space<vmem>>, vector<1x16xf32>,
        %add3A_1534 = arith.constant 11 : i32
        %add3A_1535 = arith.addi %mul3A_87, %add3A_1534 : i32
        %get3A_1536 = arith.index_cast %add3A_1535 : i32 to index
        %get3A_1537 = arith.constant 112 : index
        %get3A_1538 = tpu.vector_load %arg10[%get3A_1536, %get3A_1537] {strides = array<i32>} : memref<128x128xf32, #tpu.memory_space<vmem>>, vector<1x16xf32>,
        %get3A_1539 = vector.shape_cast %get3A_1538 : vector<1x16xf32> to vector<16xf32>
        %mul3A_1540 = vector.broadcast %squeeze3A_1428 : f32 to vector<16xf32>
        %mul3A_1541 = arith.mulf %get3A_1539, %mul3A_1540 : vector<16xf32>
        %add3A_1542 = arith.constant 11 : i32
        %add3A_1543 = arith.addi %mul3A_87, %add3A_1542 : i32
        %swap3A_1544 = arith.index_cast %add3A_1543 : i32 to index
        %swap3A_1545 = arith.constant 112 : index
        %swap3A_1546 = tpu.vector_load %arg10[%swap3A_1544, %swap3A_1545] {strides = array<i32>} : memref<128x128xf32, #tpu.memory_space<vmem>>, vector<1x16xf32>,
        %swap3A_1547 = vector.shape_cast %swap3A_1546 : vector<1x16xf32> to vector<16xf32>
        %swap3A_1548 = vector.shape_cast %mul3A_1541 : vector<16xf32> to vector<1x16xf32>
        tpu.vector_store %arg10[%swap3A_1544, %swap3A_1545], %swap3A_1548 {strides = array<i32>} : memref<128x128xf32, #tpu.memory_space<vmem>>, vector<1x16xf32>,
        %slice3A_1549 = vector.extract_strided_slice %get3A_85 {offsets = [12], sizes = [1], strides = [1]} : vector<16xf32> to vector<1xf32>
        %squeeze3A_1550 = vector.extract %slice3A_1549[0] : f32 from vector<1xf32>
        %add3A_1551 = arith.constant 12 : i32
        %add3A_1552 = arith.addi %mul3A_87, %add3A_1551 : i32
        %get3A_1553 = arith.index_cast %add3A_1552 : i32 to index
        %get3A_1554 = arith.constant 0 : index
        %get3A_1555 = tpu.vector_load %arg10[%get3A_1553, %get3A_1554] {strides = array<i32>} : memref<128x128xf32, #tpu.memory_space<vmem>>, vector<1x16xf32>,
        %get3A_1556 = vector.shape_cast %get3A_1555 : vector<1x16xf32> to vector<16xf32>
        %mul3A_1557 = vector.broadcast %squeeze3A_1550 : f32 to vector<16xf32>
        %mul3A_1558 = arith.mulf %get3A_1556, %mul3A_1557 : vector<16xf32>
        %add3A_1559 = arith.constant 12 : i32
        %add3A_1560 = arith.addi %mul3A_87, %add3A_1559 : i32
        %swap3A_1561 = arith.index_cast %add3A_1560 : i32 to index
        %swap3A_1562 = arith.constant 0 : index
        %swap3A_1563 = tpu.vector_load %arg10[%swap3A_1561, %swap3A_1562] {strides = array<i32>} : memref<128x128xf32, #tpu.memory_space<vmem>>, vector<1x16xf32>,
        %swap3A_1564 = vector.shape_cast %swap3A_1563 : vector<1x16xf32> to vector<16xf32>
        %swap3A_1565 = vector.shape_cast %mul3A_1558 : vector<16xf32> to vector<1x16xf32>
        tpu.vector_store %arg10[%swap3A_1561, %swap3A_1562], %swap3A_1565 {strides = array<i32>} : memref<128x128xf32, #tpu.memory_space<vmem>>, vector<1x16xf32>,
        %add3A_1566 = arith.constant 12 : i32
        %add3A_1567 = arith.addi %mul3A_87, %add3A_1566 : i32
        %get3A_1568 = arith.index_cast %add3A_1567 : i32 to index
        %get3A_1569 = arith.constant 16 : index
        %get3A_1570 = tpu.vector_load %arg10[%get3A_1568, %get3A_1569] {strides = array<i32>} : memref<128x128xf32, #tpu.memory_space<vmem>>, vector<1x16xf32>,
        %get3A_1571 = vector.shape_cast %get3A_1570 : vector<1x16xf32> to vector<16xf32>
        %mul3A_1572 = vector.broadcast %squeeze3A_1550 : f32 to vector<16xf32>
        %mul3A_1573 = arith.mulf %get3A_1571, %mul3A_1572 : vector<16xf32>
        %add3A_1574 = arith.constant 12 : i32
        %add3A_1575 = arith.addi %mul3A_87, %add3A_1574 : i32
        %swap3A_1576 = arith.index_cast %add3A_1575 : i32 to index
        %swap3A_1577 = arith.constant 16 : index
        %swap3A_1578 = tpu.vector_load %arg10[%swap3A_1576, %swap3A_1577] {strides = array<i32>} : memref<128x128xf32, #tpu.memory_space<vmem>>, vector<1x16xf32>,
        %swap3A_1579 = vector.shape_cast %swap3A_1578 : vector<1x16xf32> to vector<16xf32>
        %swap3A_1580 = vector.shape_cast %mul3A_1573 : vector<16xf32> to vector<1x16xf32>
        tpu.vector_store %arg10[%swap3A_1576, %swap3A_1577], %swap3A_1580 {strides = array<i32>} : memref<128x128xf32, #tpu.memory_space<vmem>>, vector<1x16xf32>,
        %add3A_1581 = arith.constant 12 : i32
        %add3A_1582 = arith.addi %mul3A_87, %add3A_1581 : i32
        %get3A_1583 = arith.index_cast %add3A_1582 : i32 to index
        %get3A_1584 = arith.constant 32 : index
        %get3A_1585 = tpu.vector_load %arg10[%get3A_1583, %get3A_1584] {strides = array<i32>} : memref<128x128xf32, #tpu.memory_space<vmem>>, vector<1x16xf32>,
        %get3A_1586 = vector.shape_cast %get3A_1585 : vector<1x16xf32> to vector<16xf32>
        %mul3A_1587 = vector.broadcast %squeeze3A_1550 : f32 to vector<16xf32>
        %mul3A_1588 = arith.mulf %get3A_1586, %mul3A_1587 : vector<16xf32>
        %add3A_1589 = arith.constant 12 : i32
        %add3A_1590 = arith.addi %mul3A_87, %add3A_1589 : i32
        %swap3A_1591 = arith.index_cast %add3A_1590 : i32 to index
        %swap3A_1592 = arith.constant 32 : index
        %swap3A_1593 = tpu.vector_load %arg10[%swap3A_1591, %swap3A_1592] {strides = array<i32>} : memref<128x128xf32, #tpu.memory_space<vmem>>, vector<1x16xf32>,
        %swap3A_1594 = vector.shape_cast %swap3A_1593 : vector<1x16xf32> to vector<16xf32>
        %swap3A_1595 = vector.shape_cast %mul3A_1588 : vector<16xf32> to vector<1x16xf32>
        tpu.vector_store %arg10[%swap3A_1591, %swap3A_1592], %swap3A_1595 {strides = array<i32>} : memref<128x128xf32, #tpu.memory_space<vmem>>, vector<1x16xf32>,
        %add3A_1596 = arith.constant 12 : i32
        %add3A_1597 = arith.addi %mul3A_87, %add3A_1596 : i32
        %get3A_1598 = arith.index_cast %add3A_1597 : i32 to index
        %get3A_1599 = arith.constant 48 : index
        %get3A_1600 = tpu.vector_load %arg10[%get3A_1598, %get3A_1599] {strides = array<i32>} : memref<128x128xf32, #tpu.memory_space<vmem>>, vector<1x16xf32>,
        %get3A_1601 = vector.shape_cast %get3A_1600 : vector<1x16xf32> to vector<16xf32>
        %mul3A_1602 = vector.broadcast %squeeze3A_1550 : f32 to vector<16xf32>
        %mul3A_1603 = arith.mulf %get3A_1601, %mul3A_1602 : vector<16xf32>
        %add3A_1604 = arith.constant 12 : i32
        %add3A_1605 = arith.addi %mul3A_87, %add3A_1604 : i32
        %swap3A_1606 = arith.index_cast %add3A_1605 : i32 to index
        %swap3A_1607 = arith.constant 48 : index
        %swap3A_1608 = tpu.vector_load %arg10[%swap3A_1606, %swap3A_1607] {strides = array<i32>} : memref<128x128xf32, #tpu.memory_space<vmem>>, vector<1x16xf32>,
        %swap3A_1609 = vector.shape_cast %swap3A_1608 : vector<1x16xf32> to vector<16xf32>
        %swap3A_1610 = vector.shape_cast %mul3A_1603 : vector<16xf32> to vector<1x16xf32>
        tpu.vector_store %arg10[%swap3A_1606, %swap3A_1607], %swap3A_1610 {strides = array<i32>} : memref<128x128xf32, #tpu.memory_space<vmem>>, vector<1x16xf32>,
        %add3A_1611 = arith.constant 12 : i32
        %add3A_1612 = arith.addi %mul3A_87, %add3A_1611 : i32
        %get3A_1613 = arith.index_cast %add3A_1612 : i32 to index
        %get3A_1614 = arith.constant 64 : index
        %get3A_1615 = tpu.vector_load %arg10[%get3A_1613, %get3A_1614] {strides = array<i32>} : memref<128x128xf32, #tpu.memory_space<vmem>>, vector<1x16xf32>,
        %get3A_1616 = vector.shape_cast %get3A_1615 : vector<1x16xf32> to vector<16xf32>
        %mul3A_1617 = vector.broadcast %squeeze3A_1550 : f32 to vector<16xf32>
        %mul3A_1618 = arith.mulf %get3A_1616, %mul3A_1617 : vector<16xf32>
        %add3A_1619 = arith.constant 12 : i32
        %add3A_1620 = arith.addi %mul3A_87, %add3A_1619 : i32
        %swap3A_1621 = arith.index_cast %add3A_1620 : i32 to index
        %swap3A_1622 = arith.constant 64 : index
        %swap3A_1623 = tpu.vector_load %arg10[%swap3A_1621, %swap3A_1622] {strides = array<i32>} : memref<128x128xf32, #tpu.memory_space<vmem>>, vector<1x16xf32>,
        %swap3A_1624 = vector.shape_cast %swap3A_1623 : vector<1x16xf32> to vector<16xf32>
        %swap3A_1625 = vector.shape_cast %mul3A_1618 : vector<16xf32> to vector<1x16xf32>
        tpu.vector_store %arg10[%swap3A_1621, %swap3A_1622], %swap3A_1625 {strides = array<i32>} : memref<128x128xf32, #tpu.memory_space<vmem>>, vector<1x16xf32>,
        %add3A_1626 = arith.constant 12 : i32
        %add3A_1627 = arith.addi %mul3A_87, %add3A_1626 : i32
        %get3A_1628 = arith.index_cast %add3A_1627 : i32 to index
        %get3A_1629 = arith.constant 80 : index
        %get3A_1630 = tpu.vector_load %arg10[%get3A_1628, %get3A_1629] {strides = array<i32>} : memref<128x128xf32, #tpu.memory_space<vmem>>, vector<1x16xf32>,
        %get3A_1631 = vector.shape_cast %get3A_1630 : vector<1x16xf32> to vector<16xf32>
        %mul3A_1632 = vector.broadcast %squeeze3A_1550 : f32 to vector<16xf32>
        %mul3A_1633 = arith.mulf %get3A_1631, %mul3A_1632 : vector<16xf32>
        %add3A_1634 = arith.constant 12 : i32
        %add3A_1635 = arith.addi %mul3A_87, %add3A_1634 : i32
        %swap3A_1636 = arith.index_cast %add3A_1635 : i32 to index
        %swap3A_1637 = arith.constant 80 : index
        %swap3A_1638 = tpu.vector_load %arg10[%swap3A_1636, %swap3A_1637] {strides = array<i32>} : memref<128x128xf32, #tpu.memory_space<vmem>>, vector<1x16xf32>,
        %swap3A_1639 = vector.shape_cast %swap3A_1638 : vector<1x16xf32> to vector<16xf32>
        %swap3A_1640 = vector.shape_cast %mul3A_1633 : vector<16xf32> to vector<1x16xf32>
        tpu.vector_store %arg10[%swap3A_1636, %swap3A_1637], %swap3A_1640 {strides = array<i32>} : memref<128x128xf32, #tpu.memory_space<vmem>>, vector<1x16xf32>,
        %add3A_1641 = arith.constant 12 : i32
        %add3A_1642 = arith.addi %mul3A_87, %add3A_1641 : i32
        %get3A_1643 = arith.index_cast %add3A_1642 : i32 to index
        %get3A_1644 = arith.constant 96 : index
        %get3A_1645 = tpu.vector_load %arg10[%get3A_1643, %get3A_1644] {strides = array<i32>} : memref<128x128xf32, #tpu.memory_space<vmem>>, vector<1x16xf32>,
        %get3A_1646 = vector.shape_cast %get3A_1645 : vector<1x16xf32> to vector<16xf32>
        %mul3A_1647 = vector.broadcast %squeeze3A_1550 : f32 to vector<16xf32>
        %mul3A_1648 = arith.mulf %get3A_1646, %mul3A_1647 : vector<16xf32>
        %add3A_1649 = arith.constant 12 : i32
        %add3A_1650 = arith.addi %mul3A_87, %add3A_1649 : i32
        %swap3A_1651 = arith.index_cast %add3A_1650 : i32 to index
        %swap3A_1652 = arith.constant 96 : index
        %swap3A_1653 = tpu.vector_load %arg10[%swap3A_1651, %swap3A_1652] {strides = array<i32>} : memref<128x128xf32, #tpu.memory_space<vmem>>, vector<1x16xf32>,
        %swap3A_1654 = vector.shape_cast %swap3A_1653 : vector<1x16xf32> to vector<16xf32>
        %swap3A_1655 = vector.shape_cast %mul3A_1648 : vector<16xf32> to vector<1x16xf32>
        tpu.vector_store %arg10[%swap3A_1651, %swap3A_1652], %swap3A_1655 {strides = array<i32>} : memref<128x128xf32, #tpu.memory_space<vmem>>, vector<1x16xf32>,
        %add3A_1656 = arith.constant 12 : i32
        %add3A_1657 = arith.addi %mul3A_87, %add3A_1656 : i32
        %get3A_1658 = arith.index_cast %add3A_1657 : i32 to index
        %get3A_1659 = arith.constant 112 : index
        %get3A_1660 = tpu.vector_load %arg10[%get3A_1658, %get3A_1659] {strides = array<i32>} : memref<128x128xf32, #tpu.memory_space<vmem>>, vector<1x16xf32>,
        %get3A_1661 = vector.shape_cast %get3A_1660 : vector<1x16xf32> to vector<16xf32>
        %mul3A_1662 = vector.broadcast %squeeze3A_1550 : f32 to vector<16xf32>
        %mul3A_1663 = arith.mulf %get3A_1661, %mul3A_1662 : vector<16xf32>
        %add3A_1664 = arith.constant 12 : i32
        %add3A_1665 = arith.addi %mul3A_87, %add3A_1664 : i32
        %swap3A_1666 = arith.index_cast %add3A_1665 : i32 to index
        %swap3A_1667 = arith.constant 112 : index
        %swap3A_1668 = tpu.vector_load %arg10[%swap3A_1666, %swap3A_1667] {strides = array<i32>} : memref<128x128xf32, #tpu.memory_space<vmem>>, vector<1x16xf32>,
        %swap3A_1669 = vector.shape_cast %swap3A_1668 : vector<1x16xf32> to vector<16xf32>
        %swap3A_1670 = vector.shape_cast %mul3A_1663 : vector<16xf32> to vector<1x16xf32>
        tpu.vector_store %arg10[%swap3A_1666, %swap3A_1667], %swap3A_1670 {strides = array<i32>} : memref<128x128xf32, #tpu.memory_space<vmem>>, vector<1x16xf32>,
        %slice3A_1671 = vector.extract_strided_slice %get3A_85 {offsets = [13], sizes = [1], strides = [1]} : vector<16xf32> to vector<1xf32>
        %squeeze3A_1672 = vector.extract %slice3A_1671[0] : f32 from vector<1xf32>
        %add3A_1673 = arith.constant 13 : i32
        %add3A_1674 = arith.addi %mul3A_87, %add3A_1673 : i32
        %get3A_1675 = arith.index_cast %add3A_1674 : i32 to index
        %get3A_1676 = arith.constant 0 : index
        %get3A_1677 = tpu.vector_load %arg10[%get3A_1675, %get3A_1676] {strides = array<i32>} : memref<128x128xf32, #tpu.memory_space<vmem>>, vector<1x16xf32>,
        %get3A_1678 = vector.shape_cast %get3A_1677 : vector<1x16xf32> to vector<16xf32>
        %mul3A_1679 = vector.broadcast %squeeze3A_1672 : f32 to vector<16xf32>
        %mul3A_1680 = arith.mulf %get3A_1678, %mul3A_1679 : vector<16xf32>
        %add3A_1681 = arith.constant 13 : i32
        %add3A_1682 = arith.addi %mul3A_87, %add3A_1681 : i32
        %swap3A_1683 = arith.index_cast %add3A_1682 : i32 to index
        %swap3A_1684 = arith.constant 0 : index
        %swap3A_1685 = tpu.vector_load %arg10[%swap3A_1683, %swap3A_1684] {strides = array<i32>} : memref<128x128xf32, #tpu.memory_space<vmem>>, vector<1x16xf32>,
        %swap3A_1686 = vector.shape_cast %swap3A_1685 : vector<1x16xf32> to vector<16xf32>
        %swap3A_1687 = vector.shape_cast %mul3A_1680 : vector<16xf32> to vector<1x16xf32>
        tpu.vector_store %arg10[%swap3A_1683, %swap3A_1684], %swap3A_1687 {strides = array<i32>} : memref<128x128xf32, #tpu.memory_space<vmem>>, vector<1x16xf32>,
        %add3A_1688 = arith.constant 13 : i32
        %add3A_1689 = arith.addi %mul3A_87, %add3A_1688 : i32
        %get3A_1690 = arith.index_cast %add3A_1689 : i32 to index
        %get3A_1691 = arith.constant 16 : index
        %get3A_1692 = tpu.vector_load %arg10[%get3A_1690, %get3A_1691] {strides = array<i32>} : memref<128x128xf32, #tpu.memory_space<vmem>>, vector<1x16xf32>,
        %get3A_1693 = vector.shape_cast %get3A_1692 : vector<1x16xf32> to vector<16xf32>
        %mul3A_1694 = vector.broadcast %squeeze3A_1672 : f32 to vector<16xf32>
        %mul3A_1695 = arith.mulf %get3A_1693, %mul3A_1694 : vector<16xf32>
        %add3A_1696 = arith.constant 13 : i32
        %add3A_1697 = arith.addi %mul3A_87, %add3A_1696 : i32
        %swap3A_1698 = arith.index_cast %add3A_1697 : i32 to index
        %swap3A_1699 = arith.constant 16 : index
        %swap3A_1700 = tpu.vector_load %arg10[%swap3A_1698, %swap3A_1699] {strides = array<i32>} : memref<128x128xf32, #tpu.memory_space<vmem>>, vector<1x16xf32>,
        %swap3A_1701 = vector.shape_cast %swap3A_1700 : vector<1x16xf32> to vector<16xf32>
        %swap3A_1702 = vector.shape_cast %mul3A_1695 : vector<16xf32> to vector<1x16xf32>
        tpu.vector_store %arg10[%swap3A_1698, %swap3A_1699], %swap3A_1702 {strides = array<i32>} : memref<128x128xf32, #tpu.memory_space<vmem>>, vector<1x16xf32>,
        %add3A_1703 = arith.constant 13 : i32
        %add3A_1704 = arith.addi %mul3A_87, %add3A_1703 : i32
        %get3A_1705 = arith.index_cast %add3A_1704 : i32 to index
        %get3A_1706 = arith.constant 32 : index
        %get3A_1707 = tpu.vector_load %arg10[%get3A_1705, %get3A_1706] {strides = array<i32>} : memref<128x128xf32, #tpu.memory_space<vmem>>, vector<1x16xf32>,
        %get3A_1708 = vector.shape_cast %get3A_1707 : vector<1x16xf32> to vector<16xf32>
        %mul3A_1709 = vector.broadcast %squeeze3A_1672 : f32 to vector<16xf32>
        %mul3A_1710 = arith.mulf %get3A_1708, %mul3A_1709 : vector<16xf32>
        %add3A_1711 = arith.constant 13 : i32
        %add3A_1712 = arith.addi %mul3A_87, %add3A_1711 : i32
        %swap3A_1713 = arith.index_cast %add3A_1712 : i32 to index
        %swap3A_1714 = arith.constant 32 : index
        %swap3A_1715 = tpu.vector_load %arg10[%swap3A_1713, %swap3A_1714] {strides = array<i32>} : memref<128x128xf32, #tpu.memory_space<vmem>>, vector<1x16xf32>,
        %swap3A_1716 = vector.shape_cast %swap3A_1715 : vector<1x16xf32> to vector<16xf32>
        %swap3A_1717 = vector.shape_cast %mul3A_1710 : vector<16xf32> to vector<1x16xf32>
        tpu.vector_store %arg10[%swap3A_1713, %swap3A_1714], %swap3A_1717 {strides = array<i32>} : memref<128x128xf32, #tpu.memory_space<vmem>>, vector<1x16xf32>,
        %add3A_1718 = arith.constant 13 : i32
        %add3A_1719 = arith.addi %mul3A_87, %add3A_1718 : i32
        %get3A_1720 = arith.index_cast %add3A_1719 : i32 to index
        %get3A_1721 = arith.constant 48 : index
        %get3A_1722 = tpu.vector_load %arg10[%get3A_1720, %get3A_1721] {strides = array<i32>} : memref<128x128xf32, #tpu.memory_space<vmem>>, vector<1x16xf32>,
        %get3A_1723 = vector.shape_cast %get3A_1722 : vector<1x16xf32> to vector<16xf32>
        %mul3A_1724 = vector.broadcast %squeeze3A_1672 : f32 to vector<16xf32>
        %mul3A_1725 = arith.mulf %get3A_1723, %mul3A_1724 : vector<16xf32>
        %add3A_1726 = arith.constant 13 : i32
        %add3A_1727 = arith.addi %mul3A_87, %add3A_1726 : i32
        %swap3A_1728 = arith.index_cast %add3A_1727 : i32 to index
        %swap3A_1729 = arith.constant 48 : index
        %swap3A_1730 = tpu.vector_load %arg10[%swap3A_1728, %swap3A_1729] {strides = array<i32>} : memref<128x128xf32, #tpu.memory_space<vmem>>, vector<1x16xf32>,
        %swap3A_1731 = vector.shape_cast %swap3A_1730 : vector<1x16xf32> to vector<16xf32>
        %swap3A_1732 = vector.shape_cast %mul3A_1725 : vector<16xf32> to vector<1x16xf32>
        tpu.vector_store %arg10[%swap3A_1728, %swap3A_1729], %swap3A_1732 {strides = array<i32>} : memref<128x128xf32, #tpu.memory_space<vmem>>, vector<1x16xf32>,
        %add3A_1733 = arith.constant 13 : i32
        %add3A_1734 = arith.addi %mul3A_87, %add3A_1733 : i32
        %get3A_1735 = arith.index_cast %add3A_1734 : i32 to index
        %get3A_1736 = arith.constant 64 : index
        %get3A_1737 = tpu.vector_load %arg10[%get3A_1735, %get3A_1736] {strides = array<i32>} : memref<128x128xf32, #tpu.memory_space<vmem>>, vector<1x16xf32>,
        %get3A_1738 = vector.shape_cast %get3A_1737 : vector<1x16xf32> to vector<16xf32>
        %mul3A_1739 = vector.broadcast %squeeze3A_1672 : f32 to vector<16xf32>
        %mul3A_1740 = arith.mulf %get3A_1738, %mul3A_1739 : vector<16xf32>
        %add3A_1741 = arith.constant 13 : i32
        %add3A_1742 = arith.addi %mul3A_87, %add3A_1741 : i32
        %swap3A_1743 = arith.index_cast %add3A_1742 : i32 to index
        %swap3A_1744 = arith.constant 64 : index
        %swap3A_1745 = tpu.vector_load %arg10[%swap3A_1743, %swap3A_1744] {strides = array<i32>} : memref<128x128xf32, #tpu.memory_space<vmem>>, vector<1x16xf32>,
        %swap3A_1746 = vector.shape_cast %swap3A_1745 : vector<1x16xf32> to vector<16xf32>
        %swap3A_1747 = vector.shape_cast %mul3A_1740 : vector<16xf32> to vector<1x16xf32>
        tpu.vector_store %arg10[%swap3A_1743, %swap3A_1744], %swap3A_1747 {strides = array<i32>} : memref<128x128xf32, #tpu.memory_space<vmem>>, vector<1x16xf32>,
        %add3A_1748 = arith.constant 13 : i32
        %add3A_1749 = arith.addi %mul3A_87, %add3A_1748 : i32
        %get3A_1750 = arith.index_cast %add3A_1749 : i32 to index
        %get3A_1751 = arith.constant 80 : index
        %get3A_1752 = tpu.vector_load %arg10[%get3A_1750, %get3A_1751] {strides = array<i32>} : memref<128x128xf32, #tpu.memory_space<vmem>>, vector<1x16xf32>,
        %get3A_1753 = vector.shape_cast %get3A_1752 : vector<1x16xf32> to vector<16xf32>
        %mul3A_1754 = vector.broadcast %squeeze3A_1672 : f32 to vector<16xf32>
        %mul3A_1755 = arith.mulf %get3A_1753, %mul3A_1754 : vector<16xf32>
        %add3A_1756 = arith.constant 13 : i32
        %add3A_1757 = arith.addi %mul3A_87, %add3A_1756 : i32
        %swap3A_1758 = arith.index_cast %add3A_1757 : i32 to index
        %swap3A_1759 = arith.constant 80 : index
        %swap3A_1760 = tpu.vector_load %arg10[%swap3A_1758, %swap3A_1759] {strides = array<i32>} : memref<128x128xf32, #tpu.memory_space<vmem>>, vector<1x16xf32>,
        %swap3A_1761 = vector.shape_cast %swap3A_1760 : vector<1x16xf32> to vector<16xf32>
        %swap3A_1762 = vector.shape_cast %mul3A_1755 : vector<16xf32> to vector<1x16xf32>
        tpu.vector_store %arg10[%swap3A_1758, %swap3A_1759], %swap3A_1762 {strides = array<i32>} : memref<128x128xf32, #tpu.memory_space<vmem>>, vector<1x16xf32>,
        %add3A_1763 = arith.constant 13 : i32
        %add3A_1764 = arith.addi %mul3A_87, %add3A_1763 : i32
        %get3A_1765 = arith.index_cast %add3A_1764 : i32 to index
        %get3A_1766 = arith.constant 96 : index
        %get3A_1767 = tpu.vector_load %arg10[%get3A_1765, %get3A_1766] {strides = array<i32>} : memref<128x128xf32, #tpu.memory_space<vmem>>, vector<1x16xf32>,
        %get3A_1768 = vector.shape_cast %get3A_1767 : vector<1x16xf32> to vector<16xf32>
        %mul3A_1769 = vector.broadcast %squeeze3A_1672 : f32 to vector<16xf32>
        %mul3A_1770 = arith.mulf %get3A_1768, %mul3A_1769 : vector<16xf32>
        %add3A_1771 = arith.constant 13 : i32
        %add3A_1772 = arith.addi %mul3A_87, %add3A_1771 : i32
        %swap3A_1773 = arith.index_cast %add3A_1772 : i32 to index
        %swap3A_1774 = arith.constant 96 : index
        %swap3A_1775 = tpu.vector_load %arg10[%swap3A_1773, %swap3A_1774] {strides = array<i32>} : memref<128x128xf32, #tpu.memory_space<vmem>>, vector<1x16xf32>,
        %swap3A_1776 = vector.shape_cast %swap3A_1775 : vector<1x16xf32> to vector<16xf32>
        %swap3A_1777 = vector.shape_cast %mul3A_1770 : vector<16xf32> to vector<1x16xf32>
        tpu.vector_store %arg10[%swap3A_1773, %swap3A_1774], %swap3A_1777 {strides = array<i32>} : memref<128x128xf32, #tpu.memory_space<vmem>>, vector<1x16xf32>,
        %add3A_1778 = arith.constant 13 : i32
        %add3A_1779 = arith.addi %mul3A_87, %add3A_1778 : i32
        %get3A_1780 = arith.index_cast %add3A_1779 : i32 to index
        %get3A_1781 = arith.constant 112 : index
        %get3A_1782 = tpu.vector_load %arg10[%get3A_1780, %get3A_1781] {strides = array<i32>} : memref<128x128xf32, #tpu.memory_space<vmem>>, vector<1x16xf32>,
        %get3A_1783 = vector.shape_cast %get3A_1782 : vector<1x16xf32> to vector<16xf32>
        %mul3A_1784 = vector.broadcast %squeeze3A_1672 : f32 to vector<16xf32>
        %mul3A_1785 = arith.mulf %get3A_1783, %mul3A_1784 : vector<16xf32>
        %add3A_1786 = arith.constant 13 : i32
        %add3A_1787 = arith.addi %mul3A_87, %add3A_1786 : i32
        %swap3A_1788 = arith.index_cast %add3A_1787 : i32 to index
        %swap3A_1789 = arith.constant 112 : index
        %swap3A_1790 = tpu.vector_load %arg10[%swap3A_1788, %swap3A_1789] {strides = array<i32>} : memref<128x128xf32, #tpu.memory_space<vmem>>, vector<1x16xf32>,
        %swap3A_1791 = vector.shape_cast %swap3A_1790 : vector<1x16xf32> to vector<16xf32>
        %swap3A_1792 = vector.shape_cast %mul3A_1785 : vector<16xf32> to vector<1x16xf32>
        tpu.vector_store %arg10[%swap3A_1788, %swap3A_1789], %swap3A_1792 {strides = array<i32>} : memref<128x128xf32, #tpu.memory_space<vmem>>, vector<1x16xf32>,
        %slice3A_1793 = vector.extract_strided_slice %get3A_85 {offsets = [14], sizes = [1], strides = [1]} : vector<16xf32> to vector<1xf32>
        %squeeze3A_1794 = vector.extract %slice3A_1793[0] : f32 from vector<1xf32>
        %add3A_1795 = arith.constant 14 : i32
        %add3A_1796 = arith.addi %mul3A_87, %add3A_1795 : i32
        %get3A_1797 = arith.index_cast %add3A_1796 : i32 to index
        %get3A_1798 = arith.constant 0 : index
        %get3A_1799 = tpu.vector_load %arg10[%get3A_1797, %get3A_1798] {strides = array<i32>} : memref<128x128xf32, #tpu.memory_space<vmem>>, vector<1x16xf32>,
        %get3A_1800 = vector.shape_cast %get3A_1799 : vector<1x16xf32> to vector<16xf32>
        %mul3A_1801 = vector.broadcast %squeeze3A_1794 : f32 to vector<16xf32>
        %mul3A_1802 = arith.mulf %get3A_1800, %mul3A_1801 : vector<16xf32>
        %add3A_1803 = arith.constant 14 : i32
        %add3A_1804 = arith.addi %mul3A_87, %add3A_1803 : i32
        %swap3A_1805 = arith.index_cast %add3A_1804 : i32 to index
        %swap3A_1806 = arith.constant 0 : index
        %swap3A_1807 = tpu.vector_load %arg10[%swap3A_1805, %swap3A_1806] {strides = array<i32>} : memref<128x128xf32, #tpu.memory_space<vmem>>, vector<1x16xf32>,
        %swap3A_1808 = vector.shape_cast %swap3A_1807 : vector<1x16xf32> to vector<16xf32>
        %swap3A_1809 = vector.shape_cast %mul3A_1802 : vector<16xf32> to vector<1x16xf32>
        tpu.vector_store %arg10[%swap3A_1805, %swap3A_1806], %swap3A_1809 {strides = array<i32>} : memref<128x128xf32, #tpu.memory_space<vmem>>, vector<1x16xf32>,
        %add3A_1810 = arith.constant 14 : i32
        %add3A_1811 = arith.addi %mul3A_87, %add3A_1810 : i32
        %get3A_1812 = arith.index_cast %add3A_1811 : i32 to index
        %get3A_1813 = arith.constant 16 : index
        %get3A_1814 = tpu.vector_load %arg10[%get3A_1812, %get3A_1813] {strides = array<i32>} : memref<128x128xf32, #tpu.memory_space<vmem>>, vector<1x16xf32>,
        %get3A_1815 = vector.shape_cast %get3A_1814 : vector<1x16xf32> to vector<16xf32>
        %mul3A_1816 = vector.broadcast %squeeze3A_1794 : f32 to vector<16xf32>
        %mul3A_1817 = arith.mulf %get3A_1815, %mul3A_1816 : vector<16xf32>
        %add3A_1818 = arith.constant 14 : i32
        %add3A_1819 = arith.addi %mul3A_87, %add3A_1818 : i32
        %swap3A_1820 = arith.index_cast %add3A_1819 : i32 to index
        %swap3A_1821 = arith.constant 16 : index
        %swap3A_1822 = tpu.vector_load %arg10[%swap3A_1820, %swap3A_1821] {strides = array<i32>} : memref<128x128xf32, #tpu.memory_space<vmem>>, vector<1x16xf32>,
        %swap3A_1823 = vector.shape_cast %swap3A_1822 : vector<1x16xf32> to vector<16xf32>
        %swap3A_1824 = vector.shape_cast %mul3A_1817 : vector<16xf32> to vector<1x16xf32>
        tpu.vector_store %arg10[%swap3A_1820, %swap3A_1821], %swap3A_1824 {strides = array<i32>} : memref<128x128xf32, #tpu.memory_space<vmem>>, vector<1x16xf32>,
        %add3A_1825 = arith.constant 14 : i32
        %add3A_1826 = arith.addi %mul3A_87, %add3A_1825 : i32
        %get3A_1827 = arith.index_cast %add3A_1826 : i32 to index
        %get3A_1828 = arith.constant 32 : index
        %get3A_1829 = tpu.vector_load %arg10[%get3A_1827, %get3A_1828] {strides = array<i32>} : memref<128x128xf32, #tpu.memory_space<vmem>>, vector<1x16xf32>,
        %get3A_1830 = vector.shape_cast %get3A_1829 : vector<1x16xf32> to vector<16xf32>
        %mul3A_1831 = vector.broadcast %squeeze3A_1794 : f32 to vector<16xf32>
        %mul3A_1832 = arith.mulf %get3A_1830, %mul3A_1831 : vector<16xf32>
        %add3A_1833 = arith.constant 14 : i32
        %add3A_1834 = arith.addi %mul3A_87, %add3A_1833 : i32
        %swap3A_1835 = arith.index_cast %add3A_1834 : i32 to index
        %swap3A_1836 = arith.constant 32 : index
        %swap3A_1837 = tpu.vector_load %arg10[%swap3A_1835, %swap3A_1836] {strides = array<i32>} : memref<128x128xf32, #tpu.memory_space<vmem>>, vector<1x16xf32>,
        %swap3A_1838 = vector.shape_cast %swap3A_1837 : vector<1x16xf32> to vector<16xf32>
        %swap3A_1839 = vector.shape_cast %mul3A_1832 : vector<16xf32> to vector<1x16xf32>
        tpu.vector_store %arg10[%swap3A_1835, %swap3A_1836], %swap3A_1839 {strides = array<i32>} : memref<128x128xf32, #tpu.memory_space<vmem>>, vector<1x16xf32>,
        %add3A_1840 = arith.constant 14 : i32
        %add3A_1841 = arith.addi %mul3A_87, %add3A_1840 : i32
        %get3A_1842 = arith.index_cast %add3A_1841 : i32 to index
        %get3A_1843 = arith.constant 48 : index
        %get3A_1844 = tpu.vector_load %arg10[%get3A_1842, %get3A_1843] {strides = array<i32>} : memref<128x128xf32, #tpu.memory_space<vmem>>, vector<1x16xf32>,
        %get3A_1845 = vector.shape_cast %get3A_1844 : vector<1x16xf32> to vector<16xf32>
        %mul3A_1846 = vector.broadcast %squeeze3A_1794 : f32 to vector<16xf32>
        %mul3A_1847 = arith.mulf %get3A_1845, %mul3A_1846 : vector<16xf32>
        %add3A_1848 = arith.constant 14 : i32
        %add3A_1849 = arith.addi %mul3A_87, %add3A_1848 : i32
        %swap3A_1850 = arith.index_cast %add3A_1849 : i32 to index
        %swap3A_1851 = arith.constant 48 : index
        %swap3A_1852 = tpu.vector_load %arg10[%swap3A_1850, %swap3A_1851] {strides = array<i32>} : memref<128x128xf32, #tpu.memory_space<vmem>>, vector<1x16xf32>,
        %swap3A_1853 = vector.shape_cast %swap3A_1852 : vector<1x16xf32> to vector<16xf32>
        %swap3A_1854 = vector.shape_cast %mul3A_1847 : vector<16xf32> to vector<1x16xf32>
        tpu.vector_store %arg10[%swap3A_1850, %swap3A_1851], %swap3A_1854 {strides = array<i32>} : memref<128x128xf32, #tpu.memory_space<vmem>>, vector<1x16xf32>,
        %add3A_1855 = arith.constant 14 : i32
        %add3A_1856 = arith.addi %mul3A_87, %add3A_1855 : i32
        %get3A_1857 = arith.index_cast %add3A_1856 : i32 to index
        %get3A_1858 = arith.constant 64 : index
        %get3A_1859 = tpu.vector_load %arg10[%get3A_1857, %get3A_1858] {strides = array<i32>} : memref<128x128xf32, #tpu.memory_space<vmem>>, vector<1x16xf32>,
        %get3A_1860 = vector.shape_cast %get3A_1859 : vector<1x16xf32> to vector<16xf32>
        %mul3A_1861 = vector.broadcast %squeeze3A_1794 : f32 to vector<16xf32>
        %mul3A_1862 = arith.mulf %get3A_1860, %mul3A_1861 : vector<16xf32>
        %add3A_1863 = arith.constant 14 : i32
        %add3A_1864 = arith.addi %mul3A_87, %add3A_1863 : i32
        %swap3A_1865 = arith.index_cast %add3A_1864 : i32 to index
        %swap3A_1866 = arith.constant 64 : index
        %swap3A_1867 = tpu.vector_load %arg10[%swap3A_1865, %swap3A_1866] {strides = array<i32>} : memref<128x128xf32, #tpu.memory_space<vmem>>, vector<1x16xf32>,
        %swap3A_1868 = vector.shape_cast %swap3A_1867 : vector<1x16xf32> to vector<16xf32>
        %swap3A_1869 = vector.shape_cast %mul3A_1862 : vector<16xf32> to vector<1x16xf32>
        tpu.vector_store %arg10[%swap3A_1865, %swap3A_1866], %swap3A_1869 {strides = array<i32>} : memref<128x128xf32, #tpu.memory_space<vmem>>, vector<1x16xf32>,
        %add3A_1870 = arith.constant 14 : i32
        %add3A_1871 = arith.addi %mul3A_87, %add3A_1870 : i32
        %get3A_1872 = arith.index_cast %add3A_1871 : i32 to index
        %get3A_1873 = arith.constant 80 : index
        %get3A_1874 = tpu.vector_load %arg10[%get3A_1872, %get3A_1873] {strides = array<i32>} : memref<128x128xf32, #tpu.memory_space<vmem>>, vector<1x16xf32>,
        %get3A_1875 = vector.shape_cast %get3A_1874 : vector<1x16xf32> to vector<16xf32>
        %mul3A_1876 = vector.broadcast %squeeze3A_1794 : f32 to vector<16xf32>
        %mul3A_1877 = arith.mulf %get3A_1875, %mul3A_1876 : vector<16xf32>
        %add3A_1878 = arith.constant 14 : i32
        %add3A_1879 = arith.addi %mul3A_87, %add3A_1878 : i32
        %swap3A_1880 = arith.index_cast %add3A_1879 : i32 to index
        %swap3A_1881 = arith.constant 80 : index
        %swap3A_1882 = tpu.vector_load %arg10[%swap3A_1880, %swap3A_1881] {strides = array<i32>} : memref<128x128xf32, #tpu.memory_space<vmem>>, vector<1x16xf32>,
        %swap3A_1883 = vector.shape_cast %swap3A_1882 : vector<1x16xf32> to vector<16xf32>
        %swap3A_1884 = vector.shape_cast %mul3A_1877 : vector<16xf32> to vector<1x16xf32>
        tpu.vector_store %arg10[%swap3A_1880, %swap3A_1881], %swap3A_1884 {strides = array<i32>} : memref<128x128xf32, #tpu.memory_space<vmem>>, vector<1x16xf32>,
        %add3A_1885 = arith.constant 14 : i32
        %add3A_1886 = arith.addi %mul3A_87, %add3A_1885 : i32
        %get3A_1887 = arith.index_cast %add3A_1886 : i32 to index
        %get3A_1888 = arith.constant 96 : index
        %get3A_1889 = tpu.vector_load %arg10[%get3A_1887, %get3A_1888] {strides = array<i32>} : memref<128x128xf32, #tpu.memory_space<vmem>>, vector<1x16xf32>,
        %get3A_1890 = vector.shape_cast %get3A_1889 : vector<1x16xf32> to vector<16xf32>
        %mul3A_1891 = vector.broadcast %squeeze3A_1794 : f32 to vector<16xf32>
        %mul3A_1892 = arith.mulf %get3A_1890, %mul3A_1891 : vector<16xf32>
        %add3A_1893 = arith.constant 14 : i32
        %add3A_1894 = arith.addi %mul3A_87, %add3A_1893 : i32
        %swap3A_1895 = arith.index_cast %add3A_1894 : i32 to index
        %swap3A_1896 = arith.constant 96 : index
        %swap3A_1897 = tpu.vector_load %arg10[%swap3A_1895, %swap3A_1896] {strides = array<i32>} : memref<128x128xf32, #tpu.memory_space<vmem>>, vector<1x16xf32>,
        %swap3A_1898 = vector.shape_cast %swap3A_1897 : vector<1x16xf32> to vector<16xf32>
        %swap3A_1899 = vector.shape_cast %mul3A_1892 : vector<16xf32> to vector<1x16xf32>
        tpu.vector_store %arg10[%swap3A_1895, %swap3A_1896], %swap3A_1899 {strides = array<i32>} : memref<128x128xf32, #tpu.memory_space<vmem>>, vector<1x16xf32>,
        %add3A_1900 = arith.constant 14 : i32
        %add3A_1901 = arith.addi %mul3A_87, %add3A_1900 : i32
        %get3A_1902 = arith.index_cast %add3A_1901 : i32 to index
        %get3A_1903 = arith.constant 112 : index
        %get3A_1904 = tpu.vector_load %arg10[%get3A_1902, %get3A_1903] {strides = array<i32>} : memref<128x128xf32, #tpu.memory_space<vmem>>, vector<1x16xf32>,
        %get3A_1905 = vector.shape_cast %get3A_1904 : vector<1x16xf32> to vector<16xf32>
        %mul3A_1906 = vector.broadcast %squeeze3A_1794 : f32 to vector<16xf32>
        %mul3A_1907 = arith.mulf %get3A_1905, %mul3A_1906 : vector<16xf32>
        %add3A_1908 = arith.constant 14 : i32
        %add3A_1909 = arith.addi %mul3A_87, %add3A_1908 : i32
        %swap3A_1910 = arith.index_cast %add3A_1909 : i32 to index
        %swap3A_1911 = arith.constant 112 : index
        %swap3A_1912 = tpu.vector_load %arg10[%swap3A_1910, %swap3A_1911] {strides = array<i32>} : memref<128x128xf32, #tpu.memory_space<vmem>>, vector<1x16xf32>,
        %swap3A_1913 = vector.shape_cast %swap3A_1912 : vector<1x16xf32> to vector<16xf32>
        %swap3A_1914 = vector.shape_cast %mul3A_1907 : vector<16xf32> to vector<1x16xf32>
        tpu.vector_store %arg10[%swap3A_1910, %swap3A_1911], %swap3A_1914 {strides = array<i32>} : memref<128x128xf32, #tpu.memory_space<vmem>>, vector<1x16xf32>,
        %slice3A_1915 = vector.extract_strided_slice %get3A_85 {offsets = [15], sizes = [1], strides = [1]} : vector<16xf32> to vector<1xf32>
        %squeeze3A_1916 = vector.extract %slice3A_1915[0] : f32 from vector<1xf32>
        %add3A_1917 = arith.constant 15 : i32
        %add3A_1918 = arith.addi %mul3A_87, %add3A_1917 : i32
        %get3A_1919 = arith.index_cast %add3A_1918 : i32 to index
        %get3A_1920 = arith.constant 0 : index
        %get3A_1921 = tpu.vector_load %arg10[%get3A_1919, %get3A_1920] {strides = array<i32>} : memref<128x128xf32, #tpu.memory_space<vmem>>, vector<1x16xf32>,
        %get3A_1922 = vector.shape_cast %get3A_1921 : vector<1x16xf32> to vector<16xf32>
        %mul3A_1923 = vector.broadcast %squeeze3A_1916 : f32 to vector<16xf32>
        %mul3A_1924 = arith.mulf %get3A_1922, %mul3A_1923 : vector<16xf32>
        %add3A_1925 = arith.constant 15 : i32
        %add3A_1926 = arith.addi %mul3A_87, %add3A_1925 : i32
        %swap3A_1927 = arith.index_cast %add3A_1926 : i32 to index
        %swap3A_1928 = arith.constant 0 : index
        %swap3A_1929 = tpu.vector_load %arg10[%swap3A_1927, %swap3A_1928] {strides = array<i32>} : memref<128x128xf32, #tpu.memory_space<vmem>>, vector<1x16xf32>,
        %swap3A_1930 = vector.shape_cast %swap3A_1929 : vector<1x16xf32> to vector<16xf32>
        %swap3A_1931 = vector.shape_cast %mul3A_1924 : vector<16xf32> to vector<1x16xf32>
        tpu.vector_store %arg10[%swap3A_1927, %swap3A_1928], %swap3A_1931 {strides = array<i32>} : memref<128x128xf32, #tpu.memory_space<vmem>>, vector<1x16xf32>,
        %add3A_1932 = arith.constant 15 : i32
        %add3A_1933 = arith.addi %mul3A_87, %add3A_1932 : i32
        %get3A_1934 = arith.index_cast %add3A_1933 : i32 to index
        %get3A_1935 = arith.constant 16 : index
        %get3A_1936 = tpu.vector_load %arg10[%get3A_1934, %get3A_1935] {strides = array<i32>} : memref<128x128xf32, #tpu.memory_space<vmem>>, vector<1x16xf32>,
        %get3A_1937 = vector.shape_cast %get3A_1936 : vector<1x16xf32> to vector<16xf32>
        %mul3A_1938 = vector.broadcast %squeeze3A_1916 : f32 to vector<16xf32>
        %mul3A_1939 = arith.mulf %get3A_1937, %mul3A_1938 : vector<16xf32>
        %add3A_1940 = arith.constant 15 : i32
        %add3A_1941 = arith.addi %mul3A_87, %add3A_1940 : i32
        %swap3A_1942 = arith.index_cast %add3A_1941 : i32 to index
        %swap3A_1943 = arith.constant 16 : index
        %swap3A_1944 = tpu.vector_load %arg10[%swap3A_1942, %swap3A_1943] {strides = array<i32>} : memref<128x128xf32, #tpu.memory_space<vmem>>, vector<1x16xf32>,
        %swap3A_1945 = vector.shape_cast %swap3A_1944 : vector<1x16xf32> to vector<16xf32>
        %swap3A_1946 = vector.shape_cast %mul3A_1939 : vector<16xf32> to vector<1x16xf32>
        tpu.vector_store %arg10[%swap3A_1942, %swap3A_1943], %swap3A_1946 {strides = array<i32>} : memref<128x128xf32, #tpu.memory_space<vmem>>, vector<1x16xf32>,
        %add3A_1947 = arith.constant 15 : i32
        %add3A_1948 = arith.addi %mul3A_87, %add3A_1947 : i32
        %get3A_1949 = arith.index_cast %add3A_1948 : i32 to index
        %get3A_1950 = arith.constant 32 : index
        %get3A_1951 = tpu.vector_load %arg10[%get3A_1949, %get3A_1950] {strides = array<i32>} : memref<128x128xf32, #tpu.memory_space<vmem>>, vector<1x16xf32>,
        %get3A_1952 = vector.shape_cast %get3A_1951 : vector<1x16xf32> to vector<16xf32>
        %mul3A_1953 = vector.broadcast %squeeze3A_1916 : f32 to vector<16xf32>
        %mul3A_1954 = arith.mulf %get3A_1952, %mul3A_1953 : vector<16xf32>
        %add3A_1955 = arith.constant 15 : i32
        %add3A_1956 = arith.addi %mul3A_87, %add3A_1955 : i32
        %swap3A_1957 = arith.index_cast %add3A_1956 : i32 to index
        %swap3A_1958 = arith.constant 32 : index
        %swap3A_1959 = tpu.vector_load %arg10[%swap3A_1957, %swap3A_1958] {strides = array<i32>} : memref<128x128xf32, #tpu.memory_space<vmem>>, vector<1x16xf32>,
        %swap3A_1960 = vector.shape_cast %swap3A_1959 : vector<1x16xf32> to vector<16xf32>
        %swap3A_1961 = vector.shape_cast %mul3A_1954 : vector<16xf32> to vector<1x16xf32>
        tpu.vector_store %arg10[%swap3A_1957, %swap3A_1958], %swap3A_1961 {strides = array<i32>} : memref<128x128xf32, #tpu.memory_space<vmem>>, vector<1x16xf32>,
        %add3A_1962 = arith.constant 15 : i32
        %add3A_1963 = arith.addi %mul3A_87, %add3A_1962 : i32
        %get3A_1964 = arith.index_cast %add3A_1963 : i32 to index
        %get3A_1965 = arith.constant 48 : index
        %get3A_1966 = tpu.vector_load %arg10[%get3A_1964, %get3A_1965] {strides = array<i32>} : memref<128x128xf32, #tpu.memory_space<vmem>>, vector<1x16xf32>,
        %get3A_1967 = vector.shape_cast %get3A_1966 : vector<1x16xf32> to vector<16xf32>
        %mul3A_1968 = vector.broadcast %squeeze3A_1916 : f32 to vector<16xf32>
        %mul3A_1969 = arith.mulf %get3A_1967, %mul3A_1968 : vector<16xf32>
        %add3A_1970 = arith.constant 15 : i32
        %add3A_1971 = arith.addi %mul3A_87, %add3A_1970 : i32
        %swap3A_1972 = arith.index_cast %add3A_1971 : i32 to index
        %swap3A_1973 = arith.constant 48 : index
        %swap3A_1974 = tpu.vector_load %arg10[%swap3A_1972, %swap3A_1973] {strides = array<i32>} : memref<128x128xf32, #tpu.memory_space<vmem>>, vector<1x16xf32>,
        %swap3A_1975 = vector.shape_cast %swap3A_1974 : vector<1x16xf32> to vector<16xf32>
        %swap3A_1976 = vector.shape_cast %mul3A_1969 : vector<16xf32> to vector<1x16xf32>
        tpu.vector_store %arg10[%swap3A_1972, %swap3A_1973], %swap3A_1976 {strides = array<i32>} : memref<128x128xf32, #tpu.memory_space<vmem>>, vector<1x16xf32>,
        %add3A_1977 = arith.constant 15 : i32
        %add3A_1978 = arith.addi %mul3A_87, %add3A_1977 : i32
        %get3A_1979 = arith.index_cast %add3A_1978 : i32 to index
        %get3A_1980 = arith.constant 64 : index
        %get3A_1981 = tpu.vector_load %arg10[%get3A_1979, %get3A_1980] {strides = array<i32>} : memref<128x128xf32, #tpu.memory_space<vmem>>, vector<1x16xf32>,
        %get3A_1982 = vector.shape_cast %get3A_1981 : vector<1x16xf32> to vector<16xf32>
        %mul3A_1983 = vector.broadcast %squeeze3A_1916 : f32 to vector<16xf32>
        %mul3A_1984 = arith.mulf %get3A_1982, %mul3A_1983 : vector<16xf32>
        %add3A_1985 = arith.constant 15 : i32
        %add3A_1986 = arith.addi %mul3A_87, %add3A_1985 : i32
        %swap3A_1987 = arith.index_cast %add3A_1986 : i32 to index
        %swap3A_1988 = arith.constant 64 : index
        %swap3A_1989 = tpu.vector_load %arg10[%swap3A_1987, %swap3A_1988] {strides = array<i32>} : memref<128x128xf32, #tpu.memory_space<vmem>>, vector<1x16xf32>,
        %swap3A_1990 = vector.shape_cast %swap3A_1989 : vector<1x16xf32> to vector<16xf32>
        %swap3A_1991 = vector.shape_cast %mul3A_1984 : vector<16xf32> to vector<1x16xf32>
        tpu.vector_store %arg10[%swap3A_1987, %swap3A_1988], %swap3A_1991 {strides = array<i32>} : memref<128x128xf32, #tpu.memory_space<vmem>>, vector<1x16xf32>,
        %add3A_1992 = arith.constant 15 : i32
        %add3A_1993 = arith.addi %mul3A_87, %add3A_1992 : i32
        %get3A_1994 = arith.index_cast %add3A_1993 : i32 to index
        %get3A_1995 = arith.constant 80 : index
        %get3A_1996 = tpu.vector_load %arg10[%get3A_1994, %get3A_1995] {strides = array<i32>} : memref<128x128xf32, #tpu.memory_space<vmem>>, vector<1x16xf32>,
        %get3A_1997 = vector.shape_cast %get3A_1996 : vector<1x16xf32> to vector<16xf32>
        %mul3A_1998 = vector.broadcast %squeeze3A_1916 : f32 to vector<16xf32>
        %mul3A_1999 = arith.mulf %get3A_1997, %mul3A_1998 : vector<16xf32>
        %add3A_2000 = arith.constant 15 : i32
        %add3A_2001 = arith.addi %mul3A_87, %add3A_2000 : i32
        %swap3A_2002 = arith.index_cast %add3A_2001 : i32 to index
        %swap3A_2003 = arith.constant 80 : index
        %swap3A_2004 = tpu.vector_load %arg10[%swap3A_2002, %swap3A_2003] {strides = array<i32>} : memref<128x128xf32, #tpu.memory_space<vmem>>, vector<1x16xf32>,
        %swap3A_2005 = vector.shape_cast %swap3A_2004 : vector<1x16xf32> to vector<16xf32>
        %swap3A_2006 = vector.shape_cast %mul3A_1999 : vector<16xf32> to vector<1x16xf32>
        tpu.vector_store %arg10[%swap3A_2002, %swap3A_2003], %swap3A_2006 {strides = array<i32>} : memref<128x128xf32, #tpu.memory_space<vmem>>, vector<1x16xf32>,
        %add3A_2007 = arith.constant 15 : i32
        %add3A_2008 = arith.addi %mul3A_87, %add3A_2007 : i32
        %get3A_2009 = arith.index_cast %add3A_2008 : i32 to index
        %get3A_2010 = arith.constant 96 : index
        %get3A_2011 = tpu.vector_load %arg10[%get3A_2009, %get3A_2010] {strides = array<i32>} : memref<128x128xf32, #tpu.memory_space<vmem>>, vector<1x16xf32>,
        %get3A_2012 = vector.shape_cast %get3A_2011 : vector<1x16xf32> to vector<16xf32>
        %mul3A_2013 = vector.broadcast %squeeze3A_1916 : f32 to vector<16xf32>
        %mul3A_2014 = arith.mulf %get3A_2012, %mul3A_2013 : vector<16xf32>
        %add3A_2015 = arith.constant 15 : i32
        %add3A_2016 = arith.addi %mul3A_87, %add3A_2015 : i32
        %swap3A_2017 = arith.index_cast %add3A_2016 : i32 to index
        %swap3A_2018 = arith.constant 96 : index
        %swap3A_2019 = tpu.vector_load %arg10[%swap3A_2017, %swap3A_2018] {strides = array<i32>} : memref<128x128xf32, #tpu.memory_space<vmem>>, vector<1x16xf32>,
        %swap3A_2020 = vector.shape_cast %swap3A_2019 : vector<1x16xf32> to vector<16xf32>
        %swap3A_2021 = vector.shape_cast %mul3A_2014 : vector<16xf32> to vector<1x16xf32>
        tpu.vector_store %arg10[%swap3A_2017, %swap3A_2018], %swap3A_2021 {strides = array<i32>} : memref<128x128xf32, #tpu.memory_space<vmem>>, vector<1x16xf32>,
        %add3A_2022 = arith.constant 15 : i32
        %add3A_2023 = arith.addi %mul3A_87, %add3A_2022 : i32
        %get3A_2024 = arith.index_cast %add3A_2023 : i32 to index
        %get3A_2025 = arith.constant 112 : index
        %get3A_2026 = tpu.vector_load %arg10[%get3A_2024, %get3A_2025] {strides = array<i32>} : memref<128x128xf32, #tpu.memory_space<vmem>>, vector<1x16xf32>,
        %get3A_2027 = vector.shape_cast %get3A_2026 : vector<1x16xf32> to vector<16xf32>
        %mul3A_2028 = vector.broadcast %squeeze3A_1916 : f32 to vector<16xf32>
        %mul3A_2029 = arith.mulf %get3A_2027, %mul3A_2028 : vector<16xf32>
        %add3A_2030 = arith.constant 15 : i32
        %add3A_2031 = arith.addi %mul3A_87, %add3A_2030 : i32
        %swap3A_2032 = arith.index_cast %add3A_2031 : i32 to index
        %swap3A_2033 = arith.constant 112 : index
        %swap3A_2034 = tpu.vector_load %arg10[%swap3A_2032, %swap3A_2033] {strides = array<i32>} : memref<128x128xf32, #tpu.memory_space<vmem>>, vector<1x16xf32>,
        %swap3A_2035 = vector.shape_cast %swap3A_2034 : vector<1x16xf32> to vector<16xf32>
        %swap3A_2036 = vector.shape_cast %mul3A_2029 : vector<16xf32> to vector<1x16xf32>
        tpu.vector_store %arg10[%swap3A_2032, %swap3A_2033], %swap3A_2036 {strides = array<i32>} : memref<128x128xf32, #tpu.memory_space<vmem>>, vector<1x16xf32>,
        %scan3A_2037 = arith.constant 0 : i32
        scf.yield %scan3A_2037 : i32
      }
      %scan3A_78 = arith.constant 8 : i32
      "tpu.region"() ({
        %run_scoped3A = tpu.sem_alloc : memref<!tpu.dma_semaphore, #tpu.memory_space<semaphore_mem>>
        %dma_start3A_80 = arith.constant 0 : i32
        %dma_start3A_81 = arith.constant 0 : i32
        %dma_start3A_82 = tpu.memref_slice %arg11[%dma_start3A_80, %dma_start3A_81] : memref<8192x128xf32, #tpu.memory_space<vmem_shared>> -> memref<8192x128xf32, #tpu.memory_space<vmem_shared>>
        tpu.enqueue_indirect_dma source(%arg10 : memref<128x128xf32, #tpu.memory_space<vmem>>) target(%dma_start3A_82 : memref<8192x128xf32, #tpu.memory_space<vmem_shared>>) offsets(%arg8 : memref<128xi32, #tpu.memory_space<vmem>>) semaphore(%run_scoped3A : memref<!tpu.dma_semaphore, #tpu.memory_space<semaphore_mem>>) {add = true}
        %dma_wait3A_83 = arith.constant 0 : i32
        %dma_wait3A_84 = arith.constant 0 : i32
        %dma_wait3A_85 = tpu.memref_slice %arg11[%dma_wait3A_83, %dma_wait3A_84] : memref<8192x128xf32, #tpu.memory_space<vmem_shared>> -> memref<8192x128xf32, #tpu.memory_space<vmem_shared>>
        tpu.wait_indirect_dma semaphore(%run_scoped3A : memref<!tpu.dma_semaphore, #tpu.memory_space<semaphore_mem>>) src(%arg10 : memref<128x128xf32, #tpu.memory_space<vmem>>) dst(%dma_wait3A_85 : memref<8192x128xf32, #tpu.memory_space<vmem_shared>>)
        tpu.yield
      }) : () -> ()
      %scan3A_79 = arith.constant 0 : i32
      scf.yield %scan3A_79 : i32
    }
    %scan3A_30 = arith.constant 32 : i32
    %barrier3A_31 = arith.constant 0 : index
    tpu.barrier barrier_id(%barrier3A_31)
    %mul3A_32 = arith.constant 512 : i32
    %mul3A_33 = arith.muli %arg1, %mul3A_32 : i32
    %add3A_34 = arith.constant 0 : i32
    %add3A_35 = arith.addi %mul3A_33, %add3A_34 : i32
    "tpu.region"() ({
      %run_scoped3A = tpu.sem_alloc : memref<!tpu.dma_semaphore, #tpu.memory_space<semaphore_mem>>
      %dma_start3A = arith.constant 0 : i32
      %dma_start3A_48 = tpu.memref_slice %arg6[%arg0, %add3A_35, %dma_start3A] : memref<2x8192x128xf32, #tpu.memory_space<hbm>> -> memref<1x128x128xf32, #tpu.memory_space<hbm>>
      %dma_start3A_49 = tpu.memref_squeeze %dma_start3A_48 : memref<1x128x128xf32, #tpu.memory_space<hbm>> -> memref<128x128xf32, #tpu.memory_space<hbm>>
      %dma_start3A_50 = arith.constant 0 : i32
      %dma_start3A_51 = tpu.memref_slice %arg11[%add3A_35, %dma_start3A_50] : memref<8192x128xf32, #tpu.memory_space<vmem_shared>> -> memref<128x128xf32, #tpu.memory_space<vmem_shared>>
      tpu.enqueue_dma source(%dma_start3A_51 : memref<128x128xf32, #tpu.memory_space<vmem_shared>>) target(%dma_start3A_49 : memref<128x128xf32, #tpu.memory_space<hbm>>) target_semaphore(%run_scoped3A : memref<!tpu.dma_semaphore, #tpu.memory_space<semaphore_mem>>)
      %dma_wait3A = arith.constant 0 : i32
      %dma_wait3A_52 = tpu.memref_slice %arg6[%arg0, %add3A_35, %dma_wait3A] : memref<2x8192x128xf32, #tpu.memory_space<hbm>> -> memref<1x128x128xf32, #tpu.memory_space<hbm>>
      %dma_wait3A_53 = tpu.memref_squeeze %dma_wait3A_52 : memref<1x128x128xf32, #tpu.memory_space<hbm>> -> memref<128x128xf32, #tpu.memory_space<hbm>>
      %dma_wait3A_54 = arith.constant 0 : i32
      %dma_wait3A_55 = tpu.memref_slice %arg11[%add3A_35, %dma_wait3A_54] : memref<8192x128xf32, #tpu.memory_space<vmem_shared>> -> memref<128x128xf32, #tpu.memory_space<vmem_shared>>
      tpu.wait_dma2 semaphore(%run_scoped3A : memref<!tpu.dma_semaphore, #tpu.memory_space<semaphore_mem>>) src(%dma_wait3A_55 : memref<128x128xf32, #tpu.memory_space<vmem_shared>>) dst(%dma_wait3A_53 : memref<128x128xf32, #tpu.memory_space<hbm>>)
      tpu.yield
    }) : () -> ()
    %mul3A_36 = arith.constant 512 : i32
    %mul3A_37 = arith.muli %arg1, %mul3A_36 : i32
    %add3A_38 = arith.constant 128 : i32
    %add3A_39 = arith.addi %mul3A_37, %add3A_38 : i32
    "tpu.region"() ({
      %run_scoped3A = tpu.sem_alloc : memref<!tpu.dma_semaphore, #tpu.memory_space<semaphore_mem>>
      %dma_start3A = arith.constant 0 : i32
      %dma_start3A_48 = tpu.memref_slice %arg6[%arg0, %add3A_39, %dma_start3A] : memref<2x8192x128xf32, #tpu.memory_space<hbm>> -> memref<1x128x128xf32, #tpu.memory_space<hbm>>
      %dma_start3A_49 = tpu.memref_squeeze %dma_start3A_48 : memref<1x128x128xf32, #tpu.memory_space<hbm>> -> memref<128x128xf32, #tpu.memory_space<hbm>>
      %dma_start3A_50 = arith.constant 0 : i32
      %dma_start3A_51 = tpu.memref_slice %arg11[%add3A_39, %dma_start3A_50] : memref<8192x128xf32, #tpu.memory_space<vmem_shared>> -> memref<128x128xf32, #tpu.memory_space<vmem_shared>>
      tpu.enqueue_dma source(%dma_start3A_51 : memref<128x128xf32, #tpu.memory_space<vmem_shared>>) target(%dma_start3A_49 : memref<128x128xf32, #tpu.memory_space<hbm>>) target_semaphore(%run_scoped3A : memref<!tpu.dma_semaphore, #tpu.memory_space<semaphore_mem>>)
      %dma_wait3A = arith.constant 0 : i32
      %dma_wait3A_52 = tpu.memref_slice %arg6[%arg0, %add3A_39, %dma_wait3A] : memref<2x8192x128xf32, #tpu.memory_space<hbm>> -> memref<1x128x128xf32, #tpu.memory_space<hbm>>
      %dma_wait3A_53 = tpu.memref_squeeze %dma_wait3A_52 : memref<1x128x128xf32, #tpu.memory_space<hbm>> -> memref<128x128xf32, #tpu.memory_space<hbm>>
      %dma_wait3A_54 = arith.constant 0 : i32
      %dma_wait3A_55 = tpu.memref_slice %arg11[%add3A_39, %dma_wait3A_54] : memref<8192x128xf32, #tpu.memory_space<vmem_shared>> -> memref<128x128xf32, #tpu.memory_space<vmem_shared>>
      tpu.wait_dma2 semaphore(%run_scoped3A : memref<!tpu.dma_semaphore, #tpu.memory_space<semaphore_mem>>) src(%dma_wait3A_55 : memref<128x128xf32, #tpu.memory_space<vmem_shared>>) dst(%dma_wait3A_53 : memref<128x128xf32, #tpu.memory_space<hbm>>)
      tpu.yield
    }) : () -> ()
    %mul3A_40 = arith.constant 512 : i32
    %mul3A_41 = arith.muli %arg1, %mul3A_40 : i32
    %add3A_42 = arith.constant 256 : i32
    %add3A_43 = arith.addi %mul3A_41, %add3A_42 : i32
    "tpu.region"() ({
      %run_scoped3A = tpu.sem_alloc : memref<!tpu.dma_semaphore, #tpu.memory_space<semaphore_mem>>
      %dma_start3A = arith.constant 0 : i32
      %dma_start3A_48 = tpu.memref_slice %arg6[%arg0, %add3A_43, %dma_start3A] : memref<2x8192x128xf32, #tpu.memory_space<hbm>> -> memref<1x128x128xf32, #tpu.memory_space<hbm>>
      %dma_start3A_49 = tpu.memref_squeeze %dma_start3A_48 : memref<1x128x128xf32, #tpu.memory_space<hbm>> -> memref<128x128xf32, #tpu.memory_space<hbm>>
      %dma_start3A_50 = arith.constant 0 : i32
      %dma_start3A_51 = tpu.memref_slice %arg11[%add3A_43, %dma_start3A_50] : memref<8192x128xf32, #tpu.memory_space<vmem_shared>> -> memref<128x128xf32, #tpu.memory_space<vmem_shared>>
      tpu.enqueue_dma source(%dma_start3A_51 : memref<128x128xf32, #tpu.memory_space<vmem_shared>>) target(%dma_start3A_49 : memref<128x128xf32, #tpu.memory_space<hbm>>) target_semaphore(%run_scoped3A : memref<!tpu.dma_semaphore, #tpu.memory_space<semaphore_mem>>)
      %dma_wait3A = arith.constant 0 : i32
      %dma_wait3A_52 = tpu.memref_slice %arg6[%arg0, %add3A_43, %dma_wait3A] : memref<2x8192x128xf32, #tpu.memory_space<hbm>> -> memref<1x128x128xf32, #tpu.memory_space<hbm>>
      %dma_wait3A_53 = tpu.memref_squeeze %dma_wait3A_52 : memref<1x128x128xf32, #tpu.memory_space<hbm>> -> memref<128x128xf32, #tpu.memory_space<hbm>>
      %dma_wait3A_54 = arith.constant 0 : i32
      %dma_wait3A_55 = tpu.memref_slice %arg11[%add3A_43, %dma_wait3A_54] : memref<8192x128xf32, #tpu.memory_space<vmem_shared>> -> memref<128x128xf32, #tpu.memory_space<vmem_shared>>
      tpu.wait_dma2 semaphore(%run_scoped3A : memref<!tpu.dma_semaphore, #tpu.memory_space<semaphore_mem>>) src(%dma_wait3A_55 : memref<128x128xf32, #tpu.memory_space<vmem_shared>>) dst(%dma_wait3A_53 : memref<128x128xf32, #tpu.memory_space<hbm>>)
      tpu.yield
    }) : () -> ()
    %mul3A_44 = arith.constant 512 : i32
    %mul3A_45 = arith.muli %arg1, %mul3A_44 : i32
    %add3A_46 = arith.constant 384 : i32
    %add3A_47 = arith.addi %mul3A_45, %add3A_46 : i32
    "tpu.region"() ({
      %run_scoped3A = tpu.sem_alloc : memref<!tpu.dma_semaphore, #tpu.memory_space<semaphore_mem>>
      %dma_start3A = arith.constant 0 : i32
      %dma_start3A_48 = tpu.memref_slice %arg6[%arg0, %add3A_47, %dma_start3A] : memref<2x8192x128xf32, #tpu.memory_space<hbm>> -> memref<1x128x128xf32, #tpu.memory_space<hbm>>
      %dma_start3A_49 = tpu.memref_squeeze %dma_start3A_48 : memref<1x128x128xf32, #tpu.memory_space<hbm>> -> memref<128x128xf32, #tpu.memory_space<hbm>>
      %dma_start3A_50 = arith.constant 0 : i32
      %dma_start3A_51 = tpu.memref_slice %arg11[%add3A_47, %dma_start3A_50] : memref<8192x128xf32, #tpu.memory_space<vmem_shared>> -> memref<128x128xf32, #tpu.memory_space<vmem_shared>>
      tpu.enqueue_dma source(%dma_start3A_51 : memref<128x128xf32, #tpu.memory_space<vmem_shared>>) target(%dma_start3A_49 : memref<128x128xf32, #tpu.memory_space<hbm>>) target_semaphore(%run_scoped3A : memref<!tpu.dma_semaphore, #tpu.memory_space<semaphore_mem>>)
      %dma_wait3A = arith.constant 0 : i32
      %dma_wait3A_52 = tpu.memref_slice %arg6[%arg0, %add3A_47, %dma_wait3A] : memref<2x8192x128xf32, #tpu.memory_space<hbm>> -> memref<1x128x128xf32, #tpu.memory_space<hbm>>
      %dma_wait3A_53 = tpu.memref_squeeze %dma_wait3A_52 : memref<1x128x128xf32, #tpu.memory_space<hbm>> -> memref<128x128xf32, #tpu.memory_space<hbm>>
      %dma_wait3A_54 = arith.constant 0 : i32
      %dma_wait3A_55 = tpu.memref_slice %arg11[%add3A_47, %dma_wait3A_54] : memref<8192x128xf32, #tpu.memory_space<vmem_shared>> -> memref<128x128xf32, #tpu.memory_space<vmem_shared>>
      tpu.wait_dma2 semaphore(%run_scoped3A : memref<!tpu.dma_semaphore, #tpu.memory_space<semaphore_mem>>) src(%dma_wait3A_55 : memref<128x128xf32, #tpu.memory_space<vmem_shared>>) dst(%dma_wait3A_53 : memref<128x128xf32, #tpu.memory_space<hbm>>)
      tpu.yield
    }) : () -> ()
    return
  }
}

module attributes {stable_mosaic.version = 14 : i64} {
  func.func @_a_body(%arg0: i32, %arg1: memref<1024x128xf32, #tpu.memory_space<vmem>>, %arg2: memref<1024x4xf32, #tpu.memory_space<vmem>>, %arg3: memref<1024x16xf32, #tpu.memory_space<vmem>>, %arg4: memref<2xf32, #tpu.memory_space<smem>>, %arg5: memref<4x128x256xf32, #tpu.memory_space<vmem>>, %arg6: memref<4x256xf32, #tpu.memory_space<vmem>>, %arg7: memref<4x256x256xf32, #tpu.memory_space<vmem>>, %arg8: memref<4x256xf32, #tpu.memory_space<vmem>>, %arg9: memref<4x256x128xf32, #tpu.memory_space<vmem>>, %arg10: memref<4x128xf32, #tpu.memory_space<vmem>>, %arg11: memref<4x128x128xf32, #tpu.memory_space<vmem>>, %arg12: memref<4x128xf32, #tpu.memory_space<vmem>>, %arg13: memref<1024x256xf32, #tpu.memory_space<vmem>>, %arg14: memref<1024x128xf32, #tpu.memory_space<vmem>>, %arg15: memref<1024x16xf32, #tpu.memory_space<vmem>>) attributes {dimension_semantics = [#tpu.dimension_semantics<arbitrary>], iteration_bounds = array<i64: 8>, scalar_prefetch = 0 : i64, scratch_operands = 0 : i64, tpu.core_type = #tpu.core_type<tc>, window_params = [{transform_indices = @transform_0, window_bounds = array<i64: 1024, 128>}, {transform_indices = @transform_1, window_bounds = array<i64: 1024, 4>}, {transform_indices = @transform_2, window_bounds = array<i64: 1024, 16>}, {transform_indices = @transform_3, window_bounds = array<i64: 2>}, {pipeline_mode = #tpu.pipeline_mode<synchronous>, transform_indices = @transform_4, window_bounds = array<i64: 4, 128, 256>}, {pipeline_mode = #tpu.pipeline_mode<synchronous>, transform_indices = @transform_5, window_bounds = array<i64: 4, 256>}, {pipeline_mode = #tpu.pipeline_mode<synchronous>, transform_indices = @transform_6, window_bounds = array<i64: 4, 256, 256>}, {pipeline_mode = #tpu.pipeline_mode<synchronous>, transform_indices = @transform_7, window_bounds = array<i64: 4, 256>}, {pipeline_mode = #tpu.pipeline_mode<synchronous>, transform_indices = @transform_8, window_bounds = array<i64: 4, 256, 128>}, {pipeline_mode = #tpu.pipeline_mode<synchronous>, transform_indices = @transform_9, window_bounds = array<i64: 4, 128>}, {pipeline_mode = #tpu.pipeline_mode<synchronous>, transform_indices = @transform_10, window_bounds = array<i64: 4, 128, 128>}, {pipeline_mode = #tpu.pipeline_mode<synchronous>, transform_indices = @transform_11, window_bounds = array<i64: 4, 128>}, {transform_indices = @transform_12, window_bounds = array<i64: 1024, 256>}, {transform_indices = @transform_13, window_bounds = array<i64: 1024, 128>}, {transform_indices = @transform_14, window_bounds = array<i64: 1024, 16>}]} {
    %get3A = arith.constant 0 : index
    %get3A_0 = arith.constant 0 : index
    %get3A_1 = vector.load %arg1[%get3A, %get3A_0] : memref<1024x128xf32, #tpu.memory_space<vmem>>, vector<1024x128xf32>
    %get3A_2 = arith.constant 0 : index
    %get3A_3 = arith.constant 0 : index
    %get3A_4 = vector.load %arg2[%get3A_2, %get3A_3] : memref<1024x4xf32, #tpu.memory_space<vmem>>, vector<1024x4xf32>
    %get3A_5 = arith.constant 0 : index
    %get3A_6 = arith.constant 0 : index
    %get3A_7 = arith.constant 0 : index
    %get3A_8 = vector.load %arg5[%get3A_5, %get3A_6, %get3A_7] : memref<4x128x256xf32, #tpu.memory_space<vmem>>, vector<1x128x256xf32>
    %get3A_9 = vector.shape_cast %get3A_8 : vector<1x128x256xf32> to vector<128x256xf32>
    %dot_general3A = arith.constant dense<0.000000e+00> : vector<1024x256xf32>
    %dot_general3A_10 = tpu.matmul %get3A_1, %get3A_9, %dot_general3A {dimension_numbers = #tpu.dot_dimension_numbers<[1], [0], [0], [1], [0, 0, 1, 1], [], []>, transpose_lhs_hint = false} : vector<1024x128xf32>, vector<128x256xf32>, vector<1024x256xf32> -> vector<1024x256xf32>
    %get3A_11 = arith.constant 0 : index
    %get3A_12 = arith.constant 0 : index
    %get3A_13 = vector.load %arg6[%get3A_11, %get3A_12] : memref<4x256xf32, #tpu.memory_space<vmem>>, vector<1x256xf32>
    %get3A_14 = vector.shape_cast %get3A_13 : vector<1x256xf32> to vector<256xf32>
    %broadcast_in_dim3A = vector.shape_cast %get3A_14 : vector<256xf32> to vector<1x256xf32>
    %add3A = vector.broadcast %broadcast_in_dim3A : vector<1x256xf32> to vector<1024x256xf32>
    %add3A_15 = arith.addf %dot_general3A_10, %add3A : vector<1024x256xf32>
    %gt3A = arith.constant 0.000000e+00 : f32
    %gt3A_16 = vector.broadcast %gt3A : f32 to vector<1024x256xf32>
    %gt3A_17 = arith.cmpf ogt, %add3A_15, %gt3A_16 : vector<1024x256xf32>
    %exp3A = math.exp %add3A_15 : vector<1024x256xf32>
    %sub3A = arith.constant 1.000000e+00 : f32
    %sub3A_18 = vector.broadcast %sub3A : f32 to vector<1024x256xf32>
    %sub3A_19 = arith.subf %exp3A, %sub3A_18 : vector<1024x256xf32>
    %select_n3A = arith.select %gt3A_17, %add3A_15, %sub3A_19 : vector<1024x256xi1>, vector<1024x256xf32>
    %get3A_20 = arith.constant 0 : index
    %get3A_21 = arith.constant 0 : index
    %get3A_22 = arith.constant 0 : index
    %get3A_23 = vector.load %arg7[%get3A_20, %get3A_21, %get3A_22] : memref<4x256x256xf32, #tpu.memory_space<vmem>>, vector<1x256x256xf32>
    %get3A_24 = vector.shape_cast %get3A_23 : vector<1x256x256xf32> to vector<256x256xf32>
    %dot_general3A_25 = arith.constant dense<0.000000e+00> : vector<1024x256xf32>
    %dot_general3A_26 = tpu.matmul %select_n3A, %get3A_24, %dot_general3A_25 {dimension_numbers = #tpu.dot_dimension_numbers<[1], [0], [0], [1], [0, 0, 1, 1], [], []>, transpose_lhs_hint = false} : vector<1024x256xf32>, vector<256x256xf32>, vector<1024x256xf32> -> vector<1024x256xf32>
    %get3A_27 = arith.constant 0 : index
    %get3A_28 = arith.constant 0 : index
    %get3A_29 = vector.load %arg8[%get3A_27, %get3A_28] : memref<4x256xf32, #tpu.memory_space<vmem>>, vector<1x256xf32>
    %get3A_30 = vector.shape_cast %get3A_29 : vector<1x256xf32> to vector<256xf32>
    %broadcast_in_dim3A_31 = vector.shape_cast %get3A_30 : vector<256xf32> to vector<1x256xf32>
    %add3A_32 = vector.broadcast %broadcast_in_dim3A_31 : vector<1x256xf32> to vector<1024x256xf32>
    %add3A_33 = arith.addf %dot_general3A_26, %add3A_32 : vector<1024x256xf32>
    %slice3A = vector.extract_strided_slice %get3A_4 {offsets = [0, 0], sizes = [1024, 1], strides = [1, 1]} : vector<1024x4xf32> to vector<1024x1xf32>
    %mul3A = vector.broadcast %slice3A : vector<1024x1xf32> to vector<1024x256xf32>
    %mul3A_34 = arith.mulf %add3A_33, %mul3A : vector<1024x256xf32>
    %get3A_35 = arith.constant 1 : index
    %get3A_36 = arith.constant 0 : index
    %get3A_37 = arith.constant 0 : index
    %get3A_38 = vector.load %arg5[%get3A_35, %get3A_36, %get3A_37] : memref<4x128x256xf32, #tpu.memory_space<vmem>>, vector<1x128x256xf32>
    %get3A_39 = vector.shape_cast %get3A_38 : vector<1x128x256xf32> to vector<128x256xf32>
    %dot_general3A_40 = arith.constant dense<0.000000e+00> : vector<1024x256xf32>
    %dot_general3A_41 = tpu.matmul %get3A_1, %get3A_39, %dot_general3A_40 {dimension_numbers = #tpu.dot_dimension_numbers<[1], [0], [0], [1], [0, 0, 1, 1], [], []>, transpose_lhs_hint = false} : vector<1024x128xf32>, vector<128x256xf32>, vector<1024x256xf32> -> vector<1024x256xf32>
    %get3A_42 = arith.constant 1 : index
    %get3A_43 = arith.constant 0 : index
    %get3A_44 = vector.load %arg6[%get3A_42, %get3A_43] : memref<4x256xf32, #tpu.memory_space<vmem>>, vector<1x256xf32>
    %get3A_45 = vector.shape_cast %get3A_44 : vector<1x256xf32> to vector<256xf32>
    %broadcast_in_dim3A_46 = vector.shape_cast %get3A_45 : vector<256xf32> to vector<1x256xf32>
    %add3A_47 = vector.broadcast %broadcast_in_dim3A_46 : vector<1x256xf32> to vector<1024x256xf32>
    %add3A_48 = arith.addf %dot_general3A_41, %add3A_47 : vector<1024x256xf32>
    %gt3A_49 = arith.constant 0.000000e+00 : f32
    %gt3A_50 = vector.broadcast %gt3A_49 : f32 to vector<1024x256xf32>
    %gt3A_51 = arith.cmpf ogt, %add3A_48, %gt3A_50 : vector<1024x256xf32>
    %exp3A_52 = math.exp %add3A_48 : vector<1024x256xf32>
    %sub3A_53 = arith.constant 1.000000e+00 : f32
    %sub3A_54 = vector.broadcast %sub3A_53 : f32 to vector<1024x256xf32>
    %sub3A_55 = arith.subf %exp3A_52, %sub3A_54 : vector<1024x256xf32>
    %select_n3A_56 = arith.select %gt3A_51, %add3A_48, %sub3A_55 : vector<1024x256xi1>, vector<1024x256xf32>
    %get3A_57 = arith.constant 1 : index
    %get3A_58 = arith.constant 0 : index
    %get3A_59 = arith.constant 0 : index
    %get3A_60 = vector.load %arg7[%get3A_57, %get3A_58, %get3A_59] : memref<4x256x256xf32, #tpu.memory_space<vmem>>, vector<1x256x256xf32>
    %get3A_61 = vector.shape_cast %get3A_60 : vector<1x256x256xf32> to vector<256x256xf32>
    %dot_general3A_62 = arith.constant dense<0.000000e+00> : vector<1024x256xf32>
    %dot_general3A_63 = tpu.matmul %select_n3A_56, %get3A_61, %dot_general3A_62 {dimension_numbers = #tpu.dot_dimension_numbers<[1], [0], [0], [1], [0, 0, 1, 1], [], []>, transpose_lhs_hint = false} : vector<1024x256xf32>, vector<256x256xf32>, vector<1024x256xf32> -> vector<1024x256xf32>
    %get3A_64 = arith.constant 1 : index
    %get3A_65 = arith.constant 0 : index
    %get3A_66 = vector.load %arg8[%get3A_64, %get3A_65] : memref<4x256xf32, #tpu.memory_space<vmem>>, vector<1x256xf32>
    %get3A_67 = vector.shape_cast %get3A_66 : vector<1x256xf32> to vector<256xf32>
    %broadcast_in_dim3A_68 = vector.shape_cast %get3A_67 : vector<256xf32> to vector<1x256xf32>
    %add3A_69 = vector.broadcast %broadcast_in_dim3A_68 : vector<1x256xf32> to vector<1024x256xf32>
    %add3A_70 = arith.addf %dot_general3A_63, %add3A_69 : vector<1024x256xf32>
    %slice3A_71 = vector.extract_strided_slice %get3A_4 {offsets = [0, 1], sizes = [1024, 1], strides = [1, 1]} : vector<1024x4xf32> to vector<1024x1xf32>
    %mul3A_72 = vector.broadcast %slice3A_71 : vector<1024x1xf32> to vector<1024x256xf32>
    %mul3A_73 = arith.mulf %add3A_70, %mul3A_72 : vector<1024x256xf32>
    %add3A_74 = arith.addf %mul3A_34, %mul3A_73 : vector<1024x256xf32>
    %get3A_75 = arith.constant 2 : index
    %get3A_76 = arith.constant 0 : index
    %get3A_77 = arith.constant 0 : index
    %get3A_78 = vector.load %arg5[%get3A_75, %get3A_76, %get3A_77] : memref<4x128x256xf32, #tpu.memory_space<vmem>>, vector<1x128x256xf32>
    %get3A_79 = vector.shape_cast %get3A_78 : vector<1x128x256xf32> to vector<128x256xf32>
    %dot_general3A_80 = arith.constant dense<0.000000e+00> : vector<1024x256xf32>
    %dot_general3A_81 = tpu.matmul %get3A_1, %get3A_79, %dot_general3A_80 {dimension_numbers = #tpu.dot_dimension_numbers<[1], [0], [0], [1], [0, 0, 1, 1], [], []>, transpose_lhs_hint = false} : vector<1024x128xf32>, vector<128x256xf32>, vector<1024x256xf32> -> vector<1024x256xf32>
    %get3A_82 = arith.constant 2 : index
    %get3A_83 = arith.constant 0 : index
    %get3A_84 = vector.load %arg6[%get3A_82, %get3A_83] : memref<4x256xf32, #tpu.memory_space<vmem>>, vector<1x256xf32>
    %get3A_85 = vector.shape_cast %get3A_84 : vector<1x256xf32> to vector<256xf32>
    %broadcast_in_dim3A_86 = vector.shape_cast %get3A_85 : vector<256xf32> to vector<1x256xf32>
    %add3A_87 = vector.broadcast %broadcast_in_dim3A_86 : vector<1x256xf32> to vector<1024x256xf32>
    %add3A_88 = arith.addf %dot_general3A_81, %add3A_87 : vector<1024x256xf32>
    %gt3A_89 = arith.constant 0.000000e+00 : f32
    %gt3A_90 = vector.broadcast %gt3A_89 : f32 to vector<1024x256xf32>
    %gt3A_91 = arith.cmpf ogt, %add3A_88, %gt3A_90 : vector<1024x256xf32>
    %exp3A_92 = math.exp %add3A_88 : vector<1024x256xf32>
    %sub3A_93 = arith.constant 1.000000e+00 : f32
    %sub3A_94 = vector.broadcast %sub3A_93 : f32 to vector<1024x256xf32>
    %sub3A_95 = arith.subf %exp3A_92, %sub3A_94 : vector<1024x256xf32>
    %select_n3A_96 = arith.select %gt3A_91, %add3A_88, %sub3A_95 : vector<1024x256xi1>, vector<1024x256xf32>
    %get3A_97 = arith.constant 2 : index
    %get3A_98 = arith.constant 0 : index
    %get3A_99 = arith.constant 0 : index
    %get3A_100 = vector.load %arg7[%get3A_97, %get3A_98, %get3A_99] : memref<4x256x256xf32, #tpu.memory_space<vmem>>, vector<1x256x256xf32>
    %get3A_101 = vector.shape_cast %get3A_100 : vector<1x256x256xf32> to vector<256x256xf32>
    %dot_general3A_102 = arith.constant dense<0.000000e+00> : vector<1024x256xf32>
    %dot_general3A_103 = tpu.matmul %select_n3A_96, %get3A_101, %dot_general3A_102 {dimension_numbers = #tpu.dot_dimension_numbers<[1], [0], [0], [1], [0, 0, 1, 1], [], []>, transpose_lhs_hint = false} : vector<1024x256xf32>, vector<256x256xf32>, vector<1024x256xf32> -> vector<1024x256xf32>
    %get3A_104 = arith.constant 2 : index
    %get3A_105 = arith.constant 0 : index
    %get3A_106 = vector.load %arg8[%get3A_104, %get3A_105] : memref<4x256xf32, #tpu.memory_space<vmem>>, vector<1x256xf32>
    %get3A_107 = vector.shape_cast %get3A_106 : vector<1x256xf32> to vector<256xf32>
    %broadcast_in_dim3A_108 = vector.shape_cast %get3A_107 : vector<256xf32> to vector<1x256xf32>
    %add3A_109 = vector.broadcast %broadcast_in_dim3A_108 : vector<1x256xf32> to vector<1024x256xf32>
    %add3A_110 = arith.addf %dot_general3A_103, %add3A_109 : vector<1024x256xf32>
    %slice3A_111 = vector.extract_strided_slice %get3A_4 {offsets = [0, 2], sizes = [1024, 1], strides = [1, 1]} : vector<1024x4xf32> to vector<1024x1xf32>
    %mul3A_112 = vector.broadcast %slice3A_111 : vector<1024x1xf32> to vector<1024x256xf32>
    %mul3A_113 = arith.mulf %add3A_110, %mul3A_112 : vector<1024x256xf32>
    %add3A_114 = arith.addf %add3A_74, %mul3A_113 : vector<1024x256xf32>
    %get3A_115 = arith.constant 3 : index
    %get3A_116 = arith.constant 0 : index
    %get3A_117 = arith.constant 0 : index
    %get3A_118 = vector.load %arg5[%get3A_115, %get3A_116, %get3A_117] : memref<4x128x256xf32, #tpu.memory_space<vmem>>, vector<1x128x256xf32>
    %get3A_119 = vector.shape_cast %get3A_118 : vector<1x128x256xf32> to vector<128x256xf32>
    %dot_general3A_120 = arith.constant dense<0.000000e+00> : vector<1024x256xf32>
    %dot_general3A_121 = tpu.matmul %get3A_1, %get3A_119, %dot_general3A_120 {dimension_numbers = #tpu.dot_dimension_numbers<[1], [0], [0], [1], [0, 0, 1, 1], [], []>, transpose_lhs_hint = false} : vector<1024x128xf32>, vector<128x256xf32>, vector<1024x256xf32> -> vector<1024x256xf32>
    %get3A_122 = arith.constant 3 : index
    %get3A_123 = arith.constant 0 : index
    %get3A_124 = vector.load %arg6[%get3A_122, %get3A_123] : memref<4x256xf32, #tpu.memory_space<vmem>>, vector<1x256xf32>
    %get3A_125 = vector.shape_cast %get3A_124 : vector<1x256xf32> to vector<256xf32>
    %broadcast_in_dim3A_126 = vector.shape_cast %get3A_125 : vector<256xf32> to vector<1x256xf32>
    %add3A_127 = vector.broadcast %broadcast_in_dim3A_126 : vector<1x256xf32> to vector<1024x256xf32>
    %add3A_128 = arith.addf %dot_general3A_121, %add3A_127 : vector<1024x256xf32>
    %gt3A_129 = arith.constant 0.000000e+00 : f32
    %gt3A_130 = vector.broadcast %gt3A_129 : f32 to vector<1024x256xf32>
    %gt3A_131 = arith.cmpf ogt, %add3A_128, %gt3A_130 : vector<1024x256xf32>
    %exp3A_132 = math.exp %add3A_128 : vector<1024x256xf32>
    %sub3A_133 = arith.constant 1.000000e+00 : f32
    %sub3A_134 = vector.broadcast %sub3A_133 : f32 to vector<1024x256xf32>
    %sub3A_135 = arith.subf %exp3A_132, %sub3A_134 : vector<1024x256xf32>
    %select_n3A_136 = arith.select %gt3A_131, %add3A_128, %sub3A_135 : vector<1024x256xi1>, vector<1024x256xf32>
    %get3A_137 = arith.constant 3 : index
    %get3A_138 = arith.constant 0 : index
    %get3A_139 = arith.constant 0 : index
    %get3A_140 = vector.load %arg7[%get3A_137, %get3A_138, %get3A_139] : memref<4x256x256xf32, #tpu.memory_space<vmem>>, vector<1x256x256xf32>
    %get3A_141 = vector.shape_cast %get3A_140 : vector<1x256x256xf32> to vector<256x256xf32>
    %dot_general3A_142 = arith.constant dense<0.000000e+00> : vector<1024x256xf32>
    %dot_general3A_143 = tpu.matmul %select_n3A_136, %get3A_141, %dot_general3A_142 {dimension_numbers = #tpu.dot_dimension_numbers<[1], [0], [0], [1], [0, 0, 1, 1], [], []>, transpose_lhs_hint = false} : vector<1024x256xf32>, vector<256x256xf32>, vector<1024x256xf32> -> vector<1024x256xf32>
    %get3A_144 = arith.constant 3 : index
    %get3A_145 = arith.constant 0 : index
    %get3A_146 = vector.load %arg8[%get3A_144, %get3A_145] : memref<4x256xf32, #tpu.memory_space<vmem>>, vector<1x256xf32>
    %get3A_147 = vector.shape_cast %get3A_146 : vector<1x256xf32> to vector<256xf32>
    %broadcast_in_dim3A_148 = vector.shape_cast %get3A_147 : vector<256xf32> to vector<1x256xf32>
    %add3A_149 = vector.broadcast %broadcast_in_dim3A_148 : vector<1x256xf32> to vector<1024x256xf32>
    %add3A_150 = arith.addf %dot_general3A_143, %add3A_149 : vector<1024x256xf32>
    %slice3A_151 = vector.extract_strided_slice %get3A_4 {offsets = [0, 3], sizes = [1024, 1], strides = [1, 1]} : vector<1024x4xf32> to vector<1024x1xf32>
    %mul3A_152 = vector.broadcast %slice3A_151 : vector<1024x1xf32> to vector<1024x256xf32>
    %mul3A_153 = arith.mulf %add3A_150, %mul3A_152 : vector<1024x256xf32>
    %add3A_154 = arith.addf %add3A_114, %mul3A_153 : vector<1024x256xf32>
    %swap3A = arith.constant 0 : index
    %swap3A_155 = arith.constant 0 : index
    %swap3A_156 = vector.load %arg13[%swap3A, %swap3A_155] : memref<1024x256xf32, #tpu.memory_space<vmem>>, vector<1024x256xf32>
    tpu.vector_store %arg13[%swap3A, %swap3A_155], %add3A_154 {strides = array<i32>} : memref<1024x256xf32, #tpu.memory_space<vmem>>, vector<1024x256xf32>,
    %get3A_157 = arith.constant 0 : index
    %get3A_158 = arith.constant 0 : index
    %get3A_159 = arith.constant 0 : index
    %get3A_160 = vector.load %arg9[%get3A_157, %get3A_158, %get3A_159] : memref<4x256x128xf32, #tpu.memory_space<vmem>>, vector<1x256x128xf32>
    %get3A_161 = vector.shape_cast %get3A_160 : vector<1x256x128xf32> to vector<256x128xf32>
    %dot_general3A_162 = arith.constant dense<0.000000e+00> : vector<1024x128xf32>
    %dot_general3A_163 = tpu.matmul %add3A_154, %get3A_161, %dot_general3A_162 {dimension_numbers = #tpu.dot_dimension_numbers<[1], [0], [0], [1], [0, 0, 1, 1], [], []>, transpose_lhs_hint = false} : vector<1024x256xf32>, vector<256x128xf32>, vector<1024x128xf32> -> vector<1024x128xf32>
    %get3A_164 = arith.constant 0 : index
    %get3A_165 = arith.constant 0 : index
    %get3A_166 = vector.load %arg10[%get3A_164, %get3A_165] : memref<4x128xf32, #tpu.memory_space<vmem>>, vector<1x128xf32>
    %get3A_167 = vector.shape_cast %get3A_166 : vector<1x128xf32> to vector<128xf32>
    %broadcast_in_dim3A_168 = vector.shape_cast %get3A_167 : vector<128xf32> to vector<1x128xf32>
    %add3A_169 = vector.broadcast %broadcast_in_dim3A_168 : vector<1x128xf32> to vector<1024x128xf32>
    %add3A_170 = arith.addf %dot_general3A_163, %add3A_169 : vector<1024x128xf32>
    %gt3A_171 = arith.constant 0.000000e+00 : f32
    %gt3A_172 = vector.broadcast %gt3A_171 : f32 to vector<1024x128xf32>
    %gt3A_173 = arith.cmpf ogt, %add3A_170, %gt3A_172 : vector<1024x128xf32>
    %exp3A_174 = math.exp %add3A_170 : vector<1024x128xf32>
    %sub3A_175 = arith.constant 1.000000e+00 : f32
    %sub3A_176 = vector.broadcast %sub3A_175 : f32 to vector<1024x128xf32>
    %sub3A_177 = arith.subf %exp3A_174, %sub3A_176 : vector<1024x128xf32>
    %select_n3A_178 = arith.select %gt3A_173, %add3A_170, %sub3A_177 : vector<1024x128xi1>, vector<1024x128xf32>
    %get3A_179 = arith.constant 0 : index
    %get3A_180 = arith.constant 0 : index
    %get3A_181 = arith.constant 0 : index
    %get3A_182 = vector.load %arg11[%get3A_179, %get3A_180, %get3A_181] : memref<4x128x128xf32, #tpu.memory_space<vmem>>, vector<1x128x128xf32>
    %get3A_183 = vector.shape_cast %get3A_182 : vector<1x128x128xf32> to vector<128x128xf32>
    %dot_general3A_184 = arith.constant dense<0.000000e+00> : vector<1024x128xf32>
    %dot_general3A_185 = tpu.matmul %select_n3A_178, %get3A_183, %dot_general3A_184 {dimension_numbers = #tpu.dot_dimension_numbers<[1], [0], [0], [1], [0, 0, 1, 1], [], []>, transpose_lhs_hint = false} : vector<1024x128xf32>, vector<128x128xf32>, vector<1024x128xf32> -> vector<1024x128xf32>
    %get3A_186 = arith.constant 0 : index
    %get3A_187 = arith.constant 0 : index
    %get3A_188 = vector.load %arg12[%get3A_186, %get3A_187] : memref<4x128xf32, #tpu.memory_space<vmem>>, vector<1x128xf32>
    %get3A_189 = vector.shape_cast %get3A_188 : vector<1x128xf32> to vector<128xf32>
    %broadcast_in_dim3A_190 = vector.shape_cast %get3A_189 : vector<128xf32> to vector<1x128xf32>
    %add3A_191 = vector.broadcast %broadcast_in_dim3A_190 : vector<1x128xf32> to vector<1024x128xf32>
    %add3A_192 = arith.addf %dot_general3A_185, %add3A_191 : vector<1024x128xf32>
    %slice3A_193 = vector.extract_strided_slice %get3A_4 {offsets = [0, 0], sizes = [1024, 1], strides = [1, 1]} : vector<1024x4xf32> to vector<1024x1xf32>
    %mul3A_194 = vector.broadcast %slice3A_193 : vector<1024x1xf32> to vector<1024x128xf32>
    %mul3A_195 = arith.mulf %add3A_192, %mul3A_194 : vector<1024x128xf32>
    %get3A_196 = arith.constant 1 : index
    %get3A_197 = arith.constant 0 : index
    %get3A_198 = arith.constant 0 : index
    %get3A_199 = vector.load %arg9[%get3A_196, %get3A_197, %get3A_198] : memref<4x256x128xf32, #tpu.memory_space<vmem>>, vector<1x256x128xf32>
    %get3A_200 = vector.shape_cast %get3A_199 : vector<1x256x128xf32> to vector<256x128xf32>
    %dot_general3A_201 = arith.constant dense<0.000000e+00> : vector<1024x128xf32>
    %dot_general3A_202 = tpu.matmul %add3A_154, %get3A_200, %dot_general3A_201 {dimension_numbers = #tpu.dot_dimension_numbers<[1], [0], [0], [1], [0, 0, 1, 1], [], []>, transpose_lhs_hint = false} : vector<1024x256xf32>, vector<256x128xf32>, vector<1024x128xf32> -> vector<1024x128xf32>
    %get3A_203 = arith.constant 1 : index
    %get3A_204 = arith.constant 0 : index
    %get3A_205 = vector.load %arg10[%get3A_203, %get3A_204] : memref<4x128xf32, #tpu.memory_space<vmem>>, vector<1x128xf32>
    %get3A_206 = vector.shape_cast %get3A_205 : vector<1x128xf32> to vector<128xf32>
    %broadcast_in_dim3A_207 = vector.shape_cast %get3A_206 : vector<128xf32> to vector<1x128xf32>
    %add3A_208 = vector.broadcast %broadcast_in_dim3A_207 : vector<1x128xf32> to vector<1024x128xf32>
    %add3A_209 = arith.addf %dot_general3A_202, %add3A_208 : vector<1024x128xf32>
    %gt3A_210 = arith.constant 0.000000e+00 : f32
    %gt3A_211 = vector.broadcast %gt3A_210 : f32 to vector<1024x128xf32>
    %gt3A_212 = arith.cmpf ogt, %add3A_209, %gt3A_211 : vector<1024x128xf32>
    %exp3A_213 = math.exp %add3A_209 : vector<1024x128xf32>
    %sub3A_214 = arith.constant 1.000000e+00 : f32
    %sub3A_215 = vector.broadcast %sub3A_214 : f32 to vector<1024x128xf32>
    %sub3A_216 = arith.subf %exp3A_213, %sub3A_215 : vector<1024x128xf32>
    %select_n3A_217 = arith.select %gt3A_212, %add3A_209, %sub3A_216 : vector<1024x128xi1>, vector<1024x128xf32>
    %get3A_218 = arith.constant 1 : index
    %get3A_219 = arith.constant 0 : index
    %get3A_220 = arith.constant 0 : index
    %get3A_221 = vector.load %arg11[%get3A_218, %get3A_219, %get3A_220] : memref<4x128x128xf32, #tpu.memory_space<vmem>>, vector<1x128x128xf32>
    %get3A_222 = vector.shape_cast %get3A_221 : vector<1x128x128xf32> to vector<128x128xf32>
    %dot_general3A_223 = arith.constant dense<0.000000e+00> : vector<1024x128xf32>
    %dot_general3A_224 = tpu.matmul %select_n3A_217, %get3A_222, %dot_general3A_223 {dimension_numbers = #tpu.dot_dimension_numbers<[1], [0], [0], [1], [0, 0, 1, 1], [], []>, transpose_lhs_hint = false} : vector<1024x128xf32>, vector<128x128xf32>, vector<1024x128xf32> -> vector<1024x128xf32>
    %get3A_225 = arith.constant 1 : index
    %get3A_226 = arith.constant 0 : index
    %get3A_227 = vector.load %arg12[%get3A_225, %get3A_226] : memref<4x128xf32, #tpu.memory_space<vmem>>, vector<1x128xf32>
    %get3A_228 = vector.shape_cast %get3A_227 : vector<1x128xf32> to vector<128xf32>
    %broadcast_in_dim3A_229 = vector.shape_cast %get3A_228 : vector<128xf32> to vector<1x128xf32>
    %add3A_230 = vector.broadcast %broadcast_in_dim3A_229 : vector<1x128xf32> to vector<1024x128xf32>
    %add3A_231 = arith.addf %dot_general3A_224, %add3A_230 : vector<1024x128xf32>
    %slice3A_232 = vector.extract_strided_slice %get3A_4 {offsets = [0, 1], sizes = [1024, 1], strides = [1, 1]} : vector<1024x4xf32> to vector<1024x1xf32>
    %mul3A_233 = vector.broadcast %slice3A_232 : vector<1024x1xf32> to vector<1024x128xf32>
    %mul3A_234 = arith.mulf %add3A_231, %mul3A_233 : vector<1024x128xf32>
    %add3A_235 = arith.addf %mul3A_195, %mul3A_234 : vector<1024x128xf32>
    %get3A_236 = arith.constant 2 : index
    %get3A_237 = arith.constant 0 : index
    %get3A_238 = arith.constant 0 : index
    %get3A_239 = vector.load %arg9[%get3A_236, %get3A_237, %get3A_238] : memref<4x256x128xf32, #tpu.memory_space<vmem>>, vector<1x256x128xf32>
    %get3A_240 = vector.shape_cast %get3A_239 : vector<1x256x128xf32> to vector<256x128xf32>
    %dot_general3A_241 = arith.constant dense<0.000000e+00> : vector<1024x128xf32>
    %dot_general3A_242 = tpu.matmul %add3A_154, %get3A_240, %dot_general3A_241 {dimension_numbers = #tpu.dot_dimension_numbers<[1], [0], [0], [1], [0, 0, 1, 1], [], []>, transpose_lhs_hint = false} : vector<1024x256xf32>, vector<256x128xf32>, vector<1024x128xf32> -> vector<1024x128xf32>
    %get3A_243 = arith.constant 2 : index
    %get3A_244 = arith.constant 0 : index
    %get3A_245 = vector.load %arg10[%get3A_243, %get3A_244] : memref<4x128xf32, #tpu.memory_space<vmem>>, vector<1x128xf32>
    %get3A_246 = vector.shape_cast %get3A_245 : vector<1x128xf32> to vector<128xf32>
    %broadcast_in_dim3A_247 = vector.shape_cast %get3A_246 : vector<128xf32> to vector<1x128xf32>
    %add3A_248 = vector.broadcast %broadcast_in_dim3A_247 : vector<1x128xf32> to vector<1024x128xf32>
    %add3A_249 = arith.addf %dot_general3A_242, %add3A_248 : vector<1024x128xf32>
    %gt3A_250 = arith.constant 0.000000e+00 : f32
    %gt3A_251 = vector.broadcast %gt3A_250 : f32 to vector<1024x128xf32>
    %gt3A_252 = arith.cmpf ogt, %add3A_249, %gt3A_251 : vector<1024x128xf32>
    %exp3A_253 = math.exp %add3A_249 : vector<1024x128xf32>
    %sub3A_254 = arith.constant 1.000000e+00 : f32
    %sub3A_255 = vector.broadcast %sub3A_254 : f32 to vector<1024x128xf32>
    %sub3A_256 = arith.subf %exp3A_253, %sub3A_255 : vector<1024x128xf32>
    %select_n3A_257 = arith.select %gt3A_252, %add3A_249, %sub3A_256 : vector<1024x128xi1>, vector<1024x128xf32>
    %get3A_258 = arith.constant 2 : index
    %get3A_259 = arith.constant 0 : index
    %get3A_260 = arith.constant 0 : index
    %get3A_261 = vector.load %arg11[%get3A_258, %get3A_259, %get3A_260] : memref<4x128x128xf32, #tpu.memory_space<vmem>>, vector<1x128x128xf32>
    %get3A_262 = vector.shape_cast %get3A_261 : vector<1x128x128xf32> to vector<128x128xf32>
    %dot_general3A_263 = arith.constant dense<0.000000e+00> : vector<1024x128xf32>
    %dot_general3A_264 = tpu.matmul %select_n3A_257, %get3A_262, %dot_general3A_263 {dimension_numbers = #tpu.dot_dimension_numbers<[1], [0], [0], [1], [0, 0, 1, 1], [], []>, transpose_lhs_hint = false} : vector<1024x128xf32>, vector<128x128xf32>, vector<1024x128xf32> -> vector<1024x128xf32>
    %get3A_265 = arith.constant 2 : index
    %get3A_266 = arith.constant 0 : index
    %get3A_267 = vector.load %arg12[%get3A_265, %get3A_266] : memref<4x128xf32, #tpu.memory_space<vmem>>, vector<1x128xf32>
    %get3A_268 = vector.shape_cast %get3A_267 : vector<1x128xf32> to vector<128xf32>
    %broadcast_in_dim3A_269 = vector.shape_cast %get3A_268 : vector<128xf32> to vector<1x128xf32>
    %add3A_270 = vector.broadcast %broadcast_in_dim3A_269 : vector<1x128xf32> to vector<1024x128xf32>
    %add3A_271 = arith.addf %dot_general3A_264, %add3A_270 : vector<1024x128xf32>
    %slice3A_272 = vector.extract_strided_slice %get3A_4 {offsets = [0, 2], sizes = [1024, 1], strides = [1, 1]} : vector<1024x4xf32> to vector<1024x1xf32>
    %mul3A_273 = vector.broadcast %slice3A_272 : vector<1024x1xf32> to vector<1024x128xf32>
    %mul3A_274 = arith.mulf %add3A_271, %mul3A_273 : vector<1024x128xf32>
    %add3A_275 = arith.addf %add3A_235, %mul3A_274 : vector<1024x128xf32>
    %get3A_276 = arith.constant 3 : index
    %get3A_277 = arith.constant 0 : index
    %get3A_278 = arith.constant 0 : index
    %get3A_279 = vector.load %arg9[%get3A_276, %get3A_277, %get3A_278] : memref<4x256x128xf32, #tpu.memory_space<vmem>>, vector<1x256x128xf32>
    %get3A_280 = vector.shape_cast %get3A_279 : vector<1x256x128xf32> to vector<256x128xf32>
    %dot_general3A_281 = arith.constant dense<0.000000e+00> : vector<1024x128xf32>
    %dot_general3A_282 = tpu.matmul %add3A_154, %get3A_280, %dot_general3A_281 {dimension_numbers = #tpu.dot_dimension_numbers<[1], [0], [0], [1], [0, 0, 1, 1], [], []>, transpose_lhs_hint = false} : vector<1024x256xf32>, vector<256x128xf32>, vector<1024x128xf32> -> vector<1024x128xf32>
    %get3A_283 = arith.constant 3 : index
    %get3A_284 = arith.constant 0 : index
    %get3A_285 = vector.load %arg10[%get3A_283, %get3A_284] : memref<4x128xf32, #tpu.memory_space<vmem>>, vector<1x128xf32>
    %get3A_286 = vector.shape_cast %get3A_285 : vector<1x128xf32> to vector<128xf32>
    %broadcast_in_dim3A_287 = vector.shape_cast %get3A_286 : vector<128xf32> to vector<1x128xf32>
    %add3A_288 = vector.broadcast %broadcast_in_dim3A_287 : vector<1x128xf32> to vector<1024x128xf32>
    %add3A_289 = arith.addf %dot_general3A_282, %add3A_288 : vector<1024x128xf32>
    %gt3A_290 = arith.constant 0.000000e+00 : f32
    %gt3A_291 = vector.broadcast %gt3A_290 : f32 to vector<1024x128xf32>
    %gt3A_292 = arith.cmpf ogt, %add3A_289, %gt3A_291 : vector<1024x128xf32>
    %exp3A_293 = math.exp %add3A_289 : vector<1024x128xf32>
    %sub3A_294 = arith.constant 1.000000e+00 : f32
    %sub3A_295 = vector.broadcast %sub3A_294 : f32 to vector<1024x128xf32>
    %sub3A_296 = arith.subf %exp3A_293, %sub3A_295 : vector<1024x128xf32>
    %select_n3A_297 = arith.select %gt3A_292, %add3A_289, %sub3A_296 : vector<1024x128xi1>, vector<1024x128xf32>
    %get3A_298 = arith.constant 3 : index
    %get3A_299 = arith.constant 0 : index
    %get3A_300 = arith.constant 0 : index
    %get3A_301 = vector.load %arg11[%get3A_298, %get3A_299, %get3A_300] : memref<4x128x128xf32, #tpu.memory_space<vmem>>, vector<1x128x128xf32>
    %get3A_302 = vector.shape_cast %get3A_301 : vector<1x128x128xf32> to vector<128x128xf32>
    %dot_general3A_303 = arith.constant dense<0.000000e+00> : vector<1024x128xf32>
    %dot_general3A_304 = tpu.matmul %select_n3A_297, %get3A_302, %dot_general3A_303 {dimension_numbers = #tpu.dot_dimension_numbers<[1], [0], [0], [1], [0, 0, 1, 1], [], []>, transpose_lhs_hint = false} : vector<1024x128xf32>, vector<128x128xf32>, vector<1024x128xf32> -> vector<1024x128xf32>
    %get3A_305 = arith.constant 3 : index
    %get3A_306 = arith.constant 0 : index
    %get3A_307 = vector.load %arg12[%get3A_305, %get3A_306] : memref<4x128xf32, #tpu.memory_space<vmem>>, vector<1x128xf32>
    %get3A_308 = vector.shape_cast %get3A_307 : vector<1x128xf32> to vector<128xf32>
    %broadcast_in_dim3A_309 = vector.shape_cast %get3A_308 : vector<128xf32> to vector<1x128xf32>
    %add3A_310 = vector.broadcast %broadcast_in_dim3A_309 : vector<1x128xf32> to vector<1024x128xf32>
    %add3A_311 = arith.addf %dot_general3A_304, %add3A_310 : vector<1024x128xf32>
    %slice3A_312 = vector.extract_strided_slice %get3A_4 {offsets = [0, 3], sizes = [1024, 1], strides = [1, 1]} : vector<1024x4xf32> to vector<1024x1xf32>
    %mul3A_313 = vector.broadcast %slice3A_312 : vector<1024x1xf32> to vector<1024x128xf32>
    %mul3A_314 = arith.mulf %add3A_311, %mul3A_313 : vector<1024x128xf32>
    %add3A_315 = arith.addf %add3A_275, %mul3A_314 : vector<1024x128xf32>
    %swap3A_316 = arith.constant 0 : index
    %swap3A_317 = arith.constant 0 : index
    %swap3A_318 = vector.load %arg14[%swap3A_316, %swap3A_317] : memref<1024x128xf32, #tpu.memory_space<vmem>>, vector<1024x128xf32>
    tpu.vector_store %arg14[%swap3A_316, %swap3A_317], %add3A_315 {strides = array<i32>} : memref<1024x128xf32, #tpu.memory_space<vmem>>, vector<1024x128xf32>,
    %get3A_319 = arith.constant 0 : index
    %get3A_320 = arith.constant 0 : index
    %get3A_321 = vector.load %arg3[%get3A_319, %get3A_320] : memref<1024x16xf32, #tpu.memory_space<vmem>>, vector<1024x16xf32>
    %get3A_322 = arith.constant 0 : index
    %get3A_323 = memref.load %arg4[%get3A_322] : memref<2xf32, #tpu.memory_space<smem>>
    %get3A_324 = arith.constant 1 : index
    %get3A_325 = memref.load %arg4[%get3A_324] : memref<2xf32, #tpu.memory_space<smem>>
    %mul3A_326 = arith.constant 0.604152441 : f32
    %mul3A_327 = vector.broadcast %mul3A_326 : f32 to vector<1024x16xf32>
    %mul3A_328 = arith.mulf %mul3A_327, %get3A_321 : vector<1024x16xf32>
    %cos3A = math.cos %mul3A_328 : vector<1024x16xf32>
    %mul3A_329 = arith.constant 5.000000e-01 : f32
    %mul3A_330 = vector.broadcast %mul3A_329 : f32 to vector<1024x16xf32>
    %mul3A_331 = arith.mulf %mul3A_330, %cos3A : vector<1024x16xf32>
    %add3A_332 = arith.constant 5.000000e-01 : f32
    %add3A_333 = vector.broadcast %add3A_332 : f32 to vector<1024x16xf32>
    %add3A_334 = arith.addf %mul3A_331, %add3A_333 : vector<1024x16xf32>
    %lt3A = arith.constant 5.200000e+00 : f32
    %lt3A_335 = vector.broadcast %lt3A : f32 to vector<1024x16xf32>
    %lt3A_336 = arith.cmpf olt, %get3A_321, %lt3A_335 : vector<1024x16xf32>
    %jit3A = arith.constant 0.000000e+00 : f32
    %broadcast_in_dim3A_337 = vector.broadcast %jit3A : f32 to vector<1024x16xf32>
    %select_n3A_338 = arith.select %lt3A_336, %add3A_334, %broadcast_in_dim3A_337 : vector<1024x16xi1>, vector<1024x16xf32>
    %neg3A = arith.constant 0.000000e+00 : f32
    %neg3A_339 = arith.subf %neg3A, %get3A_325 : f32
    %mul3A_340 = vector.broadcast %neg3A_339 : f32 to vector<1024x16xf32>
    %mul3A_341 = arith.mulf %mul3A_340, %get3A_321 : vector<1024x16xf32>
    %exp3A_342 = math.exp %mul3A_341 : vector<1024x16xf32>
    %mul3A_343 = vector.broadcast %get3A_323 : f32 to vector<1024x16xf32>
    %mul3A_344 = arith.mulf %mul3A_343, %exp3A_342 : vector<1024x16xf32>
    %mul3A_345 = arith.mulf %mul3A_344, %select_n3A_338 : vector<1024x16xf32>
    %swap3A_346 = arith.constant 0 : index
    %swap3A_347 = arith.constant 0 : index
    %swap3A_348 = vector.load %arg15[%swap3A_346, %swap3A_347] : memref<1024x16xf32, #tpu.memory_space<vmem>>, vector<1024x16xf32>
    tpu.vector_store %arg15[%swap3A_346, %swap3A_347], %mul3A_345 {strides = array<i32>} : memref<1024x16xf32, #tpu.memory_space<vmem>>, vector<1024x16xf32>,
    return
  }
  func.func @transform_0(%arg0: i32) -> (i32, i32) {
    %c0_i32 = arith.constant 0 : i32
    %c0_i32_0 = arith.constant 0 : i32
    return %arg0, %c0_i32 : i32, i32
  }
  func.func @transform_1(%arg0: i32) -> (i32, i32) {
    %c0_i32 = arith.constant 0 : i32
    %c0_i32_0 = arith.constant 0 : i32
    return %arg0, %c0_i32 : i32, i32
  }
  func.func @transform_2(%arg0: i32) -> (i32, i32) {
    %c0_i32 = arith.constant 0 : i32
    %c0_i32_0 = arith.constant 0 : i32
    return %arg0, %c0_i32 : i32, i32
  }
  func.func @transform_3(%arg0: i32) -> i32 {
    %c0_i32 = arith.constant 0 : i32
    %c0_i32_0 = arith.constant 0 : i32
    return %c0_i32 : i32
  }
  func.func @transform_4(%arg0: i32) -> (i32, i32, i32) {
    %c0_i32 = arith.constant 0 : i32
    %c0_i32_0 = arith.constant 0 : i32
    %c0_i32_1 = arith.constant 0 : i32
    %c0_i32_2 = arith.constant 0 : i32
    return %c0_i32, %c0_i32_0, %c0_i32_1 : i32, i32, i32
  }
  func.func @transform_5(%arg0: i32) -> (i32, i32) {
    %c0_i32 = arith.constant 0 : i32
    %c0_i32_0 = arith.constant 0 : i32
    %c0_i32_1 = arith.constant 0 : i32
    return %c0_i32, %c0_i32_0 : i32, i32
  }
  func.func @transform_6(%arg0: i32) -> (i32, i32, i32) {
    %c0_i32 = arith.constant 0 : i32
    %c0_i32_0 = arith.constant 0 : i32
    %c0_i32_1 = arith.constant 0 : i32
    %c0_i32_2 = arith.constant 0 : i32
    return %c0_i32, %c0_i32_0, %c0_i32_1 : i32, i32, i32
  }
  func.func @transform_7(%arg0: i32) -> (i32, i32) {
    %c0_i32 = arith.constant 0 : i32
    %c0_i32_0 = arith.constant 0 : i32
    %c0_i32_1 = arith.constant 0 : i32
    return %c0_i32, %c0_i32_0 : i32, i32
  }
  func.func @transform_8(%arg0: i32) -> (i32, i32, i32) {
    %c0_i32 = arith.constant 0 : i32
    %c0_i32_0 = arith.constant 0 : i32
    %c0_i32_1 = arith.constant 0 : i32
    %c0_i32_2 = arith.constant 0 : i32
    return %c0_i32, %c0_i32_0, %c0_i32_1 : i32, i32, i32
  }
  func.func @transform_9(%arg0: i32) -> (i32, i32) {
    %c0_i32 = arith.constant 0 : i32
    %c0_i32_0 = arith.constant 0 : i32
    %c0_i32_1 = arith.constant 0 : i32
    return %c0_i32, %c0_i32_0 : i32, i32
  }
  func.func @transform_10(%arg0: i32) -> (i32, i32, i32) {
    %c0_i32 = arith.constant 0 : i32
    %c0_i32_0 = arith.constant 0 : i32
    %c0_i32_1 = arith.constant 0 : i32
    %c0_i32_2 = arith.constant 0 : i32
    return %c0_i32, %c0_i32_0, %c0_i32_1 : i32, i32, i32
  }
  func.func @transform_11(%arg0: i32) -> (i32, i32) {
    %c0_i32 = arith.constant 0 : i32
    %c0_i32_0 = arith.constant 0 : i32
    %c0_i32_1 = arith.constant 0 : i32
    return %c0_i32, %c0_i32_0 : i32, i32
  }
  func.func @transform_12(%arg0: i32) -> (i32, i32) {
    %c0_i32 = arith.constant 0 : i32
    %c0_i32_0 = arith.constant 0 : i32
    return %arg0, %c0_i32 : i32, i32
  }
  func.func @transform_13(%arg0: i32) -> (i32, i32) {
    %c0_i32 = arith.constant 0 : i32
    %c0_i32_0 = arith.constant 0 : i32
    return %arg0, %c0_i32 : i32, i32
  }
  func.func @transform_14(%arg0: i32) -> (i32, i32) {
    %c0_i32 = arith.constant 0 : i32
    %c0_i32_0 = arith.constant 0 : i32
    return %arg0, %c0_i32 : i32, i32
  }
}

module attributes {stable_mosaic.version = 14 : i64} {
  func.func @_c_body(%arg0: i32, %arg1: memref<1024x256xf32, #tpu.memory_space<vmem>>, %arg2: memref<2x1024x128xf32, #tpu.memory_space<vmem>>, %arg3: memref<1024x4xf32, #tpu.memory_space<vmem>>, %arg4: memref<4x256x128xf32, #tpu.memory_space<vmem>>, %arg5: memref<4x128x128xf32, #tpu.memory_space<vmem>>, %arg6: memref<4x128xf32, #tpu.memory_space<vmem>>, %arg7: memref<4x128xf32, #tpu.memory_space<vmem>>, %arg8: memref<4xf32, #tpu.memory_space<smem>>, %arg9: memref<1024x1xf32, #tpu.memory_space<vmem>>) attributes {dimension_semantics = [#tpu.dimension_semantics<arbitrary>], iteration_bounds = array<i64: 8>, scalar_prefetch = 0 : i64, scratch_operands = 0 : i64, tpu.core_type = #tpu.core_type<tc>, window_params = [{transform_indices = @transform_0, window_bounds = array<i64: 1024, 256>}, {transform_indices = @transform_1, window_bounds = array<i64: 2, 1024, 128>}, {transform_indices = @transform_2, window_bounds = array<i64: 1024, 4>}, {pipeline_mode = #tpu.pipeline_mode<synchronous>, transform_indices = @transform_3, window_bounds = array<i64: 4, 256, 128>}, {pipeline_mode = #tpu.pipeline_mode<synchronous>, transform_indices = @transform_4, window_bounds = array<i64: 4, 128, 128>}, {pipeline_mode = #tpu.pipeline_mode<synchronous>, transform_indices = @transform_5, window_bounds = array<i64: 4, 128>}, {pipeline_mode = #tpu.pipeline_mode<synchronous>, transform_indices = @transform_6, window_bounds = array<i64: 4, 128>}, {transform_indices = @transform_7, window_bounds = array<i64: 4>}, {transform_indices = @transform_8, window_bounds = array<i64: 1024, 1>}]} {
    %get3A = arith.constant 0 : index
    %get3A_0 = arith.constant 0 : index
    %get3A_1 = vector.load %arg1[%get3A, %get3A_0] : memref<1024x256xf32, #tpu.memory_space<vmem>>, vector<1024x256xf32>
    %get3A_2 = arith.constant 0 : index
    %get3A_3 = arith.constant 0 : index
    %get3A_4 = arith.constant 0 : index
    %get3A_5 = vector.load %arg2[%get3A_2, %get3A_3, %get3A_4] : memref<2x1024x128xf32, #tpu.memory_space<vmem>>, vector<1x1024x128xf32>
    %get3A_6 = vector.shape_cast %get3A_5 : vector<1x1024x128xf32> to vector<1024x128xf32>
    %get3A_7 = arith.constant 1 : index
    %get3A_8 = arith.constant 0 : index
    %get3A_9 = arith.constant 0 : index
    %get3A_10 = vector.load %arg2[%get3A_7, %get3A_8, %get3A_9] : memref<2x1024x128xf32, #tpu.memory_space<vmem>>, vector<1x1024x128xf32>
    %get3A_11 = vector.shape_cast %get3A_10 : vector<1x1024x128xf32> to vector<1024x128xf32>
    %add3A = arith.addf %get3A_6, %get3A_11 : vector<1024x128xf32>
    %get3A_12 = arith.constant 0 : index
    %get3A_13 = arith.constant 0 : index
    %get3A_14 = vector.load %arg3[%get3A_12, %get3A_13] : memref<1024x4xf32, #tpu.memory_space<vmem>>, vector<1024x4xf32>
    %get3A_15 = arith.constant 0 : index
    %get3A_16 = arith.constant 0 : index
    %get3A_17 = arith.constant 0 : index
    %get3A_18 = vector.load %arg4[%get3A_15, %get3A_16, %get3A_17] : memref<4x256x128xf32, #tpu.memory_space<vmem>>, vector<1x256x128xf32>
    %get3A_19 = vector.shape_cast %get3A_18 : vector<1x256x128xf32> to vector<256x128xf32>
    %dot_general3A = arith.constant dense<0.000000e+00> : vector<1024x128xf32>
    %dot_general3A_20 = tpu.matmul %get3A_1, %get3A_19, %dot_general3A {dimension_numbers = #tpu.dot_dimension_numbers<[1], [0], [0], [1], [0, 0, 1, 1], [], []>, transpose_lhs_hint = false} : vector<1024x256xf32>, vector<256x128xf32>, vector<1024x128xf32> -> vector<1024x128xf32>
    %get3A_21 = arith.constant 0 : index
    %get3A_22 = arith.constant 0 : index
    %get3A_23 = arith.constant 0 : index
    %get3A_24 = vector.load %arg5[%get3A_21, %get3A_22, %get3A_23] : memref<4x128x128xf32, #tpu.memory_space<vmem>>, vector<1x128x128xf32>
    %get3A_25 = vector.shape_cast %get3A_24 : vector<1x128x128xf32> to vector<128x128xf32>
    %dot_general3A_26 = arith.constant dense<0.000000e+00> : vector<1024x128xf32>
    %dot_general3A_27 = tpu.matmul %add3A, %get3A_25, %dot_general3A_26 {dimension_numbers = #tpu.dot_dimension_numbers<[1], [0], [0], [1], [0, 0, 1, 1], [], []>, transpose_lhs_hint = false} : vector<1024x128xf32>, vector<128x128xf32>, vector<1024x128xf32> -> vector<1024x128xf32>
    %add3A_28 = arith.addf %dot_general3A_20, %dot_general3A_27 : vector<1024x128xf32>
    %get3A_29 = arith.constant 0 : index
    %get3A_30 = arith.constant 0 : index
    %get3A_31 = vector.load %arg6[%get3A_29, %get3A_30] : memref<4x128xf32, #tpu.memory_space<vmem>>, vector<1x128xf32>
    %get3A_32 = vector.shape_cast %get3A_31 : vector<1x128xf32> to vector<128xf32>
    %broadcast_in_dim3A = vector.shape_cast %get3A_32 : vector<128xf32> to vector<1x128xf32>
    %add3A_33 = vector.broadcast %broadcast_in_dim3A : vector<1x128xf32> to vector<1024x128xf32>
    %add3A_34 = arith.addf %add3A_28, %add3A_33 : vector<1024x128xf32>
    %gt3A = arith.constant 0.000000e+00 : f32
    %gt3A_35 = vector.broadcast %gt3A : f32 to vector<1024x128xf32>
    %gt3A_36 = arith.cmpf ogt, %add3A_34, %gt3A_35 : vector<1024x128xf32>
    %exp3A = math.exp %add3A_34 : vector<1024x128xf32>
    %sub3A = arith.constant 1.000000e+00 : f32
    %sub3A_37 = vector.broadcast %sub3A : f32 to vector<1024x128xf32>
    %sub3A_38 = arith.subf %exp3A, %sub3A_37 : vector<1024x128xf32>
    %select_n3A = arith.select %gt3A_36, %add3A_34, %sub3A_38 : vector<1024x128xi1>, vector<1024x128xf32>
    %get3A_39 = arith.constant 0 : index
    %get3A_40 = arith.constant 0 : index
    %get3A_41 = vector.load %arg7[%get3A_39, %get3A_40] : memref<4x128xf32, #tpu.memory_space<vmem>>, vector<1x128xf32>
    %get3A_42 = vector.shape_cast %get3A_41 : vector<1x128xf32> to vector<128xf32>
    %broadcast_in_dim3A_43 = vector.shape_cast %get3A_42 : vector<128xf32> to vector<1x128xf32>
    %mul3A = vector.broadcast %broadcast_in_dim3A_43 : vector<1x128xf32> to vector<1024x128xf32>
    %mul3A_44 = arith.mulf %select_n3A, %mul3A : vector<1024x128xf32>
    %reduce_sum3A = arith.constant dense<0.000000e+00> : vector<1024xf32>
    %reduce_sum3A_45 = vector.multi_reduction <add>, %mul3A_44, %reduce_sum3A [1] : vector<1024x128xf32> to vector<1024xf32>
    %broadcast_in_dim3A_46 = vector.shape_cast %reduce_sum3A_45 : vector<1024xf32> to vector<1024x1xf32>
    %get3A_47 = arith.constant 0 : index
    %get3A_48 = memref.load %arg8[%get3A_47] : memref<4xf32, #tpu.memory_space<smem>>
    %add3A_49 = vector.broadcast %get3A_48 : f32 to vector<1024x1xf32>
    %add3A_50 = arith.addf %broadcast_in_dim3A_46, %add3A_49 : vector<1024x1xf32>
    %slice3A = vector.extract_strided_slice %get3A_14 {offsets = [0, 0], sizes = [1024, 1], strides = [1, 1]} : vector<1024x4xf32> to vector<1024x1xf32>
    %mul3A_51 = arith.mulf %add3A_50, %slice3A : vector<1024x1xf32>
    %get3A_52 = arith.constant 1 : index
    %get3A_53 = arith.constant 0 : index
    %get3A_54 = arith.constant 0 : index
    %get3A_55 = vector.load %arg4[%get3A_52, %get3A_53, %get3A_54] : memref<4x256x128xf32, #tpu.memory_space<vmem>>, vector<1x256x128xf32>
    %get3A_56 = vector.shape_cast %get3A_55 : vector<1x256x128xf32> to vector<256x128xf32>
    %dot_general3A_57 = arith.constant dense<0.000000e+00> : vector<1024x128xf32>
    %dot_general3A_58 = tpu.matmul %get3A_1, %get3A_56, %dot_general3A_57 {dimension_numbers = #tpu.dot_dimension_numbers<[1], [0], [0], [1], [0, 0, 1, 1], [], []>, transpose_lhs_hint = false} : vector<1024x256xf32>, vector<256x128xf32>, vector<1024x128xf32> -> vector<1024x128xf32>
    %get3A_59 = arith.constant 1 : index
    %get3A_60 = arith.constant 0 : index
    %get3A_61 = arith.constant 0 : index
    %get3A_62 = vector.load %arg5[%get3A_59, %get3A_60, %get3A_61] : memref<4x128x128xf32, #tpu.memory_space<vmem>>, vector<1x128x128xf32>
    %get3A_63 = vector.shape_cast %get3A_62 : vector<1x128x128xf32> to vector<128x128xf32>
    %dot_general3A_64 = arith.constant dense<0.000000e+00> : vector<1024x128xf32>
    %dot_general3A_65 = tpu.matmul %add3A, %get3A_63, %dot_general3A_64 {dimension_numbers = #tpu.dot_dimension_numbers<[1], [0], [0], [1], [0, 0, 1, 1], [], []>, transpose_lhs_hint = false} : vector<1024x128xf32>, vector<128x128xf32>, vector<1024x128xf32> -> vector<1024x128xf32>
    %add3A_66 = arith.addf %dot_general3A_58, %dot_general3A_65 : vector<1024x128xf32>
    %get3A_67 = arith.constant 1 : index
    %get3A_68 = arith.constant 0 : index
    %get3A_69 = vector.load %arg6[%get3A_67, %get3A_68] : memref<4x128xf32, #tpu.memory_space<vmem>>, vector<1x128xf32>
    %get3A_70 = vector.shape_cast %get3A_69 : vector<1x128xf32> to vector<128xf32>
    %broadcast_in_dim3A_71 = vector.shape_cast %get3A_70 : vector<128xf32> to vector<1x128xf32>
    %add3A_72 = vector.broadcast %broadcast_in_dim3A_71 : vector<1x128xf32> to vector<1024x128xf32>
    %add3A_73 = arith.addf %add3A_66, %add3A_72 : vector<1024x128xf32>
    %gt3A_74 = arith.constant 0.000000e+00 : f32
    %gt3A_75 = vector.broadcast %gt3A_74 : f32 to vector<1024x128xf32>
    %gt3A_76 = arith.cmpf ogt, %add3A_73, %gt3A_75 : vector<1024x128xf32>
    %exp3A_77 = math.exp %add3A_73 : vector<1024x128xf32>
    %sub3A_78 = arith.constant 1.000000e+00 : f32
    %sub3A_79 = vector.broadcast %sub3A_78 : f32 to vector<1024x128xf32>
    %sub3A_80 = arith.subf %exp3A_77, %sub3A_79 : vector<1024x128xf32>
    %select_n3A_81 = arith.select %gt3A_76, %add3A_73, %sub3A_80 : vector<1024x128xi1>, vector<1024x128xf32>
    %get3A_82 = arith.constant 1 : index
    %get3A_83 = arith.constant 0 : index
    %get3A_84 = vector.load %arg7[%get3A_82, %get3A_83] : memref<4x128xf32, #tpu.memory_space<vmem>>, vector<1x128xf32>
    %get3A_85 = vector.shape_cast %get3A_84 : vector<1x128xf32> to vector<128xf32>
    %broadcast_in_dim3A_86 = vector.shape_cast %get3A_85 : vector<128xf32> to vector<1x128xf32>
    %mul3A_87 = vector.broadcast %broadcast_in_dim3A_86 : vector<1x128xf32> to vector<1024x128xf32>
    %mul3A_88 = arith.mulf %select_n3A_81, %mul3A_87 : vector<1024x128xf32>
    %reduce_sum3A_89 = arith.constant dense<0.000000e+00> : vector<1024xf32>
    %reduce_sum3A_90 = vector.multi_reduction <add>, %mul3A_88, %reduce_sum3A_89 [1] : vector<1024x128xf32> to vector<1024xf32>
    %broadcast_in_dim3A_91 = vector.shape_cast %reduce_sum3A_90 : vector<1024xf32> to vector<1024x1xf32>
    %get3A_92 = arith.constant 1 : index
    %get3A_93 = memref.load %arg8[%get3A_92] : memref<4xf32, #tpu.memory_space<smem>>
    %add3A_94 = vector.broadcast %get3A_93 : f32 to vector<1024x1xf32>
    %add3A_95 = arith.addf %broadcast_in_dim3A_91, %add3A_94 : vector<1024x1xf32>
    %slice3A_96 = vector.extract_strided_slice %get3A_14 {offsets = [0, 1], sizes = [1024, 1], strides = [1, 1]} : vector<1024x4xf32> to vector<1024x1xf32>
    %mul3A_97 = arith.mulf %add3A_95, %slice3A_96 : vector<1024x1xf32>
    %add3A_98 = arith.addf %mul3A_51, %mul3A_97 : vector<1024x1xf32>
    %get3A_99 = arith.constant 2 : index
    %get3A_100 = arith.constant 0 : index
    %get3A_101 = arith.constant 0 : index
    %get3A_102 = vector.load %arg4[%get3A_99, %get3A_100, %get3A_101] : memref<4x256x128xf32, #tpu.memory_space<vmem>>, vector<1x256x128xf32>
    %get3A_103 = vector.shape_cast %get3A_102 : vector<1x256x128xf32> to vector<256x128xf32>
    %dot_general3A_104 = arith.constant dense<0.000000e+00> : vector<1024x128xf32>
    %dot_general3A_105 = tpu.matmul %get3A_1, %get3A_103, %dot_general3A_104 {dimension_numbers = #tpu.dot_dimension_numbers<[1], [0], [0], [1], [0, 0, 1, 1], [], []>, transpose_lhs_hint = false} : vector<1024x256xf32>, vector<256x128xf32>, vector<1024x128xf32> -> vector<1024x128xf32>
    %get3A_106 = arith.constant 2 : index
    %get3A_107 = arith.constant 0 : index
    %get3A_108 = arith.constant 0 : index
    %get3A_109 = vector.load %arg5[%get3A_106, %get3A_107, %get3A_108] : memref<4x128x128xf32, #tpu.memory_space<vmem>>, vector<1x128x128xf32>
    %get3A_110 = vector.shape_cast %get3A_109 : vector<1x128x128xf32> to vector<128x128xf32>
    %dot_general3A_111 = arith.constant dense<0.000000e+00> : vector<1024x128xf32>
    %dot_general3A_112 = tpu.matmul %add3A, %get3A_110, %dot_general3A_111 {dimension_numbers = #tpu.dot_dimension_numbers<[1], [0], [0], [1], [0, 0, 1, 1], [], []>, transpose_lhs_hint = false} : vector<1024x128xf32>, vector<128x128xf32>, vector<1024x128xf32> -> vector<1024x128xf32>
    %add3A_113 = arith.addf %dot_general3A_105, %dot_general3A_112 : vector<1024x128xf32>
    %get3A_114 = arith.constant 2 : index
    %get3A_115 = arith.constant 0 : index
    %get3A_116 = vector.load %arg6[%get3A_114, %get3A_115] : memref<4x128xf32, #tpu.memory_space<vmem>>, vector<1x128xf32>
    %get3A_117 = vector.shape_cast %get3A_116 : vector<1x128xf32> to vector<128xf32>
    %broadcast_in_dim3A_118 = vector.shape_cast %get3A_117 : vector<128xf32> to vector<1x128xf32>
    %add3A_119 = vector.broadcast %broadcast_in_dim3A_118 : vector<1x128xf32> to vector<1024x128xf32>
    %add3A_120 = arith.addf %add3A_113, %add3A_119 : vector<1024x128xf32>
    %gt3A_121 = arith.constant 0.000000e+00 : f32
    %gt3A_122 = vector.broadcast %gt3A_121 : f32 to vector<1024x128xf32>
    %gt3A_123 = arith.cmpf ogt, %add3A_120, %gt3A_122 : vector<1024x128xf32>
    %exp3A_124 = math.exp %add3A_120 : vector<1024x128xf32>
    %sub3A_125 = arith.constant 1.000000e+00 : f32
    %sub3A_126 = vector.broadcast %sub3A_125 : f32 to vector<1024x128xf32>
    %sub3A_127 = arith.subf %exp3A_124, %sub3A_126 : vector<1024x128xf32>
    %select_n3A_128 = arith.select %gt3A_123, %add3A_120, %sub3A_127 : vector<1024x128xi1>, vector<1024x128xf32>
    %get3A_129 = arith.constant 2 : index
    %get3A_130 = arith.constant 0 : index
    %get3A_131 = vector.load %arg7[%get3A_129, %get3A_130] : memref<4x128xf32, #tpu.memory_space<vmem>>, vector<1x128xf32>
    %get3A_132 = vector.shape_cast %get3A_131 : vector<1x128xf32> to vector<128xf32>
    %broadcast_in_dim3A_133 = vector.shape_cast %get3A_132 : vector<128xf32> to vector<1x128xf32>
    %mul3A_134 = vector.broadcast %broadcast_in_dim3A_133 : vector<1x128xf32> to vector<1024x128xf32>
    %mul3A_135 = arith.mulf %select_n3A_128, %mul3A_134 : vector<1024x128xf32>
    %reduce_sum3A_136 = arith.constant dense<0.000000e+00> : vector<1024xf32>
    %reduce_sum3A_137 = vector.multi_reduction <add>, %mul3A_135, %reduce_sum3A_136 [1] : vector<1024x128xf32> to vector<1024xf32>
    %broadcast_in_dim3A_138 = vector.shape_cast %reduce_sum3A_137 : vector<1024xf32> to vector<1024x1xf32>
    %get3A_139 = arith.constant 2 : index
    %get3A_140 = memref.load %arg8[%get3A_139] : memref<4xf32, #tpu.memory_space<smem>>
    %add3A_141 = vector.broadcast %get3A_140 : f32 to vector<1024x1xf32>
    %add3A_142 = arith.addf %broadcast_in_dim3A_138, %add3A_141 : vector<1024x1xf32>
    %slice3A_143 = vector.extract_strided_slice %get3A_14 {offsets = [0, 2], sizes = [1024, 1], strides = [1, 1]} : vector<1024x4xf32> to vector<1024x1xf32>
    %mul3A_144 = arith.mulf %add3A_142, %slice3A_143 : vector<1024x1xf32>
    %add3A_145 = arith.addf %add3A_98, %mul3A_144 : vector<1024x1xf32>
    %get3A_146 = arith.constant 3 : index
    %get3A_147 = arith.constant 0 : index
    %get3A_148 = arith.constant 0 : index
    %get3A_149 = vector.load %arg4[%get3A_146, %get3A_147, %get3A_148] : memref<4x256x128xf32, #tpu.memory_space<vmem>>, vector<1x256x128xf32>
    %get3A_150 = vector.shape_cast %get3A_149 : vector<1x256x128xf32> to vector<256x128xf32>
    %dot_general3A_151 = arith.constant dense<0.000000e+00> : vector<1024x128xf32>
    %dot_general3A_152 = tpu.matmul %get3A_1, %get3A_150, %dot_general3A_151 {dimension_numbers = #tpu.dot_dimension_numbers<[1], [0], [0], [1], [0, 0, 1, 1], [], []>, transpose_lhs_hint = false} : vector<1024x256xf32>, vector<256x128xf32>, vector<1024x128xf32> -> vector<1024x128xf32>
    %get3A_153 = arith.constant 3 : index
    %get3A_154 = arith.constant 0 : index
    %get3A_155 = arith.constant 0 : index
    %get3A_156 = vector.load %arg5[%get3A_153, %get3A_154, %get3A_155] : memref<4x128x128xf32, #tpu.memory_space<vmem>>, vector<1x128x128xf32>
    %get3A_157 = vector.shape_cast %get3A_156 : vector<1x128x128xf32> to vector<128x128xf32>
    %dot_general3A_158 = arith.constant dense<0.000000e+00> : vector<1024x128xf32>
    %dot_general3A_159 = tpu.matmul %add3A, %get3A_157, %dot_general3A_158 {dimension_numbers = #tpu.dot_dimension_numbers<[1], [0], [0], [1], [0, 0, 1, 1], [], []>, transpose_lhs_hint = false} : vector<1024x128xf32>, vector<128x128xf32>, vector<1024x128xf32> -> vector<1024x128xf32>
    %add3A_160 = arith.addf %dot_general3A_152, %dot_general3A_159 : vector<1024x128xf32>
    %get3A_161 = arith.constant 3 : index
    %get3A_162 = arith.constant 0 : index
    %get3A_163 = vector.load %arg6[%get3A_161, %get3A_162] : memref<4x128xf32, #tpu.memory_space<vmem>>, vector<1x128xf32>
    %get3A_164 = vector.shape_cast %get3A_163 : vector<1x128xf32> to vector<128xf32>
    %broadcast_in_dim3A_165 = vector.shape_cast %get3A_164 : vector<128xf32> to vector<1x128xf32>
    %add3A_166 = vector.broadcast %broadcast_in_dim3A_165 : vector<1x128xf32> to vector<1024x128xf32>
    %add3A_167 = arith.addf %add3A_160, %add3A_166 : vector<1024x128xf32>
    %gt3A_168 = arith.constant 0.000000e+00 : f32
    %gt3A_169 = vector.broadcast %gt3A_168 : f32 to vector<1024x128xf32>
    %gt3A_170 = arith.cmpf ogt, %add3A_167, %gt3A_169 : vector<1024x128xf32>
    %exp3A_171 = math.exp %add3A_167 : vector<1024x128xf32>
    %sub3A_172 = arith.constant 1.000000e+00 : f32
    %sub3A_173 = vector.broadcast %sub3A_172 : f32 to vector<1024x128xf32>
    %sub3A_174 = arith.subf %exp3A_171, %sub3A_173 : vector<1024x128xf32>
    %select_n3A_175 = arith.select %gt3A_170, %add3A_167, %sub3A_174 : vector<1024x128xi1>, vector<1024x128xf32>
    %get3A_176 = arith.constant 3 : index
    %get3A_177 = arith.constant 0 : index
    %get3A_178 = vector.load %arg7[%get3A_176, %get3A_177] : memref<4x128xf32, #tpu.memory_space<vmem>>, vector<1x128xf32>
    %get3A_179 = vector.shape_cast %get3A_178 : vector<1x128xf32> to vector<128xf32>
    %broadcast_in_dim3A_180 = vector.shape_cast %get3A_179 : vector<128xf32> to vector<1x128xf32>
    %mul3A_181 = vector.broadcast %broadcast_in_dim3A_180 : vector<1x128xf32> to vector<1024x128xf32>
    %mul3A_182 = arith.mulf %select_n3A_175, %mul3A_181 : vector<1024x128xf32>
    %reduce_sum3A_183 = arith.constant dense<0.000000e+00> : vector<1024xf32>
    %reduce_sum3A_184 = vector.multi_reduction <add>, %mul3A_182, %reduce_sum3A_183 [1] : vector<1024x128xf32> to vector<1024xf32>
    %broadcast_in_dim3A_185 = vector.shape_cast %reduce_sum3A_184 : vector<1024xf32> to vector<1024x1xf32>
    %get3A_186 = arith.constant 3 : index
    %get3A_187 = memref.load %arg8[%get3A_186] : memref<4xf32, #tpu.memory_space<smem>>
    %add3A_188 = vector.broadcast %get3A_187 : f32 to vector<1024x1xf32>
    %add3A_189 = arith.addf %broadcast_in_dim3A_185, %add3A_188 : vector<1024x1xf32>
    %slice3A_190 = vector.extract_strided_slice %get3A_14 {offsets = [0, 3], sizes = [1024, 1], strides = [1, 1]} : vector<1024x4xf32> to vector<1024x1xf32>
    %mul3A_191 = arith.mulf %add3A_189, %slice3A_190 : vector<1024x1xf32>
    %add3A_192 = arith.addf %add3A_145, %mul3A_191 : vector<1024x1xf32>
    %swap3A = arith.constant 0 : index
    %swap3A_193 = arith.constant 0 : index
    %swap3A_194 = vector.load %arg9[%swap3A, %swap3A_193] : memref<1024x1xf32, #tpu.memory_space<vmem>>, vector<1024x1xf32>
    tpu.vector_store %arg9[%swap3A, %swap3A_193], %add3A_192 {strides = array<i32>} : memref<1024x1xf32, #tpu.memory_space<vmem>>, vector<1024x1xf32>,
    return
  }
  func.func @transform_0(%arg0: i32) -> (i32, i32) {
    %c0_i32 = arith.constant 0 : i32
    %c0_i32_0 = arith.constant 0 : i32
    return %arg0, %c0_i32 : i32, i32
  }
  func.func @transform_1(%arg0: i32) -> (i32, i32, i32) {
    %c0_i32 = arith.constant 0 : i32
    %c0_i32_0 = arith.constant 0 : i32
    %c0_i32_1 = arith.constant 0 : i32
    return %c0_i32, %arg0, %c0_i32_0 : i32, i32, i32
  }
  func.func @transform_2(%arg0: i32) -> (i32, i32) {
    %c0_i32 = arith.constant 0 : i32
    %c0_i32_0 = arith.constant 0 : i32
    return %arg0, %c0_i32 : i32, i32
  }
  func.func @transform_3(%arg0: i32) -> (i32, i32, i32) {
    %c0_i32 = arith.constant 0 : i32
    %c0_i32_0 = arith.constant 0 : i32
    %c0_i32_1 = arith.constant 0 : i32
    %c0_i32_2 = arith.constant 0 : i32
    return %c0_i32, %c0_i32_0, %c0_i32_1 : i32, i32, i32
  }
  func.func @transform_4(%arg0: i32) -> (i32, i32, i32) {
    %c0_i32 = arith.constant 0 : i32
    %c0_i32_0 = arith.constant 0 : i32
    %c0_i32_1 = arith.constant 0 : i32
    %c0_i32_2 = arith.constant 0 : i32
    return %c0_i32, %c0_i32_0, %c0_i32_1 : i32, i32, i32
  }
  func.func @transform_5(%arg0: i32) -> (i32, i32) {
    %c0_i32 = arith.constant 0 : i32
    %c0_i32_0 = arith.constant 0 : i32
    %c0_i32_1 = arith.constant 0 : i32
    return %c0_i32, %c0_i32_0 : i32, i32
  }
  func.func @transform_6(%arg0: i32) -> (i32, i32) {
    %c0_i32 = arith.constant 0 : i32
    %c0_i32_0 = arith.constant 0 : i32
    %c0_i32_1 = arith.constant 0 : i32
    return %c0_i32, %c0_i32_0 : i32, i32
  }
  func.func @transform_7(%arg0: i32) -> i32 {
    %c0_i32 = arith.constant 0 : i32
    %c0_i32_0 = arith.constant 0 : i32
    return %c0_i32 : i32
  }
  func.func @transform_8(%arg0: i32) -> (i32, i32) {
    %c0_i32 = arith.constant 0 : i32
    %c0_i32_0 = arith.constant 0 : i32
    return %arg0, %c0_i32 : i32, i32
  }
}

module attributes {stable_mosaic.version = 14 : i64} {
  func.func @_d_body(%arg0: memref<32x256xf32, #tpu.memory_space<vmem>>, %arg1: memref<32x256xi32, #tpu.memory_space<vmem>>, %arg2: memref<32x1xf32, #tpu.memory_space<vmem>>, %arg3: memref<32x256xf32, #tpu.memory_space<vmem>>) attributes {dimension_semantics = [], scalar_prefetch = 0 : i64, scratch_operands = 0 : i64, tpu.core_type = #tpu.core_type<tc>} {
    %get3A = arith.constant 0 : index
    %get3A_0 = arith.constant 0 : index
    %get3A_1 = vector.load %arg0[%get3A, %get3A_0] : memref<32x256xf32, #tpu.memory_space<vmem>>, vector<32x256xf32>
    %get3A_2 = arith.constant 0 : index
    %get3A_3 = arith.constant 0 : index
    %get3A_4 = vector.load %arg1[%get3A_2, %get3A_3] : memref<32x256xi32, #tpu.memory_space<vmem>>, vector<32x256xi32>
    %ne3A = arith.constant -1 : i32
    %ne3A_5 = vector.broadcast %ne3A : i32 to vector<32x256xi32>
    %ne3A_6 = arith.cmpi ne, %get3A_4, %ne3A_5 : vector<32x256xi32>
    %reduce_sum3A = arith.constant dense<0.000000e+00> : vector<32xf32>
    %reduce_sum3A_7 = vector.multi_reduction <add>, %get3A_1, %reduce_sum3A [1] : vector<32x256xf32> to vector<32xf32>
    %broadcast_in_dim3A = vector.shape_cast %reduce_sum3A_7 : vector<32xf32> to vector<32x1xf32>
    %convert_element_type3A = arith.extui %ne3A_6 : vector<32x256xi1> to vector<32x256xi32>
    %convert_element_type3A_8 = arith.sitofp %convert_element_type3A : vector<32x256xi32> to vector<32x256xf32>
    %reduce_sum3A_9 = arith.constant dense<0.000000e+00> : vector<32xf32>
    %reduce_sum3A_10 = vector.multi_reduction <add>, %convert_element_type3A_8, %reduce_sum3A_9 [1] : vector<32x256xf32> to vector<32xf32>
    %broadcast_in_dim3A_11 = vector.shape_cast %reduce_sum3A_10 : vector<32xf32> to vector<32x1xf32>
    %get3A_12 = arith.constant 0 : index
    %get3A_13 = arith.constant 0 : index
    %get3A_14 = vector.load %arg2[%get3A_12, %get3A_13] : memref<32x1xf32, #tpu.memory_space<vmem>>, vector<32x1xf32>
    %sub3A = arith.subf %get3A_14, %broadcast_in_dim3A : vector<32x1xf32>
    %div3A = arith.divf %sub3A, %broadcast_in_dim3A_11 : vector<32x1xf32>
    %add3A = vector.broadcast %div3A : vector<32x1xf32> to vector<32x256xf32>
    %add3A_15 = arith.addf %get3A_1, %add3A : vector<32x256xf32>
    %jit3A = arith.constant 0.000000e+00 : f32
    %broadcast_in_dim3A_16 = vector.broadcast %jit3A : f32 to vector<32x256xf32>
    %select_n3A = arith.select %ne3A_6, %add3A_15, %broadcast_in_dim3A_16 : vector<32x256xi1>, vector<32x256xf32>
    %swap3A = arith.constant 0 : index
    %swap3A_17 = arith.constant 0 : index
    %swap3A_18 = vector.load %arg3[%swap3A, %swap3A_17] : memref<32x256xf32, #tpu.memory_space<vmem>>, vector<32x256xf32>
    tpu.vector_store %arg3[%swap3A, %swap3A_17], %select_n3A {strides = array<i32>} : memref<32x256xf32, #tpu.memory_space<vmem>>, vector<32x256xf32>,
    return
  }
}

</mosaic_0001>

<sc_bundles>
// kernel: kernel.6.cloned.1.call-start
scs
__scs_entry_jumppad:
0x0: {  	(pc) =	sbr.rel $0x88, $3  }
0x1: {  	(tag) =	ssettag $0x0;
	lr =	simm.s32 $0x1  }
0x2: {  	[smem:$0x3F8E] =	sst lr;
	_ =	strace $0xD0000000  }
0x3: {  	_ = 	snop  }
0x4: {  	_ = 	snop  }
0x5: {  	_ = 	snop  }
0x6: {  	_ = 	snop  }
0x7: {  	_ = 	snop  }
__scs_overlays_trampoline_lowered:
0x8: {  	[smem:$0x3F9D] =	sst s0  }
0x9: {  	[smem:$0x3F9E] =	sst s1  }
0xa: {  	[smem:$0x3F9F] =	sst s2  }
0xb: {  	[smem:$0x3FA0] =	sst s3  }
0xc: {  	[smem:$0x3FA1] =	sst s4  }
0xd: {  	[smem:$0x3FA2] =	sst s5  }
0xe: {  	[smem:$0x3FA3] =	sst s6  }
0xf: {  	[smem:$0x3FA4] =	sst s7  }
0x10: {  	[smem:$0x3FA5] =	sst s8  }
0x11: {  	[smem:$0x3FA6] =	sst s9;
	s0 =	simm.s32 @!p0 $0x0  }
0x12: {  	s1 =	sld [smem:$0x3F8C];
	s0 =	simm.s32 @p0 $0x1  }
0x13: {  	[smem:$0x3FA7] =	sst s0;
	s0 =	simm.s32 @!p1 $0x0  }
0x14: {  	s2 =	sld [smem:$0x3F8B];
	s0 =	simm.s32 @p1 $0x1  }
0x15: {  	[smem:$0x3FA8] =	sst s0;
	s0 =	simm.s32 @!p2 $0x0  }
0x16: {  	s3 =	sld [smem:$0x3FDB];
	s0 =	simm.s32 @p2 $0x1  }
0x17: {  	s4 =	simm.s32 $0x1BF5;
	[smem:$0x3FAA] =	sst s0  }
0x18: {  	s0 =	sld [smem:$0x3F8D];
	_ =	swait.ge [sflag:s4], $0x0  }
0x19: {  	s7 =	sld [smem:$0x3F8E]  }
0x1a: {  	s8 =	sadd.s32 $0xFFFFE003, lr  }
0x1b: {  	s9 =	sadd.s32 $0xFFFFFEF7, lr;
	s5 =	simm.s32 $0xFFFFFFFF;
	p2 =	slt.u32 s8, $0xFFFFF086  }
0x1c: {  	p1 =	slt.u32 s9, $0xF7A;
	s5 =	simm.s32 @!p2 $0x0  }
0x1d: {  	s5 =	simm.s32 @p1 $0x1;
	p0 =	seq.s32 s7, s2  }
0x1e: {  	s7 =	smul.u32 @!p0 $0xF7A, s2;
	p2 =	seq.s32 @!p0 s5, $0x0  }
0x1f: {  	s9 =	smul.u32 $0xF7A, s1;
	s8 =	simm.s32 @!p0 $0x1BF5;
	p2 =	por !p2, p0  }
0x20: {  	[sflag:s8] =	ssyncset.s32 @!p0 $0xFFFFF086;
	s6 =	sadd.s32 @!p0 s3, s7;
	s7 =	simm.s32 @!p0 $0x108  }
0x21: {  	s3 =	sadd.s32 s3, s9;
	s6 =	sadd.s32 @!p0 $0x88, s6;
	s7 =	simm.s32 @p2 $0x1082  }
0x22: {  	[simem:s7], [sflag:s8] =	dma.local @!p0 [hbm:s6], $0xF7A  }
0x23: {  	s9 =	sor.u32 $0xD0000000, s2;
	s6 =	simm.s32 $0x108;
	_ =	swait.ge @!p0 [sflag:s8], $0x0  }
0x24: {  	s3 =	sadd.s32 $0x88, s3;
	s6 =	simm.s32 @!p1 $0x1082;
	[sflag:s4] =	ssyncset.s32 $0xFFFFF086  }
0x25: {  	[simem:s6], [sflag:s4] =	dma.local [hbm:s3], $0xF7A  }
0x26: {  	[smem:$0x3F8E] =	sst s1;
	(tag) =	ssettag s2;
	_ =	strace s9  }
0x27: {  	s1 =	sld [smem:$0x3F9E]  }
0x28: {  	s2 =	sld [smem:$0x3F9F]  }
0x29: {  	s4 =	sld [smem:$0x3FA1]  }
0x2a: {  	p0 =	seq.s32 s5, $0x0;
	s5 =	sld [smem:$0x3FA2]  }
0x2b: {  	s6 =	sld [smem:$0x3FA3]  }
0x2c: {  	s7 =	sld [smem:$0x3FA4]  }
0x2d: {  	s3 =	simm.s32 $0x108;
	s8 =	sld [smem:$0x3FA5]  }
0x2e: {  	s3 =	simm.s32 @!p0 $0x1082;
	s9 =	sld [smem:$0x3FA6]  }
0x2f: {  	lr =	sadd.s32 s0, s3;
	s0 =	sld [smem:$0x3F9D]  }
0x30: {  	s3 =	sld [smem:$0x3FA0]  }
0x31: {  	[smem:$0x3FA9] =	sst s10  }
0x32: {  	s10 =	sld [smem:$0x3FA7];
	_ =	sdelay $0x3  }
0x33: {  	p0 =	seq.s32 s10, $0x1;
	s10 =	sld [smem:$0x3FA9];
	_ =	sdelay $0x3  }
0x34: {  	[smem:$0x3FA9] =	sst s10  }
0x35: {  	s10 =	sld [smem:$0x3FA8];
	_ =	sdelay $0x3  }
0x36: {  	p1 =	seq.s32 s10, $0x1;
	s10 =	sld [smem:$0x3FA9];
	_ =	sdelay $0x3  }
0x37: {  	[smem:$0x3FA9] =	sst s10  }
0x38: {  	s10 =	sld [smem:$0x3FAA]  }
0x39: {  	_ = 	snop;
	(pc) =	sbr.ind lr, $3  }
0x3a: {  	_ = 	snop  }
0x3b: {  	_ = 	snop  }
0x3c: {  	p2 =	seq.s32 s10, $0x1;
	s10 =	sld [smem:$0x3FA9]  }
0x3d: {  	_ =	shalt  }
0x3e: {  	_ =	shalt  }
0x3f: {  	_ =	shalt  }
0x40: {  	_ =	shalt  }
0x41: {  	_ =	shalt  }
0x42: {  	_ =	shalt  }
0x43: {  	_ =	shalt  }
0x44: {  	_ =	shalt  }
0x45: {  	_ =	shalt  }
0x46: {  	_ =	shalt  }
0x47: {  	_ =	shalt  }
0x48: {  	_ =	shalt  }
0x49: {  	_ =	shalt  }
0x4a: {  	_ =	shalt  }
0x4b: {  	_ =	shalt  }
0x4c: {  	_ =	shalt  }
0x4d: {  	_ =	shalt  }
0x4e: {  	_ =	shalt  }
0x4f: {  	_ =	shalt  }
0x50: {  	_ =	shalt  }
0x51: {  	_ =	shalt  }
0x52: {  	_ =	shalt  }
0x53: {  	_ =	shalt  }
0x54: {  	_ =	shalt  }
0x55: {  	_ =	shalt  }
0x56: {  	_ =	shalt  }
0x57: {  	_ =	shalt  }
0x58: {  	_ =	shalt  }
0x59: {  	_ =	shalt  }
0x5a: {  	_ =	shalt  }
0x5b: {  	_ =	shalt  }
0x5c: {  	_ =	shalt  }
0x5d: {  	_ =	shalt  }
0x5e: {  	_ =	shalt  }
0x5f: {  	_ =	shalt  }
0x60: {  	_ =	shalt  }
0x61: {  	_ =	shalt  }
0x62: {  	_ =	shalt  }
0x63: {  	_ =	shalt  }
0x64: {  	_ =	shalt  }
0x65: {  	_ =	shalt  }
0x66: {  	_ =	shalt  }
0x67: {  	_ =	shalt  }
0x68: {  	_ =	shalt  }
0x69: {  	_ =	shalt  }
0x6a: {  	_ =	shalt  }
0x6b: {  	_ =	shalt  }
0x6c: {  	_ =	shalt  }
0x6d: {  	_ =	shalt  }
0x6e: {  	_ =	shalt  }
0x6f: {  	_ =	shalt  }
0x70: {  	_ =	shalt  }
0x71: {  	_ =	shalt  }
0x72: {  	_ =	shalt  }
0x73: {  	_ =	shalt  }
0x74: {  	_ =	shalt  }
0x75: {  	_ =	shalt  }
0x76: {  	_ =	shalt  }
0x77: {  	_ =	shalt  }
0x78: {  	_ =	shalt  }
0x79: {  	_ =	shalt  }
0x7a: {  	_ =	shalt  }
0x7b: {  	_ =	shalt  }
0x7c: {  	_ =	shalt  }
0x7d: {  	_ =	shalt  }
0x7e: {  	_ =	shalt  }
0x7f: {  	_ =	shalt  }
0x80: {  	_ =	shalt  }
0x81: {  	_ =	shalt  }
0x82: {  	_ =	shalt  }
0x83: {  	_ =	shalt  }
0x84: {  	_ =	shalt  }
0x85: {  	_ =	shalt  }
0x86: {  	_ =	shalt  }
0x87: {  	_ =	shalt  }
.Lfunc_end0:
.L_simem_size_0:
called_computation_lowered:
.L_overlay_start_0:
0x88: {  	s2 =	sld [smem:$0x3FD9]  }
0x89: {  	s3 =	sld [smem:$0x3FFE];
	_ =	sdelay $0x1  }
0x8a: {  	s1 =	srdreg.scid  }
0x8b: {  	s0 =	sand.u32 $0x1, s1  }
0x8c: {  	s16 =	sshll.u32 s0, $0xA;
	s2 =	sadd.s32 s3, s2  }
0x8d: {  	s2 =	sadd.s32 s2, s16  }
0x8e: {  	[smem:$0x3FB5] =	sst s2  }
0x8f: {  	_ = 	snop  }
0x90: {  	(tm) =	ssettm $0x1  }
0x91: {  	s17 =	sld [smem:$0x3FFB];
	_ =	sdelay $0x3  }
0x92: {  	_ =	strace s17  }
0x93: {  	s2 =	sld [smem:$0x3FFC];
	_ =	sdelay $0x3  }
0x94: {  	_ =	strace s2  }
0x95: {  	s2 =	sld [smem:$0x3FFD];
	_ =	sdelay $0x3  }
0x96: {  	_ =	strace s2  }
0x97: {  	_ =	strace $0x8FFFFFFF  }
0x98: {  	s18 =	sld [smem:$0x3FDB];
	_ =	sdelay $0x1  }
0x99: {  	s19 =	simm.s32 $_scs_section_size  }
0x9a: {  	s4 =	simm.s32 $_size__tile_overlayer_lowered;
	s5 =	simm.s32 $_tile_overlayer_lowered  }
0x9b: {  	s22 =	simm.s32 $0x1BFF;
	s21 =	sshll.u32 s5, $0x1;
	s2 =	sadd.s32 s19, s18  }
0x9c: {  	s6 =	simm.s32 $0x0;
	s20 =	sshll.u32 s4, $0x1;
	s4 =	sadd.s32 s21, s2  }
0x9d: {  	[timem:s6], [sflag:s22] =	dma.local [hbm:s4], s20  }
0x9e: {  	_ =	swait.ge [sflag:s22], s20  }
0x9f: {  	s3 =	ssub.s32 $0x0, s20;
	[sflag:s22] =	ssyncset.done $0x0  }
0xa0: {  	[sflag:s22] =	ssyncadd.s32 s3;
	_ =	sdelay $0x1  }
0xa1: {  	s23 =	simm.s32 $0x1B8B  }
0xa2: {  	_ =	swait.ge [sflag:s23], $0x1  }
0xa3: {  	[sflag:s23] =	ssyncset.done $0x0  }
0xa4: {  	s25 =	simm.s32 $0x1B8E;
	s24 =	sld [smem:$0x3FFE];
	[sflag:s23] =	ssyncadd.s32 $0xFFFFFFFF  }
0xa5: {  	s26 =	simm.s32 $execute0_lowered;
	[smem:$0x3FD2] =	sst s25  }
0xa6: {  	s4 =	sshll.u32 s26, $0x1;
	_ =	strace $0x80000046;
	[dreg:$0x1] =	wrdreg $0xFFFFFFFF  }
0xa7: {  	s28 =	simm.s32 $_size_execute0_lowered;
	s2 =	sadd.s32 s2, s4;
	[dreg:$0x0] =	wrdreg $0x0  }
0xa8: {  	s4 =	sshll.u32 s28, $0x1;
	[dreg:$0x2] =	wrdreg s2  }
0xa9: {  	[dreg:$0x3] =	wrdreg s4  }
0xaa: {  	[dreg:$0x4] =	wrdreg $0xC0  }
0xab: {  	_ =	task [dreg:s6], $0x5FFFF  }
0xac: {  	[dreg:$0x1] =	wrdreg $0xFFFFFFFF  }
0xad: {  	[dreg:$0x0] =	wrdreg $0x60  }
0xae: {  	[dreg:$0x2] =	wrdreg s24  }
0xaf: {  	[dreg:$0x3] =	wrdreg $0x41800  }
0xb0: {  	[dreg:$0x4] =	wrdreg $0x9  }
0xb1: {  	_ =	task.clear_ibuf [dreg:s6], $0x5FFFF;
	_ =	strace $0x90000046  }
0xb2: {  	s29 =	simm.s32 $0x9;
	_ =	strace $0x80000048  }
0xb3: {  	_ =	swait.ge [sflag:s29], $0x1  }
0xb4: {  	[sflag:s29] =	ssyncadd.s32 $0xFFFFFFFF  }
0xb5: {  	_ =	strace $0x90000048  }
0xb6: {  	_ =	sfence  }
0xb7: {  	s30 =	sld [smem:$0x0];
	_ =	sdelay $0x2  }
0xb8: {  	s31 =	sshll.u32 s1, $0xD;
	s1 =	sshrl.u32 s1, $0x2  }
0xb9: {  	s3 =	sand.u32 $0x4000, s31;
	s1 =	sadd.s32 s1, s30  }
0xba: {  	s0 =	sor.u32 s3, s0;
	s1 =	sshll.u32 s1, $0x11  }
0xbb: {  	s0 =	sor.u32 s1, s0  }
0xbc: {  	s0 =	sadd.s32 $0x8F2B, s0  }
0xbd: {  	[sflag:s0] =	ssyncadd.remote.s32 $0x1  }
0xbe: {  	_ =	sfence.sel $0xFFFF  }
0xbf: {  	[dreg:$0x0] =	wrdreg $0xFFFFFFFF;
	(pc) =	sbr.abs _section_cstart, $3  }
0xc0: {  	[dreg:$0x1] =	wrdreg $0xFFFFFFFF  }
0xc1: {  	_ =	task.clear_ibuf [dreg:s6], $0x2FFFF;
	_ =	strace $0x9FFFFFFF  }
0xc2: {  	(tm) =	ssettm $0x7FFFFFFF  }
0xc3: {  	_ =	shalt  }
tec
execute0_lowered:
.L_overlay_start_1:
0x0: {  	(tag) =	ssettag $0x1  }
0x1: {  	s8 =	rddreg [dreg:$0x0]  }
0x2: {  	s1 =	rddreg [dreg:$0x1]  }
0x3: {  	s0 =	rddreg [dreg:$0x2];
	s2 =	simm.s32 $0x0;
	s4 =	srdreg.scid  }
0x4: {  	s21 =	simm.s32 $0x100;
	s22 =	simm.s32 $0x1;
	[smem:$0x7FF] =	sst s2  }
0x5: {  	s3 =	sadd.s32 $0x6B200, s8;
	s5 =	sadd.s32 $0x67200, s8;
	s6 =	sadd.s32 $0x63200, s8  }
0x6: {  	s11 =	sand.u32 $0x1, s4;
	s7 =	sadd.s32 $0x3200, s8;
	s4 =	stileid.u32  }
0x7: {  	s16 =	sadd.s32 $0x6F200, s8;
	_ =	strace $0x80000047;
	s9 =	ssub.s32 $0x2, s11  }
0x8: {  	s12 =	sshll.u32 s4, $0x10;
	s13 =	sshll.u32 s4, $0x9;
	s18 =	sshll.u32 s11, $0x14  }
0x9: {  	s31 =	sshll.u32 s11, $0xD;
	s30 =	sshrl.u32 s9, $0x1;
	s8 =	sadd.s32 s12, s1  }
0xa: {  	s14 =	sor.u32 $0x4000, s12;
	s15 =	sor.u32 $0x8000, s12;
	s19 =	sor.u32 s12, s18  }
0xb: {  	s20 =	sor.u32 $0xC000, s12;
	s12 =	sor.u32 s13, s31;
	s17 =	ssub.s32 s9, s30  }
0xc: {  	s9 =	sadd.s32 s14, s1;
	s10 =	sadd.s32 s15, s1;
	s19 =	sshrl.u32 s19, $0x3  }
0xd: {  	s11 =	sadd.s32 s20, s1;
	s14 =	sor.u32 s18, s14;
	s15 =	sor.u32 s18, s15  }
0xe: {  	s18 =	sor.u32 s18, s20;
	s20 =	simm.s32 $0x80;
	s13 =	sadd.s32 s16, s19  }
0xf: {  	s14 =	sshrl.u32 s14, $0x3;
	s15 =	sshrl.u32 s15, $0x3;
	s18 =	sshrl.u32 s18, $0x3  }
0x10: {  	s17 =	smax.u32 s17, $0x1;
	s19 =	simm.s32 $0x2;
	s14 =	sadd.s32 s16, s14  }
0x11: {  	v0 =	vimm.f32 $0.0e+00;
	s15 =	sadd.s32 s16, s15;
	s16 =	sadd.s32 s16, s18;
	s18 =	simm.s32 $0x180  }
.LBB2_1:
0x12: {  	s23 =	simm.s32 $0x0;
	s24 =	simm.s32 $0x200  }
.LBB2_2:
0x13: {  	p0 =	sne.s32 s24, $0xFE00;
	[tilespmem:s23+$0x1F0] =	vst v0  }
0x14: {  	[tilespmem:s23+$0x180] =	vst v0  }
0x15: {  	[tilespmem:s23+$0x190] =	vst v0  }
.Ltmp0:
0x16: {  	[tilespmem:s23+$0x1A0] =	vst v0;
	(pc) =	sbr.rel @p0 .LBB2_2-.Ltmp0, $4  }
0x17: {  	[tilespmem:s23+$0x1B0] =	vst v0  }
0x18: {  	[tilespmem:s23+$0x1C0] =	vst v0  }
0x19: {  	[tilespmem:s23+$0x1D0] =	vst v0  }
0x1a: {  	[tilespmem:s23+$0x1E0] =	vst v0;
	s23 =	sshra.s32 s24, $0x2;
	s24 =	sadd.s32 $0x200, s24  }
0x1b: {  	[tilespmem:s23+$0x1F0] =	vst v0  }
0x1c: {  	[tilespmem:s23+$0x180] =	vst v0  }
0x1d: {  	[tilespmem:s23+$0x190] =	vst v0  }
0x1e: {  	[tilespmem:s23+$0x1A0] =	vst v0  }
0x1f: {  	[tilespmem:s23+$0x1B0] =	vst v0  }
0x20: {  	[tilespmem:s23+$0x1C0] =	vst v0  }
0x21: {  	[tilespmem:s23+$0x1D0] =	vst v0  }
0x22: {  	[tilespmem:s23+$0x1E0] =	vst v0  }
0x23: {  	[spmem:s8] =	stream.linear.scatter [tilespmem:s18], [sflag:$0x2], $0x4000, $0x38;
	[tilespmem:$0x14180] =	vst v63  }
0x24: {  	_ =	swait.ge [sflag:s19], $0x4000  }
0x25: {  	[sflag:s19] =	ssyncset.done $0x0  }
0x26: {  	[sflag:s19] =	ssyncadd.s32 $0xFFFFC000  }
0x27: {  	[spmem:s9] =	stream.linear.scatter [tilespmem:s18], [sflag:$0x2], $0x4000, $0x38;
	[tilespmem:$0x14180] =	vst v63  }
0x28: {  	_ =	swait.ge [sflag:s19], $0x4000  }
0x29: {  	[sflag:s19] =	ssyncset.done $0x0  }
0x2a: {  	[sflag:s19] =	ssyncadd.s32 $0xFFFFC000  }
0x2b: {  	[spmem:s10] =	stream.linear.scatter [tilespmem:s18], [sflag:$0x2], $0x4000, $0x38;
	[tilespmem:$0x14180] =	vst v63  }
0x2c: {  	_ =	swait.ge [sflag:s19], $0x4000  }
0x2d: {  	[sflag:s19] =	ssyncset.done $0x0  }
0x2e: {  	[sflag:s19] =	ssyncadd.s32 $0xFFFFC000  }
0x2f: {  	[spmem:s11] =	stream.linear.scatter [tilespmem:s18], [sflag:$0x2], $0x4000, $0x38;
	[tilespmem:$0x14180] =	vst v63  }
0x30: {  	_ =	swait.ge [sflag:s19], $0x4000  }
0x31: {  	[sflag:s19] =	ssyncset.done $0x0  }
0x32: {  	[sflag:s19] =	ssyncadd.s32 $0xFFFFC000  }
0x33: {  	s23 =	simm.s32 $0x0;
	s24 =	simm.s32 $0x0;
	[bflag:$0x0] =	sbarrier.arrive $0xFFFF  }
.LBB2_4:
0x34: {  	s25 =	sshll.u32 s24, $0x4  }
0x35: {  	s25 =	sadd.s32 s12, s25  }
0x36: {  	s26 =	sadd.s32 s3, s25  }
0x37: {  	[tilespmem:s23], [sflag:$0x2] =	stream.linear.gather [hbm4b:s26+s23], $0x80, $0x38;
	[tilespmem:$0x14180] =	vst v63  }
0x38: {  	_ =	swait.ge [sflag:s19], $0x80  }
0x39: {  	[sflag:s19] =	ssyncset.done $0x0  }
0x3a: {  	s29 =	sadd.s32 s5, s25;
	[sflag:s19] =	ssyncadd.s32 $0xFFFFFF80  }
0x3b: {  	[tilespmem:s20], [sflag:$0x2] =	stream.linear.gather [hbm4b:s29+s23], $0x80, $0x38;
	[tilespmem:$0x14180] =	vst v63  }
0x3c: {  	_ =	swait.ge [sflag:s19], $0x80  }
0x3d: {  	[sflag:s19] =	ssyncset.done $0x0  }
0x3e: {  	s25 =	sadd.s32 s6, s25;
	[sflag:s19] =	ssyncadd.s32 $0xFFFFFF80  }
0x3f: {  	[tilespmem:s21], [sflag:$0x2] =	stream.linear.gather [hbm4b:s25+s23], $0x80, $0x38;
	[tilespmem:$0x14180] =	vst v63  }
0x40: {  	_ =	swait.ge [sflag:s19], $0x80  }
0x41: {  	[sflag:s19] =	ssyncset.done $0x0  }
0x42: {  	[sflag:s19] =	ssyncadd.s32 $0xFFFFFF80  }
0x43: {  	[tilespmem:s18], [sflag:$0x1] =	stream.indirect.gather [hbm4b:s7+s20], $0x80, s20, s20, $0xb8;
	[tilespmem:$0x14180] =	vst v63  }
0x44: {  	_ =	swait.ge [sflag:s22], $0x4000  }
0x45: {  	s30 =	simm.s32 $0x0;
	[sflag:s22] =	ssyncset.done $0x0  }
0x46: {  	s25 =	sand.u32 $0x3FFFFFF0, s30;
	[sflag:s22] =	ssyncadd.s32 $0xFFFFC000  }
0x47: {  	s31 =	simm.s32 $0x0;
	v1 =	vld [tilespmem:s25+$0x100]  }
0x48: {  	s25 =	sand.u32 $0x3FFFF800, s31  }
0x49: {  	v3 =	vld [tilespmem:s25+$0x1A0]  }
0x4a: {  	v4 =	vld [tilespmem:s25+$0x1B0]  }
0x4b: {  	v10 =	vld [tilespmem:s25+$0x1E0]  }
0x4c: {  	v11 =	vld [tilespmem:s25+$0x1F0];
	v2 =	vbroadcast v1, $0x0  }
0x4d: {  	v12 =	vld [tilespmem:s25+$0x200]  }
0x4e: {  	v13 =	vld [tilespmem:s25+$0x210];
	v3 =	vmul.f32 v3, v2  }
0x4f: {  	v14 =	vld [tilespmem:s25+$0x220];
	v4 =	vmul.f32 v4, v2  }
0x50: {  	v9 =	vld [tilespmem:s25+$0x230];
	v23 =	vbroadcast v1, $0x1;
	v22 =	vmul.f32 v10, v2;
	[tilespmem:s25+$0x1A0] =	vst v3  }
0x51: {  	v7 =	vld [tilespmem:s25+$0x240];
	v11 =	vmul.f32 v11, v2;
	[tilespmem:s25+$0x1B0] =	vst v4  }
0x52: {  	v8 =	vld [tilespmem:s25+$0x250];
	v12 =	vmul.f32 v12, v23;
	[tilespmem:s25+$0x1E0] =	vst v22  }
0x53: {  	v25 =	vld [tilespmem:s25+$0x270];
	v13 =	vmul.f32 v13, v23;
	[tilespmem:s25+$0x1F0] =	vst v11  }
0x54: {  	v26 =	vld [tilespmem:s25+$0x280];
	v14 =	vmul.f32 v14, v23;
	[tilespmem:s25+$0x200] =	vst v12  }
0x55: {  	v27 =	vld [tilespmem:s25+$0x290];
	v9 =	vmul.f32 v9, v23;
	[tilespmem:s25+$0x210] =	vst v13  }
0x56: {  	v6 =	vld [tilespmem:s25+$0x6F0];
	v7 =	vmul.f32 v7, v23;
	[tilespmem:s25+$0x220] =	vst v14  }
0x57: {  	v24 =	vld [tilespmem:s25+$0x260];
	v15 =	vbroadcast v1, $0x2;
	v8 =	vmul.f32 v8, v23;
	[tilespmem:s25+$0x230] =	vst v9  }
0x58: {  	v28 =	vld [tilespmem:s25+$0x2A0];
	v10 =	vmul.f32 v25, v23;
	[tilespmem:s25+$0x240] =	vst v7  }
0x59: {  	v29 =	vld [tilespmem:s25+$0x2B0];
	v5 =	vbroadcast v1, $0xA;
	v32 =	vmul.f32 v26, v15;
	[tilespmem:s25+$0x250] =	vst v8  }
0x5a: {  	v30 =	vld [tilespmem:s25+$0x2C0];
	v34 =	vmul.f32 v27, v15;
	[tilespmem:s25+$0x270] =	vst v10  }
0x5b: {  	v33 =	vld [tilespmem:s25+$0x2E0];
	v3 =	vmul.f32 v6, v5;
	[tilespmem:s25+$0x280] =	vst v32  }
0x5c: {  	v35 =	vld [tilespmem:s25+$0x2F0];
	v11 =	vmul.f32 v24, v23;
	[tilespmem:s25+$0x290] =	vst v34  }
0x5d: {  	v36 =	vld [tilespmem:s25+$0x300];
	v9 =	vmul.f32 v28, v15;
	[tilespmem:s25+$0x6F0] =	vst v3  }
0x5e: {  	v31 =	vld [tilespmem:s25+$0x2D0];
	v7 =	vmul.f32 v29, v15;
	[tilespmem:s25+$0x260] =	vst v11  }
0x5f: {  	v37 =	vld [tilespmem:s25+$0x310];
	v8 =	vmul.f32 v30, v15;
	[tilespmem:s25+$0x2A0] =	vst v9  }
0x60: {  	v38 =	vld [tilespmem:s25+$0x320];
	v41 =	vbroadcast v1, $0x3;
	v10 =	vmul.f32 v33, v15;
	[tilespmem:s25+$0x2B0] =	vst v7  }
0x61: {  	v39 =	vld [tilespmem:s25+$0x330];
	v12 =	vmul.f32 v35, v15;
	[tilespmem:s25+$0x2C0] =	vst v8  }
0x62: {  	v42 =	vld [tilespmem:s25+$0x350];
	v13 =	vmul.f32 v36, v41;
	[tilespmem:s25+$0x2E0] =	vst v10  }
0x63: {  	v43 =	vld [tilespmem:s25+$0x360];
	v11 =	vmul.f32 v31, v15;
	[tilespmem:s25+$0x2F0] =	vst v12  }
0x64: {  	v44 =	vld [tilespmem:s25+$0x370];
	v9 =	vmul.f32 v37, v41;
	[tilespmem:s25+$0x300] =	vst v13  }
0x65: {  	v40 =	vld [tilespmem:s25+$0x340];
	v7 =	vmul.f32 v38, v41;
	[tilespmem:s25+$0x2D0] =	vst v11  }
0x66: {  	v45 =	vld [tilespmem:s25+$0x380];
	v8 =	vmul.f32 v39, v41;
	[tilespmem:s25+$0x310] =	vst v9  }
0x67: {  	v46 =	vld [tilespmem:s25+$0x390];
	v10 =	vmul.f32 v42, v41;
	[tilespmem:s25+$0x320] =	vst v7  }
0x68: {  	v47 =	vld [tilespmem:s25+$0x3A0];
	v12 =	vmul.f32 v43, v41;
	[tilespmem:s25+$0x330] =	vst v8  }
0x69: {  	v49 =	vld [tilespmem:s25+$0x3C0];
	v50 =	vbroadcast v1, $0x4;
	v13 =	vmul.f32 v44, v41;
	[tilespmem:s25+$0x350] =	vst v10  }
0x6a: {  	v51 =	vld [tilespmem:s25+$0x3D0];
	v11 =	vmul.f32 v40, v41;
	[tilespmem:s25+$0x360] =	vst v12  }
0x6b: {  	v52 =	vld [tilespmem:s25+$0x3E0];
	v9 =	vmul.f32 v45, v50;
	[tilespmem:s25+$0x370] =	vst v13  }
0x6c: {  	v48 =	vld [tilespmem:s25+$0x3B0];
	v7 =	vmul.f32 v46, v50;
	[tilespmem:s25+$0x340] =	vst v11  }
0x6d: {  	v53 =	vld [tilespmem:s25+$0x3F0];
	v8 =	vmul.f32 v47, v50;
	[tilespmem:s25+$0x380] =	vst v9  }
0x6e: {  	v54 =	vld [tilespmem:s25+$0x400];
	v10 =	vmul.f32 v49, v50;
	[tilespmem:s25+$0x390] =	vst v7  }
0x6f: {  	v55 =	vld [tilespmem:s25+$0x410];
	v12 =	vmul.f32 v51, v50;
	[tilespmem:s25+$0x3A0] =	vst v8  }
0x70: {  	v57 =	vld [tilespmem:s25+$0x430];
	v13 =	vmul.f32 v52, v50;
	[tilespmem:s25+$0x3C0] =	vst v10  }
0x71: {  	v58 =	vld [tilespmem:s25+$0x440];
	v59 =	vbroadcast v1, $0x5;
	v11 =	vmul.f32 v48, v50;
	[tilespmem:s25+$0x3D0] =	vst v12  }
0x72: {  	v60 =	vld [tilespmem:s25+$0x450];
	v9 =	vmul.f32 v53, v50;
	[tilespmem:s25+$0x3E0] =	vst v13  }
0x73: {  	v56 =	vld [tilespmem:s25+$0x420];
	v7 =	vmul.f32 v54, v59;
	[tilespmem:s25+$0x3B0] =	vst v11  }
0x74: {  	v61 =	vld [tilespmem:s25+$0x460];
	v8 =	vmul.f32 v55, v59;
	[tilespmem:s25+$0x3F0] =	vst v9  }
0x75: {  	v62 =	vld [tilespmem:s25+$0x470];
	v10 =	vmul.f32 v57, v59;
	[tilespmem:s25+$0x400] =	vst v7  }
0x76: {  	v63 =	vld [tilespmem:s25+$0x480];
	v12 =	vmul.f32 v58, v59;
	[tilespmem:s25+$0x410] =	vst v8  }
0x77: {  	v19 =	vld [tilespmem:s25+$0x4A0];
	v13 =	vmul.f32 v60, v59;
	[tilespmem:s25+$0x430] =	vst v10  }
0x78: {  	v20 =	vld [tilespmem:s25+$0x4B0];
	v11 =	vmul.f32 v56, v59;
	[tilespmem:s25+$0x440] =	vst v12  }
0x79: {  	v21 =	vld [tilespmem:s25+$0x4C0];
	v22 =	vbroadcast v1, $0x6;
	v9 =	vmul.f32 v61, v59;
	[tilespmem:s25+$0x450] =	vst v13  }
0x7a: {  	v18 =	vld [tilespmem:s25+$0x490];
	v7 =	vmul.f32 v62, v59;
	[tilespmem:s25+$0x420] =	vst v11  }
0x7b: {  	v23 =	vld [tilespmem:s25+$0x4D0];
	v8 =	vmul.f32 v63, v22;
	[tilespmem:s25+$0x460] =	vst v9  }
0x7c: {  	v24 =	vld [tilespmem:s25+$0x4E0];
	v10 =	vmul.f32 v19, v22;
	[tilespmem:s25+$0x470] =	vst v7  }
0x7d: {  	v25 =	vld [tilespmem:s25+$0x4F0];
	v12 =	vmul.f32 v20, v22;
	[tilespmem:s25+$0x480] =	vst v8  }
0x7e: {  	v27 =	vld [tilespmem:s25+$0x510];
	v13 =	vmul.f32 v21, v22;
	[tilespmem:s25+$0x4A0] =	vst v10  }
0x7f: {  	v28 =	vld [tilespmem:s25+$0x520];
	v11 =	vmul.f32 v18, v22;
	[tilespmem:s25+$0x4B0] =	vst v12  }
0x80: {  	v29 =	vld [tilespmem:s25+$0x530];
	v9 =	vmul.f32 v23, v22;
	[tilespmem:s25+$0x4C0] =	vst v13  }
0x81: {  	v31 =	vbroadcast v1, $0x7;
	v53 =	vld [tilespmem:s25+$0x680];
	v7 =	vmul.f32 v24, v22;
	[tilespmem:s25+$0x490] =	vst v11  }
0x82: {  	v57 =	vld [tilespmem:s25+$0x6C0];
	v8 =	vmul.f32 v25, v22;
	[tilespmem:s25+$0x4D0] =	vst v9  }
0x83: {  	v58 =	vld [tilespmem:s25+$0x6D0];
	v10 =	vmul.f32 v27, v31;
	[tilespmem:s25+$0x4E0] =	vst v7  }
0x84: {  	v26 =	vld [tilespmem:s25+$0x500];
	v12 =	vmul.f32 v28, v31;
	[tilespmem:s25+$0x4F0] =	vst v8  }
0x85: {  	v30 =	vld [tilespmem:s25+$0x540];
	v13 =	vmul.f32 v29, v31;
	[tilespmem:s25+$0x510] =	vst v10  }
0x86: {  	v32 =	vld [tilespmem:s25+$0x550];
	v59 =	vmul.f32 v53, v5;
	[tilespmem:s25+$0x520] =	vst v12  }
0x87: {  	v33 =	vld [tilespmem:s25+$0x560];
	v18 =	vmul.f32 v57, v5;
	[tilespmem:s25+$0x530] =	vst v13  }
0x88: {  	v35 =	vld [tilespmem:s25+$0x580];
	v20 =	vmul.f32 v58, v5;
	[tilespmem:s25+$0x680] =	vst v59  }
0x89: {  	v36 =	vld [tilespmem:s25+$0x590];
	v11 =	vmul.f32 v26, v31;
	[tilespmem:s25+$0x6C0] =	vst v18  }
0x8a: {  	v37 =	vld [tilespmem:s25+$0x5A0];
	v9 =	vmul.f32 v30, v31;
	[tilespmem:s25+$0x6D0] =	vst v20  }
0x8b: {  	v4 =	vld [tilespmem:s25+$0x700];
	v40 =	vbroadcast v1, $0x8;
	v7 =	vmul.f32 v32, v31;
	[tilespmem:s25+$0x500] =	vst v11  }
0x8c: {  	v6 =	vld [tilespmem:s25+$0x710];
	v8 =	vmul.f32 v33, v31;
	[tilespmem:s25+$0x540] =	vst v9  }
0x8d: {  	v3 =	vld [tilespmem:s25+$0x950];
	v10 =	vmul.f32 v35, v40;
	[tilespmem:s25+$0x550] =	vst v7  }
0x8e: {  	v61 =	vld [tilespmem:s25+$0x180];
	v23 =	vbroadcast v1, $0xB;
	v12 =	vmul.f32 v36, v40;
	[tilespmem:s25+$0x560] =	vst v8  }
0x8f: {  	v34 =	vld [tilespmem:s25+$0x570];
	v13 =	vmul.f32 v37, v40;
	[tilespmem:s25+$0x580] =	vst v10  }
0x90: {  	v38 =	vld [tilespmem:s25+$0x5B0];
	v27 =	vbroadcast v1, $0xF;
	v4 =	vmul.f32 v4, v23;
	[tilespmem:s25+$0x590] =	vst v12  }
0x91: {  	v39 =	vld [tilespmem:s25+$0x5C0];
	v6 =	vmul.f32 v6, v23;
	[tilespmem:s25+$0x5A0] =	vst v13  }
0x92: {  	v41 =	vld [tilespmem:s25+$0x5D0];
	v3 =	vmul.f32 v3, v27;
	[tilespmem:s25+$0x700] =	vst v4  }
0x93: {  	v43 =	vld [tilespmem:s25+$0x5F0];
	v24 =	vmul.f32 v2, v61;
	[tilespmem:s25+$0x710] =	vst v6  }
0x94: {  	v44 =	vld [tilespmem:s25+$0x600];
	v11 =	vmul.f32 v34, v31;
	[tilespmem:s25+$0x950] =	vst v3  }
0x95: {  	v45 =	vld [tilespmem:s25+$0x610];
	v9 =	vmul.f32 v38, v40;
	[tilespmem:s25+$0x180] =	vst v24  }
0x96: {  	v63 =	vld [tilespmem:s25+$0x1C0];
	v7 =	vmul.f32 v39, v40;
	[tilespmem:s25+$0x570] =	vst v11  }
0x97: {  	v49 =	vbroadcast v1, $0x9;
	v29 =	vld [tilespmem:s25+$0x770];
	v8 =	vmul.f32 v41, v40;
	[tilespmem:s25+$0x5B0] =	vst v9  }
0x98: {  	v42 =	vld [tilespmem:s25+$0x5E0];
	v10 =	vmul.f32 v43, v40;
	[tilespmem:s25+$0x5C0] =	vst v7  }
0x99: {  	v46 =	vld [tilespmem:s25+$0x620];
	v12 =	vmul.f32 v44, v49;
	[tilespmem:s25+$0x5D0] =	vst v8  }
0x9a: {  	v47 =	vld [tilespmem:s25+$0x630];
	v13 =	vmul.f32 v45, v49;
	[tilespmem:s25+$0x5F0] =	vst v10  }
0x9b: {  	v48 =	vld [tilespmem:s25+$0x640];
	v3 =	vmul.f32 v63, v2;
	[tilespmem:s25+$0x600] =	vst v12  }
0x9c: {  	v51 =	vld [tilespmem:s25+$0x660];
	v6 =	vmul.f32 v29, v23;
	[tilespmem:s25+$0x610] =	vst v13  }
0x9d: {  	v52 =	vld [tilespmem:s25+$0x670];
	v11 =	vmul.f32 v42, v40;
	[tilespmem:s25+$0x1C0] =	vst v3  }
0x9e: {  	v28 =	vld [tilespmem:s25+$0x760];
	v9 =	vmul.f32 v46, v49;
	[tilespmem:s25+$0x770] =	vst v6  }
0x9f: {  	v26 =	vld [tilespmem:s25+$0x750];
	v7 =	vmul.f32 v47, v49;
	[tilespmem:s25+$0x5E0] =	vst v11  }
0xa0: {  	v30 =	vld [tilespmem:s25+$0x780];
	v8 =	vmul.f32 v48, v49;
	[tilespmem:s25+$0x620] =	vst v9  }
0xa1: {  	v50 =	vld [tilespmem:s25+$0x650];
	v10 =	vmul.f32 v51, v49;
	[tilespmem:s25+$0x630] =	vst v7  }
0xa2: {  	v54 =	vld [tilespmem:s25+$0x690];
	v12 =	vmul.f32 v52, v49;
	[tilespmem:s25+$0x640] =	vst v8  }
0xa3: {  	v55 =	vld [tilespmem:s25+$0x6A0];
	v35 =	vbroadcast v1, $0xC;
	v40 =	vmul.f32 v28, v23;
	[tilespmem:s25+$0x660] =	vst v10  }
0xa4: {  	v56 =	vld [tilespmem:s25+$0x6B0];
	v32 =	vmul.f32 v26, v23;
	[tilespmem:s25+$0x670] =	vst v12  }
0xa5: {  	v60 =	vld [tilespmem:s25+$0x6E0];
	v15 =	vmul.f32 v30, v35;
	[tilespmem:s25+$0x760] =	vst v40  }
0xa6: {  	v62 =	vld [tilespmem:s25+$0x190];
	v11 =	vmul.f32 v50, v49;
	[tilespmem:s25+$0x750] =	vst v32  }
0xa7: {  	v19 =	vld [tilespmem:s25+$0x1D0];
	v9 =	vmul.f32 v54, v5;
	[tilespmem:s25+$0x780] =	vst v15  }
0xa8: {  	v33 =	vld [tilespmem:s25+$0x7B0];
	v7 =	vmul.f32 v55, v5;
	[tilespmem:s25+$0x650] =	vst v11  }
0xa9: {  	v61 =	vld [tilespmem:s25+$0x970];
	v8 =	vmul.f32 v56, v5;
	[tilespmem:s25+$0x690] =	vst v9  }
0xaa: {  	v38 =	vld [tilespmem:s25+$0x7F0];
	v5 =	vmul.f32 v60, v5;
	[tilespmem:s25+$0x6A0] =	vst v7  }
0xab: {  	v21 =	vld [tilespmem:s25+$0x720];
	v12 =	vmul.f32 v62, v2;
	[tilespmem:s25+$0x6B0] =	vst v8  }
0xac: {  	v22 =	vld [tilespmem:s25+$0x730];
	v2 =	vmul.f32 v19, v2;
	[tilespmem:s25+$0x6E0] =	vst v5  }
0xad: {  	v25 =	vld [tilespmem:s25+$0x740];
	v62 =	vmul.f32 v33, v35;
	[tilespmem:s25+$0x190] =	vst v12  }
0xae: {  	v31 =	vld [tilespmem:s25+$0x790];
	v63 =	vmul.f32 v61, v27;
	[tilespmem:s25+$0x1D0] =	vst v2  }
0xaf: {  	v34 =	vld [tilespmem:s25+$0x7C0];
	v15 =	vmul.f32 v38, v35;
	[tilespmem:s25+$0x7B0] =	vst v62  }
0xb0: {  	v41 =	vld [tilespmem:s25+$0x820];
	v7 =	vmul.f32 v21, v23;
	[tilespmem:s25+$0x970] =	vst v63  }
0xb1: {  	v46 =	vld [tilespmem:s25+$0x860];
	v8 =	vmul.f32 v22, v23;
	[tilespmem:s25+$0x7F0] =	vst v15  }
0xb2: {  	v36 =	vld [tilespmem:s25+$0x7D0];
	v5 =	vmul.f32 v25, v23;
	[tilespmem:s25+$0x720] =	vst v7  }
0xb3: {  	v44 =	vbroadcast v1, $0xD;
	v9 =	vmul.f32 v31, v35;
	v2 =	vld [tilespmem:s25+$0x810];
	[tilespmem:s25+$0x730] =	vst v8  }
0xb4: {  	v37 =	vld [tilespmem:s25+$0x7E0];
	v12 =	vmul.f32 v34, v35;
	[tilespmem:s25+$0x740] =	vst v5  }
0xb5: {  	v39 =	vld [tilespmem:s25+$0x800];
	v11 =	vmul.f32 v41, v44;
	[tilespmem:s25+$0x790] =	vst v9  }
0xb6: {  	v42 =	vld [tilespmem:s25+$0x830];
	v51 =	vmul.f32 v46, v44;
	[tilespmem:s25+$0x7C0] =	vst v12  }
0xb7: {  	v48 =	vld [tilespmem:s25+$0x890];
	v8 =	vmul.f32 v36, v35;
	[tilespmem:s25+$0x820] =	vst v11  }
0xb8: {  	v49 =	vld [tilespmem:s25+$0x8A0];
	[tilespmem:s25+$0x860] =	vst v51;
	v2 =	vmul.f32 v2, v44  }
0xb9: {  	v50 =	vld [tilespmem:s25+$0x8B0];
	v5 =	vmul.f32 v37, v35;
	[tilespmem:s25+$0x7D0] =	vst v8  }
0xba: {  	v1 =	vbroadcast v1, $0xE;
	v9 =	vmul.f32 v39, v44;
	[tilespmem:s25+$0x810] =	vst v2;
	v2 =	vld [tilespmem:s25+$0x880]  }
0xbb: {  	v60 =	vld [tilespmem:s25+$0x960];
	v12 =	vmul.f32 v42, v44;
	[tilespmem:s25+$0x7E0] =	vst v5  }
0xbc: {  	v45 =	vld [tilespmem:s25+$0x850];
	v11 =	vmul.f32 v48, v1;
	[tilespmem:s25+$0x800] =	vst v9  }
0xbd: {  	v47 =	vld [tilespmem:s25+$0x870];
	v10 =	vmul.f32 v49, v1;
	[tilespmem:s25+$0x830] =	vst v12  }
0xbe: {  	v43 =	vld [tilespmem:s25+$0x840];
	v6 =	vmul.f32 v50, v1;
	[tilespmem:s25+$0x890] =	vst v11  }
0xbf: {  	v55 =	vld [tilespmem:s25+$0x900];
	[tilespmem:s25+$0x8A0] =	vst v10;
	v2 =	vmul.f32 v2, v1  }
0xc0: {  	v57 =	vld [tilespmem:s25+$0x920];
	v4 =	vmul.f32 v60, v27;
	[tilespmem:s25+$0x8B0] =	vst v6  }
0xc1: {  	v5 =	vmul.f32 v45, v44;
	[tilespmem:s25+$0x880] =	vst v2;
	v2 =	vld [tilespmem:s25+$0x8F0]  }
0xc2: {  	v52 =	vld [tilespmem:s25+$0x8C0];
	v9 =	vmul.f32 v47, v44;
	[tilespmem:s25+$0x960] =	vst v4  }
0xc3: {  	v56 =	vld [tilespmem:s25+$0x910];
	v8 =	vmul.f32 v43, v44;
	[tilespmem:s25+$0x850] =	vst v5  }
0xc4: {  	v54 =	vld [tilespmem:s25+$0x8E0];
	v11 =	vmul.f32 v55, v27;
	[tilespmem:s25+$0x870] =	vst v9  }
0xc5: {  	v58 =	vld [tilespmem:s25+$0x930];
	v6 =	vmul.f32 v57, v27;
	[tilespmem:s25+$0x840] =	vst v8  }
0xc6: {  	v53 =	vld [tilespmem:s25+$0x8D0];
	[tilespmem:s25+$0x900] =	vst v11;
	v2 =	vmul.f32 v2, v1  }
0xc7: {  	v59 =	vld [tilespmem:s25+$0x940];
	v5 =	vmul.f32 v52, v1;
	[tilespmem:s25+$0x920] =	vst v6  }
0xc8: {  	[tilespmem:s25+$0x8F0] =	vst v2;
	v2 =	vmul.f32 v56, v27  }
0xc9: {  	v3 =	vld [tilespmem:s25+$0x7A0];
	v9 =	vmul.f32 v54, v1;
	[tilespmem:s25+$0x8C0] =	vst v5  }
0xca: {  	[tilespmem:s25+$0x910] =	vst v2;
	v2 =	vmul.f32 v58, v27  }
0xcb: {  	[tilespmem:s25+$0x8E0] =	vst v9;
	v1 =	vmul.f32 v53, v1  }
0xcc: {  	[tilespmem:s25+$0x930] =	vst v2;
	v2 =	vmul.f32 v59, v27  }
0xcd: {  	[tilespmem:s25+$0x8D0] =	vst v1  }
0xce: {  	s26 =	simm.s32 $0x1;
	[tilespmem:s25+$0x940] =	vst v2;
	v2 =	vmul.f32 v3, v35  }
.LBB2_5:
0xcf: {  	s28 =	sshll.u32 s26, $0x4  }
0xd0: {  	p0 =	sne.s32 s26, $0x7;
	[tilespmem:s25+$0x7A0] =	vst v2;
	s25 =	smov.u32 s26;
	s26 =	sadd.s32 $0x1, s26  }
0xd1: {  	s28 =	sand.u32 $0x3FFFFFF0, s28  }
0xd2: {  	s25 =	sshll.u32 s25, $0xB;
	v1 =	vld [tilespmem:s28+$0x100]  }
0xd3: {  	s25 =	sand.u32 $0x3FFFF800, s25  }
0xd4: {  	v8 =	vld [tilespmem:s25+$0x240]  }
0xd5: {  	v9 =	vld [tilespmem:s25+$0x250]  }
0xd6: {  	v10 =	vld [tilespmem:s25+$0x230]  }
0xd7: {  	v2 =	vbroadcast v1, $0x0;
	v3 =	vld [tilespmem:s25+$0x1A0];
	v7 =	vbroadcast v1, $0x4  }
0xd8: {  	v5 =	vld [tilespmem:s25+$0x1B0]  }
0xd9: {  	v6 =	vld [tilespmem:s25+$0x6F0]  }
0xda: {  	v11 =	vld [tilespmem:s25+$0x1E0]  }
0xdb: {  	v12 =	vld [tilespmem:s25+$0x1F0]  }
0xdc: {  	v4 =	vbroadcast v1, $0xA;
	v3 =	vmul.f32 v3, v2;
	v13 =	vld [tilespmem:s25+$0x200]  }
0xdd: {  	v5 =	vmul.f32 v5, v2;
	v14 =	vld [tilespmem:s25+$0x210]  }
0xde: {  	[tilespmem:s25+$0x1A0] =	vst v3;
	v15 =	vld [tilespmem:s25+$0x220];
	v3 =	vmul.f32 v6, v4  }
0xdf: {  	[tilespmem:s25+$0x1B0] =	vst v5;
	v6 =	vmul.f32 v11, v2;
	v11 =	vbroadcast v1, $0x1;
	v5 =	vld [tilespmem:s25+$0x700]  }
0xe0: {  	v12 =	vmul.f32 v12, v2;
	[tilespmem:s25+$0x6F0] =	vst v3;
	v3 =	vld [tilespmem:s25+$0x950]  }
0xe1: {  	[tilespmem:s25+$0x1E0] =	vst v6;
	v13 =	vmul.f32 v13, v11;
	v6 =	vld [tilespmem:s25+$0x710]  }
0xe2: {  	[tilespmem:s25+$0x1F0] =	vst v12;
	v12 =	vmul.f32 v14, v11;
	v14 =	vld [tilespmem:s25+$0x260]  }
0xe3: {  	[tilespmem:s25+$0x200] =	vst v13;
	v13 =	vmul.f32 v15, v11;
	v15 =	vld [tilespmem:s25+$0x270]  }
0xe4: {  	v10 =	vmul.f32 v10, v11;
	[tilespmem:s25+$0x210] =	vst v12;
	v12 =	vld [tilespmem:s25+$0x280]  }
0xe5: {  	v8 =	vmul.f32 v8, v11;
	[tilespmem:s25+$0x220] =	vst v13;
	v13 =	vld [tilespmem:s25+$0x290]  }
0xe6: {  	v9 =	vmul.f32 v9, v11;
	[tilespmem:s25+$0x230] =	vst v10;
	v10 =	vld [tilespmem:s25+$0x2A0]  }
0xe7: {  	[tilespmem:s25+$0x240] =	vst v8;
	v8 =	vmul.f32 v14, v11;
	v14 =	vbroadcast v1, $0x2;
	v16 =	vld [tilespmem:s25+$0x2B0]  }
0xe8: {  	[tilespmem:s25+$0x250] =	vst v9;
	v9 =	vmul.f32 v15, v11;
	v11 =	vld [tilespmem:s25+$0x2C0]  }
0xe9: {  	[tilespmem:s25+$0x260] =	vst v8;
	v8 =	vmul.f32 v12, v14;
	v12 =	vld [tilespmem:s25+$0x2D0]  }
0xea: {  	[tilespmem:s25+$0x270] =	vst v9;
	v9 =	vmul.f32 v13, v14;
	v13 =	vld [tilespmem:s25+$0x2E0]  }
0xeb: {  	[tilespmem:s25+$0x280] =	vst v8;
	v8 =	vmul.f32 v10, v14;
	v10 =	vld [tilespmem:s25+$0x2F0]  }
0xec: {  	[tilespmem:s25+$0x290] =	vst v9;
	v9 =	vmul.f32 v16, v14;
	v15 =	vld [tilespmem:s25+$0x300]  }
0xed: {  	[tilespmem:s25+$0x2A0] =	vst v8;
	v8 =	vmul.f32 v11, v14;
	v11 =	vld [tilespmem:s25+$0x310]  }
0xee: {  	[tilespmem:s25+$0x2B0] =	vst v9;
	v9 =	vmul.f32 v12, v14;
	v12 =	vld [tilespmem:s25+$0x320]  }
0xef: {  	[tilespmem:s25+$0x2C0] =	vst v8;
	v8 =	vmul.f32 v13, v14;
	v13 =	vbroadcast v1, $0x3;
	v16 =	vld [tilespmem:s25+$0x330]  }
0xf0: {  	[tilespmem:s25+$0x2D0] =	vst v9;
	v9 =	vmul.f32 v10, v14;
	v10 =	vld [tilespmem:s25+$0x340]  }
0xf1: {  	[tilespmem:s25+$0x2E0] =	vst v8;
	v8 =	vmul.f32 v15, v13;
	v14 =	vld [tilespmem:s25+$0x350]  }
0xf2: {  	[tilespmem:s25+$0x2F0] =	vst v9;
	v9 =	vmul.f32 v11, v13;
	v11 =	vld [tilespmem:s25+$0x360]  }
0xf3: {  	[tilespmem:s25+$0x300] =	vst v8;
	v8 =	vmul.f32 v12, v13;
	v12 =	vld [tilespmem:s25+$0x370]  }
0xf4: {  	[tilespmem:s25+$0x310] =	vst v9;
	v9 =	vmul.f32 v16, v13;
	v15 =	vld [tilespmem:s25+$0x380]  }
0xf5: {  	[tilespmem:s25+$0x320] =	vst v8;
	v8 =	vmul.f32 v10, v13;
	v10 =	vld [tilespmem:s25+$0x390]  }
0xf6: {  	[tilespmem:s25+$0x330] =	vst v9;
	v9 =	vmul.f32 v14, v13;
	v14 =	vld [tilespmem:s25+$0x3A0]  }
0xf7: {  	[tilespmem:s25+$0x340] =	vst v8;
	v8 =	vmul.f32 v11, v13;
	v11 =	vld [tilespmem:s25+$0x3B0]  }
0xf8: {  	[tilespmem:s25+$0x350] =	vst v9;
	v9 =	vmul.f32 v12, v13;
	v12 =	vld [tilespmem:s25+$0x3C0]  }
0xf9: {  	[tilespmem:s25+$0x360] =	vst v8;
	v8 =	vmul.f32 v15, v7;
	v13 =	vld [tilespmem:s25+$0x3D0]  }
0xfa: {  	[tilespmem:s25+$0x370] =	vst v9;
	v9 =	vmul.f32 v10, v7;
	v10 =	vld [tilespmem:s25+$0x3E0]  }
0xfb: {  	[tilespmem:s25+$0x380] =	vst v8;
	v8 =	vmul.f32 v14, v7;
	v14 =	vld [tilespmem:s25+$0x3F0]  }
0xfc: {  	[tilespmem:s25+$0x390] =	vst v9;
	v9 =	vmul.f32 v11, v7;
	v11 =	vld [tilespmem:s25+$0x400]  }
0xfd: {  	[tilespmem:s25+$0x3A0] =	vst v8;
	v8 =	vmul.f32 v12, v7;
	v12 =	vld [tilespmem:s25+$0x410]  }
0xfe: {  	[tilespmem:s25+$0x3B0] =	vst v9;
	v9 =	vmul.f32 v13, v7;
	v13 =	vld [tilespmem:s25+$0x420]  }
0xff: {  	[tilespmem:s25+$0x3C0] =	vst v8;
	v8 =	vmul.f32 v10, v7;
	v10 =	vbroadcast v1, $0x5;
	v15 =	vld [tilespmem:s25+$0x430]  }
0x100: {  	[tilespmem:s25+$0x3D0] =	vst v9;
	v7 =	vmul.f32 v14, v7;
	v9 =	vld [tilespmem:s25+$0x440]  }
0x101: {  	[tilespmem:s25+$0x3E0] =	vst v8;
	v8 =	vmul.f32 v11, v10;
	v11 =	vld [tilespmem:s25+$0x450]  }
0x102: {  	[tilespmem:s25+$0x3F0] =	vst v7;
	v7 =	vmul.f32 v12, v10;
	v12 =	vld [tilespmem:s25+$0x460]  }
0x103: {  	[tilespmem:s25+$0x400] =	vst v8;
	v8 =	vmul.f32 v13, v10;
	v13 =	vld [tilespmem:s25+$0x470]  }
0x104: {  	[tilespmem:s25+$0x410] =	vst v7;
	v7 =	vmul.f32 v15, v10;
	v14 =	vld [tilespmem:s25+$0x480]  }
0x105: {  	[tilespmem:s25+$0x420] =	vst v8;
	v8 =	vmul.f32 v9, v10;
	v9 =	vld [tilespmem:s25+$0x490]  }
0x106: {  	[tilespmem:s25+$0x430] =	vst v7;
	v7 =	vmul.f32 v11, v10;
	v11 =	vld [tilespmem:s25+$0x4A0]  }
0x107: {  	[tilespmem:s25+$0x440] =	vst v8;
	v8 =	vmul.f32 v12, v10;
	v12 =	vbroadcast v1, $0x6;
	v15 =	vld [tilespmem:s25+$0x4B0]  }
0x108: {  	[tilespmem:s25+$0x450] =	vst v7;
	v7 =	vmul.f32 v13, v10;
	v10 =	vld [tilespmem:s25+$0x4C0]  }
0x109: {  	[tilespmem:s25+$0x460] =	vst v8;
	v8 =	vmul.f32 v14, v12;
	v13 =	vld [tilespmem:s25+$0x4D0]  }
0x10a: {  	[tilespmem:s25+$0x470] =	vst v7;
	v7 =	vmul.f32 v9, v12;
	v9 =	vld [tilespmem:s25+$0x4E0]  }
0x10b: {  	[tilespmem:s25+$0x480] =	vst v8;
	v8 =	vmul.f32 v11, v12;
	v11 =	vld [tilespmem:s25+$0x4F0]  }
0x10c: {  	[tilespmem:s25+$0x490] =	vst v7;
	v7 =	vmul.f32 v15, v12;
	v14 =	vld [tilespmem:s25+$0x500]  }
0x10d: {  	[tilespmem:s25+$0x4A0] =	vst v8;
	v8 =	vmul.f32 v10, v12;
	v10 =	vld [tilespmem:s25+$0x510]  }
0x10e: {  	[tilespmem:s25+$0x4B0] =	vst v7;
	v7 =	vmul.f32 v13, v12;
	v13 =	vld [tilespmem:s25+$0x520]  }
0x10f: {  	[tilespmem:s25+$0x4C0] =	vst v8;
	v8 =	vmul.f32 v9, v12;
	v9 =	vbroadcast v1, $0x7;
	v15 =	vld [tilespmem:s25+$0x530]  }
0x110: {  	[tilespmem:s25+$0x4D0] =	vst v7;
	v7 =	vmul.f32 v11, v12;
	v11 =	vld [tilespmem:s25+$0x540]  }
0x111: {  	[tilespmem:s25+$0x4E0] =	vst v8;
	v8 =	vmul.f32 v14, v9;
	v12 =	vld [tilespmem:s25+$0x550]  }
0x112: {  	[tilespmem:s25+$0x4F0] =	vst v7;
	v7 =	vmul.f32 v10, v9;
	v10 =	vld [tilespmem:s25+$0x560]  }
0x113: {  	[tilespmem:s25+$0x500] =	vst v8;
	v8 =	vmul.f32 v13, v9;
	v13 =	vld [tilespmem:s25+$0x570]  }
0x114: {  	[tilespmem:s25+$0x510] =	vst v7;
	v7 =	vmul.f32 v15, v9;
	v14 =	vld [tilespmem:s25+$0x580]  }
0x115: {  	[tilespmem:s25+$0x520] =	vst v8;
	v8 =	vmul.f32 v11, v9;
	v11 =	vld [tilespmem:s25+$0x590]  }
0x116: {  	[tilespmem:s25+$0x530] =	vst v7;
	v7 =	vmul.f32 v12, v9;
	v12 =	vld [tilespmem:s25+$0x5A0]  }
0x117: {  	[tilespmem:s25+$0x540] =	vst v8;
	v8 =	vmul.f32 v10, v9;
	v10 =	vbroadcast v1, $0x8;
	v15 =	vld [tilespmem:s25+$0x5B0]  }
0x118: {  	[tilespmem:s25+$0x550] =	vst v7;
	v7 =	vmul.f32 v13, v9;
	v9 =	vld [tilespmem:s25+$0x5C0]  }
0x119: {  	[tilespmem:s25+$0x560] =	vst v8;
	v8 =	vmul.f32 v14, v10;
	v13 =	vld [tilespmem:s25+$0x5D0]  }
0x11a: {  	[tilespmem:s25+$0x570] =	vst v7;
	v7 =	vmul.f32 v11, v10;
	v11 =	vld [tilespmem:s25+$0x5E0]  }
0x11b: {  	[tilespmem:s25+$0x580] =	vst v8;
	v8 =	vmul.f32 v12, v10;
	v12 =	vld [tilespmem:s25+$0x5F0]  }
0x11c: {  	[tilespmem:s25+$0x590] =	vst v7;
	v7 =	vmul.f32 v15, v10;
	v14 =	vld [tilespmem:s25+$0x600]  }
0x11d: {  	[tilespmem:s25+$0x5A0] =	vst v8;
	v8 =	vmul.f32 v9, v10;
	v9 =	vld [tilespmem:s25+$0x610]  }
0x11e: {  	[tilespmem:s25+$0x5B0] =	vst v7;
	v7 =	vmul.f32 v13, v10;
	v13 =	vld [tilespmem:s25+$0x620]  }
0x11f: {  	[tilespmem:s25+$0x5C0] =	vst v8;
	v8 =	vmul.f32 v11, v10;
	v11 =	vbroadcast v1, $0x9;
	v15 =	vld [tilespmem:s25+$0x630]  }
0x120: {  	[tilespmem:s25+$0x5D0] =	vst v7;
	v7 =	vmul.f32 v12, v10;
	v10 =	vld [tilespmem:s25+$0x640]  }
0x121: {  	[tilespmem:s25+$0x5E0] =	vst v8;
	v8 =	vmul.f32 v14, v11;
	v12 =	vld [tilespmem:s25+$0x650]  }
0x122: {  	[tilespmem:s25+$0x5F0] =	vst v7;
	v7 =	vmul.f32 v9, v11;
	v9 =	vld [tilespmem:s25+$0x660]  }
0x123: {  	[tilespmem:s25+$0x600] =	vst v8;
	v8 =	vmul.f32 v13, v11;
	v13 =	vld [tilespmem:s25+$0x670]  }
0x124: {  	[tilespmem:s25+$0x610] =	vst v7;
	v7 =	vmul.f32 v15, v11;
	v14 =	vld [tilespmem:s25+$0x680]  }
0x125: {  	[tilespmem:s25+$0x620] =	vst v8;
	v8 =	vmul.f32 v10, v11;
	v10 =	vld [tilespmem:s25+$0x690]  }
0x126: {  	[tilespmem:s25+$0x630] =	vst v7;
	v7 =	vmul.f32 v12, v11;
	v12 =	vld [tilespmem:s25+$0x6A0]  }
0x127: {  	[tilespmem:s25+$0x640] =	vst v8;
	v8 =	vmul.f32 v9, v11;
	v9 =	vld [tilespmem:s25+$0x6B0]  }
0x128: {  	[tilespmem:s25+$0x650] =	vst v7;
	v7 =	vmul.f32 v13, v11;
	v11 =	vld [tilespmem:s25+$0x6C0]  }
0x129: {  	[tilespmem:s25+$0x660] =	vst v8;
	v8 =	vmul.f32 v14, v4;
	v13 =	vld [tilespmem:s25+$0x6D0]  }
0x12a: {  	[tilespmem:s25+$0x670] =	vst v7;
	v7 =	vmul.f32 v10, v4;
	v10 =	vld [tilespmem:s25+$0x6E0]  }
0x12b: {  	v14 =	vld [tilespmem:s25+$0x180];
	[tilespmem:s25+$0x680] =	vst v8;
	v8 =	vmul.f32 v12, v4  }
0x12c: {  	v12 =	vld [tilespmem:s25+$0x190];
	[tilespmem:s25+$0x690] =	vst v7;
	v7 =	vmul.f32 v9, v4  }
0x12d: {  	v9 =	vld [tilespmem:s25+$0x1C0];
	[tilespmem:s25+$0x6A0] =	vst v8;
	v8 =	vmul.f32 v11, v4  }
0x12e: {  	v11 =	vld [tilespmem:s25+$0x1D0];
	[tilespmem:s25+$0x6B0] =	vst v7;
	v7 =	vmul.f32 v13, v4  }
0x12f: {  	[tilespmem:s25+$0x6C0] =	vst v8;
	v8 =	vmul.f32 v10, v4;
	v10 =	vbroadcast v1, $0xB;
	v13 =	vld [tilespmem:s25+$0x720]  }
0x130: {  	v4 =	vbroadcast v1, $0xF;
	v14 =	vmul.f32 v2, v14;
	[tilespmem:s25+$0x6D0] =	vst v7;
	v7 =	vld [tilespmem:s25+$0x730]  }
0x131: {  	v12 =	vmul.f32 v12, v2;
	[tilespmem:s25+$0x6E0] =	vst v8;
	v5 =	vmul.f32 v5, v10;
	v8 =	vld [tilespmem:s25+$0x740]  }
0x132: {  	v6 =	vmul.f32 v6, v10;
	[tilespmem:s25+$0x180] =	vst v14;
	v9 =	vmul.f32 v9, v2;
	v14 =	vld [tilespmem:s25+$0x750]  }
0x133: {  	v3 =	vmul.f32 v3, v4;
	v11 =	vmul.f32 v11, v2;
	[tilespmem:s25+$0x700] =	vst v5;
	v2 =	vld [tilespmem:s25+$0x760]  }
0x134: {  	[tilespmem:s25+$0x710] =	vst v6;
	v5 =	vmul.f32 v13, v10;
	v6 =	vld [tilespmem:s25+$0x770]  }
0x135: {  	v7 =	vmul.f32 v7, v10;
	v13 =	vld [tilespmem:s25+$0x780];
	[tilespmem:s25+$0x950] =	vst v3  }
0x136: {  	[tilespmem:s25+$0x190] =	vst v12;
	v3 =	vmul.f32 v8, v10;
	v8 =	vld [tilespmem:s25+$0x790]  }
0x137: {  	[tilespmem:s25+$0x1C0] =	vst v9;
	v9 =	vmul.f32 v14, v10;
	v12 =	vld [tilespmem:s25+$0x7A0]  }
0x138: {  	v14 =	vbroadcast v1, $0xC;
	[tilespmem:s25+$0x720] =	vst v5;
	v5 =	vmul.f32 v2, v10;
	v15 =	vld [tilespmem:s25+$0x7B0]  }
0x139: {  	[tilespmem:s25+$0x750] =	vst v9;
	v6 =	vmul.f32 v6, v10;
	v9 =	vld [tilespmem:s25+$0x7C0]  }
0x13a: {  	[tilespmem:s25+$0x730] =	vst v7;
	v2 =	vmul.f32 v13, v14;
	v7 =	vld [tilespmem:s25+$0x7D0]  }
0x13b: {  	[tilespmem:s25+$0x740] =	vst v3;
	v3 =	vmul.f32 v8, v14;
	v8 =	vld [tilespmem:s25+$0x7E0]  }
0x13c: {  	[tilespmem:s25+$0x780] =	vst v2;
	v2 =	vmul.f32 v12, v14;
	v10 =	vld [tilespmem:s25+$0x7F0]  }
0x13d: {  	[tilespmem:s25+$0x790] =	vst v3;
	v3 =	vld [tilespmem:s25+$0x800]  }
0x13e: {  	[tilespmem:s25+$0x1D0] =	vst v11;
	v9 =	vmul.f32 v9, v14;
	v11 =	vld [tilespmem:s25+$0x810]  }
0x13f: {  	[tilespmem:s25+$0x760] =	vst v5;
	v5 =	vmul.f32 v7, v14;
	v7 =	vld [tilespmem:s25+$0x820]  }
0x140: {  	[tilespmem:s25+$0x7C0] =	vst v9;
	v8 =	vmul.f32 v8, v14;
	v9 =	vbroadcast v1, $0xD;
	v12 =	vld [tilespmem:s25+$0x830]  }
0x141: {  	[tilespmem:s25+$0x7D0] =	vst v5;
	v5 =	vmul.f32 v10, v14;
	v10 =	vld [tilespmem:s25+$0x840]  }
0x142: {  	[tilespmem:s25+$0x7E0] =	vst v8;
	v3 =	vmul.f32 v3, v9;
	v8 =	vld [tilespmem:s25+$0x850]  }
0x143: {  	[tilespmem:s25+$0x7F0] =	vst v5;
	v5 =	vmul.f32 v11, v9;
	v11 =	vld [tilespmem:s25+$0x860]  }
0x144: {  	[tilespmem:s25+$0x800] =	vst v3;
	v3 =	vmul.f32 v7, v9;
	v7 =	vld [tilespmem:s25+$0x870]  }
0x145: {  	[tilespmem:s25+$0x810] =	vst v5;
	v5 =	vmul.f32 v12, v9;
	v12 =	vld [tilespmem:s25+$0x880]  }
0x146: {  	[tilespmem:s25+$0x820] =	vst v3;
	v3 =	vmul.f32 v10, v9;
	v10 =	vld [tilespmem:s25+$0x890]  }
0x147: {  	[tilespmem:s25+$0x830] =	vst v5;
	v5 =	vmul.f32 v8, v9;
	v8 =	vld [tilespmem:s25+$0x8A0]  }
0x148: {  	v1 =	vbroadcast v1, $0xE;
	[tilespmem:s25+$0x770] =	vst v6;
	v6 =	vmul.f32 v11, v9;
	v11 =	vld [tilespmem:s25+$0x8B0]  }
0x149: {  	[tilespmem:s25+$0x850] =	vst v5;
	v5 =	vmul.f32 v7, v9;
	v7 =	vld [tilespmem:s25+$0x8C0]  }
0x14a: {  	[tilespmem:s25+$0x860] =	vst v6;
	v6 =	vmul.f32 v12, v1;
	v9 =	vld [tilespmem:s25+$0x8D0]  }
0x14b: {  	[tilespmem:s25+$0x870] =	vst v5;
	v5 =	vmul.f32 v10, v1;
	v10 =	vld [tilespmem:s25+$0x8E0]  }
0x14c: {  	[tilespmem:s25+$0x880] =	vst v6;
	v6 =	vmul.f32 v8, v1;
	v8 =	vld [tilespmem:s25+$0x8F0]  }
0x14d: {  	[tilespmem:s25+$0x890] =	vst v5;
	v5 =	vmul.f32 v11, v1;
	v11 =	vld [tilespmem:s25+$0x900]  }
0x14e: {  	[tilespmem:s25+$0x8A0] =	vst v6;
	v6 =	vmul.f32 v7, v1;
	v7 =	vld [tilespmem:s25+$0x910]  }
0x14f: {  	[tilespmem:s25+$0x8B0] =	vst v5;
	v5 =	vmul.f32 v9, v1;
	v9 =	vld [tilespmem:s25+$0x920]  }
0x150: {  	[tilespmem:s25+$0x8C0] =	vst v6;
	v6 =	vmul.f32 v10, v1;
	v10 =	vld [tilespmem:s25+$0x930]  }
0x151: {  	[tilespmem:s25+$0x840] =	vst v3;
	v1 =	vmul.f32 v8, v1;
	v3 =	vld [tilespmem:s25+$0x940]  }
0x152: {  	[tilespmem:s25+$0x8E0] =	vst v6;
	v6 =	vmul.f32 v11, v4;
	v8 =	vld [tilespmem:s25+$0x960]  }
0x153: {  	[tilespmem:s25+$0x8F0] =	vst v1;
	v1 =	vmul.f32 v7, v4;
	v7 =	vld [tilespmem:s25+$0x970]  }
0x154: {  	[tilespmem:s25+$0x900] =	vst v6;
	v6 =	vmul.f32 v9, v4  }
0x155: {  	[tilespmem:s25+$0x910] =	vst v1;
	v1 =	vmul.f32 v10, v4  }
0x156: {  	v9 =	vmul.f32 v15, v14;
	[tilespmem:s25+$0x920] =	vst v6  }
0x157: {  	[tilespmem:s25+$0x930] =	vst v1;
	v1 =	vmul.f32 v3, v4  }
.Ltmp1:
0x158: {  	[tilespmem:s25+$0x7B0] =	vst v9;
	v3 =	vmul.f32 v7, v4;
	(pc) =	sbr.rel @p0 .LBB2_5-.Ltmp1, $4  }
0x159: {  	[tilespmem:s25+$0x940] =	vst v1  }
0x15a: {  	v1 =	vmul.f32 v8, v4;
	[tilespmem:s25+$0x970] =	vst v3  }
0x15b: {  	[tilespmem:s25+$0x8D0] =	vst v5  }
0x15c: {  	[tilespmem:s25+$0x960] =	vst v1  }
0x15d: {  	[tilespmem:s25+$0x7A0] =	vst v2;
	s30 =	simm.s32 $0x0  }
0x15e: {  	[spmem:s1] =	stream.indirect.scatter.add.f32 [tilespmem:s18], [sflag:$0x2], $0x80, s30, s20, $0xb8;
	[tilespmem:$0x14180] =	vst v63  }
0x15f: {  	_ =	swait.ge [sflag:s19], $0x4000  }
0x160: {  	[sflag:s19] =	ssyncset.done $0x0  }
0x161: {  	[sflag:s19] =	ssyncadd.s32 $0xFFFFC000  }
0x162: {  	[tilespmem:s18], [sflag:$0x1] =	stream.indirect.gather [hbm4b:s7+s20], $0x80, s30, s20, $0xb8;
	[tilespmem:$0x14180] =	vst v63  }
0x163: {  	_ =	swait.ge [sflag:s22], $0x4000  }
0x164: {  	s31 =	simm.s32 $0x0;
	[sflag:s22] =	ssyncset.done $0x0  }
0x165: {  	s25 =	sand.u32 $0x3FFFFFF0, s31;
	[sflag:s22] =	ssyncadd.s32 $0xFFFFC000  }
0x166: {  	s26 =	simm.s32 $0x0;
	v1 =	vld [tilespmem:s25+$0x100]  }
0x167: {  	s25 =	sand.u32 $0x3FFFF800, s26  }
0x168: {  	v3 =	vld [tilespmem:s25+$0x1A0]  }
0x169: {  	v4 =	vld [tilespmem:s25+$0x1B0]  }
0x16a: {  	v10 =	vld [tilespmem:s25+$0x1E0]  }
0x16b: {  	v11 =	vld [tilespmem:s25+$0x1F0];
	v2 =	vbroadcast v1, $0x0  }
0x16c: {  	v12 =	vld [tilespmem:s25+$0x200]  }
0x16d: {  	v13 =	vld [tilespmem:s25+$0x210];
	v3 =	vmul.f32 v3, v2  }
0x16e: {  	v14 =	vld [tilespmem:s25+$0x220];
	v4 =	vmul.f32 v4, v2  }
0x16f: {  	v9 =	vld [tilespmem:s25+$0x230];
	v23 =	vbroadcast v1, $0x1;
	v22 =	vmul.f32 v10, v2;
	[tilespmem:s25+$0x1A0] =	vst v3  }
0x170: {  	v7 =	vld [tilespmem:s25+$0x240];
	v11 =	vmul.f32 v11, v2;
	[tilespmem:s25+$0x1B0] =	vst v4  }
0x171: {  	v8 =	vld [tilespmem:s25+$0x250];
	v12 =	vmul.f32 v12, v23;
	[tilespmem:s25+$0x1E0] =	vst v22  }
0x172: {  	v25 =	vld [tilespmem:s25+$0x270];
	v13 =	vmul.f32 v13, v23;
	[tilespmem:s25+$0x1F0] =	vst v11  }
0x173: {  	v26 =	vld [tilespmem:s25+$0x280];
	v14 =	vmul.f32 v14, v23;
	[tilespmem:s25+$0x200] =	vst v12  }
0x174: {  	v27 =	vld [tilespmem:s25+$0x290];
	v9 =	vmul.f32 v9, v23;
	[tilespmem:s25+$0x210] =	vst v13  }
0x175: {  	v6 =	vld [tilespmem:s25+$0x6F0];
	v7 =	vmul.f32 v7, v23;
	[tilespmem:s25+$0x220] =	vst v14  }
0x176: {  	v24 =	vld [tilespmem:s25+$0x260];
	v15 =	vbroadcast v1, $0x2;
	v8 =	vmul.f32 v8, v23;
	[tilespmem:s25+$0x230] =	vst v9  }
0x177: {  	v28 =	vld [tilespmem:s25+$0x2A0];
	v10 =	vmul.f32 v25, v23;
	[tilespmem:s25+$0x240] =	vst v7  }
0x178: {  	v29 =	vld [tilespmem:s25+$0x2B0];
	v5 =	vbroadcast v1, $0xA;
	v32 =	vmul.f32 v26, v15;
	[tilespmem:s25+$0x250] =	vst v8  }
0x179: {  	v30 =	vld [tilespmem:s25+$0x2C0];
	v34 =	vmul.f32 v27, v15;
	[tilespmem:s25+$0x270] =	vst v10  }
0x17a: {  	v33 =	vld [tilespmem:s25+$0x2E0];
	v3 =	vmul.f32 v6, v5;
	[tilespmem:s25+$0x280] =	vst v32  }
0x17b: {  	v35 =	vld [tilespmem:s25+$0x2F0];
	v11 =	vmul.f32 v24, v23;
	[tilespmem:s25+$0x290] =	vst v34  }
0x17c: {  	v36 =	vld [tilespmem:s25+$0x300];
	v9 =	vmul.f32 v28, v15;
	[tilespmem:s25+$0x6F0] =	vst v3  }
0x17d: {  	v31 =	vld [tilespmem:s25+$0x2D0];
	v7 =	vmul.f32 v29, v15;
	[tilespmem:s25+$0x260] =	vst v11  }
0x17e: {  	v37 =	vld [tilespmem:s25+$0x310];
	v8 =	vmul.f32 v30, v15;
	[tilespmem:s25+$0x2A0] =	vst v9  }
0x17f: {  	v38 =	vld [tilespmem:s25+$0x320];
	v41 =	vbroadcast v1, $0x3;
	v10 =	vmul.f32 v33, v15;
	[tilespmem:s25+$0x2B0] =	vst v7  }
0x180: {  	v39 =	vld [tilespmem:s25+$0x330];
	v12 =	vmul.f32 v35, v15;
	[tilespmem:s25+$0x2C0] =	vst v8  }
0x181: {  	v42 =	vld [tilespmem:s25+$0x350];
	v13 =	vmul.f32 v36, v41;
	[tilespmem:s25+$0x2E0] =	vst v10  }
0x182: {  	v43 =	vld [tilespmem:s25+$0x360];
	v11 =	vmul.f32 v31, v15;
	[tilespmem:s25+$0x2F0] =	vst v12  }
0x183: {  	v44 =	vld [tilespmem:s25+$0x370];
	v9 =	vmul.f32 v37, v41;
	[tilespmem:s25+$0x300] =	vst v13  }
0x184: {  	v40 =	vld [tilespmem:s25+$0x340];
	v7 =	vmul.f32 v38, v41;
	[tilespmem:s25+$0x2D0] =	vst v11  }
0x185: {  	v45 =	vld [tilespmem:s25+$0x380];
	v8 =	vmul.f32 v39, v41;
	[tilespmem:s25+$0x310] =	vst v9  }
0x186: {  	v46 =	vld [tilespmem:s25+$0x390];
	v10 =	vmul.f32 v42, v41;
	[tilespmem:s25+$0x320] =	vst v7  }
0x187: {  	v47 =	vld [tilespmem:s25+$0x3A0];
	v12 =	vmul.f32 v43, v41;
	[tilespmem:s25+$0x330] =	vst v8  }
0x188: {  	v49 =	vld [tilespmem:s25+$0x3C0];
	v50 =	vbroadcast v1, $0x4;
	v13 =	vmul.f32 v44, v41;
	[tilespmem:s25+$0x350] =	vst v10  }
0x189: {  	v51 =	vld [tilespmem:s25+$0x3D0];
	v11 =	vmul.f32 v40, v41;
	[tilespmem:s25+$0x360] =	vst v12  }
0x18a: {  	v52 =	vld [tilespmem:s25+$0x3E0];
	v9 =	vmul.f32 v45, v50;
	[tilespmem:s25+$0x370] =	vst v13  }
0x18b: {  	v48 =	vld [tilespmem:s25+$0x3B0];
	v7 =	vmul.f32 v46, v50;
	[tilespmem:s25+$0x340] =	vst v11  }
0x18c: {  	v53 =	vld [tilespmem:s25+$0x3F0];
	v8 =	vmul.f32 v47, v50;
	[tilespmem:s25+$0x380] =	vst v9  }
0x18d: {  	v54 =	vld [tilespmem:s25+$0x400];
	v10 =	vmul.f32 v49, v50;
	[tilespmem:s25+$0x390] =	vst v7  }
0x18e: {  	v55 =	vld [tilespmem:s25+$0x410];
	v12 =	vmul.f32 v51, v50;
	[tilespmem:s25+$0x3A0] =	vst v8  }
0x18f: {  	v57 =	vld [tilespmem:s25+$0x430];
	v13 =	vmul.f32 v52, v50;
	[tilespmem:s25+$0x3C0] =	vst v10  }
0x190: {  	v58 =	vld [tilespmem:s25+$0x440];
	v59 =	vbroadcast v1, $0x5;
	v11 =	vmul.f32 v48, v50;
	[tilespmem:s25+$0x3D0] =	vst v12  }
0x191: {  	v60 =	vld [tilespmem:s25+$0x450];
	v9 =	vmul.f32 v53, v50;
	[tilespmem:s25+$0x3E0] =	vst v13  }
0x192: {  	v56 =	vld [tilespmem:s25+$0x420];
	v7 =	vmul.f32 v54, v59;
	[tilespmem:s25+$0x3B0] =	vst v11  }
0x193: {  	v61 =	vld [tilespmem:s25+$0x460];
	v8 =	vmul.f32 v55, v59;
	[tilespmem:s25+$0x3F0] =	vst v9  }
0x194: {  	v62 =	vld [tilespmem:s25+$0x470];
	v10 =	vmul.f32 v57, v59;
	[tilespmem:s25+$0x400] =	vst v7  }
0x195: {  	v63 =	vld [tilespmem:s25+$0x480];
	v12 =	vmul.f32 v58, v59;
	[tilespmem:s25+$0x410] =	vst v8  }
0x196: {  	v19 =	vld [tilespmem:s25+$0x4A0];
	v13 =	vmul.f32 v60, v59;
	[tilespmem:s25+$0x430] =	vst v10  }
0x197: {  	v20 =	vld [tilespmem:s25+$0x4B0];
	v11 =	vmul.f32 v56, v59;
	[tilespmem:s25+$0x440] =	vst v12  }
0x198: {  	v21 =	vld [tilespmem:s25+$0x4C0];
	v22 =	vbroadcast v1, $0x6;
	v9 =	vmul.f32 v61, v59;
	[tilespmem:s25+$0x450] =	vst v13  }
0x199: {  	v18 =	vld [tilespmem:s25+$0x490];
	v7 =	vmul.f32 v62, v59;
	[tilespmem:s25+$0x420] =	vst v11  }
0x19a: {  	v23 =	vld [tilespmem:s25+$0x4D0];
	v8 =	vmul.f32 v63, v22;
	[tilespmem:s25+$0x460] =	vst v9  }
0x19b: {  	v24 =	vld [tilespmem:s25+$0x4E0];
	v10 =	vmul.f32 v19, v22;
	[tilespmem:s25+$0x470] =	vst v7  }
0x19c: {  	v25 =	vld [tilespmem:s25+$0x4F0];
	v12 =	vmul.f32 v20, v22;
	[tilespmem:s25+$0x480] =	vst v8  }
0x19d: {  	v27 =	vld [tilespmem:s25+$0x510];
	v13 =	vmul.f32 v21, v22;
	[tilespmem:s25+$0x4A0] =	vst v10  }
0x19e: {  	v28 =	vld [tilespmem:s25+$0x520];
	v11 =	vmul.f32 v18, v22;
	[tilespmem:s25+$0x4B0] =	vst v12  }
0x19f: {  	v29 =	vld [tilespmem:s25+$0x530];
	v9 =	vmul.f32 v23, v22;
	[tilespmem:s25+$0x4C0] =	vst v13  }
0x1a0: {  	v31 =	vbroadcast v1, $0x7;
	v53 =	vld [tilespmem:s25+$0x680];
	v7 =	vmul.f32 v24, v22;
	[tilespmem:s25+$0x490] =	vst v11  }
0x1a1: {  	v57 =	vld [tilespmem:s25+$0x6C0];
	v8 =	vmul.f32 v25, v22;
	[tilespmem:s25+$0x4D0] =	vst v9  }
0x1a2: {  	v58 =	vld [tilespmem:s25+$0x6D0];
	v10 =	vmul.f32 v27, v31;
	[tilespmem:s25+$0x4E0] =	vst v7  }
0x1a3: {  	v26 =	vld [tilespmem:s25+$0x500];
	v12 =	vmul.f32 v28, v31;
	[tilespmem:s25+$0x4F0] =	vst v8  }
0x1a4: {  	v30 =	vld [tilespmem:s25+$0x540];
	v13 =	vmul.f32 v29, v31;
	[tilespmem:s25+$0x510] =	vst v10  }
0x1a5: {  	v32 =	vld [tilespmem:s25+$0x550];
	v59 =	vmul.f32 v53, v5;
	[tilespmem:s25+$0x520] =	vst v12  }
0x1a6: {  	v33 =	vld [tilespmem:s25+$0x560];
	v18 =	vmul.f32 v57, v5;
	[tilespmem:s25+$0x530] =	vst v13  }
0x1a7: {  	v35 =	vld [tilespmem:s25+$0x580];
	v20 =	vmul.f32 v58, v5;
	[tilespmem:s25+$0x680] =	vst v59  }
0x1a8: {  	v36 =	vld [tilespmem:s25+$0x590];
	v11 =	vmul.f32 v26, v31;
	[tilespmem:s25+$0x6C0] =	vst v18  }
0x1a9: {  	v37 =	vld [tilespmem:s25+$0x5A0];
	v9 =	vmul.f32 v30, v31;
	[tilespmem:s25+$0x6D0] =	vst v20  }
0x1aa: {  	v4 =	vld [tilespmem:s25+$0x700];
	v40 =	vbroadcast v1, $0x8;
	v7 =	vmul.f32 v32, v31;
	[tilespmem:s25+$0x500] =	vst v11  }
0x1ab: {  	v6 =	vld [tilespmem:s25+$0x710];
	v8 =	vmul.f32 v33, v31;
	[tilespmem:s25+$0x540] =	vst v9  }
0x1ac: {  	v3 =	vld [tilespmem:s25+$0x950];
	v10 =	vmul.f32 v35, v40;
	[tilespmem:s25+$0x550] =	vst v7  }
0x1ad: {  	v61 =	vld [tilespmem:s25+$0x180];
	v23 =	vbroadcast v1, $0xB;
	v12 =	vmul.f32 v36, v40;
	[tilespmem:s25+$0x560] =	vst v8  }
0x1ae: {  	v34 =	vld [tilespmem:s25+$0x570];
	v13 =	vmul.f32 v37, v40;
	[tilespmem:s25+$0x580] =	vst v10  }
0x1af: {  	v38 =	vld [tilespmem:s25+$0x5B0];
	v27 =	vbroadcast v1, $0xF;
	v4 =	vmul.f32 v4, v23;
	[tilespmem:s25+$0x590] =	vst v12  }
0x1b0: {  	v39 =	vld [tilespmem:s25+$0x5C0];
	v6 =	vmul.f32 v6, v23;
	[tilespmem:s25+$0x5A0] =	vst v13  }
0x1b1: {  	v41 =	vld [tilespmem:s25+$0x5D0];
	v3 =	vmul.f32 v3, v27;
	[tilespmem:s25+$0x700] =	vst v4  }
0x1b2: {  	v43 =	vld [tilespmem:s25+$0x5F0];
	v24 =	vmul.f32 v2, v61;
	[tilespmem:s25+$0x710] =	vst v6  }
0x1b3: {  	v44 =	vld [tilespmem:s25+$0x600];
	v11 =	vmul.f32 v34, v31;
	[tilespmem:s25+$0x950] =	vst v3  }
0x1b4: {  	v45 =	vld [tilespmem:s25+$0x610];
	v9 =	vmul.f32 v38, v40;
	[tilespmem:s25+$0x180] =	vst v24  }
0x1b5: {  	v63 =	vld [tilespmem:s25+$0x1C0];
	v7 =	vmul.f32 v39, v40;
	[tilespmem:s25+$0x570] =	vst v11  }
0x1b6: {  	v49 =	vbroadcast v1, $0x9;
	v29 =	vld [tilespmem:s25+$0x770];
	v8 =	vmul.f32 v41, v40;
	[tilespmem:s25+$0x5B0] =	vst v9  }
0x1b7: {  	v42 =	vld [tilespmem:s25+$0x5E0];
	v10 =	vmul.f32 v43, v40;
	[tilespmem:s25+$0x5C0] =	vst v7  }
0x1b8: {  	v46 =	vld [tilespmem:s25+$0x620];
	v12 =	vmul.f32 v44, v49;
	[tilespmem:s25+$0x5D0] =	vst v8  }
0x1b9: {  	v47 =	vld [tilespmem:s25+$0x630];
	v13 =	vmul.f32 v45, v49;
	[tilespmem:s25+$0x5F0] =	vst v10  }
0x1ba: {  	v48 =	vld [tilespmem:s25+$0x640];
	v3 =	vmul.f32 v63, v2;
	[tilespmem:s25+$0x600] =	vst v12  }
0x1bb: {  	v51 =	vld [tilespmem:s25+$0x660];
	v6 =	vmul.f32 v29, v23;
	[tilespmem:s25+$0x610] =	vst v13  }
0x1bc: {  	v52 =	vld [tilespmem:s25+$0x670];
	v11 =	vmul.f32 v42, v40;
	[tilespmem:s25+$0x1C0] =	vst v3  }
0x1bd: {  	v28 =	vld [tilespmem:s25+$0x760];
	v9 =	vmul.f32 v46, v49;
	[tilespmem:s25+$0x770] =	vst v6  }
0x1be: {  	v26 =	vld [tilespmem:s25+$0x750];
	v7 =	vmul.f32 v47, v49;
	[tilespmem:s25+$0x5E0] =	vst v11  }
0x1bf: {  	v30 =	vld [tilespmem:s25+$0x780];
	v8 =	vmul.f32 v48, v49;
	[tilespmem:s25+$0x620] =	vst v9  }
0x1c0: {  	v50 =	vld [tilespmem:s25+$0x650];
	v10 =	vmul.f32 v51, v49;
	[tilespmem:s25+$0x630] =	vst v7  }
0x1c1: {  	v54 =	vld [tilespmem:s25+$0x690];
	v12 =	vmul.f32 v52, v49;
	[tilespmem:s25+$0x640] =	vst v8  }
0x1c2: {  	v55 =	vld [tilespmem:s25+$0x6A0];
	v35 =	vbroadcast v1, $0xC;
	v40 =	vmul.f32 v28, v23;
	[tilespmem:s25+$0x660] =	vst v10  }
0x1c3: {  	v56 =	vld [tilespmem:s25+$0x6B0];
	v32 =	vmul.f32 v26, v23;
	[tilespmem:s25+$0x670] =	vst v12  }
0x1c4: {  	v60 =	vld [tilespmem:s25+$0x6E0];
	v15 =	vmul.f32 v30, v35;
	[tilespmem:s25+$0x760] =	vst v40  }
0x1c5: {  	v62 =	vld [tilespmem:s25+$0x190];
	v11 =	vmul.f32 v50, v49;
	[tilespmem:s25+$0x750] =	vst v32  }
0x1c6: {  	v19 =	vld [tilespmem:s25+$0x1D0];
	v9 =	vmul.f32 v54, v5;
	[tilespmem:s25+$0x780] =	vst v15  }
0x1c7: {  	v33 =	vld [tilespmem:s25+$0x7B0];
	v7 =	vmul.f32 v55, v5;
	[tilespmem:s25+$0x650] =	vst v11  }
0x1c8: {  	v61 =	vld [tilespmem:s25+$0x970];
	v8 =	vmul.f32 v56, v5;
	[tilespmem:s25+$0x690] =	vst v9  }
0x1c9: {  	v38 =	vld [tilespmem:s25+$0x7F0];
	v5 =	vmul.f32 v60, v5;
	[tilespmem:s25+$0x6A0] =	vst v7  }
0x1ca: {  	v21 =	vld [tilespmem:s25+$0x720];
	v12 =	vmul.f32 v62, v2;
	[tilespmem:s25+$0x6B0] =	vst v8  }
0x1cb: {  	v22 =	vld [tilespmem:s25+$0x730];
	v2 =	vmul.f32 v19, v2;
	[tilespmem:s25+$0x6E0] =	vst v5  }
0x1cc: {  	v25 =	vld [tilespmem:s25+$0x740];
	v62 =	vmul.f32 v33, v35;
	[tilespmem:s25+$0x190] =	vst v12  }
0x1cd: {  	v31 =	vld [tilespmem:s25+$0x790];
	v63 =	vmul.f32 v61, v27;
	[tilespmem:s25+$0x1D0] =	vst v2  }
0x1ce: {  	v34 =	vld [tilespmem:s25+$0x7C0];
	v15 =	vmul.f32 v38, v35;
	[tilespmem:s25+$0x7B0] =	vst v62  }
0x1cf: {  	v41 =	vld [tilespmem:s25+$0x820];
	v7 =	vmul.f32 v21, v23;
	[tilespmem:s25+$0x970] =	vst v63  }
0x1d0: {  	v46 =	vld [tilespmem:s25+$0x860];
	v8 =	vmul.f32 v22, v23;
	[tilespmem:s25+$0x7F0] =	vst v15  }
0x1d1: {  	v36 =	vld [tilespmem:s25+$0x7D0];
	v5 =	vmul.f32 v25, v23;
	[tilespmem:s25+$0x720] =	vst v7  }
0x1d2: {  	v44 =	vbroadcast v1, $0xD;
	v9 =	vmul.f32 v31, v35;
	v2 =	vld [tilespmem:s25+$0x810];
	[tilespmem:s25+$0x730] =	vst v8  }
0x1d3: {  	v37 =	vld [tilespmem:s25+$0x7E0];
	v12 =	vmul.f32 v34, v35;
	[tilespmem:s25+$0x740] =	vst v5  }
0x1d4: {  	v39 =	vld [tilespmem:s25+$0x800];
	v11 =	vmul.f32 v41, v44;
	[tilespmem:s25+$0x790] =	vst v9  }
0x1d5: {  	v42 =	vld [tilespmem:s25+$0x830];
	v51 =	vmul.f32 v46, v44;
	[tilespmem:s25+$0x7C0] =	vst v12  }
0x1d6: {  	v48 =	vld [tilespmem:s25+$0x890];
	v8 =	vmul.f32 v36, v35;
	[tilespmem:s25+$0x820] =	vst v11  }
0x1d7: {  	v49 =	vld [tilespmem:s25+$0x8A0];
	[tilespmem:s25+$0x860] =	vst v51;
	v2 =	vmul.f32 v2, v44  }
0x1d8: {  	v50 =	vld [tilespmem:s25+$0x8B0];
	v5 =	vmul.f32 v37, v35;
	[tilespmem:s25+$0x7D0] =	vst v8  }
0x1d9: {  	v1 =	vbroadcast v1, $0xE;
	v9 =	vmul.f32 v39, v44;
	[tilespmem:s25+$0x810] =	vst v2;
	v2 =	vld [tilespmem:s25+$0x880]  }
0x1da: {  	v60 =	vld [tilespmem:s25+$0x960];
	v12 =	vmul.f32 v42, v44;
	[tilespmem:s25+$0x7E0] =	vst v5  }
0x1db: {  	v45 =	vld [tilespmem:s25+$0x850];
	v11 =	vmul.f32 v48, v1;
	[tilespmem:s25+$0x800] =	vst v9  }
0x1dc: {  	v47 =	vld [tilespmem:s25+$0x870];
	v10 =	vmul.f32 v49, v1;
	[tilespmem:s25+$0x830] =	vst v12  }
0x1dd: {  	v43 =	vld [tilespmem:s25+$0x840];
	v6 =	vmul.f32 v50, v1;
	[tilespmem:s25+$0x890] =	vst v11  }
0x1de: {  	v55 =	vld [tilespmem:s25+$0x900];
	[tilespmem:s25+$0x8A0] =	vst v10;
	v2 =	vmul.f32 v2, v1  }
0x1df: {  	v57 =	vld [tilespmem:s25+$0x920];
	v4 =	vmul.f32 v60, v27;
	[tilespmem:s25+$0x8B0] =	vst v6  }
0x1e0: {  	v5 =	vmul.f32 v45, v44;
	[tilespmem:s25+$0x880] =	vst v2;
	v2 =	vld [tilespmem:s25+$0x8F0]  }
0x1e1: {  	v52 =	vld [tilespmem:s25+$0x8C0];
	v9 =	vmul.f32 v47, v44;
	[tilespmem:s25+$0x960] =	vst v4  }
0x1e2: {  	v56 =	vld [tilespmem:s25+$0x910];
	v8 =	vmul.f32 v43, v44;
	[tilespmem:s25+$0x850] =	vst v5  }
0x1e3: {  	v54 =	vld [tilespmem:s25+$0x8E0];
	v11 =	vmul.f32 v55, v27;
	[tilespmem:s25+$0x870] =	vst v9  }
0x1e4: {  	v58 =	vld [tilespmem:s25+$0x930];
	v6 =	vmul.f32 v57, v27;
	[tilespmem:s25+$0x840] =	vst v8  }
0x1e5: {  	v53 =	vld [tilespmem:s25+$0x8D0];
	[tilespmem:s25+$0x900] =	vst v11;
	v2 =	vmul.f32 v2, v1  }
0x1e6: {  	v59 =	vld [tilespmem:s25+$0x940];
	v5 =	vmul.f32 v52, v1;
	[tilespmem:s25+$0x920] =	vst v6  }
0x1e7: {  	[tilespmem:s25+$0x8F0] =	vst v2;
	v2 =	vmul.f32 v56, v27  }
0x1e8: {  	v3 =	vld [tilespmem:s25+$0x7A0];
	v9 =	vmul.f32 v54, v1;
	[tilespmem:s25+$0x8C0] =	vst v5  }
0x1e9: {  	[tilespmem:s25+$0x910] =	vst v2;
	v2 =	vmul.f32 v58, v27  }
0x1ea: {  	[tilespmem:s25+$0x8E0] =	vst v9;
	v1 =	vmul.f32 v53, v1  }
0x1eb: {  	[tilespmem:s25+$0x930] =	vst v2;
	v2 =	vmul.f32 v59, v27  }
0x1ec: {  	[tilespmem:s25+$0x8D0] =	vst v1  }
0x1ed: {  	s26 =	simm.s32 $0x1;
	[tilespmem:s25+$0x940] =	vst v2;
	v2 =	vmul.f32 v3, v35  }
.LBB2_7:
0x1ee: {  	s28 =	sshll.u32 s26, $0x4  }
0x1ef: {  	p0 =	sne.s32 s26, $0x7;
	[tilespmem:s25+$0x7A0] =	vst v2;
	s25 =	smov.u32 s26;
	s26 =	sadd.s32 $0x1, s26  }
0x1f0: {  	s28 =	sand.u32 $0x3FFFFFF0, s28  }
0x1f1: {  	s25 =	sshll.u32 s25, $0xB;
	v1 =	vld [tilespmem:s28+$0x100]  }
0x1f2: {  	s25 =	sand.u32 $0x3FFFF800, s25  }
0x1f3: {  	v8 =	vld [tilespmem:s25+$0x240]  }
0x1f4: {  	v9 =	vld [tilespmem:s25+$0x250]  }
0x1f5: {  	v10 =	vld [tilespmem:s25+$0x230]  }
0x1f6: {  	v2 =	vbroadcast v1, $0x0;
	v3 =	vld [tilespmem:s25+$0x1A0];
	v7 =	vbroadcast v1, $0x4  }
0x1f7: {  	v5 =	vld [tilespmem:s25+$0x1B0]  }
0x1f8: {  	v6 =	vld [tilespmem:s25+$0x6F0]  }
0x1f9: {  	v11 =	vld [tilespmem:s25+$0x1E0]  }
0x1fa: {  	v12 =	vld [tilespmem:s25+$0x1F0]  }
0x1fb: {  	v4 =	vbroadcast v1, $0xA;
	v3 =	vmul.f32 v3, v2;
	v13 =	vld [tilespmem:s25+$0x200]  }
0x1fc: {  	v5 =	vmul.f32 v5, v2;
	v14 =	vld [tilespmem:s25+$0x210]  }
0x1fd: {  	[tilespmem:s25+$0x1A0] =	vst v3;
	v15 =	vld [tilespmem:s25+$0x220];
	v3 =	vmul.f32 v6, v4  }
0x1fe: {  	[tilespmem:s25+$0x1B0] =	vst v5;
	v6 =	vmul.f32 v11, v2;
	v11 =	vbroadcast v1, $0x1;
	v5 =	vld [tilespmem:s25+$0x700]  }
0x1ff: {  	v12 =	vmul.f32 v12, v2;
	[tilespmem:s25+$0x6F0] =	vst v3;
	v3 =	vld [tilespmem:s25+$0x950]  }
0x200: {  	[tilespmem:s25+$0x1E0] =	vst v6;
	v13 =	vmul.f32 v13, v11;
	v6 =	vld [tilespmem:s25+$0x710]  }
0x201: {  	[tilespmem:s25+$0x1F0] =	vst v12;
	v12 =	vmul.f32 v14, v11;
	v14 =	vld [tilespmem:s25+$0x260]  }
0x202: {  	[tilespmem:s25+$0x200] =	vst v13;
	v13 =	vmul.f32 v15, v11;
	v15 =	vld [tilespmem:s25+$0x270]  }
0x203: {  	v10 =	vmul.f32 v10, v11;
	[tilespmem:s25+$0x210] =	vst v12;
	v12 =	vld [tilespmem:s25+$0x280]  }
0x204: {  	v8 =	vmul.f32 v8, v11;
	[tilespmem:s25+$0x220] =	vst v13;
	v13 =	vld [tilespmem:s25+$0x290]  }
0x205: {  	v9 =	vmul.f32 v9, v11;
	[tilespmem:s25+$0x230] =	vst v10;
	v10 =	vld [tilespmem:s25+$0x2A0]  }
0x206: {  	[tilespmem:s25+$0x240] =	vst v8;
	v8 =	vmul.f32 v14, v11;
	v14 =	vbroadcast v1, $0x2;
	v16 =	vld [tilespmem:s25+$0x2B0]  }
0x207: {  	[tilespmem:s25+$0x250] =	vst v9;
	v9 =	vmul.f32 v15, v11;
	v11 =	vld [tilespmem:s25+$0x2C0]  }
0x208: {  	[tilespmem:s25+$0x260] =	vst v8;
	v8 =	vmul.f32 v12, v14;
	v12 =	vld [tilespmem:s25+$0x2D0]  }
0x209: {  	[tilespmem:s25+$0x270] =	vst v9;
	v9 =	vmul.f32 v13, v14;
	v13 =	vld [tilespmem:s25+$0x2E0]  }
0x20a: {  	[tilespmem:s25+$0x280] =	vst v8;
	v8 =	vmul.f32 v10, v14;
	v10 =	vld [tilespmem:s25+$0x2F0]  }
0x20b: {  	[tilespmem:s25+$0x290] =	vst v9;
	v9 =	vmul.f32 v16, v14;
	v15 =	vld [tilespmem:s25+$0x300]  }
0x20c: {  	[tilespmem:s25+$0x2A0] =	vst v8;
	v8 =	vmul.f32 v11, v14;
	v11 =	vld [tilespmem:s25+$0x310]  }
0x20d: {  	[tilespmem:s25+$0x2B0] =	vst v9;
	v9 =	vmul.f32 v12, v14;
	v12 =	vld [tilespmem:s25+$0x320]  }
0x20e: {  	[tilespmem:s25+$0x2C0] =	vst v8;
	v8 =	vmul.f32 v13, v14;
	v13 =	vbroadcast v1, $0x3;
	v16 =	vld [tilespmem:s25+$0x330]  }
0x20f: {  	[tilespmem:s25+$0x2D0] =	vst v9;
	v9 =	vmul.f32 v10, v14;
	v10 =	vld [tilespmem:s25+$0x340]  }
0x210: {  	[tilespmem:s25+$0x2E0] =	vst v8;
	v8 =	vmul.f32 v15, v13;
	v14 =	vld [tilespmem:s25+$0x350]  }
0x211: {  	[tilespmem:s25+$0x2F0] =	vst v9;
	v9 =	vmul.f32 v11, v13;
	v11 =	vld [tilespmem:s25+$0x360]  }
0x212: {  	[tilespmem:s25+$0x300] =	vst v8;
	v8 =	vmul.f32 v12, v13;
	v12 =	vld [tilespmem:s25+$0x370]  }
0x213: {  	[tilespmem:s25+$0x310] =	vst v9;
	v9 =	vmul.f32 v16, v13;
	v15 =	vld [tilespmem:s25+$0x380]  }
0x214: {  	[tilespmem:s25+$0x320] =	vst v8;
	v8 =	vmul.f32 v10, v13;
	v10 =	vld [tilespmem:s25+$0x390]  }
0x215: {  	[tilespmem:s25+$0x330] =	vst v9;
	v9 =	vmul.f32 v14, v13;
	v14 =	vld [tilespmem:s25+$0x3A0]  }
0x216: {  	[tilespmem:s25+$0x340] =	vst v8;
	v8 =	vmul.f32 v11, v13;
	v11 =	vld [tilespmem:s25+$0x3B0]  }
0x217: {  	[tilespmem:s25+$0x350] =	vst v9;
	v9 =	vmul.f32 v12, v13;
	v12 =	vld [tilespmem:s25+$0x3C0]  }
0x218: {  	[tilespmem:s25+$0x360] =	vst v8;
	v8 =	vmul.f32 v15, v7;
	v13 =	vld [tilespmem:s25+$0x3D0]  }
0x219: {  	[tilespmem:s25+$0x370] =	vst v9;
	v9 =	vmul.f32 v10, v7;
	v10 =	vld [tilespmem:s25+$0x3E0]  }
0x21a: {  	[tilespmem:s25+$0x380] =	vst v8;
	v8 =	vmul.f32 v14, v7;
	v14 =	vld [tilespmem:s25+$0x3F0]  }
0x21b: {  	[tilespmem:s25+$0x390] =	vst v9;
	v9 =	vmul.f32 v11, v7;
	v11 =	vld [tilespmem:s25+$0x400]  }
0x21c: {  	[tilespmem:s25+$0x3A0] =	vst v8;
	v8 =	vmul.f32 v12, v7;
	v12 =	vld [tilespmem:s25+$0x410]  }
0x21d: {  	[tilespmem:s25+$0x3B0] =	vst v9;
	v9 =	vmul.f32 v13, v7;
	v13 =	vld [tilespmem:s25+$0x420]  }
0x21e: {  	[tilespmem:s25+$0x3C0] =	vst v8;
	v8 =	vmul.f32 v10, v7;
	v10 =	vbroadcast v1, $0x5;
	v15 =	vld [tilespmem:s25+$0x430]  }
0x21f: {  	[tilespmem:s25+$0x3D0] =	vst v9;
	v7 =	vmul.f32 v14, v7;
	v9 =	vld [tilespmem:s25+$0x440]  }
0x220: {  	[tilespmem:s25+$0x3E0] =	vst v8;
	v8 =	vmul.f32 v11, v10;
	v11 =	vld [tilespmem:s25+$0x450]  }
0x221: {  	[tilespmem:s25+$0x3F0] =	vst v7;
	v7 =	vmul.f32 v12, v10;
	v12 =	vld [tilespmem:s25+$0x460]  }
0x222: {  	[tilespmem:s25+$0x400] =	vst v8;
	v8 =	vmul.f32 v13, v10;
	v13 =	vld [tilespmem:s25+$0x470]  }
0x223: {  	[tilespmem:s25+$0x410] =	vst v7;
	v7 =	vmul.f32 v15, v10;
	v14 =	vld [tilespmem:s25+$0x480]  }
0x224: {  	[tilespmem:s25+$0x420] =	vst v8;
	v8 =	vmul.f32 v9, v10;
	v9 =	vld [tilespmem:s25+$0x490]  }
0x225: {  	[tilespmem:s25+$0x430] =	vst v7;
	v7 =	vmul.f32 v11, v10;
	v11 =	vld [tilespmem:s25+$0x4A0]  }
0x226: {  	[tilespmem:s25+$0x440] =	vst v8;
	v8 =	vmul.f32 v12, v10;
	v12 =	vbroadcast v1, $0x6;
	v15 =	vld [tilespmem:s25+$0x4B0]  }
0x227: {  	[tilespmem:s25+$0x450] =	vst v7;
	v7 =	vmul.f32 v13, v10;
	v10 =	vld [tilespmem:s25+$0x4C0]  }
0x228: {  	[tilespmem:s25+$0x460] =	vst v8;
	v8 =	vmul.f32 v14, v12;
	v13 =	vld [tilespmem:s25+$0x4D0]  }
0x229: {  	[tilespmem:s25+$0x470] =	vst v7;
	v7 =	vmul.f32 v9, v12;
	v9 =	vld [tilespmem:s25+$0x4E0]  }
0x22a: {  	[tilespmem:s25+$0x480] =	vst v8;
	v8 =	vmul.f32 v11, v12;
	v11 =	vld [tilespmem:s25+$0x4F0]  }
0x22b: {  	[tilespmem:s25+$0x490] =	vst v7;
	v7 =	vmul.f32 v15, v12;
	v14 =	vld [tilespmem:s25+$0x500]  }
0x22c: {  	[tilespmem:s25+$0x4A0] =	vst v8;
	v8 =	vmul.f32 v10, v12;
	v10 =	vld [tilespmem:s25+$0x510]  }
0x22d: {  	[tilespmem:s25+$0x4B0] =	vst v7;
	v7 =	vmul.f32 v13, v12;
	v13 =	vld [tilespmem:s25+$0x520]  }
0x22e: {  	[tilespmem:s25+$0x4C0] =	vst v8;
	v8 =	vmul.f32 v9, v12;
	v9 =	vbroadcast v1, $0x7;
	v15 =	vld [tilespmem:s25+$0x530]  }
0x22f: {  	[tilespmem:s25+$0x4D0] =	vst v7;
	v7 =	vmul.f32 v11, v12;
	v11 =	vld [tilespmem:s25+$0x540]  }
0x230: {  	[tilespmem:s25+$0x4E0] =	vst v8;
	v8 =	vmul.f32 v14, v9;
	v12 =	vld [tilespmem:s25+$0x550]  }
0x231: {  	[tilespmem:s25+$0x4F0] =	vst v7;
	v7 =	vmul.f32 v10, v9;
	v10 =	vld [tilespmem:s25+$0x560]  }
0x232: {  	[tilespmem:s25+$0x500] =	vst v8;
	v8 =	vmul.f32 v13, v9;
	v13 =	vld [tilespmem:s25+$0x570]  }
0x233: {  	[tilespmem:s25+$0x510] =	vst v7;
	v7 =	vmul.f32 v15, v9;
	v14 =	vld [tilespmem:s25+$0x580]  }
0x234: {  	[tilespmem:s25+$0x520] =	vst v8;
	v8 =	vmul.f32 v11, v9;
	v11 =	vld [tilespmem:s25+$0x590]  }
0x235: {  	[tilespmem:s25+$0x530] =	vst v7;
	v7 =	vmul.f32 v12, v9;
	v12 =	vld [tilespmem:s25+$0x5A0]  }
0x236: {  	[tilespmem:s25+$0x540] =	vst v8;
	v8 =	vmul.f32 v10, v9;
	v10 =	vbroadcast v1, $0x8;
	v15 =	vld [tilespmem:s25+$0x5B0]  }
0x237: {  	[tilespmem:s25+$0x550] =	vst v7;
	v7 =	vmul.f32 v13, v9;
	v9 =	vld [tilespmem:s25+$0x5C0]  }
0x238: {  	[tilespmem:s25+$0x560] =	vst v8;
	v8 =	vmul.f32 v14, v10;
	v13 =	vld [tilespmem:s25+$0x5D0]  }
0x239: {  	[tilespmem:s25+$0x570] =	vst v7;
	v7 =	vmul.f32 v11, v10;
	v11 =	vld [tilespmem:s25+$0x5E0]  }
0x23a: {  	[tilespmem:s25+$0x580] =	vst v8;
	v8 =	vmul.f32 v12, v10;
	v12 =	vld [tilespmem:s25+$0x5F0]  }
0x23b: {  	[tilespmem:s25+$0x590] =	vst v7;
	v7 =	vmul.f32 v15, v10;
	v14 =	vld [tilespmem:s25+$0x600]  }
0x23c: {  	[tilespmem:s25+$0x5A0] =	vst v8;
	v8 =	vmul.f32 v9, v10;
	v9 =	vld [tilespmem:s25+$0x610]  }
0x23d: {  	[tilespmem:s25+$0x5B0] =	vst v7;
	v7 =	vmul.f32 v13, v10;
	v13 =	vld [tilespmem:s25+$0x620]  }
0x23e: {  	[tilespmem:s25+$0x5C0] =	vst v8;
	v8 =	vmul.f32 v11, v10;
	v11 =	vbroadcast v1, $0x9;
	v15 =	vld [tilespmem:s25+$0x630]  }
0x23f: {  	[tilespmem:s25+$0x5D0] =	vst v7;
	v7 =	vmul.f32 v12, v10;
	v10 =	vld [tilespmem:s25+$0x640]  }
0x240: {  	[tilespmem:s25+$0x5E0] =	vst v8;
	v8 =	vmul.f32 v14, v11;
	v12 =	vld [tilespmem:s25+$0x650]  }
0x241: {  	[tilespmem:s25+$0x5F0] =	vst v7;
	v7 =	vmul.f32 v9, v11;
	v9 =	vld [tilespmem:s25+$0x660]  }
0x242: {  	[tilespmem:s25+$0x600] =	vst v8;
	v8 =	vmul.f32 v13, v11;
	v13 =	vld [tilespmem:s25+$0x670]  }
0x243: {  	[tilespmem:s25+$0x610] =	vst v7;
	v7 =	vmul.f32 v15, v11;
	v14 =	vld [tilespmem:s25+$0x680]  }
0x244: {  	[tilespmem:s25+$0x620] =	vst v8;
	v8 =	vmul.f32 v10, v11;
	v10 =	vld [tilespmem:s25+$0x690]  }
0x245: {  	[tilespmem:s25+$0x630] =	vst v7;
	v7 =	vmul.f32 v12, v11;
	v12 =	vld [tilespmem:s25+$0x6A0]  }
0x246: {  	[tilespmem:s25+$0x640] =	vst v8;
	v8 =	vmul.f32 v9, v11;
	v9 =	vld [tilespmem:s25+$0x6B0]  }
0x247: {  	[tilespmem:s25+$0x650] =	vst v7;
	v7 =	vmul.f32 v13, v11;
	v11 =	vld [tilespmem:s25+$0x6C0]  }
0x248: {  	[tilespmem:s25+$0x660] =	vst v8;
	v8 =	vmul.f32 v14, v4;
	v13 =	vld [tilespmem:s25+$0x6D0]  }
0x249: {  	[tilespmem:s25+$0x670] =	vst v7;
	v7 =	vmul.f32 v10, v4;
	v10 =	vld [tilespmem:s25+$0x6E0]  }
0x24a: {  	v14 =	vld [tilespmem:s25+$0x180];
	[tilespmem:s25+$0x680] =	vst v8;
	v8 =	vmul.f32 v12, v4  }
0x24b: {  	v12 =	vld [tilespmem:s25+$0x190];
	[tilespmem:s25+$0x690] =	vst v7;
	v7 =	vmul.f32 v9, v4  }
0x24c: {  	v9 =	vld [tilespmem:s25+$0x1C0];
	[tilespmem:s25+$0x6A0] =	vst v8;
	v8 =	vmul.f32 v11, v4  }
0x24d: {  	v11 =	vld [tilespmem:s25+$0x1D0];
	[tilespmem:s25+$0x6B0] =	vst v7;
	v7 =	vmul.f32 v13, v4  }
0x24e: {  	[tilespmem:s25+$0x6C0] =	vst v8;
	v8 =	vmul.f32 v10, v4;
	v10 =	vbroadcast v1, $0xB;
	v13 =	vld [tilespmem:s25+$0x720]  }
0x24f: {  	v4 =	vbroadcast v1, $0xF;
	v14 =	vmul.f32 v2, v14;
	[tilespmem:s25+$0x6D0] =	vst v7;
	v7 =	vld [tilespmem:s25+$0x730]  }
0x250: {  	v12 =	vmul.f32 v12, v2;
	[tilespmem:s25+$0x6E0] =	vst v8;
	v5 =	vmul.f32 v5, v10;
	v8 =	vld [tilespmem:s25+$0x740]  }
0x251: {  	v6 =	vmul.f32 v6, v10;
	[tilespmem:s25+$0x180] =	vst v14;
	v9 =	vmul.f32 v9, v2;
	v14 =	vld [tilespmem:s25+$0x750]  }
0x252: {  	v3 =	vmul.f32 v3, v4;
	v11 =	vmul.f32 v11, v2;
	[tilespmem:s25+$0x700] =	vst v5;
	v2 =	vld [tilespmem:s25+$0x760]  }
0x253: {  	[tilespmem:s25+$0x710] =	vst v6;
	v5 =	vmul.f32 v13, v10;
	v6 =	vld [tilespmem:s25+$0x770]  }
0x254: {  	v7 =	vmul.f32 v7, v10;
	v13 =	vld [tilespmem:s25+$0x780];
	[tilespmem:s25+$0x950] =	vst v3  }
0x255: {  	[tilespmem:s25+$0x190] =	vst v12;
	v3 =	vmul.f32 v8, v10;
	v8 =	vld [tilespmem:s25+$0x790]  }
0x256: {  	[tilespmem:s25+$0x1C0] =	vst v9;
	v9 =	vmul.f32 v14, v10;
	v12 =	vld [tilespmem:s25+$0x7A0]  }
0x257: {  	v14 =	vbroadcast v1, $0xC;
	[tilespmem:s25+$0x720] =	vst v5;
	v5 =	vmul.f32 v2, v10;
	v15 =	vld [tilespmem:s25+$0x7B0]  }
0x258: {  	[tilespmem:s25+$0x750] =	vst v9;
	v6 =	vmul.f32 v6, v10;
	v9 =	vld [tilespmem:s25+$0x7C0]  }
0x259: {  	[tilespmem:s25+$0x730] =	vst v7;
	v2 =	vmul.f32 v13, v14;
	v7 =	vld [tilespmem:s25+$0x7D0]  }
0x25a: {  	[tilespmem:s25+$0x740] =	vst v3;
	v3 =	vmul.f32 v8, v14;
	v8 =	vld [tilespmem:s25+$0x7E0]  }
0x25b: {  	[tilespmem:s25+$0x780] =	vst v2;
	v2 =	vmul.f32 v12, v14;
	v10 =	vld [tilespmem:s25+$0x7F0]  }
0x25c: {  	[tilespmem:s25+$0x790] =	vst v3;
	v3 =	vld [tilespmem:s25+$0x800]  }
0x25d: {  	[tilespmem:s25+$0x1D0] =	vst v11;
	v9 =	vmul.f32 v9, v14;
	v11 =	vld [tilespmem:s25+$0x810]  }
0x25e: {  	[tilespmem:s25+$0x760] =	vst v5;
	v5 =	vmul.f32 v7, v14;
	v7 =	vld [tilespmem:s25+$0x820]  }
0x25f: {  	[tilespmem:s25+$0x7C0] =	vst v9;
	v8 =	vmul.f32 v8, v14;
	v9 =	vbroadcast v1, $0xD;
	v12 =	vld [tilespmem:s25+$0x830]  }
0x260: {  	[tilespmem:s25+$0x7D0] =	vst v5;
	v5 =	vmul.f32 v10, v14;
	v10 =	vld [tilespmem:s25+$0x840]  }
0x261: {  	[tilespmem:s25+$0x7E0] =	vst v8;
	v3 =	vmul.f32 v3, v9;
	v8 =	vld [tilespmem:s25+$0x850]  }
0x262: {  	[tilespmem:s25+$0x7F0] =	vst v5;
	v5 =	vmul.f32 v11, v9;
	v11 =	vld [tilespmem:s25+$0x860]  }
0x263: {  	[tilespmem:s25+$0x800] =	vst v3;
	v3 =	vmul.f32 v7, v9;
	v7 =	vld [tilespmem:s25+$0x870]  }
0x264: {  	[tilespmem:s25+$0x810] =	vst v5;
	v5 =	vmul.f32 v12, v9;
	v12 =	vld [tilespmem:s25+$0x880]  }
0x265: {  	[tilespmem:s25+$0x820] =	vst v3;
	v3 =	vmul.f32 v10, v9;
	v10 =	vld [tilespmem:s25+$0x890]  }
0x266: {  	[tilespmem:s25+$0x830] =	vst v5;
	v5 =	vmul.f32 v8, v9;
	v8 =	vld [tilespmem:s25+$0x8A0]  }
0x267: {  	v1 =	vbroadcast v1, $0xE;
	[tilespmem:s25+$0x770] =	vst v6;
	v6 =	vmul.f32 v11, v9;
	v11 =	vld [tilespmem:s25+$0x8B0]  }
0x268: {  	[tilespmem:s25+$0x850] =	vst v5;
	v5 =	vmul.f32 v7, v9;
	v7 =	vld [tilespmem:s25+$0x8C0]  }
0x269: {  	[tilespmem:s25+$0x860] =	vst v6;
	v6 =	vmul.f32 v12, v1;
	v9 =	vld [tilespmem:s25+$0x8D0]  }
0x26a: {  	[tilespmem:s25+$0x870] =	vst v5;
	v5 =	vmul.f32 v10, v1;
	v10 =	vld [tilespmem:s25+$0x8E0]  }
0x26b: {  	[tilespmem:s25+$0x880] =	vst v6;
	v6 =	vmul.f32 v8, v1;
	v8 =	vld [tilespmem:s25+$0x8F0]  }
0x26c: {  	[tilespmem:s25+$0x890] =	vst v5;
	v5 =	vmul.f32 v11, v1;
	v11 =	vld [tilespmem:s25+$0x900]  }
0x26d: {  	[tilespmem:s25+$0x8A0] =	vst v6;
	v6 =	vmul.f32 v7, v1;
	v7 =	vld [tilespmem:s25+$0x910]  }
0x26e: {  	[tilespmem:s25+$0x8B0] =	vst v5;
	v5 =	vmul.f32 v9, v1;
	v9 =	vld [tilespmem:s25+$0x920]  }
0x26f: {  	[tilespmem:s25+$0x8C0] =	vst v6;
	v6 =	vmul.f32 v10, v1;
	v10 =	vld [tilespmem:s25+$0x930]  }
0x270: {  	[tilespmem:s25+$0x840] =	vst v3;
	v1 =	vmul.f32 v8, v1;
	v3 =	vld [tilespmem:s25+$0x940]  }
0x271: {  	[tilespmem:s25+$0x8E0] =	vst v6;
	v6 =	vmul.f32 v11, v4;
	v8 =	vld [tilespmem:s25+$0x960]  }
0x272: {  	[tilespmem:s25+$0x8F0] =	vst v1;
	v1 =	vmul.f32 v7, v4;
	v7 =	vld [tilespmem:s25+$0x970]  }
0x273: {  	[tilespmem:s25+$0x900] =	vst v6;
	v6 =	vmul.f32 v9, v4  }
0x274: {  	[tilespmem:s25+$0x910] =	vst v1;
	v1 =	vmul.f32 v10, v4  }
0x275: {  	v9 =	vmul.f32 v15, v14;
	[tilespmem:s25+$0x920] =	vst v6  }
0x276: {  	[tilespmem:s25+$0x930] =	vst v1;
	v1 =	vmul.f32 v3, v4  }
.Ltmp2:
0x277: {  	[tilespmem:s25+$0x7B0] =	vst v9;
	v3 =	vmul.f32 v7, v4;
	(pc) =	sbr.rel @p0 .LBB2_7-.Ltmp2, $4  }
0x278: {  	[tilespmem:s25+$0x940] =	vst v1  }
0x279: {  	v1 =	vmul.f32 v8, v4;
	[tilespmem:s25+$0x970] =	vst v3  }
0x27a: {  	[tilespmem:s25+$0x8D0] =	vst v5  }
0x27b: {  	[tilespmem:s25+$0x960] =	vst v1  }
0x27c: {  	s24 =	sadd.s32 $0x1, s24  }
0x27d: {  	p0 =	sne.s32 s24, $0x20  }
.Ltmp3:
0x27e: {  	[tilespmem:s25+$0x7A0] =	vst v2;
	(pc) =	sbr.rel @p0 .LBB2_4-.Ltmp3, $4  }
0x27f: {  	[spmem:s1] =	stream.indirect.scatter.add.f32 [tilespmem:s18], [sflag:$0x2], $0x80, s20, s20, $0xb8;
	[tilespmem:$0x14180] =	vst v63  }
0x280: {  	_ =	swait.ge [sflag:s19], $0x4000  }
0x281: {  	[sflag:s19] =	ssyncset.done $0x0  }
0x282: {  	[sflag:s19] =	ssyncadd.s32 $0xFFFFC000  }
0x283: {  	s23 =	sshll.u32 s4, $0x6  }
0x284: {  	[bflag:$0x0] =	sbarrier.arrive $0xFFFF;
	s24 =	sshrl.u32 s8, $0x3;
	s23 =	sor.u32 $0x1C02, s23  }
0x285: {  	[hbm:s13], [sflag:s23] =	dma.local [spmem:s24], $0x800  }
0x286: {  	_ =	swait.ge [sflag:s19], $0x800  }
0x287: {  	[sflag:s19] =	ssyncset.done $0x0  }
0x288: {  	s29 =	sshrl.u32 s9, $0x3;
	[sflag:s19] =	ssyncadd.s32 $0xFFFFF800  }
0x289: {  	[hbm:s14], [sflag:s23] =	dma.local [spmem:s29], $0x800  }
0x28a: {  	_ =	swait.ge [sflag:s19], $0x800  }
0x28b: {  	[sflag:s19] =	ssyncset.done $0x0  }
0x28c: {  	s30 =	sshrl.u32 s10, $0x3;
	[sflag:s19] =	ssyncadd.s32 $0xFFFFF800  }
0x28d: {  	[hbm:s15], [sflag:s23] =	dma.local [spmem:s30], $0x800  }
0x28e: {  	s2 =	sadd.s32 $0x1, s2;
	_ =	swait.ge [sflag:s19], $0x800  }
0x28f: {  	p0 =	sne.s32 s2, s17;
	[sflag:s19] =	ssyncset.done $0x0  }
.Ltmp4:
0x290: {  	s31 =	sshrl.u32 s11, $0x3;
	[sflag:s19] =	ssyncadd.s32 $0xFFFFF800;
	(pc) =	sbr.rel @p0 .LBB2_1-.Ltmp4, $4  }
0x291: {  	[hbm:s16], [sflag:s23] =	dma.local [spmem:s31], $0x800  }
0x292: {  	_ =	swait.ge [sflag:s19], $0x800  }
0x293: {  	[sflag:s19] =	ssyncset.done $0x0  }
0x294: {  	[sflag:s19] =	ssyncadd.s32 $0xFFFFF800  }
0x295: {  	_ =	sfence.sel $0x180000  }
0x296: {  	[bflag:$0x0] =	sbarrier.arrive $0xFFFF  }
0x297: {  	p0 =	sne.s32 s4, $0x0;
	_ =	strace $0x90000047  }
0x298: {  	s0 =	sadd.s32 @!p0 $0x100000, s0;
	[bflag:$0x2] =	sbarrier.arrive $0xFFFF  }
0x299: {  	[sflag:s0] =	ssyncadd.tile.s32 @!p0 $0x1;
	_ =	shalt  }
.Lfunc_end2:
_tile_overlayer_lowered:
.L_overlay_start_2:
0x29a: {  	(tag) =	ssettag $0x2  }
0x29b: {  	s0 =	rddreg [dreg:$0x0];
	s2 =	stileid.u32  }
0x29c: {  	s1 =	rddreg [dreg:$0x1];
	p0 =	sne.s32 s2, $0x0  }
0x29d: {  	s3 =	rddreg [dreg:$0x2];
	[bflag:$0x3] =	sbarrier.arrive $0xFFFF;
	s2 =	simm.s32 @!p0 $0x1C02  }
0x29e: {  	[timem:s3], [sflag:s2] =	dma.local @!p0 [hbm:s0], s1  }
0x29f: {  	s0 =	simm.s32 @!p0 $0x2  }
0x2a0: {  	_ =	swait.ge @!p0 [sflag:s0], s1  }
0x2a1: {  	s1 =	ssub.s32 @!p0 $0x0, s1;
	[sflag:s0] =	ssyncset.done @!p0 $0x0  }
0x2a2: {  	[sflag:s0] =	ssyncadd.s32 @!p0 s1  }
0x2a3: {  	[bflag:$0x3] =	sbarrier.arrive $0xFFFF  }
0x2a4: {  	_ =	shalt  }

</sc_bundles>
